<compile_context>
chip_gen: v7x
topology: tpu7x:2x2x1
jax: 0.10.2.dev20260603
libtpu: 0.0.44.dev20260713+nightly
codegen_flags: <defaults>
</compile_context>

<pallas_src>
import jax
import jax.numpy as jnp
from jax import lax
from jax.experimental import pallas as pl
from jax.experimental.pallas import tpu as pltpu
from jax.experimental.pallas import tpu_sc as plsc

B = 1024
NC = 200
TEXT_DIM = 384
HID = 512
OUT = 256

NUM_WORKERS = 32
BPW = B // NUM_WORKERS
CHUNK_A = 104
CHUNK_B = NC - CHUNK_A
NREG = OUT // 16
NGRP = 13
RSQRT_MAGIC = 0x5F3759DF


def _mlp_body(x_ref, w1_ref, b1_ref, w2_ref, b2_ref, g_ref, be_ref, out_ref):
    x = x_ref[...]
    h = lax.dot_general(x, w1_ref[...], (((1,), (0,)), ((), ())),
                        preferred_element_type=jnp.float32)
    h = jnp.maximum(h + b1_ref[...], 0.0)
    h = lax.dot_general(h, w2_ref[...], (((1,), (0,)), ((), ())),
                        preferred_element_type=jnp.float32)
    h = h + b2_ref[...]
    mu = jnp.mean(h, axis=-1, keepdims=True)
    var = jnp.mean((h - mu) ** 2, axis=-1, keepdims=True)
    h = (h - mu) / jnp.sqrt(var + 1e-5) * g_ref[...] + be_ref[...]
    n = jnp.sqrt(jnp.sum(h * h, axis=-1, keepdims=True))
    out_ref[...] = h / jnp.maximum(n, 1e-12)


def _sc_body(ids_hbm, pref_hbm, table_hbm, out_hbm,
             ids_v, pref_v, rows_a0, rows_b0, rows_a1, rows_b1,
             tmp_d, tmp_q, sim_v0, sim_v1,
             sem_a0, sem_b0, sem_a1, sem_b1, sem_o0, sem_o1):
    c = lax.axis_index("c")
    s = lax.axis_index("s")
    wid = s * 2 + c
    b0 = wid * BPW

    pltpu.sync_copy(ids_hbm.at[pl.ds(b0 * NC, BPW * NC)], ids_v)

    lane = lax.iota(jnp.int32, 16)
    mask15 = lane == 15

    def fire_a(j, rows, sem):
        return pltpu.async_copy(
            table_hbm.at[ids_v.at[pl.ds(j * NC, CHUNK_A)]], rows, sem)

    def fire_b(j, rows, sem):
        return pltpu.async_copy(
            table_hbm.at[ids_v.at[pl.ds(j * NC + CHUNK_A, CHUNK_B)]],
            rows, sem)

    fire_a(0, rows_a0, sem_a0)
    fire_b(0, rows_b0, sem_b0)
    fire_a(1, rows_a1, sem_a1)
    fire_b(1, rows_b1, sem_b1)

    pltpu.sync_copy(pref_hbm.at[pl.ds(b0, BPW)], pref_v)

    def do_batch(j, rows_a, rows_b, sem_a, sem_b, sim_v, sem_o):
        p = [pref_v[j, pl.ds(16 * k, 16)] for k in range(NREG)]

        def run_rows(rows_ref, base, n):
            @plsc.parallel_loop(0, n, 1, unroll=4)
            def row_body(r):
                v = rows_ref[r, pl.ds(0, 16)]
                dot = v * p[0]
                sq = v * v
                for k in range(1, NREG):
                    v = rows_ref[r, pl.ds(16 * k, 16)]
                    dot = dot + v * p[k]
                    sq = sq + v * v
                q_idx = jnp.full((16,), base + r, jnp.int32)
                plsc.store_scatter(tmp_d, [q_idx], plsc.cumsum(dot),
                                   mask=mask15)
                plsc.store_scatter(tmp_q, [q_idx], plsc.cumsum(sq),
                                   mask=mask15)

        pltpu.make_async_copy(
            table_hbm.at[ids_v.at[pl.ds(j * NC, CHUNK_A)]], rows_a,
            sem_a).wait()
        run_rows(rows_a, 0, CHUNK_A)

        @pl.when(j < BPW - 2)
        def _():
            fire_a(j + 2, rows_a, sem_a)

        pltpu.make_async_copy(
            table_hbm.at[ids_v.at[pl.ds(j * NC + CHUNK_A, CHUNK_B)]],
            rows_b, sem_b).wait()
        run_rows(rows_b, CHUNK_A, CHUNK_B)

        @pl.when(j < BPW - 2)
        def _():
            fire_b(j + 2, rows_b, sem_b)

        @pl.when(j >= 2)
        def _():
            pltpu.make_async_copy(
                sim_v.at[pl.ds(0, NC)],
                out_hbm.at[pl.ds((b0 + j - 2) * NC, NC)], sem_o).wait()

        for g in range(NGRP):
            d = tmp_d[pl.ds(16 * g, 16)]
            q = tmp_q[pl.ds(16 * g, 16)]
            qc = jnp.maximum(q, 1e-24)
            y = plsc.bitcast(
                jnp.int32(RSQRT_MAGIC) - lax.shift_right_logical(
                    plsc.bitcast(qc, jnp.int32), 1), jnp.float32)
            for _ in range(2):
                y = y * (1.5 - 0.5 * qc * y * y)
            sim_v[pl.ds(16 * g, 16)] = d * y

        pltpu.async_copy(sim_v.at[pl.ds(0, NC)],
                         out_hbm.at[pl.ds((b0 + j) * NC, NC)], sem_o)

    def pair_body(jj, carry):
        do_batch(2 * jj, rows_a0, rows_b0, sem_a0, sem_b0, sim_v0, sem_o0)
        do_batch(2 * jj + 1, rows_a1, rows_b1, sem_a1, sem_b1, sim_v1,
                 sem_o1)
        return carry

    lax.fori_loop(0, BPW // 2, pair_body, 0)

    pltpu.make_async_copy(
        sim_v0.at[pl.ds(0, NC)],
        out_hbm.at[pl.ds((b0 + BPW - 2) * NC, NC)], sem_o0).wait()
    pltpu.make_async_copy(
        sim_v1.at[pl.ds(0, NC)],
        out_hbm.at[pl.ds((b0 + BPW - 1) * NC, NC)], sem_o1).wait()


def kernel(preference_texts, candidate_ids, candidate_mask,
           W1, b1, W2, b2, ln_gamma, ln_beta, item_table):
    pref = pl.pallas_call(
        _mlp_body,
        out_shape=jax.ShapeDtypeStruct((B, OUT), jnp.float32),
    )(preference_texts, W1, b1.reshape(1, HID), W2, b2.reshape(1, OUT),
      ln_gamma.reshape(1, OUT), ln_beta.reshape(1, OUT))

    ids_flat = candidate_ids.astype(jnp.int32).reshape(B * NC)
    mesh = plsc.VectorSubcoreMesh(core_axis_name="c", subcore_axis_name="s")
    sc_call = pl.kernel(
        _sc_body,
        out_type=jax.ShapeDtypeStruct((B * NC,), jnp.float32),
        mesh=mesh,
        compiler_params=pltpu.CompilerParams(needs_layout_passes=False),
        scratch_types=[
            pltpu.VMEM((BPW * NC,), jnp.int32),
            pltpu.VMEM((BPW, OUT), jnp.float32),
            pltpu.VMEM((CHUNK_A, OUT), jnp.float32),
            pltpu.VMEM((CHUNK_B, OUT), jnp.float32),
            pltpu.VMEM((CHUNK_A, OUT), jnp.float32),
            pltpu.VMEM((CHUNK_B, OUT), jnp.float32),
            pltpu.VMEM((16 * NGRP,), jnp.float32),
            pltpu.VMEM((16 * NGRP,), jnp.float32),
            pltpu.VMEM((16 * NGRP,), jnp.float32),
            pltpu.VMEM((16 * NGRP,), jnp.float32),
            pltpu.SemaphoreType.DMA,
            pltpu.SemaphoreType.DMA,
            pltpu.SemaphoreType.DMA,
            pltpu.SemaphoreType.DMA,
            pltpu.SemaphoreType.DMA,
            pltpu.SemaphoreType.DMA,
        ],
    )
    sim = sc_call(ids_flat, pref, item_table).reshape(B, NC)
    return (sim, pref)

# --- scband reference (transcript-rebuilt; emitter-appended) ---
"""Pipeline reference for scband-text-preference-retriever-43585328120351 (READ-ONLY COPY).

The authoritative reference and input builder live on the scoring server;
editing this copy changes nothing except your own understanding.
"""

import jax, jax.numpy as jnp
import numpy as np

B = 1024
NC = 200
TEXT_DIM = 384
HID = 512
OUT = 256
NUM_ITEMS = 100000

def setup_inputs(seed: int = 0) -> dict:
    key = jax.random.key(seed)
    ks = jax.random.split(key, 10)
    preference_texts = jax.random.normal(ks[0], (B, TEXT_DIM), dtype=jnp.float32)
    candidate_ids = jax.random.randint(ks[1], (B, NC), 0, NUM_ITEMS + 1).astype(jnp.int64)
    candidate_mask = jnp.ones((B, NC), dtype=bool)
    # TextEncoder projection params
    W1 = jax.random.normal(ks[2], (TEXT_DIM, HID), dtype=jnp.float32) * (1.0 / np.sqrt(TEXT_DIM))
    b1 = jnp.zeros((HID,), dtype=jnp.float32)
    W2 = jax.random.normal(ks[3], (HID, OUT), dtype=jnp.float32) * (1.0 / np.sqrt(HID))
    b2 = jnp.zeros((OUT,), dtype=jnp.float32)
    ln_gamma = jnp.ones((OUT,), dtype=jnp.float32)
    ln_beta = jnp.zeros((OUT,), dtype=jnp.float32)
    # item embedding table, padding_idx=0 row zeroed
    item_table = jax.random.normal(ks[4], (NUM_ITEMS + 1, OUT), dtype=jnp.float32) * (np.sqrt(6.0 / (NUM_ITEMS + 1 + OUT)))
    item_table = item_table.at[0].set(0.0)
    return {
        'preference_texts': preference_texts,
        'candidate_ids': candidate_ids,
        'candidate_mask': candidate_mask,
        'W1': W1, 'b1': b1, 'W2': W2, 'b2': b2,
        'ln_gamma': ln_gamma, 'ln_beta': ln_beta,
        'item_table': item_table,
    }

def _l2norm(x, eps=1e-12):
    n = jnp.sqrt(jnp.sum(x * x, axis=-1, keepdims=True))
    return x / jnp.maximum(n, eps)

def reference(preference_texts, candidate_ids, candidate_mask, W1, b1, W2, b2, ln_gamma, ln_beta, item_table):
    # TextEncoder.forward: Linear -> ReLU -> (Dropout eval=identity) -> Linear -> LayerNorm
    h = jnp.maximum(preference_texts @ W1 + b1, 0.0)
    h = h @ W2 + b2
    mu = jnp.mean(h, axis=-1, keepdims=True)
    var = jnp.mean((h - mu) ** 2, axis=-1, keepdims=True)
    h = (h - mu) / jnp.sqrt(var + 1e-5) * ln_gamma + ln_beta
    # encode_preferences: F.normalize
    preference_vectors = _l2norm(h)  # [B, OUT]
    # encode_items: embedding lookup + normalize
    item_embeds = jnp.take(item_table, candidate_ids, axis=0)  # [B, NC, OUT]
    item_embeds = _l2norm(item_embeds)
    # compute_similarity: batched matmul
    similarity = jnp.einsum('bd,bcd->bc', preference_vectors, item_embeds)  # [B, NC]
    # masked_fill(~mask, -1e9)
    similarity = jnp.where(candidate_mask, similarity, -1000000000.0)
    return (similarity, preference_vectors)

if __name__ == "__main__":
    import jax
    _d = setup_inputs()
    print(jax.jit(kernel)(*tuple(_d.values())))

</pallas_src>

<mosaic_0001>
#map = affine_map<(d0, d1) -> (0)>
#map1 = affine_map<(d0, d1) -> (0, 0)>
module attributes {stable_mosaic.version = 14 : i64} {
  func.func @_sc_body(%arg0: i32, %arg1: i32, %arg2: memref<204800xi32, #tpu.memory_space<hbm>>, %arg3: memref<1024x256xf32, #tpu.memory_space<hbm>>, %arg4: memref<100001x256xf32, #tpu.memory_space<hbm>>, %arg5: memref<204800xf32, #tpu.memory_space<hbm>>, %arg6: memref<6400xi32, #tpu.memory_space<vmem>>, %arg7: memref<32x256xf32, #tpu.memory_space<vmem>>, %arg8: memref<104x256xf32, #tpu.memory_space<vmem>>, %arg9: memref<96x256xf32, #tpu.memory_space<vmem>>, %arg10: memref<104x256xf32, #tpu.memory_space<vmem>>, %arg11: memref<96x256xf32, #tpu.memory_space<vmem>>, %arg12: memref<208xf32, #tpu.memory_space<vmem>>, %arg13: memref<208xf32, #tpu.memory_space<vmem>>, %arg14: memref<208xf32, #tpu.memory_space<vmem>>, %arg15: memref<208xf32, #tpu.memory_space<vmem>>, %arg16: memref<!tpu.dma_semaphore, #tpu.memory_space<semaphore_mem>>, %arg17: memref<!tpu.dma_semaphore, #tpu.memory_space<semaphore_mem>>, %arg18: memref<!tpu.dma_semaphore, #tpu.memory_space<semaphore_mem>>, %arg19: memref<!tpu.dma_semaphore, #tpu.memory_space<semaphore_mem>>, %arg20: memref<!tpu.dma_semaphore, #tpu.memory_space<semaphore_mem>>, %arg21: memref<!tpu.dma_semaphore, #tpu.memory_space<semaphore_mem>>) attributes {dimension_semantics = [#tpu.dimension_semantics<core_parallel>, #tpu.dimension_semantics<subcore_parallel>], iteration_bounds = array<i64: 2, 16>, scalar_prefetch = 0 : i64, scratch_operands = 16 : i64, tpu.core_type = #tpu.core_type<sc_vector_subcore>, window_params = [{transform_indices = #map}, {transform_indices = #map1}, {transform_indices = #map1}, {transform_indices = #map}]} {
    %mul3A = arith.constant 2 : i32
    %mul3A_0 = arith.muli %arg1, %mul3A : i32
    %add3A = arith.addi %mul3A_0, %arg0 : i32
    %mul3A_1 = arith.constant 32 : i32
    %mul3A_2 = arith.muli %add3A, %mul3A_1 : i32
    %mul3A_3 = arith.constant 200 : i32
    %mul3A_4 = arith.muli %mul3A_2, %mul3A_3 : i32
    "tpu.region"() ({
      %run_scoped3A = tpu.sem_alloc : memref<!tpu.dma_semaphore, #tpu.memory_space<semaphore_mem>>
      %dma_start3A_53 = tpu.memref_slice %arg2[%mul3A_4] : memref<204800xi32, #tpu.memory_space<hbm>> -> memref<6400xi32, #tpu.memory_space<hbm>>
      %dma_start3A_54 = tpu.memref_slice %arg2[%mul3A_4] : memref<204800xi32, #tpu.memory_space<hbm>> -> memref<6400xi32, #tpu.memory_space<hbm>>
      tpu.enqueue_dma source(%dma_start3A_54 : memref<6400xi32, #tpu.memory_space<hbm>>) target(%arg6 : memref<6400xi32, #tpu.memory_space<vmem>>) target_semaphore(%run_scoped3A : memref<!tpu.dma_semaphore, #tpu.memory_space<semaphore_mem>>)
      %dma_wait3A_55 = tpu.memref_slice %arg2[%mul3A_4] : memref<204800xi32, #tpu.memory_space<hbm>> -> memref<6400xi32, #tpu.memory_space<hbm>>
      %dma_wait3A_56 = tpu.memref_slice %arg2[%mul3A_4] : memref<204800xi32, #tpu.memory_space<hbm>> -> memref<6400xi32, #tpu.memory_space<hbm>>
      tpu.wait_dma2 semaphore(%run_scoped3A : memref<!tpu.dma_semaphore, #tpu.memory_space<semaphore_mem>>) src(%dma_wait3A_56 : memref<6400xi32, #tpu.memory_space<hbm>>) dst(%arg6 : memref<6400xi32, #tpu.memory_space<vmem>>)
      tpu.yield
    }) : () -> ()
    %iota3A = tpu.iota {dimensions = array<i32: 0>} : vector<16xi32>
    %eq3A = arith.constant 15 : i32
    %eq3A_5 = vector.broadcast %eq3A : i32 to vector<16xi32>
    %eq3A_6 = arith.cmpi eq, %iota3A, %eq3A_5 : vector<16xi32>
    %dma_start3A = arith.constant 0 : i32
    %dma_start3A_7 = tpu.memref_slice %arg6[%dma_start3A] : memref<6400xi32, #tpu.memory_space<vmem>> -> memref<104xi32, #tpu.memory_space<vmem>>
    %dma_start3A_8 = arith.constant 0 : i32
    %dma_start3A_9 = arith.constant 0 : i32
    %dma_start3A_10 = tpu.memref_slice %arg4[%dma_start3A_8, %dma_start3A_9] : memref<100001x256xf32, #tpu.memory_space<hbm>> -> memref<100001x256xf32, #tpu.memory_space<hbm>>
    tpu.enqueue_indirect_dma source(%dma_start3A_10 : memref<100001x256xf32, #tpu.memory_space<hbm>>) target(%arg8 : memref<104x256xf32, #tpu.memory_space<vmem>>) offsets(%dma_start3A_7 : memref<104xi32, #tpu.memory_space<vmem>>) semaphore(%arg16 : memref<!tpu.dma_semaphore, #tpu.memory_space<semaphore_mem>>)
    %dma_start3A_11 = arith.constant 104 : i32
    %dma_start3A_12 = tpu.memref_slice %arg6[%dma_start3A_11] : memref<6400xi32, #tpu.memory_space<vmem>> -> memref<96xi32, #tpu.memory_space<vmem>>
    %dma_start3A_13 = arith.constant 0 : i32
    %dma_start3A_14 = arith.constant 0 : i32
    %dma_start3A_15 = tpu.memref_slice %arg4[%dma_start3A_13, %dma_start3A_14] : memref<100001x256xf32, #tpu.memory_space<hbm>> -> memref<100001x256xf32, #tpu.memory_space<hbm>>
    tpu.enqueue_indirect_dma source(%dma_start3A_15 : memref<100001x256xf32, #tpu.memory_space<hbm>>) target(%arg9 : memref<96x256xf32, #tpu.memory_space<vmem>>) offsets(%dma_start3A_12 : memref<96xi32, #tpu.memory_space<vmem>>) semaphore(%arg17 : memref<!tpu.dma_semaphore, #tpu.memory_space<semaphore_mem>>)
    %dma_start3A_16 = arith.constant 200 : i32
    %dma_start3A_17 = tpu.memref_slice %arg6[%dma_start3A_16] : memref<6400xi32, #tpu.memory_space<vmem>> -> memref<104xi32, #tpu.memory_space<vmem>>
    %dma_start3A_18 = arith.constant 0 : i32
    %dma_start3A_19 = arith.constant 0 : i32
    %dma_start3A_20 = tpu.memref_slice %arg4[%dma_start3A_18, %dma_start3A_19] : memref<100001x256xf32, #tpu.memory_space<hbm>> -> memref<100001x256xf32, #tpu.memory_space<hbm>>
    tpu.enqueue_indirect_dma source(%dma_start3A_20 : memref<100001x256xf32, #tpu.memory_space<hbm>>) target(%arg10 : memref<104x256xf32, #tpu.memory_space<vmem>>) offsets(%dma_start3A_17 : memref<104xi32, #tpu.memory_space<vmem>>) semaphore(%arg18 : memref<!tpu.dma_semaphore, #tpu.memory_space<semaphore_mem>>)
    %dma_start3A_21 = arith.constant 304 : i32
    %dma_start3A_22 = tpu.memref_slice %arg6[%dma_start3A_21] : memref<6400xi32, #tpu.memory_space<vmem>> -> memref<96xi32, #tpu.memory_space<vmem>>
    %dma_start3A_23 = arith.constant 0 : i32
    %dma_start3A_24 = arith.constant 0 : i32
    %dma_start3A_25 = tpu.memref_slice %arg4[%dma_start3A_23, %dma_start3A_24] : memref<100001x256xf32, #tpu.memory_space<hbm>> -> memref<100001x256xf32, #tpu.memory_space<hbm>>
    tpu.enqueue_indirect_dma source(%dma_start3A_25 : memref<100001x256xf32, #tpu.memory_space<hbm>>) target(%arg11 : memref<96x256xf32, #tpu.memory_space<vmem>>) offsets(%dma_start3A_22 : memref<96xi32, #tpu.memory_space<vmem>>) semaphore(%arg19 : memref<!tpu.dma_semaphore, #tpu.memory_space<semaphore_mem>>)
    "tpu.region"() ({
      %run_scoped3A = tpu.sem_alloc : memref<!tpu.dma_semaphore, #tpu.memory_space<semaphore_mem>>
      %dma_start3A_53 = arith.constant 0 : i32
      %dma_start3A_54 = tpu.memref_slice %arg3[%mul3A_2, %dma_start3A_53] : memref<1024x256xf32, #tpu.memory_space<hbm>> -> memref<32x256xf32, #tpu.memory_space<hbm>>
      %dma_start3A_55 = arith.constant 0 : i32
      %dma_start3A_56 = tpu.memref_slice %arg3[%mul3A_2, %dma_start3A_55] : memref<1024x256xf32, #tpu.memory_space<hbm>> -> memref<32x256xf32, #tpu.memory_space<hbm>>
      tpu.enqueue_dma source(%dma_start3A_56 : memref<32x256xf32, #tpu.memory_space<hbm>>) target(%arg7 : memref<32x256xf32, #tpu.memory_space<vmem>>) target_semaphore(%run_scoped3A : memref<!tpu.dma_semaphore, #tpu.memory_space<semaphore_mem>>)
      %dma_wait3A_57 = arith.constant 0 : i32
      %dma_wait3A_58 = tpu.memref_slice %arg3[%mul3A_2, %dma_wait3A_57] : memref<1024x256xf32, #tpu.memory_space<hbm>> -> memref<32x256xf32, #tpu.memory_space<hbm>>
      %dma_wait3A_59 = arith.constant 0 : i32
      %dma_wait3A_60 = tpu.memref_slice %arg3[%mul3A_2, %dma_wait3A_59] : memref<1024x256xf32, #tpu.memory_space<hbm>> -> memref<32x256xf32, #tpu.memory_space<hbm>>
      tpu.wait_dma2 semaphore(%run_scoped3A : memref<!tpu.dma_semaphore, #tpu.memory_space<semaphore_mem>>) src(%dma_wait3A_60 : memref<32x256xf32, #tpu.memory_space<hbm>>) dst(%arg7 : memref<32x256xf32, #tpu.memory_space<vmem>>)
      tpu.yield
    }) : () -> ()
    %scan3A = arith.constant 0 : i32
    %scan3A_26 = arith.constant 0 : i32
    %scan3A_27 = arith.constant 16 : i32
    %scan3A_28 = arith.addi %scan3A_26, %scan3A_27 : i32
    %scan3A_29 = arith.constant 1 : i32
    scf.for %scan3A_53 = %scan3A_26 to %scan3A_28 step %scan3A_29  : i32 {
      %mul3A_54 = arith.constant 2 : i32
      %mul3A_55 = arith.muli %mul3A_54, %scan3A_53 : i32
      %get3A = arith.index_cast %mul3A_55 : i32 to index
      %get3A_56 = arith.constant 0 : index
      %get3A_57 = tpu.vector_load %arg7[%get3A, %get3A_56] {strides = array<i32>} : memref<32x256xf32, #tpu.memory_space<vmem>>, vector<16xf32>,
      %get3A_58 = arith.index_cast %mul3A_55 : i32 to index
      %get3A_59 = arith.constant 16 : index
      %get3A_60 = tpu.vector_load %arg7[%get3A_58, %get3A_59] {strides = array<i32>} : memref<32x256xf32, #tpu.memory_space<vmem>>, vector<16xf32>,
      %get3A_61 = arith.index_cast %mul3A_55 : i32 to index
      %get3A_62 = arith.constant 32 : index
      %get3A_63 = tpu.vector_load %arg7[%get3A_61, %get3A_62] {strides = array<i32>} : memref<32x256xf32, #tpu.memory_space<vmem>>, vector<16xf32>,
      %get3A_64 = arith.index_cast %mul3A_55 : i32 to index
      %get3A_65 = arith.constant 48 : index
      %get3A_66 = tpu.vector_load %arg7[%get3A_64, %get3A_65] {strides = array<i32>} : memref<32x256xf32, #tpu.memory_space<vmem>>, vector<16xf32>,
      %get3A_67 = arith.index_cast %mul3A_55 : i32 to index
      %get3A_68 = arith.constant 64 : index
      %get3A_69 = tpu.vector_load %arg7[%get3A_67, %get3A_68] {strides = array<i32>} : memref<32x256xf32, #tpu.memory_space<vmem>>, vector<16xf32>,
      %get3A_70 = arith.index_cast %mul3A_55 : i32 to index
      %get3A_71 = arith.constant 80 : index
      %get3A_72 = tpu.vector_load %arg7[%get3A_70, %get3A_71] {strides = array<i32>} : memref<32x256xf32, #tpu.memory_space<vmem>>, vector<16xf32>,
      %get3A_73 = arith.index_cast %mul3A_55 : i32 to index
      %get3A_74 = arith.constant 96 : index
      %get3A_75 = tpu.vector_load %arg7[%get3A_73, %get3A_74] {strides = array<i32>} : memref<32x256xf32, #tpu.memory_space<vmem>>, vector<16xf32>,
      %get3A_76 = arith.index_cast %mul3A_55 : i32 to index
      %get3A_77 = arith.constant 112 : index
      %get3A_78 = tpu.vector_load %arg7[%get3A_76, %get3A_77] {strides = array<i32>} : memref<32x256xf32, #tpu.memory_space<vmem>>, vector<16xf32>,
      %get3A_79 = arith.index_cast %mul3A_55 : i32 to index
      %get3A_80 = arith.constant 128 : index
      %get3A_81 = tpu.vector_load %arg7[%get3A_79, %get3A_80] {strides = array<i32>} : memref<32x256xf32, #tpu.memory_space<vmem>>, vector<16xf32>,
      %get3A_82 = arith.index_cast %mul3A_55 : i32 to index
      %get3A_83 = arith.constant 144 : index
      %get3A_84 = tpu.vector_load %arg7[%get3A_82, %get3A_83] {strides = array<i32>} : memref<32x256xf32, #tpu.memory_space<vmem>>, vector<16xf32>,
      %get3A_85 = arith.index_cast %mul3A_55 : i32 to index
      %get3A_86 = arith.constant 160 : index
      %get3A_87 = tpu.vector_load %arg7[%get3A_85, %get3A_86] {strides = array<i32>} : memref<32x256xf32, #tpu.memory_space<vmem>>, vector<16xf32>,
      %get3A_88 = arith.index_cast %mul3A_55 : i32 to index
      %get3A_89 = arith.constant 176 : index
      %get3A_90 = tpu.vector_load %arg7[%get3A_88, %get3A_89] {strides = array<i32>} : memref<32x256xf32, #tpu.memory_space<vmem>>, vector<16xf32>,
      %get3A_91 = arith.index_cast %mul3A_55 : i32 to index
      %get3A_92 = arith.constant 192 : index
      %get3A_93 = tpu.vector_load %arg7[%get3A_91, %get3A_92] {strides = array<i32>} : memref<32x256xf32, #tpu.memory_space<vmem>>, vector<16xf32>,
      %get3A_94 = arith.index_cast %mul3A_55 : i32 to index
      %get3A_95 = arith.constant 208 : index
      %get3A_96 = tpu.vector_load %arg7[%get3A_94, %get3A_95] {strides = array<i32>} : memref<32x256xf32, #tpu.memory_space<vmem>>, vector<16xf32>,
      %get3A_97 = arith.index_cast %mul3A_55 : i32 to index
      %get3A_98 = arith.constant 224 : index
      %get3A_99 = tpu.vector_load %arg7[%get3A_97, %get3A_98] {strides = array<i32>} : memref<32x256xf32, #tpu.memory_space<vmem>>, vector<16xf32>,
      %get3A_100 = arith.index_cast %mul3A_55 : i32 to index
      %get3A_101 = arith.constant 240 : index
      %get3A_102 = tpu.vector_load %arg7[%get3A_100, %get3A_101] {strides = array<i32>} : memref<32x256xf32, #tpu.memory_space<vmem>>, vector<16xf32>,
      %mul3A_103 = arith.constant 200 : i32
      %mul3A_104 = arith.muli %mul3A_55, %mul3A_103 : i32
      %dma_wait3A_105 = tpu.memref_slice %arg6[%mul3A_104] : memref<6400xi32, #tpu.memory_space<vmem>> -> memref<104xi32, #tpu.memory_space<vmem>>
      %dma_wait3A_106 = arith.constant 0 : i32
      %dma_wait3A_107 = arith.constant 0 : i32
      %dma_wait3A_108 = tpu.memref_slice %arg4[%dma_wait3A_106, %dma_wait3A_107] : memref<100001x256xf32, #tpu.memory_space<hbm>> -> memref<100001x256xf32, #tpu.memory_space<hbm>>
      tpu.wait_indirect_dma semaphore(%arg16 : memref<!tpu.dma_semaphore, #tpu.memory_space<semaphore_mem>>) src(%dma_wait3A_108 : memref<100001x256xf32, #tpu.memory_space<hbm>>) dst(%arg8 : memref<104x256xf32, #tpu.memory_space<vmem>>)
      %parallel_loop3A = arith.constant 0 : i32
      %parallel_loop3A_109 = arith.constant 104 : i32
      %parallel_loop3A_110 = arith.constant 1 : i32
      scf.for %parallel_loop3A_1170 = %parallel_loop3A to %parallel_loop3A_109 step %parallel_loop3A_110  : i32 {
        %parallel_loop3A_1171 = arith.index_cast %parallel_loop3A_1170 : i32 to index
        %parallel_loop3A_1172 = arith.constant 0 : index
        %parallel_loop3A_1173 = tpu.vector_load %arg8[%parallel_loop3A_1171, %parallel_loop3A_1172] {strides = array<i32>} : memref<104x256xf32, #tpu.memory_space<vmem>>, vector<16xf32>,
        %parallel_loop3A_1174 = arith.mulf %parallel_loop3A_1173, %get3A_57 : vector<16xf32>
        %parallel_loop3A_1175 = arith.mulf %parallel_loop3A_1173, %parallel_loop3A_1173 : vector<16xf32>
        %parallel_loop3A_1176 = arith.index_cast %parallel_loop3A_1170 : i32 to index
        %parallel_loop3A_1177 = arith.constant 16 : index
        %parallel_loop3A_1178 = tpu.vector_load %arg8[%parallel_loop3A_1176, %parallel_loop3A_1177] {strides = array<i32>} : memref<104x256xf32, #tpu.memory_space<vmem>>, vector<16xf32>,
        %parallel_loop3A_1179 = arith.mulf %parallel_loop3A_1178, %get3A_60 : vector<16xf32>
        %parallel_loop3A_1180 = arith.addf %parallel_loop3A_1174, %parallel_loop3A_1179 : vector<16xf32>
        %parallel_loop3A_1181 = arith.mulf %parallel_loop3A_1178, %parallel_loop3A_1178 : vector<16xf32>
        %parallel_loop3A_1182 = arith.addf %parallel_loop3A_1175, %parallel_loop3A_1181 : vector<16xf32>
        %parallel_loop3A_1183 = arith.index_cast %parallel_loop3A_1170 : i32 to index
        %parallel_loop3A_1184 = arith.constant 32 : index
        %parallel_loop3A_1185 = tpu.vector_load %arg8[%parallel_loop3A_1183, %parallel_loop3A_1184] {strides = array<i32>} : memref<104x256xf32, #tpu.memory_space<vmem>>, vector<16xf32>,
        %parallel_loop3A_1186 = arith.mulf %parallel_loop3A_1185, %get3A_63 : vector<16xf32>
        %parallel_loop3A_1187 = arith.addf %parallel_loop3A_1180, %parallel_loop3A_1186 : vector<16xf32>
        %parallel_loop3A_1188 = arith.mulf %parallel_loop3A_1185, %parallel_loop3A_1185 : vector<16xf32>
        %parallel_loop3A_1189 = arith.addf %parallel_loop3A_1182, %parallel_loop3A_1188 : vector<16xf32>
        %parallel_loop3A_1190 = arith.index_cast %parallel_loop3A_1170 : i32 to index
        %parallel_loop3A_1191 = arith.constant 48 : index
        %parallel_loop3A_1192 = tpu.vector_load %arg8[%parallel_loop3A_1190, %parallel_loop3A_1191] {strides = array<i32>} : memref<104x256xf32, #tpu.memory_space<vmem>>, vector<16xf32>,
        %parallel_loop3A_1193 = arith.mulf %parallel_loop3A_1192, %get3A_66 : vector<16xf32>
        %parallel_loop3A_1194 = arith.addf %parallel_loop3A_1187, %parallel_loop3A_1193 : vector<16xf32>
        %parallel_loop3A_1195 = arith.mulf %parallel_loop3A_1192, %parallel_loop3A_1192 : vector<16xf32>
        %parallel_loop3A_1196 = arith.addf %parallel_loop3A_1189, %parallel_loop3A_1195 : vector<16xf32>
        %parallel_loop3A_1197 = arith.index_cast %parallel_loop3A_1170 : i32 to index
        %parallel_loop3A_1198 = arith.constant 64 : index
        %parallel_loop3A_1199 = tpu.vector_load %arg8[%parallel_loop3A_1197, %parallel_loop3A_1198] {strides = array<i32>} : memref<104x256xf32, #tpu.memory_space<vmem>>, vector<16xf32>,
        %parallel_loop3A_1200 = arith.mulf %parallel_loop3A_1199, %get3A_69 : vector<16xf32>
        %parallel_loop3A_1201 = arith.addf %parallel_loop3A_1194, %parallel_loop3A_1200 : vector<16xf32>
        %parallel_loop3A_1202 = arith.mulf %parallel_loop3A_1199, %parallel_loop3A_1199 : vector<16xf32>
        %parallel_loop3A_1203 = arith.addf %parallel_loop3A_1196, %parallel_loop3A_1202 : vector<16xf32>
        %parallel_loop3A_1204 = arith.index_cast %parallel_loop3A_1170 : i32 to index
        %parallel_loop3A_1205 = arith.constant 80 : index
        %parallel_loop3A_1206 = tpu.vector_load %arg8[%parallel_loop3A_1204, %parallel_loop3A_1205] {strides = array<i32>} : memref<104x256xf32, #tpu.memory_space<vmem>>, vector<16xf32>,
        %parallel_loop3A_1207 = arith.mulf %parallel_loop3A_1206, %get3A_72 : vector<16xf32>
        %parallel_loop3A_1208 = arith.addf %parallel_loop3A_1201, %parallel_loop3A_1207 : vector<16xf32>
        %parallel_loop3A_1209 = arith.mulf %parallel_loop3A_1206, %parallel_loop3A_1206 : vector<16xf32>
        %parallel_loop3A_1210 = arith.addf %parallel_loop3A_1203, %parallel_loop3A_1209 : vector<16xf32>
        %parallel_loop3A_1211 = arith.index_cast %parallel_loop3A_1170 : i32 to index
        %parallel_loop3A_1212 = arith.constant 96 : index
        %parallel_loop3A_1213 = tpu.vector_load %arg8[%parallel_loop3A_1211, %parallel_loop3A_1212] {strides = array<i32>} : memref<104x256xf32, #tpu.memory_space<vmem>>, vector<16xf32>,
        %parallel_loop3A_1214 = arith.mulf %parallel_loop3A_1213, %get3A_75 : vector<16xf32>
        %parallel_loop3A_1215 = arith.addf %parallel_loop3A_1208, %parallel_loop3A_1214 : vector<16xf32>
        %parallel_loop3A_1216 = arith.mulf %parallel_loop3A_1213, %parallel_loop3A_1213 : vector<16xf32>
        %parallel_loop3A_1217 = arith.addf %parallel_loop3A_1210, %parallel_loop3A_1216 : vector<16xf32>
        %parallel_loop3A_1218 = arith.index_cast %parallel_loop3A_1170 : i32 to index
        %parallel_loop3A_1219 = arith.constant 112 : index
        %parallel_loop3A_1220 = tpu.vector_load %arg8[%parallel_loop3A_1218, %parallel_loop3A_1219] {strides = array<i32>} : memref<104x256xf32, #tpu.memory_space<vmem>>, vector<16xf32>,
        %parallel_loop3A_1221 = arith.mulf %parallel_loop3A_1220, %get3A_78 : vector<16xf32>
        %parallel_loop3A_1222 = arith.addf %parallel_loop3A_1215, %parallel_loop3A_1221 : vector<16xf32>
        %parallel_loop3A_1223 = arith.mulf %parallel_loop3A_1220, %parallel_loop3A_1220 : vector<16xf32>
        %parallel_loop3A_1224 = arith.addf %parallel_loop3A_1217, %parallel_loop3A_1223 : vector<16xf32>
        %parallel_loop3A_1225 = arith.index_cast %parallel_loop3A_1170 : i32 to index
        %parallel_loop3A_1226 = arith.constant 128 : index
        %parallel_loop3A_1227 = tpu.vector_load %arg8[%parallel_loop3A_1225, %parallel_loop3A_1226] {strides = array<i32>} : memref<104x256xf32, #tpu.memory_space<vmem>>, vector<16xf32>,
        %parallel_loop3A_1228 = arith.mulf %parallel_loop3A_1227, %get3A_81 : vector<16xf32>
        %parallel_loop3A_1229 = arith.addf %parallel_loop3A_1222, %parallel_loop3A_1228 : vector<16xf32>
        %parallel_loop3A_1230 = arith.mulf %parallel_loop3A_1227, %parallel_loop3A_1227 : vector<16xf32>
        %parallel_loop3A_1231 = arith.addf %parallel_loop3A_1224, %parallel_loop3A_1230 : vector<16xf32>
        %parallel_loop3A_1232 = arith.index_cast %parallel_loop3A_1170 : i32 to index
        %parallel_loop3A_1233 = arith.constant 144 : index
        %parallel_loop3A_1234 = tpu.vector_load %arg8[%parallel_loop3A_1232, %parallel_loop3A_1233] {strides = array<i32>} : memref<104x256xf32, #tpu.memory_space<vmem>>, vector<16xf32>,
        %parallel_loop3A_1235 = arith.mulf %parallel_loop3A_1234, %get3A_84 : vector<16xf32>
        %parallel_loop3A_1236 = arith.addf %parallel_loop3A_1229, %parallel_loop3A_1235 : vector<16xf32>
        %parallel_loop3A_1237 = arith.mulf %parallel_loop3A_1234, %parallel_loop3A_1234 : vector<16xf32>
        %parallel_loop3A_1238 = arith.addf %parallel_loop3A_1231, %parallel_loop3A_1237 : vector<16xf32>
        %parallel_loop3A_1239 = arith.index_cast %parallel_loop3A_1170 : i32 to index
        %parallel_loop3A_1240 = arith.constant 160 : index
        %parallel_loop3A_1241 = tpu.vector_load %arg8[%parallel_loop3A_1239, %parallel_loop3A_1240] {strides = array<i32>} : memref<104x256xf32, #tpu.memory_space<vmem>>, vector<16xf32>,
        %parallel_loop3A_1242 = arith.mulf %parallel_loop3A_1241, %get3A_87 : vector<16xf32>
        %parallel_loop3A_1243 = arith.addf %parallel_loop3A_1236, %parallel_loop3A_1242 : vector<16xf32>
        %parallel_loop3A_1244 = arith.mulf %parallel_loop3A_1241, %parallel_loop3A_1241 : vector<16xf32>
        %parallel_loop3A_1245 = arith.addf %parallel_loop3A_1238, %parallel_loop3A_1244 : vector<16xf32>
        %parallel_loop3A_1246 = arith.index_cast %parallel_loop3A_1170 : i32 to index
        %parallel_loop3A_1247 = arith.constant 176 : index
        %parallel_loop3A_1248 = tpu.vector_load %arg8[%parallel_loop3A_1246, %parallel_loop3A_1247] {strides = array<i32>} : memref<104x256xf32, #tpu.memory_space<vmem>>, vector<16xf32>,
        %parallel_loop3A_1249 = arith.mulf %parallel_loop3A_1248, %get3A_90 : vector<16xf32>
        %parallel_loop3A_1250 = arith.addf %parallel_loop3A_1243, %parallel_loop3A_1249 : vector<16xf32>
        %parallel_loop3A_1251 = arith.mulf %parallel_loop3A_1248, %parallel_loop3A_1248 : vector<16xf32>
        %parallel_loop3A_1252 = arith.addf %parallel_loop3A_1245, %parallel_loop3A_1251 : vector<16xf32>
        %parallel_loop3A_1253 = arith.index_cast %parallel_loop3A_1170 : i32 to index
        %parallel_loop3A_1254 = arith.constant 192 : index
        %parallel_loop3A_1255 = tpu.vector_load %arg8[%parallel_loop3A_1253, %parallel_loop3A_1254] {strides = array<i32>} : memref<104x256xf32, #tpu.memory_space<vmem>>, vector<16xf32>,
        %parallel_loop3A_1256 = arith.mulf %parallel_loop3A_1255, %get3A_93 : vector<16xf32>
        %parallel_loop3A_1257 = arith.addf %parallel_loop3A_1250, %parallel_loop3A_1256 : vector<16xf32>
        %parallel_loop3A_1258 = arith.mulf %parallel_loop3A_1255, %parallel_loop3A_1255 : vector<16xf32>
        %parallel_loop3A_1259 = arith.addf %parallel_loop3A_1252, %parallel_loop3A_1258 : vector<16xf32>
        %parallel_loop3A_1260 = arith.index_cast %parallel_loop3A_1170 : i32 to index
        %parallel_loop3A_1261 = arith.constant 208 : index
        %parallel_loop3A_1262 = tpu.vector_load %arg8[%parallel_loop3A_1260, %parallel_loop3A_1261] {strides = array<i32>} : memref<104x256xf32, #tpu.memory_space<vmem>>, vector<16xf32>,
        %parallel_loop3A_1263 = arith.mulf %parallel_loop3A_1262, %get3A_96 : vector<16xf32>
        %parallel_loop3A_1264 = arith.addf %parallel_loop3A_1257, %parallel_loop3A_1263 : vector<16xf32>
        %parallel_loop3A_1265 = arith.mulf %parallel_loop3A_1262, %parallel_loop3A_1262 : vector<16xf32>
        %parallel_loop3A_1266 = arith.addf %parallel_loop3A_1259, %parallel_loop3A_1265 : vector<16xf32>
        %parallel_loop3A_1267 = arith.index_cast %parallel_loop3A_1170 : i32 to index
        %parallel_loop3A_1268 = arith.constant 224 : index
        %parallel_loop3A_1269 = tpu.vector_load %arg8[%parallel_loop3A_1267, %parallel_loop3A_1268] {strides = array<i32>} : memref<104x256xf32, #tpu.memory_space<vmem>>, vector<16xf32>,
        %parallel_loop3A_1270 = arith.mulf %parallel_loop3A_1269, %get3A_99 : vector<16xf32>
        %parallel_loop3A_1271 = arith.addf %parallel_loop3A_1264, %parallel_loop3A_1270 : vector<16xf32>
        %parallel_loop3A_1272 = arith.mulf %parallel_loop3A_1269, %parallel_loop3A_1269 : vector<16xf32>
        %parallel_loop3A_1273 = arith.addf %parallel_loop3A_1266, %parallel_loop3A_1272 : vector<16xf32>
        %parallel_loop3A_1274 = arith.index_cast %parallel_loop3A_1170 : i32 to index
        %parallel_loop3A_1275 = arith.constant 240 : index
        %parallel_loop3A_1276 = tpu.vector_load %arg8[%parallel_loop3A_1274, %parallel_loop3A_1275] {strides = array<i32>} : memref<104x256xf32, #tpu.memory_space<vmem>>, vector<16xf32>,
        %parallel_loop3A_1277 = arith.mulf %parallel_loop3A_1276, %get3A_102 : vector<16xf32>
        %parallel_loop3A_1278 = arith.addf %parallel_loop3A_1271, %parallel_loop3A_1277 : vector<16xf32>
        %parallel_loop3A_1279 = arith.mulf %parallel_loop3A_1276, %parallel_loop3A_1276 : vector<16xf32>
        %parallel_loop3A_1280 = arith.addf %parallel_loop3A_1273, %parallel_loop3A_1279 : vector<16xf32>
        %parallel_loop3A_1281 = arith.constant 0 : i32
        %parallel_loop3A_1282 = arith.addi %parallel_loop3A_1281, %parallel_loop3A_1170 : i32
        %parallel_loop3A_1283 = vector.broadcast %parallel_loop3A_1282 : i32 to vector<16xi32>
        %parallel_loop3A_1284 = arith.constant true
        %parallel_loop3A_1285 = vector.broadcast %parallel_loop3A_1284 : i1 to vector<16xi1>
        %parallel_loop3A_1286 = tpu.scan <sum>, %parallel_loop3A_1278 masked %parallel_loop3A_1285 : vector<16xf32>, vector<16xi1> -> vector<16xf32>
        tpu.vector_store_idx %arg12[%parallel_loop3A_1283], %parallel_loop3A_1286 masked %eq3A_6 : memref<208xf32, #tpu.memory_space<vmem>>[vector<16xi32>], vector<16xf32>, vector<16xi1>
        %parallel_loop3A_1287 = arith.constant true
        %parallel_loop3A_1288 = vector.broadcast %parallel_loop3A_1287 : i1 to vector<16xi1>
        %parallel_loop3A_1289 = tpu.scan <sum>, %parallel_loop3A_1280 masked %parallel_loop3A_1288 : vector<16xf32>, vector<16xi1> -> vector<16xf32>
        tpu.vector_store_idx %arg13[%parallel_loop3A_1283], %parallel_loop3A_1289 masked %eq3A_6 : memref<208xf32, #tpu.memory_space<vmem>>[vector<16xi32>], vector<16xf32>, vector<16xi1>
      } {sc.loop_unroll_factor = 4 : i64, sc.parallel_access}
      %lt3A = arith.constant 30 : i32
      %lt3A_111 = arith.cmpi slt, %mul3A_55, %lt3A : i32
      %convert_element_type3A = arith.extui %lt3A_111 : i1 to i32
      %cond3A = arith.constant 0 : i32
      %cond3A_112 = arith.cmpi ne, %convert_element_type3A, %cond3A : i32
      scf.if %cond3A_112 {
        %add3A_1170 = arith.constant 2 : i32
        %add3A_1171 = arith.addi %mul3A_55, %add3A_1170 : i32
        %mul3A_1172 = arith.constant 200 : i32
        %mul3A_1173 = arith.muli %add3A_1171, %mul3A_1172 : i32
        %dma_start3A_1174 = tpu.memref_slice %arg6[%mul3A_1173] : memref<6400xi32, #tpu.memory_space<vmem>> -> memref<104xi32, #tpu.memory_space<vmem>>
        %dma_start3A_1175 = arith.constant 0 : i32
        %dma_start3A_1176 = arith.constant 0 : i32
        %dma_start3A_1177 = tpu.memref_slice %arg4[%dma_start3A_1175, %dma_start3A_1176] : memref<100001x256xf32, #tpu.memory_space<hbm>> -> memref<100001x256xf32, #tpu.memory_space<hbm>>
        tpu.enqueue_indirect_dma source(%dma_start3A_1177 : memref<100001x256xf32, #tpu.memory_space<hbm>>) target(%arg8 : memref<104x256xf32, #tpu.memory_space<vmem>>) offsets(%dma_start3A_1174 : memref<104xi32, #tpu.memory_space<vmem>>) semaphore(%arg16 : memref<!tpu.dma_semaphore, #tpu.memory_space<semaphore_mem>>)
      } else {
      }
      %mul3A_113 = arith.constant 200 : i32
      %mul3A_114 = arith.muli %mul3A_55, %mul3A_113 : i32
      %add3A_115 = arith.constant 104 : i32
      %add3A_116 = arith.addi %mul3A_114, %add3A_115 : i32
      %dma_wait3A_117 = tpu.memref_slice %arg6[%add3A_116] : memref<6400xi32, #tpu.memory_space<vmem>> -> memref<96xi32, #tpu.memory_space<vmem>>
      %dma_wait3A_118 = arith.constant 0 : i32
      %dma_wait3A_119 = arith.constant 0 : i32
      %dma_wait3A_120 = tpu.memref_slice %arg4[%dma_wait3A_118, %dma_wait3A_119] : memref<100001x256xf32, #tpu.memory_space<hbm>> -> memref<100001x256xf32, #tpu.memory_space<hbm>>
      tpu.wait_indirect_dma semaphore(%arg17 : memref<!tpu.dma_semaphore, #tpu.memory_space<semaphore_mem>>) src(%dma_wait3A_120 : memref<100001x256xf32, #tpu.memory_space<hbm>>) dst(%arg9 : memref<96x256xf32, #tpu.memory_space<vmem>>)
      %parallel_loop3A_121 = arith.constant 0 : i32
      %parallel_loop3A_122 = arith.constant 96 : i32
      %parallel_loop3A_123 = arith.constant 1 : i32
      scf.for %parallel_loop3A_1170 = %parallel_loop3A_121 to %parallel_loop3A_122 step %parallel_loop3A_123  : i32 {
        %parallel_loop3A_1171 = arith.index_cast %parallel_loop3A_1170 : i32 to index
        %parallel_loop3A_1172 = arith.constant 0 : index
        %parallel_loop3A_1173 = tpu.vector_load %arg9[%parallel_loop3A_1171, %parallel_loop3A_1172] {strides = array<i32>} : memref<96x256xf32, #tpu.memory_space<vmem>>, vector<16xf32>,
        %parallel_loop3A_1174 = arith.mulf %parallel_loop3A_1173, %get3A_57 : vector<16xf32>
        %parallel_loop3A_1175 = arith.mulf %parallel_loop3A_1173, %parallel_loop3A_1173 : vector<16xf32>
        %parallel_loop3A_1176 = arith.index_cast %parallel_loop3A_1170 : i32 to index
        %parallel_loop3A_1177 = arith.constant 16 : index
        %parallel_loop3A_1178 = tpu.vector_load %arg9[%parallel_loop3A_1176, %parallel_loop3A_1177] {strides = array<i32>} : memref<96x256xf32, #tpu.memory_space<vmem>>, vector<16xf32>,
        %parallel_loop3A_1179 = arith.mulf %parallel_loop3A_1178, %get3A_60 : vector<16xf32>
        %parallel_loop3A_1180 = arith.addf %parallel_loop3A_1174, %parallel_loop3A_1179 : vector<16xf32>
        %parallel_loop3A_1181 = arith.mulf %parallel_loop3A_1178, %parallel_loop3A_1178 : vector<16xf32>
        %parallel_loop3A_1182 = arith.addf %parallel_loop3A_1175, %parallel_loop3A_1181 : vector<16xf32>
        %parallel_loop3A_1183 = arith.index_cast %parallel_loop3A_1170 : i32 to index
        %parallel_loop3A_1184 = arith.constant 32 : index
        %parallel_loop3A_1185 = tpu.vector_load %arg9[%parallel_loop3A_1183, %parallel_loop3A_1184] {strides = array<i32>} : memref<96x256xf32, #tpu.memory_space<vmem>>, vector<16xf32>,
        %parallel_loop3A_1186 = arith.mulf %parallel_loop3A_1185, %get3A_63 : vector<16xf32>
        %parallel_loop3A_1187 = arith.addf %parallel_loop3A_1180, %parallel_loop3A_1186 : vector<16xf32>
        %parallel_loop3A_1188 = arith.mulf %parallel_loop3A_1185, %parallel_loop3A_1185 : vector<16xf32>
        %parallel_loop3A_1189 = arith.addf %parallel_loop3A_1182, %parallel_loop3A_1188 : vector<16xf32>
        %parallel_loop3A_1190 = arith.index_cast %parallel_loop3A_1170 : i32 to index
        %parallel_loop3A_1191 = arith.constant 48 : index
        %parallel_loop3A_1192 = tpu.vector_load %arg9[%parallel_loop3A_1190, %parallel_loop3A_1191] {strides = array<i32>} : memref<96x256xf32, #tpu.memory_space<vmem>>, vector<16xf32>,
        %parallel_loop3A_1193 = arith.mulf %parallel_loop3A_1192, %get3A_66 : vector<16xf32>
        %parallel_loop3A_1194 = arith.addf %parallel_loop3A_1187, %parallel_loop3A_1193 : vector<16xf32>
        %parallel_loop3A_1195 = arith.mulf %parallel_loop3A_1192, %parallel_loop3A_1192 : vector<16xf32>
        %parallel_loop3A_1196 = arith.addf %parallel_loop3A_1189, %parallel_loop3A_1195 : vector<16xf32>
        %parallel_loop3A_1197 = arith.index_cast %parallel_loop3A_1170 : i32 to index
        %parallel_loop3A_1198 = arith.constant 64 : index
        %parallel_loop3A_1199 = tpu.vector_load %arg9[%parallel_loop3A_1197, %parallel_loop3A_1198] {strides = array<i32>} : memref<96x256xf32, #tpu.memory_space<vmem>>, vector<16xf32>,
        %parallel_loop3A_1200 = arith.mulf %parallel_loop3A_1199, %get3A_69 : vector<16xf32>
        %parallel_loop3A_1201 = arith.addf %parallel_loop3A_1194, %parallel_loop3A_1200 : vector<16xf32>
        %parallel_loop3A_1202 = arith.mulf %parallel_loop3A_1199, %parallel_loop3A_1199 : vector<16xf32>
        %parallel_loop3A_1203 = arith.addf %parallel_loop3A_1196, %parallel_loop3A_1202 : vector<16xf32>
        %parallel_loop3A_1204 = arith.index_cast %parallel_loop3A_1170 : i32 to index
        %parallel_loop3A_1205 = arith.constant 80 : index
        %parallel_loop3A_1206 = tpu.vector_load %arg9[%parallel_loop3A_1204, %parallel_loop3A_1205] {strides = array<i32>} : memref<96x256xf32, #tpu.memory_space<vmem>>, vector<16xf32>,
        %parallel_loop3A_1207 = arith.mulf %parallel_loop3A_1206, %get3A_72 : vector<16xf32>
        %parallel_loop3A_1208 = arith.addf %parallel_loop3A_1201, %parallel_loop3A_1207 : vector<16xf32>
        %parallel_loop3A_1209 = arith.mulf %parallel_loop3A_1206, %parallel_loop3A_1206 : vector<16xf32>
        %parallel_loop3A_1210 = arith.addf %parallel_loop3A_1203, %parallel_loop3A_1209 : vector<16xf32>
        %parallel_loop3A_1211 = arith.index_cast %parallel_loop3A_1170 : i32 to index
        %parallel_loop3A_1212 = arith.constant 96 : index
        %parallel_loop3A_1213 = tpu.vector_load %arg9[%parallel_loop3A_1211, %parallel_loop3A_1212] {strides = array<i32>} : memref<96x256xf32, #tpu.memory_space<vmem>>, vector<16xf32>,
        %parallel_loop3A_1214 = arith.mulf %parallel_loop3A_1213, %get3A_75 : vector<16xf32>
        %parallel_loop3A_1215 = arith.addf %parallel_loop3A_1208, %parallel_loop3A_1214 : vector<16xf32>
        %parallel_loop3A_1216 = arith.mulf %parallel_loop3A_1213, %parallel_loop3A_1213 : vector<16xf32>
        %parallel_loop3A_1217 = arith.addf %parallel_loop3A_1210, %parallel_loop3A_1216 : vector<16xf32>
        %parallel_loop3A_1218 = arith.index_cast %parallel_loop3A_1170 : i32 to index
        %parallel_loop3A_1219 = arith.constant 112 : index
        %parallel_loop3A_1220 = tpu.vector_load %arg9[%parallel_loop3A_1218, %parallel_loop3A_1219] {strides = array<i32>} : memref<96x256xf32, #tpu.memory_space<vmem>>, vector<16xf32>,
        %parallel_loop3A_1221 = arith.mulf %parallel_loop3A_1220, %get3A_78 : vector<16xf32>
        %parallel_loop3A_1222 = arith.addf %parallel_loop3A_1215, %parallel_loop3A_1221 : vector<16xf32>
        %parallel_loop3A_1223 = arith.mulf %parallel_loop3A_1220, %parallel_loop3A_1220 : vector<16xf32>
        %parallel_loop3A_1224 = arith.addf %parallel_loop3A_1217, %parallel_loop3A_1223 : vector<16xf32>
        %parallel_loop3A_1225 = arith.index_cast %parallel_loop3A_1170 : i32 to index
        %parallel_loop3A_1226 = arith.constant 128 : index
        %parallel_loop3A_1227 = tpu.vector_load %arg9[%parallel_loop3A_1225, %parallel_loop3A_1226] {strides = array<i32>} : memref<96x256xf32, #tpu.memory_space<vmem>>, vector<16xf32>,
        %parallel_loop3A_1228 = arith.mulf %parallel_loop3A_1227, %get3A_81 : vector<16xf32>
        %parallel_loop3A_1229 = arith.addf %parallel_loop3A_1222, %parallel_loop3A_1228 : vector<16xf32>
        %parallel_loop3A_1230 = arith.mulf %parallel_loop3A_1227, %parallel_loop3A_1227 : vector<16xf32>
        %parallel_loop3A_1231 = arith.addf %parallel_loop3A_1224, %parallel_loop3A_1230 : vector<16xf32>
        %parallel_loop3A_1232 = arith.index_cast %parallel_loop3A_1170 : i32 to index
        %parallel_loop3A_1233 = arith.constant 144 : index
        %parallel_loop3A_1234 = tpu.vector_load %arg9[%parallel_loop3A_1232, %parallel_loop3A_1233] {strides = array<i32>} : memref<96x256xf32, #tpu.memory_space<vmem>>, vector<16xf32>,
        %parallel_loop3A_1235 = arith.mulf %parallel_loop3A_1234, %get3A_84 : vector<16xf32>
        %parallel_loop3A_1236 = arith.addf %parallel_loop3A_1229, %parallel_loop3A_1235 : vector<16xf32>
        %parallel_loop3A_1237 = arith.mulf %parallel_loop3A_1234, %parallel_loop3A_1234 : vector<16xf32>
        %parallel_loop3A_1238 = arith.addf %parallel_loop3A_1231, %parallel_loop3A_1237 : vector<16xf32>
        %parallel_loop3A_1239 = arith.index_cast %parallel_loop3A_1170 : i32 to index
        %parallel_loop3A_1240 = arith.constant 160 : index
        %parallel_loop3A_1241 = tpu.vector_load %arg9[%parallel_loop3A_1239, %parallel_loop3A_1240] {strides = array<i32>} : memref<96x256xf32, #tpu.memory_space<vmem>>, vector<16xf32>,
        %parallel_loop3A_1242 = arith.mulf %parallel_loop3A_1241, %get3A_87 : vector<16xf32>
        %parallel_loop3A_1243 = arith.addf %parallel_loop3A_1236, %parallel_loop3A_1242 : vector<16xf32>
        %parallel_loop3A_1244 = arith.mulf %parallel_loop3A_1241, %parallel_loop3A_1241 : vector<16xf32>
        %parallel_loop3A_1245 = arith.addf %parallel_loop3A_1238, %parallel_loop3A_1244 : vector<16xf32>
        %parallel_loop3A_1246 = arith.index_cast %parallel_loop3A_1170 : i32 to index
        %parallel_loop3A_1247 = arith.constant 176 : index
        %parallel_loop3A_1248 = tpu.vector_load %arg9[%parallel_loop3A_1246, %parallel_loop3A_1247] {strides = array<i32>} : memref<96x256xf32, #tpu.memory_space<vmem>>, vector<16xf32>,
        %parallel_loop3A_1249 = arith.mulf %parallel_loop3A_1248, %get3A_90 : vector<16xf32>
        %parallel_loop3A_1250 = arith.addf %parallel_loop3A_1243, %parallel_loop3A_1249 : vector<16xf32>
        %parallel_loop3A_1251 = arith.mulf %parallel_loop3A_1248, %parallel_loop3A_1248 : vector<16xf32>
        %parallel_loop3A_1252 = arith.addf %parallel_loop3A_1245, %parallel_loop3A_1251 : vector<16xf32>
        %parallel_loop3A_1253 = arith.index_cast %parallel_loop3A_1170 : i32 to index
        %parallel_loop3A_1254 = arith.constant 192 : index
        %parallel_loop3A_1255 = tpu.vector_load %arg9[%parallel_loop3A_1253, %parallel_loop3A_1254] {strides = array<i32>} : memref<96x256xf32, #tpu.memory_space<vmem>>, vector<16xf32>,
        %parallel_loop3A_1256 = arith.mulf %parallel_loop3A_1255, %get3A_93 : vector<16xf32>
        %parallel_loop3A_1257 = arith.addf %parallel_loop3A_1250, %parallel_loop3A_1256 : vector<16xf32>
        %parallel_loop3A_1258 = arith.mulf %parallel_loop3A_1255, %parallel_loop3A_1255 : vector<16xf32>
        %parallel_loop3A_1259 = arith.addf %parallel_loop3A_1252, %parallel_loop3A_1258 : vector<16xf32>
        %parallel_loop3A_1260 = arith.index_cast %parallel_loop3A_1170 : i32 to index
        %parallel_loop3A_1261 = arith.constant 208 : index
        %parallel_loop3A_1262 = tpu.vector_load %arg9[%parallel_loop3A_1260, %parallel_loop3A_1261] {strides = array<i32>} : memref<96x256xf32, #tpu.memory_space<vmem>>, vector<16xf32>,
        %parallel_loop3A_1263 = arith.mulf %parallel_loop3A_1262, %get3A_96 : vector<16xf32>
        %parallel_loop3A_1264 = arith.addf %parallel_loop3A_1257, %parallel_loop3A_1263 : vector<16xf32>
        %parallel_loop3A_1265 = arith.mulf %parallel_loop3A_1262, %parallel_loop3A_1262 : vector<16xf32>
        %parallel_loop3A_1266 = arith.addf %parallel_loop3A_1259, %parallel_loop3A_1265 : vector<16xf32>
        %parallel_loop3A_1267 = arith.index_cast %parallel_loop3A_1170 : i32 to index
        %parallel_loop3A_1268 = arith.constant 224 : index
        %parallel_loop3A_1269 = tpu.vector_load %arg9[%parallel_loop3A_1267, %parallel_loop3A_1268] {strides = array<i32>} : memref<96x256xf32, #tpu.memory_space<vmem>>, vector<16xf32>,
        %parallel_loop3A_1270 = arith.mulf %parallel_loop3A_1269, %get3A_99 : vector<16xf32>
        %parallel_loop3A_1271 = arith.addf %parallel_loop3A_1264, %parallel_loop3A_1270 : vector<16xf32>
        %parallel_loop3A_1272 = arith.mulf %parallel_loop3A_1269, %parallel_loop3A_1269 : vector<16xf32>
        %parallel_loop3A_1273 = arith.addf %parallel_loop3A_1266, %parallel_loop3A_1272 : vector<16xf32>
        %parallel_loop3A_1274 = arith.index_cast %parallel_loop3A_1170 : i32 to index
        %parallel_loop3A_1275 = arith.constant 240 : index
        %parallel_loop3A_1276 = tpu.vector_load %arg9[%parallel_loop3A_1274, %parallel_loop3A_1275] {strides = array<i32>} : memref<96x256xf32, #tpu.memory_space<vmem>>, vector<16xf32>,
        %parallel_loop3A_1277 = arith.mulf %parallel_loop3A_1276, %get3A_102 : vector<16xf32>
        %parallel_loop3A_1278 = arith.addf %parallel_loop3A_1271, %parallel_loop3A_1277 : vector<16xf32>
        %parallel_loop3A_1279 = arith.mulf %parallel_loop3A_1276, %parallel_loop3A_1276 : vector<16xf32>
        %parallel_loop3A_1280 = arith.addf %parallel_loop3A_1273, %parallel_loop3A_1279 : vector<16xf32>
        %parallel_loop3A_1281 = arith.constant 104 : i32
        %parallel_loop3A_1282 = arith.addi %parallel_loop3A_1281, %parallel_loop3A_1170 : i32
        %parallel_loop3A_1283 = vector.broadcast %parallel_loop3A_1282 : i32 to vector<16xi32>
        %parallel_loop3A_1284 = arith.constant true
        %parallel_loop3A_1285 = vector.broadcast %parallel_loop3A_1284 : i1 to vector<16xi1>
        %parallel_loop3A_1286 = tpu.scan <sum>, %parallel_loop3A_1278 masked %parallel_loop3A_1285 : vector<16xf32>, vector<16xi1> -> vector<16xf32>
        tpu.vector_store_idx %arg12[%parallel_loop3A_1283], %parallel_loop3A_1286 masked %eq3A_6 : memref<208xf32, #tpu.memory_space<vmem>>[vector<16xi32>], vector<16xf32>, vector<16xi1>
        %parallel_loop3A_1287 = arith.constant true
        %parallel_loop3A_1288 = vector.broadcast %parallel_loop3A_1287 : i1 to vector<16xi1>
        %parallel_loop3A_1289 = tpu.scan <sum>, %parallel_loop3A_1280 masked %parallel_loop3A_1288 : vector<16xf32>, vector<16xi1> -> vector<16xf32>
        tpu.vector_store_idx %arg13[%parallel_loop3A_1283], %parallel_loop3A_1289 masked %eq3A_6 : memref<208xf32, #tpu.memory_space<vmem>>[vector<16xi32>], vector<16xf32>, vector<16xi1>
      } {sc.loop_unroll_factor = 4 : i64, sc.parallel_access}
      %lt3A_124 = arith.constant 30 : i32
      %lt3A_125 = arith.cmpi slt, %mul3A_55, %lt3A_124 : i32
      %convert_element_type3A_126 = arith.extui %lt3A_125 : i1 to i32
      %cond3A_127 = arith.constant 0 : i32
      %cond3A_128 = arith.cmpi ne, %convert_element_type3A_126, %cond3A_127 : i32
      scf.if %cond3A_128 {
        %add3A_1170 = arith.constant 2 : i32
        %add3A_1171 = arith.addi %mul3A_55, %add3A_1170 : i32
        %mul3A_1172 = arith.constant 200 : i32
        %mul3A_1173 = arith.muli %add3A_1171, %mul3A_1172 : i32
        %add3A_1174 = arith.constant 104 : i32
        %add3A_1175 = arith.addi %mul3A_1173, %add3A_1174 : i32
        %dma_start3A_1176 = tpu.memref_slice %arg6[%add3A_1175] : memref<6400xi32, #tpu.memory_space<vmem>> -> memref<96xi32, #tpu.memory_space<vmem>>
        %dma_start3A_1177 = arith.constant 0 : i32
        %dma_start3A_1178 = arith.constant 0 : i32
        %dma_start3A_1179 = tpu.memref_slice %arg4[%dma_start3A_1177, %dma_start3A_1178] : memref<100001x256xf32, #tpu.memory_space<hbm>> -> memref<100001x256xf32, #tpu.memory_space<hbm>>
        tpu.enqueue_indirect_dma source(%dma_start3A_1179 : memref<100001x256xf32, #tpu.memory_space<hbm>>) target(%arg9 : memref<96x256xf32, #tpu.memory_space<vmem>>) offsets(%dma_start3A_1176 : memref<96xi32, #tpu.memory_space<vmem>>) semaphore(%arg17 : memref<!tpu.dma_semaphore, #tpu.memory_space<semaphore_mem>>)
      } else {
      }
      %ge3A = arith.constant 2 : i32
      %ge3A_129 = arith.cmpi sge, %mul3A_55, %ge3A : i32
      %convert_element_type3A_130 = arith.extui %ge3A_129 : i1 to i32
      %cond3A_131 = arith.constant 0 : i32
      %cond3A_132 = arith.cmpi ne, %convert_element_type3A_130, %cond3A_131 : i32
      scf.if %cond3A_132 {
        %add3A_1170 = arith.addi %mul3A_2, %mul3A_55 : i32
        %sub3A_1171 = arith.constant 2 : i32
        %sub3A_1172 = arith.subi %add3A_1170, %sub3A_1171 : i32
        %mul3A_1173 = arith.constant 200 : i32
        %mul3A_1174 = arith.muli %sub3A_1172, %mul3A_1173 : i32
        %dma_wait3A_1175 = arith.constant 0 : i32
        %dma_wait3A_1176 = tpu.memref_slice %arg14[%dma_wait3A_1175] : memref<208xf32, #tpu.memory_space<vmem>> -> memref<200xf32, #tpu.memory_space<vmem>>
        %dma_wait3A_1177 = tpu.memref_slice %arg5[%mul3A_1174] : memref<204800xf32, #tpu.memory_space<hbm>> -> memref<200xf32, #tpu.memory_space<hbm>>
        %dma_wait3A_1178 = tpu.memref_slice %arg5[%mul3A_1174] : memref<204800xf32, #tpu.memory_space<hbm>> -> memref<200xf32, #tpu.memory_space<hbm>>
        %dma_wait3A_1179 = arith.constant 0 : i32
        %dma_wait3A_1180 = tpu.memref_slice %arg14[%dma_wait3A_1179] : memref<208xf32, #tpu.memory_space<vmem>> -> memref<200xf32, #tpu.memory_space<vmem>>
        tpu.wait_dma2 semaphore(%arg20 : memref<!tpu.dma_semaphore, #tpu.memory_space<semaphore_mem>>) src(%dma_wait3A_1180 : memref<200xf32, #tpu.memory_space<vmem>>) dst(%dma_wait3A_1178 : memref<200xf32, #tpu.memory_space<hbm>>)
      } else {
      }
      %get3A_133 = arith.constant 0 : index
      %get3A_134 = tpu.vector_load %arg12[%get3A_133] {strides = array<i32>} : memref<208xf32, #tpu.memory_space<vmem>>, vector<16xf32>,
      %get3A_135 = arith.constant 0 : index
      %get3A_136 = tpu.vector_load %arg13[%get3A_135] {strides = array<i32>} : memref<208xf32, #tpu.memory_space<vmem>>, vector<16xf32>,
      %max3A = arith.constant 1.000000e-24 : f32
      %max3A_137 = vector.broadcast %max3A : f32 to vector<16xf32>
      %max3A_138 = arith.maximumf %get3A_136, %max3A_137 : vector<16xf32>
      %bitcast3A = vector.bitcast %max3A_138 : vector<16xf32> to vector<16xi32>
      %shift_right_logical3A = arith.constant 1 : i32
      %shift_right_logical3A_139 = vector.broadcast %shift_right_logical3A : i32 to vector<16xi32>
      %shift_right_logical3A_140 = arith.shrui %bitcast3A, %shift_right_logical3A_139 : vector<16xi32>
      %sub3A_141 = arith.constant 1597463007 : i32
      %sub3A_142 = vector.broadcast %sub3A_141 : i32 to vector<16xi32>
      %sub3A_143 = arith.subi %sub3A_142, %shift_right_logical3A_140 : vector<16xi32>
      %bitcast3A_144 = vector.bitcast %sub3A_143 : vector<16xi32> to vector<16xf32>
      %mul3A_145 = arith.constant 5.000000e-01 : f32
      %mul3A_146 = vector.broadcast %mul3A_145 : f32 to vector<16xf32>
      %mul3A_147 = arith.mulf %mul3A_146, %max3A_138 : vector<16xf32>
      %mul3A_148 = arith.mulf %mul3A_147, %bitcast3A_144 : vector<16xf32>
      %mul3A_149 = arith.mulf %mul3A_148, %bitcast3A_144 : vector<16xf32>
      %sub3A_150 = arith.constant 1.500000e+00 : f32
      %sub3A_151 = vector.broadcast %sub3A_150 : f32 to vector<16xf32>
      %sub3A_152 = arith.subf %sub3A_151, %mul3A_149 : vector<16xf32>
      %mul3A_153 = arith.mulf %bitcast3A_144, %sub3A_152 : vector<16xf32>
      %mul3A_154 = arith.constant 5.000000e-01 : f32
      %mul3A_155 = vector.broadcast %mul3A_154 : f32 to vector<16xf32>
      %mul3A_156 = arith.mulf %mul3A_155, %max3A_138 : vector<16xf32>
      %mul3A_157 = arith.mulf %mul3A_156, %mul3A_153 : vector<16xf32>
      %mul3A_158 = arith.mulf %mul3A_157, %mul3A_153 : vector<16xf32>
      %sub3A_159 = arith.constant 1.500000e+00 : f32
      %sub3A_160 = vector.broadcast %sub3A_159 : f32 to vector<16xf32>
      %sub3A_161 = arith.subf %sub3A_160, %mul3A_158 : vector<16xf32>
      %mul3A_162 = arith.mulf %mul3A_153, %sub3A_161 : vector<16xf32>
      %mul3A_163 = arith.mulf %get3A_134, %mul3A_162 : vector<16xf32>
      %swap3A = arith.constant 0 : index
      %swap3A_164 = tpu.vector_load %arg14[%swap3A] {strides = array<i32>} : memref<208xf32, #tpu.memory_space<vmem>>, vector<16xf32>,
      tpu.vector_store %arg14[%swap3A], %mul3A_163 {strides = array<i32>} : memref<208xf32, #tpu.memory_space<vmem>>, vector<16xf32>,
      %get3A_165 = arith.constant 16 : index
      %get3A_166 = tpu.vector_load %arg12[%get3A_165] {strides = array<i32>} : memref<208xf32, #tpu.memory_space<vmem>>, vector<16xf32>,
      %get3A_167 = arith.constant 16 : index
      %get3A_168 = tpu.vector_load %arg13[%get3A_167] {strides = array<i32>} : memref<208xf32, #tpu.memory_space<vmem>>, vector<16xf32>,
      %max3A_169 = arith.constant 1.000000e-24 : f32
      %max3A_170 = vector.broadcast %max3A_169 : f32 to vector<16xf32>
      %max3A_171 = arith.maximumf %get3A_168, %max3A_170 : vector<16xf32>
      %bitcast3A_172 = vector.bitcast %max3A_171 : vector<16xf32> to vector<16xi32>
      %shift_right_logical3A_173 = arith.constant 1 : i32
      %shift_right_logical3A_174 = vector.broadcast %shift_right_logical3A_173 : i32 to vector<16xi32>
      %shift_right_logical3A_175 = arith.shrui %bitcast3A_172, %shift_right_logical3A_174 : vector<16xi32>
      %sub3A_176 = arith.constant 1597463007 : i32
      %sub3A_177 = vector.broadcast %sub3A_176 : i32 to vector<16xi32>
      %sub3A_178 = arith.subi %sub3A_177, %shift_right_logical3A_175 : vector<16xi32>
      %bitcast3A_179 = vector.bitcast %sub3A_178 : vector<16xi32> to vector<16xf32>
      %mul3A_180 = arith.constant 5.000000e-01 : f32
      %mul3A_181 = vector.broadcast %mul3A_180 : f32 to vector<16xf32>
      %mul3A_182 = arith.mulf %mul3A_181, %max3A_171 : vector<16xf32>
      %mul3A_183 = arith.mulf %mul3A_182, %bitcast3A_179 : vector<16xf32>
      %mul3A_184 = arith.mulf %mul3A_183, %bitcast3A_179 : vector<16xf32>
      %sub3A_185 = arith.constant 1.500000e+00 : f32
      %sub3A_186 = vector.broadcast %sub3A_185 : f32 to vector<16xf32>
      %sub3A_187 = arith.subf %sub3A_186, %mul3A_184 : vector<16xf32>
      %mul3A_188 = arith.mulf %bitcast3A_179, %sub3A_187 : vector<16xf32>
      %mul3A_189 = arith.constant 5.000000e-01 : f32
      %mul3A_190 = vector.broadcast %mul3A_189 : f32 to vector<16xf32>
      %mul3A_191 = arith.mulf %mul3A_190, %max3A_171 : vector<16xf32>
      %mul3A_192 = arith.mulf %mul3A_191, %mul3A_188 : vector<16xf32>
      %mul3A_193 = arith.mulf %mul3A_192, %mul3A_188 : vector<16xf32>
      %sub3A_194 = arith.constant 1.500000e+00 : f32
      %sub3A_195 = vector.broadcast %sub3A_194 : f32 to vector<16xf32>
      %sub3A_196 = arith.subf %sub3A_195, %mul3A_193 : vector<16xf32>
      %mul3A_197 = arith.mulf %mul3A_188, %sub3A_196 : vector<16xf32>
      %mul3A_198 = arith.mulf %get3A_166, %mul3A_197 : vector<16xf32>
      %swap3A_199 = arith.constant 16 : index
      %swap3A_200 = tpu.vector_load %arg14[%swap3A_199] {strides = array<i32>} : memref<208xf32, #tpu.memory_space<vmem>>, vector<16xf32>,
      tpu.vector_store %arg14[%swap3A_199], %mul3A_198 {strides = array<i32>} : memref<208xf32, #tpu.memory_space<vmem>>, vector<16xf32>,
      %get3A_201 = arith.constant 32 : index
      %get3A_202 = tpu.vector_load %arg12[%get3A_201] {strides = array<i32>} : memref<208xf32, #tpu.memory_space<vmem>>, vector<16xf32>,
      %get3A_203 = arith.constant 32 : index
      %get3A_204 = tpu.vector_load %arg13[%get3A_203] {strides = array<i32>} : memref<208xf32, #tpu.memory_space<vmem>>, vector<16xf32>,
      %max3A_205 = arith.constant 1.000000e-24 : f32
      %max3A_206 = vector.broadcast %max3A_205 : f32 to vector<16xf32>
      %max3A_207 = arith.maximumf %get3A_204, %max3A_206 : vector<16xf32>
      %bitcast3A_208 = vector.bitcast %max3A_207 : vector<16xf32> to vector<16xi32>
      %shift_right_logical3A_209 = arith.constant 1 : i32
      %shift_right_logical3A_210 = vector.broadcast %shift_right_logical3A_209 : i32 to vector<16xi32>
      %shift_right_logical3A_211 = arith.shrui %bitcast3A_208, %shift_right_logical3A_210 : vector<16xi32>
      %sub3A_212 = arith.constant 1597463007 : i32
      %sub3A_213 = vector.broadcast %sub3A_212 : i32 to vector<16xi32>
      %sub3A_214 = arith.subi %sub3A_213, %shift_right_logical3A_211 : vector<16xi32>
      %bitcast3A_215 = vector.bitcast %sub3A_214 : vector<16xi32> to vector<16xf32>
      %mul3A_216 = arith.constant 5.000000e-01 : f32
      %mul3A_217 = vector.broadcast %mul3A_216 : f32 to vector<16xf32>
      %mul3A_218 = arith.mulf %mul3A_217, %max3A_207 : vector<16xf32>
      %mul3A_219 = arith.mulf %mul3A_218, %bitcast3A_215 : vector<16xf32>
      %mul3A_220 = arith.mulf %mul3A_219, %bitcast3A_215 : vector<16xf32>
      %sub3A_221 = arith.constant 1.500000e+00 : f32
      %sub3A_222 = vector.broadcast %sub3A_221 : f32 to vector<16xf32>
      %sub3A_223 = arith.subf %sub3A_222, %mul3A_220 : vector<16xf32>
      %mul3A_224 = arith.mulf %bitcast3A_215, %sub3A_223 : vector<16xf32>
      %mul3A_225 = arith.constant 5.000000e-01 : f32
      %mul3A_226 = vector.broadcast %mul3A_225 : f32 to vector<16xf32>
      %mul3A_227 = arith.mulf %mul3A_226, %max3A_207 : vector<16xf32>
      %mul3A_228 = arith.mulf %mul3A_227, %mul3A_224 : vector<16xf32>
      %mul3A_229 = arith.mulf %mul3A_228, %mul3A_224 : vector<16xf32>
      %sub3A_230 = arith.constant 1.500000e+00 : f32
      %sub3A_231 = vector.broadcast %sub3A_230 : f32 to vector<16xf32>
      %sub3A_232 = arith.subf %sub3A_231, %mul3A_229 : vector<16xf32>
      %mul3A_233 = arith.mulf %mul3A_224, %sub3A_232 : vector<16xf32>
      %mul3A_234 = arith.mulf %get3A_202, %mul3A_233 : vector<16xf32>
      %swap3A_235 = arith.constant 32 : index
      %swap3A_236 = tpu.vector_load %arg14[%swap3A_235] {strides = array<i32>} : memref<208xf32, #tpu.memory_space<vmem>>, vector<16xf32>,
      tpu.vector_store %arg14[%swap3A_235], %mul3A_234 {strides = array<i32>} : memref<208xf32, #tpu.memory_space<vmem>>, vector<16xf32>,
      %get3A_237 = arith.constant 48 : index
      %get3A_238 = tpu.vector_load %arg12[%get3A_237] {strides = array<i32>} : memref<208xf32, #tpu.memory_space<vmem>>, vector<16xf32>,
      %get3A_239 = arith.constant 48 : index
      %get3A_240 = tpu.vector_load %arg13[%get3A_239] {strides = array<i32>} : memref<208xf32, #tpu.memory_space<vmem>>, vector<16xf32>,
      %max3A_241 = arith.constant 1.000000e-24 : f32
      %max3A_242 = vector.broadcast %max3A_241 : f32 to vector<16xf32>
      %max3A_243 = arith.maximumf %get3A_240, %max3A_242 : vector<16xf32>
      %bitcast3A_244 = vector.bitcast %max3A_243 : vector<16xf32> to vector<16xi32>
      %shift_right_logical3A_245 = arith.constant 1 : i32
      %shift_right_logical3A_246 = vector.broadcast %shift_right_logical3A_245 : i32 to vector<16xi32>
      %shift_right_logical3A_247 = arith.shrui %bitcast3A_244, %shift_right_logical3A_246 : vector<16xi32>
      %sub3A_248 = arith.constant 1597463007 : i32
      %sub3A_249 = vector.broadcast %sub3A_248 : i32 to vector<16xi32>
      %sub3A_250 = arith.subi %sub3A_249, %shift_right_logical3A_247 : vector<16xi32>
      %bitcast3A_251 = vector.bitcast %sub3A_250 : vector<16xi32> to vector<16xf32>
      %mul3A_252 = arith.constant 5.000000e-01 : f32
      %mul3A_253 = vector.broadcast %mul3A_252 : f32 to vector<16xf32>
      %mul3A_254 = arith.mulf %mul3A_253, %max3A_243 : vector<16xf32>
      %mul3A_255 = arith.mulf %mul3A_254, %bitcast3A_251 : vector<16xf32>
      %mul3A_256 = arith.mulf %mul3A_255, %bitcast3A_251 : vector<16xf32>
      %sub3A_257 = arith.constant 1.500000e+00 : f32
      %sub3A_258 = vector.broadcast %sub3A_257 : f32 to vector<16xf32>
      %sub3A_259 = arith.subf %sub3A_258, %mul3A_256 : vector<16xf32>
      %mul3A_260 = arith.mulf %bitcast3A_251, %sub3A_259 : vector<16xf32>
      %mul3A_261 = arith.constant 5.000000e-01 : f32
      %mul3A_262 = vector.broadcast %mul3A_261 : f32 to vector<16xf32>
      %mul3A_263 = arith.mulf %mul3A_262, %max3A_243 : vector<16xf32>
      %mul3A_264 = arith.mulf %mul3A_263, %mul3A_260 : vector<16xf32>
      %mul3A_265 = arith.mulf %mul3A_264, %mul3A_260 : vector<16xf32>
      %sub3A_266 = arith.constant 1.500000e+00 : f32
      %sub3A_267 = vector.broadcast %sub3A_266 : f32 to vector<16xf32>
      %sub3A_268 = arith.subf %sub3A_267, %mul3A_265 : vector<16xf32>
      %mul3A_269 = arith.mulf %mul3A_260, %sub3A_268 : vector<16xf32>
      %mul3A_270 = arith.mulf %get3A_238, %mul3A_269 : vector<16xf32>
      %swap3A_271 = arith.constant 48 : index
      %swap3A_272 = tpu.vector_load %arg14[%swap3A_271] {strides = array<i32>} : memref<208xf32, #tpu.memory_space<vmem>>, vector<16xf32>,
      tpu.vector_store %arg14[%swap3A_271], %mul3A_270 {strides = array<i32>} : memref<208xf32, #tpu.memory_space<vmem>>, vector<16xf32>,
      %get3A_273 = arith.constant 64 : index
      %get3A_274 = tpu.vector_load %arg12[%get3A_273] {strides = array<i32>} : memref<208xf32, #tpu.memory_space<vmem>>, vector<16xf32>,
      %get3A_275 = arith.constant 64 : index
      %get3A_276 = tpu.vector_load %arg13[%get3A_275] {strides = array<i32>} : memref<208xf32, #tpu.memory_space<vmem>>, vector<16xf32>,
      %max3A_277 = arith.constant 1.000000e-24 : f32
      %max3A_278 = vector.broadcast %max3A_277 : f32 to vector<16xf32>
      %max3A_279 = arith.maximumf %get3A_276, %max3A_278 : vector<16xf32>
      %bitcast3A_280 = vector.bitcast %max3A_279 : vector<16xf32> to vector<16xi32>
      %shift_right_logical3A_281 = arith.constant 1 : i32
      %shift_right_logical3A_282 = vector.broadcast %shift_right_logical3A_281 : i32 to vector<16xi32>
      %shift_right_logical3A_283 = arith.shrui %bitcast3A_280, %shift_right_logical3A_282 : vector<16xi32>
      %sub3A_284 = arith.constant 1597463007 : i32
      %sub3A_285 = vector.broadcast %sub3A_284 : i32 to vector<16xi32>
      %sub3A_286 = arith.subi %sub3A_285, %shift_right_logical3A_283 : vector<16xi32>
      %bitcast3A_287 = vector.bitcast %sub3A_286 : vector<16xi32> to vector<16xf32>
      %mul3A_288 = arith.constant 5.000000e-01 : f32
      %mul3A_289 = vector.broadcast %mul3A_288 : f32 to vector<16xf32>
      %mul3A_290 = arith.mulf %mul3A_289, %max3A_279 : vector<16xf32>
      %mul3A_291 = arith.mulf %mul3A_290, %bitcast3A_287 : vector<16xf32>
      %mul3A_292 = arith.mulf %mul3A_291, %bitcast3A_287 : vector<16xf32>
      %sub3A_293 = arith.constant 1.500000e+00 : f32
      %sub3A_294 = vector.broadcast %sub3A_293 : f32 to vector<16xf32>
      %sub3A_295 = arith.subf %sub3A_294, %mul3A_292 : vector<16xf32>
      %mul3A_296 = arith.mulf %bitcast3A_287, %sub3A_295 : vector<16xf32>
      %mul3A_297 = arith.constant 5.000000e-01 : f32
      %mul3A_298 = vector.broadcast %mul3A_297 : f32 to vector<16xf32>
      %mul3A_299 = arith.mulf %mul3A_298, %max3A_279 : vector<16xf32>
      %mul3A_300 = arith.mulf %mul3A_299, %mul3A_296 : vector<16xf32>
      %mul3A_301 = arith.mulf %mul3A_300, %mul3A_296 : vector<16xf32>
      %sub3A_302 = arith.constant 1.500000e+00 : f32
      %sub3A_303 = vector.broadcast %sub3A_302 : f32 to vector<16xf32>
      %sub3A_304 = arith.subf %sub3A_303, %mul3A_301 : vector<16xf32>
      %mul3A_305 = arith.mulf %mul3A_296, %sub3A_304 : vector<16xf32>
      %mul3A_306 = arith.mulf %get3A_274, %mul3A_305 : vector<16xf32>
      %swap3A_307 = arith.constant 64 : index
      %swap3A_308 = tpu.vector_load %arg14[%swap3A_307] {strides = array<i32>} : memref<208xf32, #tpu.memory_space<vmem>>, vector<16xf32>,
      tpu.vector_store %arg14[%swap3A_307], %mul3A_306 {strides = array<i32>} : memref<208xf32, #tpu.memory_space<vmem>>, vector<16xf32>,
      %get3A_309 = arith.constant 80 : index
      %get3A_310 = tpu.vector_load %arg12[%get3A_309] {strides = array<i32>} : memref<208xf32, #tpu.memory_space<vmem>>, vector<16xf32>,
      %get3A_311 = arith.constant 80 : index
      %get3A_312 = tpu.vector_load %arg13[%get3A_311] {strides = array<i32>} : memref<208xf32, #tpu.memory_space<vmem>>, vector<16xf32>,
      %max3A_313 = arith.constant 1.000000e-24 : f32
      %max3A_314 = vector.broadcast %max3A_313 : f32 to vector<16xf32>
      %max3A_315 = arith.maximumf %get3A_312, %max3A_314 : vector<16xf32>
      %bitcast3A_316 = vector.bitcast %max3A_315 : vector<16xf32> to vector<16xi32>
      %shift_right_logical3A_317 = arith.constant 1 : i32
      %shift_right_logical3A_318 = vector.broadcast %shift_right_logical3A_317 : i32 to vector<16xi32>
      %shift_right_logical3A_319 = arith.shrui %bitcast3A_316, %shift_right_logical3A_318 : vector<16xi32>
      %sub3A_320 = arith.constant 1597463007 : i32
      %sub3A_321 = vector.broadcast %sub3A_320 : i32 to vector<16xi32>
      %sub3A_322 = arith.subi %sub3A_321, %shift_right_logical3A_319 : vector<16xi32>
      %bitcast3A_323 = vector.bitcast %sub3A_322 : vector<16xi32> to vector<16xf32>
      %mul3A_324 = arith.constant 5.000000e-01 : f32
      %mul3A_325 = vector.broadcast %mul3A_324 : f32 to vector<16xf32>
      %mul3A_326 = arith.mulf %mul3A_325, %max3A_315 : vector<16xf32>
      %mul3A_327 = arith.mulf %mul3A_326, %bitcast3A_323 : vector<16xf32>
      %mul3A_328 = arith.mulf %mul3A_327, %bitcast3A_323 : vector<16xf32>
      %sub3A_329 = arith.constant 1.500000e+00 : f32
      %sub3A_330 = vector.broadcast %sub3A_329 : f32 to vector<16xf32>
      %sub3A_331 = arith.subf %sub3A_330, %mul3A_328 : vector<16xf32>
      %mul3A_332 = arith.mulf %bitcast3A_323, %sub3A_331 : vector<16xf32>
      %mul3A_333 = arith.constant 5.000000e-01 : f32
      %mul3A_334 = vector.broadcast %mul3A_333 : f32 to vector<16xf32>
      %mul3A_335 = arith.mulf %mul3A_334, %max3A_315 : vector<16xf32>
      %mul3A_336 = arith.mulf %mul3A_335, %mul3A_332 : vector<16xf32>
      %mul3A_337 = arith.mulf %mul3A_336, %mul3A_332 : vector<16xf32>
      %sub3A_338 = arith.constant 1.500000e+00 : f32
      %sub3A_339 = vector.broadcast %sub3A_338 : f32 to vector<16xf32>
      %sub3A_340 = arith.subf %sub3A_339, %mul3A_337 : vector<16xf32>
      %mul3A_341 = arith.mulf %mul3A_332, %sub3A_340 : vector<16xf32>
      %mul3A_342 = arith.mulf %get3A_310, %mul3A_341 : vector<16xf32>
      %swap3A_343 = arith.constant 80 : index
      %swap3A_344 = tpu.vector_load %arg14[%swap3A_343] {strides = array<i32>} : memref<208xf32, #tpu.memory_space<vmem>>, vector<16xf32>,
      tpu.vector_store %arg14[%swap3A_343], %mul3A_342 {strides = array<i32>} : memref<208xf32, #tpu.memory_space<vmem>>, vector<16xf32>,
      %get3A_345 = arith.constant 96 : index
      %get3A_346 = tpu.vector_load %arg12[%get3A_345] {strides = array<i32>} : memref<208xf32, #tpu.memory_space<vmem>>, vector<16xf32>,
      %get3A_347 = arith.constant 96 : index
      %get3A_348 = tpu.vector_load %arg13[%get3A_347] {strides = array<i32>} : memref<208xf32, #tpu.memory_space<vmem>>, vector<16xf32>,
      %max3A_349 = arith.constant 1.000000e-24 : f32
      %max3A_350 = vector.broadcast %max3A_349 : f32 to vector<16xf32>
      %max3A_351 = arith.maximumf %get3A_348, %max3A_350 : vector<16xf32>
      %bitcast3A_352 = vector.bitcast %max3A_351 : vector<16xf32> to vector<16xi32>
      %shift_right_logical3A_353 = arith.constant 1 : i32
      %shift_right_logical3A_354 = vector.broadcast %shift_right_logical3A_353 : i32 to vector<16xi32>
      %shift_right_logical3A_355 = arith.shrui %bitcast3A_352, %shift_right_logical3A_354 : vector<16xi32>
      %sub3A_356 = arith.constant 1597463007 : i32
      %sub3A_357 = vector.broadcast %sub3A_356 : i32 to vector<16xi32>
      %sub3A_358 = arith.subi %sub3A_357, %shift_right_logical3A_355 : vector<16xi32>
      %bitcast3A_359 = vector.bitcast %sub3A_358 : vector<16xi32> to vector<16xf32>
      %mul3A_360 = arith.constant 5.000000e-01 : f32
      %mul3A_361 = vector.broadcast %mul3A_360 : f32 to vector<16xf32>
      %mul3A_362 = arith.mulf %mul3A_361, %max3A_351 : vector<16xf32>
      %mul3A_363 = arith.mulf %mul3A_362, %bitcast3A_359 : vector<16xf32>
      %mul3A_364 = arith.mulf %mul3A_363, %bitcast3A_359 : vector<16xf32>
      %sub3A_365 = arith.constant 1.500000e+00 : f32
      %sub3A_366 = vector.broadcast %sub3A_365 : f32 to vector<16xf32>
      %sub3A_367 = arith.subf %sub3A_366, %mul3A_364 : vector<16xf32>
      %mul3A_368 = arith.mulf %bitcast3A_359, %sub3A_367 : vector<16xf32>
      %mul3A_369 = arith.constant 5.000000e-01 : f32
      %mul3A_370 = vector.broadcast %mul3A_369 : f32 to vector<16xf32>
      %mul3A_371 = arith.mulf %mul3A_370, %max3A_351 : vector<16xf32>
      %mul3A_372 = arith.mulf %mul3A_371, %mul3A_368 : vector<16xf32>
      %mul3A_373 = arith.mulf %mul3A_372, %mul3A_368 : vector<16xf32>
      %sub3A_374 = arith.constant 1.500000e+00 : f32
      %sub3A_375 = vector.broadcast %sub3A_374 : f32 to vector<16xf32>
      %sub3A_376 = arith.subf %sub3A_375, %mul3A_373 : vector<16xf32>
      %mul3A_377 = arith.mulf %mul3A_368, %sub3A_376 : vector<16xf32>
      %mul3A_378 = arith.mulf %get3A_346, %mul3A_377 : vector<16xf32>
      %swap3A_379 = arith.constant 96 : index
      %swap3A_380 = tpu.vector_load %arg14[%swap3A_379] {strides = array<i32>} : memref<208xf32, #tpu.memory_space<vmem>>, vector<16xf32>,
      tpu.vector_store %arg14[%swap3A_379], %mul3A_378 {strides = array<i32>} : memref<208xf32, #tpu.memory_space<vmem>>, vector<16xf32>,
      %get3A_381 = arith.constant 112 : index
      %get3A_382 = tpu.vector_load %arg12[%get3A_381] {strides = array<i32>} : memref<208xf32, #tpu.memory_space<vmem>>, vector<16xf32>,
      %get3A_383 = arith.constant 112 : index
      %get3A_384 = tpu.vector_load %arg13[%get3A_383] {strides = array<i32>} : memref<208xf32, #tpu.memory_space<vmem>>, vector<16xf32>,
      %max3A_385 = arith.constant 1.000000e-24 : f32
      %max3A_386 = vector.broadcast %max3A_385 : f32 to vector<16xf32>
      %max3A_387 = arith.maximumf %get3A_384, %max3A_386 : vector<16xf32>
      %bitcast3A_388 = vector.bitcast %max3A_387 : vector<16xf32> to vector<16xi32>
      %shift_right_logical3A_389 = arith.constant 1 : i32
      %shift_right_logical3A_390 = vector.broadcast %shift_right_logical3A_389 : i32 to vector<16xi32>
      %shift_right_logical3A_391 = arith.shrui %bitcast3A_388, %shift_right_logical3A_390 : vector<16xi32>
      %sub3A_392 = arith.constant 1597463007 : i32
      %sub3A_393 = vector.broadcast %sub3A_392 : i32 to vector<16xi32>
      %sub3A_394 = arith.subi %sub3A_393, %shift_right_logical3A_391 : vector<16xi32>
      %bitcast3A_395 = vector.bitcast %sub3A_394 : vector<16xi32> to vector<16xf32>
      %mul3A_396 = arith.constant 5.000000e-01 : f32
      %mul3A_397 = vector.broadcast %mul3A_396 : f32 to vector<16xf32>
      %mul3A_398 = arith.mulf %mul3A_397, %max3A_387 : vector<16xf32>
      %mul3A_399 = arith.mulf %mul3A_398, %bitcast3A_395 : vector<16xf32>
      %mul3A_400 = arith.mulf %mul3A_399, %bitcast3A_395 : vector<16xf32>
      %sub3A_401 = arith.constant 1.500000e+00 : f32
      %sub3A_402 = vector.broadcast %sub3A_401 : f32 to vector<16xf32>
      %sub3A_403 = arith.subf %sub3A_402, %mul3A_400 : vector<16xf32>
      %mul3A_404 = arith.mulf %bitcast3A_395, %sub3A_403 : vector<16xf32>
      %mul3A_405 = arith.constant 5.000000e-01 : f32
      %mul3A_406 = vector.broadcast %mul3A_405 : f32 to vector<16xf32>
      %mul3A_407 = arith.mulf %mul3A_406, %max3A_387 : vector<16xf32>
      %mul3A_408 = arith.mulf %mul3A_407, %mul3A_404 : vector<16xf32>
      %mul3A_409 = arith.mulf %mul3A_408, %mul3A_404 : vector<16xf32>
      %sub3A_410 = arith.constant 1.500000e+00 : f32
      %sub3A_411 = vector.broadcast %sub3A_410 : f32 to vector<16xf32>
      %sub3A_412 = arith.subf %sub3A_411, %mul3A_409 : vector<16xf32>
      %mul3A_413 = arith.mulf %mul3A_404, %sub3A_412 : vector<16xf32>
      %mul3A_414 = arith.mulf %get3A_382, %mul3A_413 : vector<16xf32>
      %swap3A_415 = arith.constant 112 : index
      %swap3A_416 = tpu.vector_load %arg14[%swap3A_415] {strides = array<i32>} : memref<208xf32, #tpu.memory_space<vmem>>, vector<16xf32>,
      tpu.vector_store %arg14[%swap3A_415], %mul3A_414 {strides = array<i32>} : memref<208xf32, #tpu.memory_space<vmem>>, vector<16xf32>,
      %get3A_417 = arith.constant 128 : index
      %get3A_418 = tpu.vector_load %arg12[%get3A_417] {strides = array<i32>} : memref<208xf32, #tpu.memory_space<vmem>>, vector<16xf32>,
      %get3A_419 = arith.constant 128 : index
      %get3A_420 = tpu.vector_load %arg13[%get3A_419] {strides = array<i32>} : memref<208xf32, #tpu.memory_space<vmem>>, vector<16xf32>,
      %max3A_421 = arith.constant 1.000000e-24 : f32
      %max3A_422 = vector.broadcast %max3A_421 : f32 to vector<16xf32>
      %max3A_423 = arith.maximumf %get3A_420, %max3A_422 : vector<16xf32>
      %bitcast3A_424 = vector.bitcast %max3A_423 : vector<16xf32> to vector<16xi32>
      %shift_right_logical3A_425 = arith.constant 1 : i32
      %shift_right_logical3A_426 = vector.broadcast %shift_right_logical3A_425 : i32 to vector<16xi32>
      %shift_right_logical3A_427 = arith.shrui %bitcast3A_424, %shift_right_logical3A_426 : vector<16xi32>
      %sub3A_428 = arith.constant 1597463007 : i32
      %sub3A_429 = vector.broadcast %sub3A_428 : i32 to vector<16xi32>
      %sub3A_430 = arith.subi %sub3A_429, %shift_right_logical3A_427 : vector<16xi32>
      %bitcast3A_431 = vector.bitcast %sub3A_430 : vector<16xi32> to vector<16xf32>
      %mul3A_432 = arith.constant 5.000000e-01 : f32
      %mul3A_433 = vector.broadcast %mul3A_432 : f32 to vector<16xf32>
      %mul3A_434 = arith.mulf %mul3A_433, %max3A_423 : vector<16xf32>
      %mul3A_435 = arith.mulf %mul3A_434, %bitcast3A_431 : vector<16xf32>
      %mul3A_436 = arith.mulf %mul3A_435, %bitcast3A_431 : vector<16xf32>
      %sub3A_437 = arith.constant 1.500000e+00 : f32
      %sub3A_438 = vector.broadcast %sub3A_437 : f32 to vector<16xf32>
      %sub3A_439 = arith.subf %sub3A_438, %mul3A_436 : vector<16xf32>
      %mul3A_440 = arith.mulf %bitcast3A_431, %sub3A_439 : vector<16xf32>
      %mul3A_441 = arith.constant 5.000000e-01 : f32
      %mul3A_442 = vector.broadcast %mul3A_441 : f32 to vector<16xf32>
      %mul3A_443 = arith.mulf %mul3A_442, %max3A_423 : vector<16xf32>
      %mul3A_444 = arith.mulf %mul3A_443, %mul3A_440 : vector<16xf32>
      %mul3A_445 = arith.mulf %mul3A_444, %mul3A_440 : vector<16xf32>
      %sub3A_446 = arith.constant 1.500000e+00 : f32
      %sub3A_447 = vector.broadcast %sub3A_446 : f32 to vector<16xf32>
      %sub3A_448 = arith.subf %sub3A_447, %mul3A_445 : vector<16xf32>
      %mul3A_449 = arith.mulf %mul3A_440, %sub3A_448 : vector<16xf32>
      %mul3A_450 = arith.mulf %get3A_418, %mul3A_449 : vector<16xf32>
      %swap3A_451 = arith.constant 128 : index
      %swap3A_452 = tpu.vector_load %arg14[%swap3A_451] {strides = array<i32>} : memref<208xf32, #tpu.memory_space<vmem>>, vector<16xf32>,
      tpu.vector_store %arg14[%swap3A_451], %mul3A_450 {strides = array<i32>} : memref<208xf32, #tpu.memory_space<vmem>>, vector<16xf32>,
      %get3A_453 = arith.constant 144 : index
      %get3A_454 = tpu.vector_load %arg12[%get3A_453] {strides = array<i32>} : memref<208xf32, #tpu.memory_space<vmem>>, vector<16xf32>,
      %get3A_455 = arith.constant 144 : index
      %get3A_456 = tpu.vector_load %arg13[%get3A_455] {strides = array<i32>} : memref<208xf32, #tpu.memory_space<vmem>>, vector<16xf32>,
      %max3A_457 = arith.constant 1.000000e-24 : f32
      %max3A_458 = vector.broadcast %max3A_457 : f32 to vector<16xf32>
      %max3A_459 = arith.maximumf %get3A_456, %max3A_458 : vector<16xf32>
      %bitcast3A_460 = vector.bitcast %max3A_459 : vector<16xf32> to vector<16xi32>
      %shift_right_logical3A_461 = arith.constant 1 : i32
      %shift_right_logical3A_462 = vector.broadcast %shift_right_logical3A_461 : i32 to vector<16xi32>
      %shift_right_logical3A_463 = arith.shrui %bitcast3A_460, %shift_right_logical3A_462 : vector<16xi32>
      %sub3A_464 = arith.constant 1597463007 : i32
      %sub3A_465 = vector.broadcast %sub3A_464 : i32 to vector<16xi32>
      %sub3A_466 = arith.subi %sub3A_465, %shift_right_logical3A_463 : vector<16xi32>
      %bitcast3A_467 = vector.bitcast %sub3A_466 : vector<16xi32> to vector<16xf32>
      %mul3A_468 = arith.constant 5.000000e-01 : f32
      %mul3A_469 = vector.broadcast %mul3A_468 : f32 to vector<16xf32>
      %mul3A_470 = arith.mulf %mul3A_469, %max3A_459 : vector<16xf32>
      %mul3A_471 = arith.mulf %mul3A_470, %bitcast3A_467 : vector<16xf32>
      %mul3A_472 = arith.mulf %mul3A_471, %bitcast3A_467 : vector<16xf32>
      %sub3A_473 = arith.constant 1.500000e+00 : f32
      %sub3A_474 = vector.broadcast %sub3A_473 : f32 to vector<16xf32>
      %sub3A_475 = arith.subf %sub3A_474, %mul3A_472 : vector<16xf32>
      %mul3A_476 = arith.mulf %bitcast3A_467, %sub3A_475 : vector<16xf32>
      %mul3A_477 = arith.constant 5.000000e-01 : f32
      %mul3A_478 = vector.broadcast %mul3A_477 : f32 to vector<16xf32>
      %mul3A_479 = arith.mulf %mul3A_478, %max3A_459 : vector<16xf32>
      %mul3A_480 = arith.mulf %mul3A_479, %mul3A_476 : vector<16xf32>
      %mul3A_481 = arith.mulf %mul3A_480, %mul3A_476 : vector<16xf32>
      %sub3A_482 = arith.constant 1.500000e+00 : f32
      %sub3A_483 = vector.broadcast %sub3A_482 : f32 to vector<16xf32>
      %sub3A_484 = arith.subf %sub3A_483, %mul3A_481 : vector<16xf32>
      %mul3A_485 = arith.mulf %mul3A_476, %sub3A_484 : vector<16xf32>
      %mul3A_486 = arith.mulf %get3A_454, %mul3A_485 : vector<16xf32>
      %swap3A_487 = arith.constant 144 : index
      %swap3A_488 = tpu.vector_load %arg14[%swap3A_487] {strides = array<i32>} : memref<208xf32, #tpu.memory_space<vmem>>, vector<16xf32>,
      tpu.vector_store %arg14[%swap3A_487], %mul3A_486 {strides = array<i32>} : memref<208xf32, #tpu.memory_space<vmem>>, vector<16xf32>,
      %get3A_489 = arith.constant 160 : index
      %get3A_490 = tpu.vector_load %arg12[%get3A_489] {strides = array<i32>} : memref<208xf32, #tpu.memory_space<vmem>>, vector<16xf32>,
      %get3A_491 = arith.constant 160 : index
      %get3A_492 = tpu.vector_load %arg13[%get3A_491] {strides = array<i32>} : memref<208xf32, #tpu.memory_space<vmem>>, vector<16xf32>,
      %max3A_493 = arith.constant 1.000000e-24 : f32
      %max3A_494 = vector.broadcast %max3A_493 : f32 to vector<16xf32>
      %max3A_495 = arith.maximumf %get3A_492, %max3A_494 : vector<16xf32>
      %bitcast3A_496 = vector.bitcast %max3A_495 : vector<16xf32> to vector<16xi32>
      %shift_right_logical3A_497 = arith.constant 1 : i32
      %shift_right_logical3A_498 = vector.broadcast %shift_right_logical3A_497 : i32 to vector<16xi32>
      %shift_right_logical3A_499 = arith.shrui %bitcast3A_496, %shift_right_logical3A_498 : vector<16xi32>
      %sub3A_500 = arith.constant 1597463007 : i32
      %sub3A_501 = vector.broadcast %sub3A_500 : i32 to vector<16xi32>
      %sub3A_502 = arith.subi %sub3A_501, %shift_right_logical3A_499 : vector<16xi32>
      %bitcast3A_503 = vector.bitcast %sub3A_502 : vector<16xi32> to vector<16xf32>
      %mul3A_504 = arith.constant 5.000000e-01 : f32
      %mul3A_505 = vector.broadcast %mul3A_504 : f32 to vector<16xf32>
      %mul3A_506 = arith.mulf %mul3A_505, %max3A_495 : vector<16xf32>
      %mul3A_507 = arith.mulf %mul3A_506, %bitcast3A_503 : vector<16xf32>
      %mul3A_508 = arith.mulf %mul3A_507, %bitcast3A_503 : vector<16xf32>
      %sub3A_509 = arith.constant 1.500000e+00 : f32
      %sub3A_510 = vector.broadcast %sub3A_509 : f32 to vector<16xf32>
      %sub3A_511 = arith.subf %sub3A_510, %mul3A_508 : vector<16xf32>
      %mul3A_512 = arith.mulf %bitcast3A_503, %sub3A_511 : vector<16xf32>
      %mul3A_513 = arith.constant 5.000000e-01 : f32
      %mul3A_514 = vector.broadcast %mul3A_513 : f32 to vector<16xf32>
      %mul3A_515 = arith.mulf %mul3A_514, %max3A_495 : vector<16xf32>
      %mul3A_516 = arith.mulf %mul3A_515, %mul3A_512 : vector<16xf32>
      %mul3A_517 = arith.mulf %mul3A_516, %mul3A_512 : vector<16xf32>
      %sub3A_518 = arith.constant 1.500000e+00 : f32
      %sub3A_519 = vector.broadcast %sub3A_518 : f32 to vector<16xf32>
      %sub3A_520 = arith.subf %sub3A_519, %mul3A_517 : vector<16xf32>
      %mul3A_521 = arith.mulf %mul3A_512, %sub3A_520 : vector<16xf32>
      %mul3A_522 = arith.mulf %get3A_490, %mul3A_521 : vector<16xf32>
      %swap3A_523 = arith.constant 160 : index
      %swap3A_524 = tpu.vector_load %arg14[%swap3A_523] {strides = array<i32>} : memref<208xf32, #tpu.memory_space<vmem>>, vector<16xf32>,
      tpu.vector_store %arg14[%swap3A_523], %mul3A_522 {strides = array<i32>} : memref<208xf32, #tpu.memory_space<vmem>>, vector<16xf32>,
      %get3A_525 = arith.constant 176 : index
      %get3A_526 = tpu.vector_load %arg12[%get3A_525] {strides = array<i32>} : memref<208xf32, #tpu.memory_space<vmem>>, vector<16xf32>,
      %get3A_527 = arith.constant 176 : index
      %get3A_528 = tpu.vector_load %arg13[%get3A_527] {strides = array<i32>} : memref<208xf32, #tpu.memory_space<vmem>>, vector<16xf32>,
      %max3A_529 = arith.constant 1.000000e-24 : f32
      %max3A_530 = vector.broadcast %max3A_529 : f32 to vector<16xf32>
      %max3A_531 = arith.maximumf %get3A_528, %max3A_530 : vector<16xf32>
      %bitcast3A_532 = vector.bitcast %max3A_531 : vector<16xf32> to vector<16xi32>
      %shift_right_logical3A_533 = arith.constant 1 : i32
      %shift_right_logical3A_534 = vector.broadcast %shift_right_logical3A_533 : i32 to vector<16xi32>
      %shift_right_logical3A_535 = arith.shrui %bitcast3A_532, %shift_right_logical3A_534 : vector<16xi32>
      %sub3A_536 = arith.constant 1597463007 : i32
      %sub3A_537 = vector.broadcast %sub3A_536 : i32 to vector<16xi32>
      %sub3A_538 = arith.subi %sub3A_537, %shift_right_logical3A_535 : vector<16xi32>
      %bitcast3A_539 = vector.bitcast %sub3A_538 : vector<16xi32> to vector<16xf32>
      %mul3A_540 = arith.constant 5.000000e-01 : f32
      %mul3A_541 = vector.broadcast %mul3A_540 : f32 to vector<16xf32>
      %mul3A_542 = arith.mulf %mul3A_541, %max3A_531 : vector<16xf32>
      %mul3A_543 = arith.mulf %mul3A_542, %bitcast3A_539 : vector<16xf32>
      %mul3A_544 = arith.mulf %mul3A_543, %bitcast3A_539 : vector<16xf32>
      %sub3A_545 = arith.constant 1.500000e+00 : f32
      %sub3A_546 = vector.broadcast %sub3A_545 : f32 to vector<16xf32>
      %sub3A_547 = arith.subf %sub3A_546, %mul3A_544 : vector<16xf32>
      %mul3A_548 = arith.mulf %bitcast3A_539, %sub3A_547 : vector<16xf32>
      %mul3A_549 = arith.constant 5.000000e-01 : f32
      %mul3A_550 = vector.broadcast %mul3A_549 : f32 to vector<16xf32>
      %mul3A_551 = arith.mulf %mul3A_550, %max3A_531 : vector<16xf32>
      %mul3A_552 = arith.mulf %mul3A_551, %mul3A_548 : vector<16xf32>
      %mul3A_553 = arith.mulf %mul3A_552, %mul3A_548 : vector<16xf32>
      %sub3A_554 = arith.constant 1.500000e+00 : f32
      %sub3A_555 = vector.broadcast %sub3A_554 : f32 to vector<16xf32>
      %sub3A_556 = arith.subf %sub3A_555, %mul3A_553 : vector<16xf32>
      %mul3A_557 = arith.mulf %mul3A_548, %sub3A_556 : vector<16xf32>
      %mul3A_558 = arith.mulf %get3A_526, %mul3A_557 : vector<16xf32>
      %swap3A_559 = arith.constant 176 : index
      %swap3A_560 = tpu.vector_load %arg14[%swap3A_559] {strides = array<i32>} : memref<208xf32, #tpu.memory_space<vmem>>, vector<16xf32>,
      tpu.vector_store %arg14[%swap3A_559], %mul3A_558 {strides = array<i32>} : memref<208xf32, #tpu.memory_space<vmem>>, vector<16xf32>,
      %get3A_561 = arith.constant 192 : index
      %get3A_562 = tpu.vector_load %arg12[%get3A_561] {strides = array<i32>} : memref<208xf32, #tpu.memory_space<vmem>>, vector<16xf32>,
      %get3A_563 = arith.constant 192 : index
      %get3A_564 = tpu.vector_load %arg13[%get3A_563] {strides = array<i32>} : memref<208xf32, #tpu.memory_space<vmem>>, vector<16xf32>,
      %max3A_565 = arith.constant 1.000000e-24 : f32
      %max3A_566 = vector.broadcast %max3A_565 : f32 to vector<16xf32>
      %max3A_567 = arith.maximumf %get3A_564, %max3A_566 : vector<16xf32>
      %bitcast3A_568 = vector.bitcast %max3A_567 : vector<16xf32> to vector<16xi32>
      %shift_right_logical3A_569 = arith.constant 1 : i32
      %shift_right_logical3A_570 = vector.broadcast %shift_right_logical3A_569 : i32 to vector<16xi32>
      %shift_right_logical3A_571 = arith.shrui %bitcast3A_568, %shift_right_logical3A_570 : vector<16xi32>
      %sub3A_572 = arith.constant 1597463007 : i32
      %sub3A_573 = vector.broadcast %sub3A_572 : i32 to vector<16xi32>
      %sub3A_574 = arith.subi %sub3A_573, %shift_right_logical3A_571 : vector<16xi32>
      %bitcast3A_575 = vector.bitcast %sub3A_574 : vector<16xi32> to vector<16xf32>
      %mul3A_576 = arith.constant 5.000000e-01 : f32
      %mul3A_577 = vector.broadcast %mul3A_576 : f32 to vector<16xf32>
      %mul3A_578 = arith.mulf %mul3A_577, %max3A_567 : vector<16xf32>
      %mul3A_579 = arith.mulf %mul3A_578, %bitcast3A_575 : vector<16xf32>
      %mul3A_580 = arith.mulf %mul3A_579, %bitcast3A_575 : vector<16xf32>
      %sub3A_581 = arith.constant 1.500000e+00 : f32
      %sub3A_582 = vector.broadcast %sub3A_581 : f32 to vector<16xf32>
      %sub3A_583 = arith.subf %sub3A_582, %mul3A_580 : vector<16xf32>
      %mul3A_584 = arith.mulf %bitcast3A_575, %sub3A_583 : vector<16xf32>
      %mul3A_585 = arith.constant 5.000000e-01 : f32
      %mul3A_586 = vector.broadcast %mul3A_585 : f32 to vector<16xf32>
      %mul3A_587 = arith.mulf %mul3A_586, %max3A_567 : vector<16xf32>
      %mul3A_588 = arith.mulf %mul3A_587, %mul3A_584 : vector<16xf32>
      %mul3A_589 = arith.mulf %mul3A_588, %mul3A_584 : vector<16xf32>
      %sub3A_590 = arith.constant 1.500000e+00 : f32
      %sub3A_591 = vector.broadcast %sub3A_590 : f32 to vector<16xf32>
      %sub3A_592 = arith.subf %sub3A_591, %mul3A_589 : vector<16xf32>
      %mul3A_593 = arith.mulf %mul3A_584, %sub3A_592 : vector<16xf32>
      %mul3A_594 = arith.mulf %get3A_562, %mul3A_593 : vector<16xf32>
      %swap3A_595 = arith.constant 192 : index
      %swap3A_596 = tpu.vector_load %arg14[%swap3A_595] {strides = array<i32>} : memref<208xf32, #tpu.memory_space<vmem>>, vector<16xf32>,
      tpu.vector_store %arg14[%swap3A_595], %mul3A_594 {strides = array<i32>} : memref<208xf32, #tpu.memory_space<vmem>>, vector<16xf32>,
      %add3A_597 = arith.addi %mul3A_2, %mul3A_55 : i32
      %mul3A_598 = arith.constant 200 : i32
      %mul3A_599 = arith.muli %add3A_597, %mul3A_598 : i32
      %dma_start3A_600 = arith.constant 0 : i32
      %dma_start3A_601 = tpu.memref_slice %arg14[%dma_start3A_600] : memref<208xf32, #tpu.memory_space<vmem>> -> memref<200xf32, #tpu.memory_space<vmem>>
      %dma_start3A_602 = tpu.memref_slice %arg5[%mul3A_599] : memref<204800xf32, #tpu.memory_space<hbm>> -> memref<200xf32, #tpu.memory_space<hbm>>
      %dma_start3A_603 = tpu.memref_slice %arg5[%mul3A_599] : memref<204800xf32, #tpu.memory_space<hbm>> -> memref<200xf32, #tpu.memory_space<hbm>>
      %dma_start3A_604 = arith.constant 0 : i32
      %dma_start3A_605 = tpu.memref_slice %arg14[%dma_start3A_604] : memref<208xf32, #tpu.memory_space<vmem>> -> memref<200xf32, #tpu.memory_space<vmem>>
      tpu.enqueue_dma source(%dma_start3A_605 : memref<200xf32, #tpu.memory_space<vmem>>) target(%dma_start3A_603 : memref<200xf32, #tpu.memory_space<hbm>>) target_semaphore(%arg20 : memref<!tpu.dma_semaphore, #tpu.memory_space<semaphore_mem>>)
      %mul3A_606 = arith.constant 2 : i32
      %mul3A_607 = arith.muli %mul3A_606, %scan3A_53 : i32
      %add3A_608 = arith.constant 1 : i32
      %add3A_609 = arith.addi %mul3A_607, %add3A_608 : i32
      %get3A_610 = arith.index_cast %add3A_609 : i32 to index
      %get3A_611 = arith.constant 0 : index
      %get3A_612 = tpu.vector_load %arg7[%get3A_610, %get3A_611] {strides = array<i32>} : memref<32x256xf32, #tpu.memory_space<vmem>>, vector<16xf32>,
      %get3A_613 = arith.index_cast %add3A_609 : i32 to index
      %get3A_614 = arith.constant 16 : index
      %get3A_615 = tpu.vector_load %arg7[%get3A_613, %get3A_614] {strides = array<i32>} : memref<32x256xf32, #tpu.memory_space<vmem>>, vector<16xf32>,
      %get3A_616 = arith.index_cast %add3A_609 : i32 to index
      %get3A_617 = arith.constant 32 : index
      %get3A_618 = tpu.vector_load %arg7[%get3A_616, %get3A_617] {strides = array<i32>} : memref<32x256xf32, #tpu.memory_space<vmem>>, vector<16xf32>,
      %get3A_619 = arith.index_cast %add3A_609 : i32 to index
      %get3A_620 = arith.constant 48 : index
      %get3A_621 = tpu.vector_load %arg7[%get3A_619, %get3A_620] {strides = array<i32>} : memref<32x256xf32, #tpu.memory_space<vmem>>, vector<16xf32>,
      %get3A_622 = arith.index_cast %add3A_609 : i32 to index
      %get3A_623 = arith.constant 64 : index
      %get3A_624 = tpu.vector_load %arg7[%get3A_622, %get3A_623] {strides = array<i32>} : memref<32x256xf32, #tpu.memory_space<vmem>>, vector<16xf32>,
      %get3A_625 = arith.index_cast %add3A_609 : i32 to index
      %get3A_626 = arith.constant 80 : index
      %get3A_627 = tpu.vector_load %arg7[%get3A_625, %get3A_626] {strides = array<i32>} : memref<32x256xf32, #tpu.memory_space<vmem>>, vector<16xf32>,
      %get3A_628 = arith.index_cast %add3A_609 : i32 to index
      %get3A_629 = arith.constant 96 : index
      %get3A_630 = tpu.vector_load %arg7[%get3A_628, %get3A_629] {strides = array<i32>} : memref<32x256xf32, #tpu.memory_space<vmem>>, vector<16xf32>,
      %get3A_631 = arith.index_cast %add3A_609 : i32 to index
      %get3A_632 = arith.constant 112 : index
      %get3A_633 = tpu.vector_load %arg7[%get3A_631, %get3A_632] {strides = array<i32>} : memref<32x256xf32, #tpu.memory_space<vmem>>, vector<16xf32>,
      %get3A_634 = arith.index_cast %add3A_609 : i32 to index
      %get3A_635 = arith.constant 128 : index
      %get3A_636 = tpu.vector_load %arg7[%get3A_634, %get3A_635] {strides = array<i32>} : memref<32x256xf32, #tpu.memory_space<vmem>>, vector<16xf32>,
      %get3A_637 = arith.index_cast %add3A_609 : i32 to index
      %get3A_638 = arith.constant 144 : index
      %get3A_639 = tpu.vector_load %arg7[%get3A_637, %get3A_638] {strides = array<i32>} : memref<32x256xf32, #tpu.memory_space<vmem>>, vector<16xf32>,
      %get3A_640 = arith.index_cast %add3A_609 : i32 to index
      %get3A_641 = arith.constant 160 : index
      %get3A_642 = tpu.vector_load %arg7[%get3A_640, %get3A_641] {strides = array<i32>} : memref<32x256xf32, #tpu.memory_space<vmem>>, vector<16xf32>,
      %get3A_643 = arith.index_cast %add3A_609 : i32 to index
      %get3A_644 = arith.constant 176 : index
      %get3A_645 = tpu.vector_load %arg7[%get3A_643, %get3A_644] {strides = array<i32>} : memref<32x256xf32, #tpu.memory_space<vmem>>, vector<16xf32>,
      %get3A_646 = arith.index_cast %add3A_609 : i32 to index
      %get3A_647 = arith.constant 192 : index
      %get3A_648 = tpu.vector_load %arg7[%get3A_646, %get3A_647] {strides = array<i32>} : memref<32x256xf32, #tpu.memory_space<vmem>>, vector<16xf32>,
      %get3A_649 = arith.index_cast %add3A_609 : i32 to index
      %get3A_650 = arith.constant 208 : index
      %get3A_651 = tpu.vector_load %arg7[%get3A_649, %get3A_650] {strides = array<i32>} : memref<32x256xf32, #tpu.memory_space<vmem>>, vector<16xf32>,
      %get3A_652 = arith.index_cast %add3A_609 : i32 to index
      %get3A_653 = arith.constant 224 : index
      %get3A_654 = tpu.vector_load %arg7[%get3A_652, %get3A_653] {strides = array<i32>} : memref<32x256xf32, #tpu.memory_space<vmem>>, vector<16xf32>,
      %get3A_655 = arith.index_cast %add3A_609 : i32 to index
      %get3A_656 = arith.constant 240 : index
      %get3A_657 = tpu.vector_load %arg7[%get3A_655, %get3A_656] {strides = array<i32>} : memref<32x256xf32, #tpu.memory_space<vmem>>, vector<16xf32>,
      %mul3A_658 = arith.constant 200 : i32
      %mul3A_659 = arith.muli %add3A_609, %mul3A_658 : i32
      %dma_wait3A_660 = tpu.memref_slice %arg6[%mul3A_659] : memref<6400xi32, #tpu.memory_space<vmem>> -> memref<104xi32, #tpu.memory_space<vmem>>
      %dma_wait3A_661 = arith.constant 0 : i32
      %dma_wait3A_662 = arith.constant 0 : i32
      %dma_wait3A_663 = tpu.memref_slice %arg4[%dma_wait3A_661, %dma_wait3A_662] : memref<100001x256xf32, #tpu.memory_space<hbm>> -> memref<100001x256xf32, #tpu.memory_space<hbm>>
      tpu.wait_indirect_dma semaphore(%arg18 : memref<!tpu.dma_semaphore, #tpu.memory_space<semaphore_mem>>) src(%dma_wait3A_663 : memref<100001x256xf32, #tpu.memory_space<hbm>>) dst(%arg10 : memref<104x256xf32, #tpu.memory_space<vmem>>)
      %parallel_loop3A_664 = arith.constant 0 : i32
      %parallel_loop3A_665 = arith.constant 104 : i32
      %parallel_loop3A_666 = arith.constant 1 : i32
      scf.for %parallel_loop3A_1170 = %parallel_loop3A_664 to %parallel_loop3A_665 step %parallel_loop3A_666  : i32 {
        %parallel_loop3A_1171 = arith.index_cast %parallel_loop3A_1170 : i32 to index
        %parallel_loop3A_1172 = arith.constant 0 : index
        %parallel_loop3A_1173 = tpu.vector_load %arg10[%parallel_loop3A_1171, %parallel_loop3A_1172] {strides = array<i32>} : memref<104x256xf32, #tpu.memory_space<vmem>>, vector<16xf32>,
        %parallel_loop3A_1174 = arith.mulf %parallel_loop3A_1173, %get3A_612 : vector<16xf32>
        %parallel_loop3A_1175 = arith.mulf %parallel_loop3A_1173, %parallel_loop3A_1173 : vector<16xf32>
        %parallel_loop3A_1176 = arith.index_cast %parallel_loop3A_1170 : i32 to index
        %parallel_loop3A_1177 = arith.constant 16 : index
        %parallel_loop3A_1178 = tpu.vector_load %arg10[%parallel_loop3A_1176, %parallel_loop3A_1177] {strides = array<i32>} : memref<104x256xf32, #tpu.memory_space<vmem>>, vector<16xf32>,
        %parallel_loop3A_1179 = arith.mulf %parallel_loop3A_1178, %get3A_615 : vector<16xf32>
        %parallel_loop3A_1180 = arith.addf %parallel_loop3A_1174, %parallel_loop3A_1179 : vector<16xf32>
        %parallel_loop3A_1181 = arith.mulf %parallel_loop3A_1178, %parallel_loop3A_1178 : vector<16xf32>
        %parallel_loop3A_1182 = arith.addf %parallel_loop3A_1175, %parallel_loop3A_1181 : vector<16xf32>
        %parallel_loop3A_1183 = arith.index_cast %parallel_loop3A_1170 : i32 to index
        %parallel_loop3A_1184 = arith.constant 32 : index
        %parallel_loop3A_1185 = tpu.vector_load %arg10[%parallel_loop3A_1183, %parallel_loop3A_1184] {strides = array<i32>} : memref<104x256xf32, #tpu.memory_space<vmem>>, vector<16xf32>,
        %parallel_loop3A_1186 = arith.mulf %parallel_loop3A_1185, %get3A_618 : vector<16xf32>
        %parallel_loop3A_1187 = arith.addf %parallel_loop3A_1180, %parallel_loop3A_1186 : vector<16xf32>
        %parallel_loop3A_1188 = arith.mulf %parallel_loop3A_1185, %parallel_loop3A_1185 : vector<16xf32>
        %parallel_loop3A_1189 = arith.addf %parallel_loop3A_1182, %parallel_loop3A_1188 : vector<16xf32>
        %parallel_loop3A_1190 = arith.index_cast %parallel_loop3A_1170 : i32 to index
        %parallel_loop3A_1191 = arith.constant 48 : index
        %parallel_loop3A_1192 = tpu.vector_load %arg10[%parallel_loop3A_1190, %parallel_loop3A_1191] {strides = array<i32>} : memref<104x256xf32, #tpu.memory_space<vmem>>, vector<16xf32>,
        %parallel_loop3A_1193 = arith.mulf %parallel_loop3A_1192, %get3A_621 : vector<16xf32>
        %parallel_loop3A_1194 = arith.addf %parallel_loop3A_1187, %parallel_loop3A_1193 : vector<16xf32>
        %parallel_loop3A_1195 = arith.mulf %parallel_loop3A_1192, %parallel_loop3A_1192 : vector<16xf32>
        %parallel_loop3A_1196 = arith.addf %parallel_loop3A_1189, %parallel_loop3A_1195 : vector<16xf32>
        %parallel_loop3A_1197 = arith.index_cast %parallel_loop3A_1170 : i32 to index
        %parallel_loop3A_1198 = arith.constant 64 : index
        %parallel_loop3A_1199 = tpu.vector_load %arg10[%parallel_loop3A_1197, %parallel_loop3A_1198] {strides = array<i32>} : memref<104x256xf32, #tpu.memory_space<vmem>>, vector<16xf32>,
        %parallel_loop3A_1200 = arith.mulf %parallel_loop3A_1199, %get3A_624 : vector<16xf32>
        %parallel_loop3A_1201 = arith.addf %parallel_loop3A_1194, %parallel_loop3A_1200 : vector<16xf32>
        %parallel_loop3A_1202 = arith.mulf %parallel_loop3A_1199, %parallel_loop3A_1199 : vector<16xf32>
        %parallel_loop3A_1203 = arith.addf %parallel_loop3A_1196, %parallel_loop3A_1202 : vector<16xf32>
        %parallel_loop3A_1204 = arith.index_cast %parallel_loop3A_1170 : i32 to index
        %parallel_loop3A_1205 = arith.constant 80 : index
        %parallel_loop3A_1206 = tpu.vector_load %arg10[%parallel_loop3A_1204, %parallel_loop3A_1205] {strides = array<i32>} : memref<104x256xf32, #tpu.memory_space<vmem>>, vector<16xf32>,
        %parallel_loop3A_1207 = arith.mulf %parallel_loop3A_1206, %get3A_627 : vector<16xf32>
        %parallel_loop3A_1208 = arith.addf %parallel_loop3A_1201, %parallel_loop3A_1207 : vector<16xf32>
        %parallel_loop3A_1209 = arith.mulf %parallel_loop3A_1206, %parallel_loop3A_1206 : vector<16xf32>
        %parallel_loop3A_1210 = arith.addf %parallel_loop3A_1203, %parallel_loop3A_1209 : vector<16xf32>
        %parallel_loop3A_1211 = arith.index_cast %parallel_loop3A_1170 : i32 to index
        %parallel_loop3A_1212 = arith.constant 96 : index
        %parallel_loop3A_1213 = tpu.vector_load %arg10[%parallel_loop3A_1211, %parallel_loop3A_1212] {strides = array<i32>} : memref<104x256xf32, #tpu.memory_space<vmem>>, vector<16xf32>,
        %parallel_loop3A_1214 = arith.mulf %parallel_loop3A_1213, %get3A_630 : vector<16xf32>
        %parallel_loop3A_1215 = arith.addf %parallel_loop3A_1208, %parallel_loop3A_1214 : vector<16xf32>
        %parallel_loop3A_1216 = arith.mulf %parallel_loop3A_1213, %parallel_loop3A_1213 : vector<16xf32>
        %parallel_loop3A_1217 = arith.addf %parallel_loop3A_1210, %parallel_loop3A_1216 : vector<16xf32>
        %parallel_loop3A_1218 = arith.index_cast %parallel_loop3A_1170 : i32 to index
        %parallel_loop3A_1219 = arith.constant 112 : index
        %parallel_loop3A_1220 = tpu.vector_load %arg10[%parallel_loop3A_1218, %parallel_loop3A_1219] {strides = array<i32>} : memref<104x256xf32, #tpu.memory_space<vmem>>, vector<16xf32>,
        %parallel_loop3A_1221 = arith.mulf %parallel_loop3A_1220, %get3A_633 : vector<16xf32>
        %parallel_loop3A_1222 = arith.addf %parallel_loop3A_1215, %parallel_loop3A_1221 : vector<16xf32>
        %parallel_loop3A_1223 = arith.mulf %parallel_loop3A_1220, %parallel_loop3A_1220 : vector<16xf32>
        %parallel_loop3A_1224 = arith.addf %parallel_loop3A_1217, %parallel_loop3A_1223 : vector<16xf32>
        %parallel_loop3A_1225 = arith.index_cast %parallel_loop3A_1170 : i32 to index
        %parallel_loop3A_1226 = arith.constant 128 : index
        %parallel_loop3A_1227 = tpu.vector_load %arg10[%parallel_loop3A_1225, %parallel_loop3A_1226] {strides = array<i32>} : memref<104x256xf32, #tpu.memory_space<vmem>>, vector<16xf32>,
        %parallel_loop3A_1228 = arith.mulf %parallel_loop3A_1227, %get3A_636 : vector<16xf32>
        %parallel_loop3A_1229 = arith.addf %parallel_loop3A_1222, %parallel_loop3A_1228 : vector<16xf32>
        %parallel_loop3A_1230 = arith.mulf %parallel_loop3A_1227, %parallel_loop3A_1227 : vector<16xf32>
        %parallel_loop3A_1231 = arith.addf %parallel_loop3A_1224, %parallel_loop3A_1230 : vector<16xf32>
        %parallel_loop3A_1232 = arith.index_cast %parallel_loop3A_1170 : i32 to index
        %parallel_loop3A_1233 = arith.constant 144 : index
        %parallel_loop3A_1234 = tpu.vector_load %arg10[%parallel_loop3A_1232, %parallel_loop3A_1233] {strides = array<i32>} : memref<104x256xf32, #tpu.memory_space<vmem>>, vector<16xf32>,
        %parallel_loop3A_1235 = arith.mulf %parallel_loop3A_1234, %get3A_639 : vector<16xf32>
        %parallel_loop3A_1236 = arith.addf %parallel_loop3A_1229, %parallel_loop3A_1235 : vector<16xf32>
        %parallel_loop3A_1237 = arith.mulf %parallel_loop3A_1234, %parallel_loop3A_1234 : vector<16xf32>
        %parallel_loop3A_1238 = arith.addf %parallel_loop3A_1231, %parallel_loop3A_1237 : vector<16xf32>
        %parallel_loop3A_1239 = arith.index_cast %parallel_loop3A_1170 : i32 to index
        %parallel_loop3A_1240 = arith.constant 160 : index
        %parallel_loop3A_1241 = tpu.vector_load %arg10[%parallel_loop3A_1239, %parallel_loop3A_1240] {strides = array<i32>} : memref<104x256xf32, #tpu.memory_space<vmem>>, vector<16xf32>,
        %parallel_loop3A_1242 = arith.mulf %parallel_loop3A_1241, %get3A_642 : vector<16xf32>
        %parallel_loop3A_1243 = arith.addf %parallel_loop3A_1236, %parallel_loop3A_1242 : vector<16xf32>
        %parallel_loop3A_1244 = arith.mulf %parallel_loop3A_1241, %parallel_loop3A_1241 : vector<16xf32>
        %parallel_loop3A_1245 = arith.addf %parallel_loop3A_1238, %parallel_loop3A_1244 : vector<16xf32>
        %parallel_loop3A_1246 = arith.index_cast %parallel_loop3A_1170 : i32 to index
        %parallel_loop3A_1247 = arith.constant 176 : index
        %parallel_loop3A_1248 = tpu.vector_load %arg10[%parallel_loop3A_1246, %parallel_loop3A_1247] {strides = array<i32>} : memref<104x256xf32, #tpu.memory_space<vmem>>, vector<16xf32>,
        %parallel_loop3A_1249 = arith.mulf %parallel_loop3A_1248, %get3A_645 : vector<16xf32>
        %parallel_loop3A_1250 = arith.addf %parallel_loop3A_1243, %parallel_loop3A_1249 : vector<16xf32>
        %parallel_loop3A_1251 = arith.mulf %parallel_loop3A_1248, %parallel_loop3A_1248 : vector<16xf32>
        %parallel_loop3A_1252 = arith.addf %parallel_loop3A_1245, %parallel_loop3A_1251 : vector<16xf32>
        %parallel_loop3A_1253 = arith.index_cast %parallel_loop3A_1170 : i32 to index
        %parallel_loop3A_1254 = arith.constant 192 : index
        %parallel_loop3A_1255 = tpu.vector_load %arg10[%parallel_loop3A_1253, %parallel_loop3A_1254] {strides = array<i32>} : memref<104x256xf32, #tpu.memory_space<vmem>>, vector<16xf32>,
        %parallel_loop3A_1256 = arith.mulf %parallel_loop3A_1255, %get3A_648 : vector<16xf32>
        %parallel_loop3A_1257 = arith.addf %parallel_loop3A_1250, %parallel_loop3A_1256 : vector<16xf32>
        %parallel_loop3A_1258 = arith.mulf %parallel_loop3A_1255, %parallel_loop3A_1255 : vector<16xf32>
        %parallel_loop3A_1259 = arith.addf %parallel_loop3A_1252, %parallel_loop3A_1258 : vector<16xf32>
        %parallel_loop3A_1260 = arith.index_cast %parallel_loop3A_1170 : i32 to index
        %parallel_loop3A_1261 = arith.constant 208 : index
        %parallel_loop3A_1262 = tpu.vector_load %arg10[%parallel_loop3A_1260, %parallel_loop3A_1261] {strides = array<i32>} : memref<104x256xf32, #tpu.memory_space<vmem>>, vector<16xf32>,
        %parallel_loop3A_1263 = arith.mulf %parallel_loop3A_1262, %get3A_651 : vector<16xf32>
        %parallel_loop3A_1264 = arith.addf %parallel_loop3A_1257, %parallel_loop3A_1263 : vector<16xf32>
        %parallel_loop3A_1265 = arith.mulf %parallel_loop3A_1262, %parallel_loop3A_1262 : vector<16xf32>
        %parallel_loop3A_1266 = arith.addf %parallel_loop3A_1259, %parallel_loop3A_1265 : vector<16xf32>
        %parallel_loop3A_1267 = arith.index_cast %parallel_loop3A_1170 : i32 to index
        %parallel_loop3A_1268 = arith.constant 224 : index
        %parallel_loop3A_1269 = tpu.vector_load %arg10[%parallel_loop3A_1267, %parallel_loop3A_1268] {strides = array<i32>} : memref<104x256xf32, #tpu.memory_space<vmem>>, vector<16xf32>,
        %parallel_loop3A_1270 = arith.mulf %parallel_loop3A_1269, %get3A_654 : vector<16xf32>
        %parallel_loop3A_1271 = arith.addf %parallel_loop3A_1264, %parallel_loop3A_1270 : vector<16xf32>
        %parallel_loop3A_1272 = arith.mulf %parallel_loop3A_1269, %parallel_loop3A_1269 : vector<16xf32>
        %parallel_loop3A_1273 = arith.addf %parallel_loop3A_1266, %parallel_loop3A_1272 : vector<16xf32>
        %parallel_loop3A_1274 = arith.index_cast %parallel_loop3A_1170 : i32 to index
        %parallel_loop3A_1275 = arith.constant 240 : index
        %parallel_loop3A_1276 = tpu.vector_load %arg10[%parallel_loop3A_1274, %parallel_loop3A_1275] {strides = array<i32>} : memref<104x256xf32, #tpu.memory_space<vmem>>, vector<16xf32>,
        %parallel_loop3A_1277 = arith.mulf %parallel_loop3A_1276, %get3A_657 : vector<16xf32>
        %parallel_loop3A_1278 = arith.addf %parallel_loop3A_1271, %parallel_loop3A_1277 : vector<16xf32>
        %parallel_loop3A_1279 = arith.mulf %parallel_loop3A_1276, %parallel_loop3A_1276 : vector<16xf32>
        %parallel_loop3A_1280 = arith.addf %parallel_loop3A_1273, %parallel_loop3A_1279 : vector<16xf32>
        %parallel_loop3A_1281 = arith.constant 0 : i32
        %parallel_loop3A_1282 = arith.addi %parallel_loop3A_1281, %parallel_loop3A_1170 : i32
        %parallel_loop3A_1283 = vector.broadcast %parallel_loop3A_1282 : i32 to vector<16xi32>
        %parallel_loop3A_1284 = arith.constant true
        %parallel_loop3A_1285 = vector.broadcast %parallel_loop3A_1284 : i1 to vector<16xi1>
        %parallel_loop3A_1286 = tpu.scan <sum>, %parallel_loop3A_1278 masked %parallel_loop3A_1285 : vector<16xf32>, vector<16xi1> -> vector<16xf32>
        tpu.vector_store_idx %arg12[%parallel_loop3A_1283], %parallel_loop3A_1286 masked %eq3A_6 : memref<208xf32, #tpu.memory_space<vmem>>[vector<16xi32>], vector<16xf32>, vector<16xi1>
        %parallel_loop3A_1287 = arith.constant true
        %parallel_loop3A_1288 = vector.broadcast %parallel_loop3A_1287 : i1 to vector<16xi1>
        %parallel_loop3A_1289 = tpu.scan <sum>, %parallel_loop3A_1280 masked %parallel_loop3A_1288 : vector<16xf32>, vector<16xi1> -> vector<16xf32>
        tpu.vector_store_idx %arg13[%parallel_loop3A_1283], %parallel_loop3A_1289 masked %eq3A_6 : memref<208xf32, #tpu.memory_space<vmem>>[vector<16xi32>], vector<16xf32>, vector<16xi1>
      } {sc.loop_unroll_factor = 4 : i64, sc.parallel_access}
      %lt3A_667 = arith.constant 30 : i32
      %lt3A_668 = arith.cmpi slt, %add3A_609, %lt3A_667 : i32
      %convert_element_type3A_669 = arith.extui %lt3A_668 : i1 to i32
      %cond3A_670 = arith.constant 0 : i32
      %cond3A_671 = arith.cmpi ne, %convert_element_type3A_669, %cond3A_670 : i32
      scf.if %cond3A_671 {
        %add3A_1170 = arith.constant 2 : i32
        %add3A_1171 = arith.addi %add3A_609, %add3A_1170 : i32
        %mul3A_1172 = arith.constant 200 : i32
        %mul3A_1173 = arith.muli %add3A_1171, %mul3A_1172 : i32
        %dma_start3A_1174 = tpu.memref_slice %arg6[%mul3A_1173] : memref<6400xi32, #tpu.memory_space<vmem>> -> memref<104xi32, #tpu.memory_space<vmem>>
        %dma_start3A_1175 = arith.constant 0 : i32
        %dma_start3A_1176 = arith.constant 0 : i32
        %dma_start3A_1177 = tpu.memref_slice %arg4[%dma_start3A_1175, %dma_start3A_1176] : memref<100001x256xf32, #tpu.memory_space<hbm>> -> memref<100001x256xf32, #tpu.memory_space<hbm>>
        tpu.enqueue_indirect_dma source(%dma_start3A_1177 : memref<100001x256xf32, #tpu.memory_space<hbm>>) target(%arg10 : memref<104x256xf32, #tpu.memory_space<vmem>>) offsets(%dma_start3A_1174 : memref<104xi32, #tpu.memory_space<vmem>>) semaphore(%arg18 : memref<!tpu.dma_semaphore, #tpu.memory_space<semaphore_mem>>)
      } else {
      }
      %mul3A_672 = arith.constant 200 : i32
      %mul3A_673 = arith.muli %add3A_609, %mul3A_672 : i32
      %add3A_674 = arith.constant 104 : i32
      %add3A_675 = arith.addi %mul3A_673, %add3A_674 : i32
      %dma_wait3A_676 = tpu.memref_slice %arg6[%add3A_675] : memref<6400xi32, #tpu.memory_space<vmem>> -> memref<96xi32, #tpu.memory_space<vmem>>
      %dma_wait3A_677 = arith.constant 0 : i32
      %dma_wait3A_678 = arith.constant 0 : i32
      %dma_wait3A_679 = tpu.memref_slice %arg4[%dma_wait3A_677, %dma_wait3A_678] : memref<100001x256xf32, #tpu.memory_space<hbm>> -> memref<100001x256xf32, #tpu.memory_space<hbm>>
      tpu.wait_indirect_dma semaphore(%arg19 : memref<!tpu.dma_semaphore, #tpu.memory_space<semaphore_mem>>) src(%dma_wait3A_679 : memref<100001x256xf32, #tpu.memory_space<hbm>>) dst(%arg11 : memref<96x256xf32, #tpu.memory_space<vmem>>)
      %parallel_loop3A_680 = arith.constant 0 : i32
      %parallel_loop3A_681 = arith.constant 96 : i32
      %parallel_loop3A_682 = arith.constant 1 : i32
      scf.for %parallel_loop3A_1170 = %parallel_loop3A_680 to %parallel_loop3A_681 step %parallel_loop3A_682  : i32 {
        %parallel_loop3A_1171 = arith.index_cast %parallel_loop3A_1170 : i32 to index
        %parallel_loop3A_1172 = arith.constant 0 : index
        %parallel_loop3A_1173 = tpu.vector_load %arg11[%parallel_loop3A_1171, %parallel_loop3A_1172] {strides = array<i32>} : memref<96x256xf32, #tpu.memory_space<vmem>>, vector<16xf32>,
        %parallel_loop3A_1174 = arith.mulf %parallel_loop3A_1173, %get3A_612 : vector<16xf32>
        %parallel_loop3A_1175 = arith.mulf %parallel_loop3A_1173, %parallel_loop3A_1173 : vector<16xf32>
        %parallel_loop3A_1176 = arith.index_cast %parallel_loop3A_1170 : i32 to index
        %parallel_loop3A_1177 = arith.constant 16 : index
        %parallel_loop3A_1178 = tpu.vector_load %arg11[%parallel_loop3A_1176, %parallel_loop3A_1177] {strides = array<i32>} : memref<96x256xf32, #tpu.memory_space<vmem>>, vector<16xf32>,
        %parallel_loop3A_1179 = arith.mulf %parallel_loop3A_1178, %get3A_615 : vector<16xf32>
        %parallel_loop3A_1180 = arith.addf %parallel_loop3A_1174, %parallel_loop3A_1179 : vector<16xf32>
        %parallel_loop3A_1181 = arith.mulf %parallel_loop3A_1178, %parallel_loop3A_1178 : vector<16xf32>
        %parallel_loop3A_1182 = arith.addf %parallel_loop3A_1175, %parallel_loop3A_1181 : vector<16xf32>
        %parallel_loop3A_1183 = arith.index_cast %parallel_loop3A_1170 : i32 to index
        %parallel_loop3A_1184 = arith.constant 32 : index
        %parallel_loop3A_1185 = tpu.vector_load %arg11[%parallel_loop3A_1183, %parallel_loop3A_1184] {strides = array<i32>} : memref<96x256xf32, #tpu.memory_space<vmem>>, vector<16xf32>,
        %parallel_loop3A_1186 = arith.mulf %parallel_loop3A_1185, %get3A_618 : vector<16xf32>
        %parallel_loop3A_1187 = arith.addf %parallel_loop3A_1180, %parallel_loop3A_1186 : vector<16xf32>
        %parallel_loop3A_1188 = arith.mulf %parallel_loop3A_1185, %parallel_loop3A_1185 : vector<16xf32>
        %parallel_loop3A_1189 = arith.addf %parallel_loop3A_1182, %parallel_loop3A_1188 : vector<16xf32>
        %parallel_loop3A_1190 = arith.index_cast %parallel_loop3A_1170 : i32 to index
        %parallel_loop3A_1191 = arith.constant 48 : index
        %parallel_loop3A_1192 = tpu.vector_load %arg11[%parallel_loop3A_1190, %parallel_loop3A_1191] {strides = array<i32>} : memref<96x256xf32, #tpu.memory_space<vmem>>, vector<16xf32>,
        %parallel_loop3A_1193 = arith.mulf %parallel_loop3A_1192, %get3A_621 : vector<16xf32>
        %parallel_loop3A_1194 = arith.addf %parallel_loop3A_1187, %parallel_loop3A_1193 : vector<16xf32>
        %parallel_loop3A_1195 = arith.mulf %parallel_loop3A_1192, %parallel_loop3A_1192 : vector<16xf32>
        %parallel_loop3A_1196 = arith.addf %parallel_loop3A_1189, %parallel_loop3A_1195 : vector<16xf32>
        %parallel_loop3A_1197 = arith.index_cast %parallel_loop3A_1170 : i32 to index
        %parallel_loop3A_1198 = arith.constant 64 : index
        %parallel_loop3A_1199 = tpu.vector_load %arg11[%parallel_loop3A_1197, %parallel_loop3A_1198] {strides = array<i32>} : memref<96x256xf32, #tpu.memory_space<vmem>>, vector<16xf32>,
        %parallel_loop3A_1200 = arith.mulf %parallel_loop3A_1199, %get3A_624 : vector<16xf32>
        %parallel_loop3A_1201 = arith.addf %parallel_loop3A_1194, %parallel_loop3A_1200 : vector<16xf32>
        %parallel_loop3A_1202 = arith.mulf %parallel_loop3A_1199, %parallel_loop3A_1199 : vector<16xf32>
        %parallel_loop3A_1203 = arith.addf %parallel_loop3A_1196, %parallel_loop3A_1202 : vector<16xf32>
        %parallel_loop3A_1204 = arith.index_cast %parallel_loop3A_1170 : i32 to index
        %parallel_loop3A_1205 = arith.constant 80 : index
        %parallel_loop3A_1206 = tpu.vector_load %arg11[%parallel_loop3A_1204, %parallel_loop3A_1205] {strides = array<i32>} : memref<96x256xf32, #tpu.memory_space<vmem>>, vector<16xf32>,
        %parallel_loop3A_1207 = arith.mulf %parallel_loop3A_1206, %get3A_627 : vector<16xf32>
        %parallel_loop3A_1208 = arith.addf %parallel_loop3A_1201, %parallel_loop3A_1207 : vector<16xf32>
        %parallel_loop3A_1209 = arith.mulf %parallel_loop3A_1206, %parallel_loop3A_1206 : vector<16xf32>
        %parallel_loop3A_1210 = arith.addf %parallel_loop3A_1203, %parallel_loop3A_1209 : vector<16xf32>
        %parallel_loop3A_1211 = arith.index_cast %parallel_loop3A_1170 : i32 to index
        %parallel_loop3A_1212 = arith.constant 96 : index
        %parallel_loop3A_1213 = tpu.vector_load %arg11[%parallel_loop3A_1211, %parallel_loop3A_1212] {strides = array<i32>} : memref<96x256xf32, #tpu.memory_space<vmem>>, vector<16xf32>,
        %parallel_loop3A_1214 = arith.mulf %parallel_loop3A_1213, %get3A_630 : vector<16xf32>
        %parallel_loop3A_1215 = arith.addf %parallel_loop3A_1208, %parallel_loop3A_1214 : vector<16xf32>
        %parallel_loop3A_1216 = arith.mulf %parallel_loop3A_1213, %parallel_loop3A_1213 : vector<16xf32>
        %parallel_loop3A_1217 = arith.addf %parallel_loop3A_1210, %parallel_loop3A_1216 : vector<16xf32>
        %parallel_loop3A_1218 = arith.index_cast %parallel_loop3A_1170 : i32 to index
        %parallel_loop3A_1219 = arith.constant 112 : index
        %parallel_loop3A_1220 = tpu.vector_load %arg11[%parallel_loop3A_1218, %parallel_loop3A_1219] {strides = array<i32>} : memref<96x256xf32, #tpu.memory_space<vmem>>, vector<16xf32>,
        %parallel_loop3A_1221 = arith.mulf %parallel_loop3A_1220, %get3A_633 : vector<16xf32>
        %parallel_loop3A_1222 = arith.addf %parallel_loop3A_1215, %parallel_loop3A_1221 : vector<16xf32>
        %parallel_loop3A_1223 = arith.mulf %parallel_loop3A_1220, %parallel_loop3A_1220 : vector<16xf32>
        %parallel_loop3A_1224 = arith.addf %parallel_loop3A_1217, %parallel_loop3A_1223 : vector<16xf32>
        %parallel_loop3A_1225 = arith.index_cast %parallel_loop3A_1170 : i32 to index
        %parallel_loop3A_1226 = arith.constant 128 : index
        %parallel_loop3A_1227 = tpu.vector_load %arg11[%parallel_loop3A_1225, %parallel_loop3A_1226] {strides = array<i32>} : memref<96x256xf32, #tpu.memory_space<vmem>>, vector<16xf32>,
        %parallel_loop3A_1228 = arith.mulf %parallel_loop3A_1227, %get3A_636 : vector<16xf32>
        %parallel_loop3A_1229 = arith.addf %parallel_loop3A_1222, %parallel_loop3A_1228 : vector<16xf32>
        %parallel_loop3A_1230 = arith.mulf %parallel_loop3A_1227, %parallel_loop3A_1227 : vector<16xf32>
        %parallel_loop3A_1231 = arith.addf %parallel_loop3A_1224, %parallel_loop3A_1230 : vector<16xf32>
        %parallel_loop3A_1232 = arith.index_cast %parallel_loop3A_1170 : i32 to index
        %parallel_loop3A_1233 = arith.constant 144 : index
        %parallel_loop3A_1234 = tpu.vector_load %arg11[%parallel_loop3A_1232, %parallel_loop3A_1233] {strides = array<i32>} : memref<96x256xf32, #tpu.memory_space<vmem>>, vector<16xf32>,
        %parallel_loop3A_1235 = arith.mulf %parallel_loop3A_1234, %get3A_639 : vector<16xf32>
        %parallel_loop3A_1236 = arith.addf %parallel_loop3A_1229, %parallel_loop3A_1235 : vector<16xf32>
        %parallel_loop3A_1237 = arith.mulf %parallel_loop3A_1234, %parallel_loop3A_1234 : vector<16xf32>
        %parallel_loop3A_1238 = arith.addf %parallel_loop3A_1231, %parallel_loop3A_1237 : vector<16xf32>
        %parallel_loop3A_1239 = arith.index_cast %parallel_loop3A_1170 : i32 to index
        %parallel_loop3A_1240 = arith.constant 160 : index
        %parallel_loop3A_1241 = tpu.vector_load %arg11[%parallel_loop3A_1239, %parallel_loop3A_1240] {strides = array<i32>} : memref<96x256xf32, #tpu.memory_space<vmem>>, vector<16xf32>,
        %parallel_loop3A_1242 = arith.mulf %parallel_loop3A_1241, %get3A_642 : vector<16xf32>
        %parallel_loop3A_1243 = arith.addf %parallel_loop3A_1236, %parallel_loop3A_1242 : vector<16xf32>
        %parallel_loop3A_1244 = arith.mulf %parallel_loop3A_1241, %parallel_loop3A_1241 : vector<16xf32>
        %parallel_loop3A_1245 = arith.addf %parallel_loop3A_1238, %parallel_loop3A_1244 : vector<16xf32>
        %parallel_loop3A_1246 = arith.index_cast %parallel_loop3A_1170 : i32 to index
        %parallel_loop3A_1247 = arith.constant 176 : index
        %parallel_loop3A_1248 = tpu.vector_load %arg11[%parallel_loop3A_1246, %parallel_loop3A_1247] {strides = array<i32>} : memref<96x256xf32, #tpu.memory_space<vmem>>, vector<16xf32>,
        %parallel_loop3A_1249 = arith.mulf %parallel_loop3A_1248, %get3A_645 : vector<16xf32>
        %parallel_loop3A_1250 = arith.addf %parallel_loop3A_1243, %parallel_loop3A_1249 : vector<16xf32>
        %parallel_loop3A_1251 = arith.mulf %parallel_loop3A_1248, %parallel_loop3A_1248 : vector<16xf32>
        %parallel_loop3A_1252 = arith.addf %parallel_loop3A_1245, %parallel_loop3A_1251 : vector<16xf32>
        %parallel_loop3A_1253 = arith.index_cast %parallel_loop3A_1170 : i32 to index
        %parallel_loop3A_1254 = arith.constant 192 : index
        %parallel_loop3A_1255 = tpu.vector_load %arg11[%parallel_loop3A_1253, %parallel_loop3A_1254] {strides = array<i32>} : memref<96x256xf32, #tpu.memory_space<vmem>>, vector<16xf32>,
        %parallel_loop3A_1256 = arith.mulf %parallel_loop3A_1255, %get3A_648 : vector<16xf32>
        %parallel_loop3A_1257 = arith.addf %parallel_loop3A_1250, %parallel_loop3A_1256 : vector<16xf32>
        %parallel_loop3A_1258 = arith.mulf %parallel_loop3A_1255, %parallel_loop3A_1255 : vector<16xf32>
        %parallel_loop3A_1259 = arith.addf %parallel_loop3A_1252, %parallel_loop3A_1258 : vector<16xf32>
        %parallel_loop3A_1260 = arith.index_cast %parallel_loop3A_1170 : i32 to index
        %parallel_loop3A_1261 = arith.constant 208 : index
        %parallel_loop3A_1262 = tpu.vector_load %arg11[%parallel_loop3A_1260, %parallel_loop3A_1261] {strides = array<i32>} : memref<96x256xf32, #tpu.memory_space<vmem>>, vector<16xf32>,
        %parallel_loop3A_1263 = arith.mulf %parallel_loop3A_1262, %get3A_651 : vector<16xf32>
        %parallel_loop3A_1264 = arith.addf %parallel_loop3A_1257, %parallel_loop3A_1263 : vector<16xf32>
        %parallel_loop3A_1265 = arith.mulf %parallel_loop3A_1262, %parallel_loop3A_1262 : vector<16xf32>
        %parallel_loop3A_1266 = arith.addf %parallel_loop3A_1259, %parallel_loop3A_1265 : vector<16xf32>
        %parallel_loop3A_1267 = arith.index_cast %parallel_loop3A_1170 : i32 to index
        %parallel_loop3A_1268 = arith.constant 224 : index
        %parallel_loop3A_1269 = tpu.vector_load %arg11[%parallel_loop3A_1267, %parallel_loop3A_1268] {strides = array<i32>} : memref<96x256xf32, #tpu.memory_space<vmem>>, vector<16xf32>,
        %parallel_loop3A_1270 = arith.mulf %parallel_loop3A_1269, %get3A_654 : vector<16xf32>
        %parallel_loop3A_1271 = arith.addf %parallel_loop3A_1264, %parallel_loop3A_1270 : vector<16xf32>
        %parallel_loop3A_1272 = arith.mulf %parallel_loop3A_1269, %parallel_loop3A_1269 : vector<16xf32>
        %parallel_loop3A_1273 = arith.addf %parallel_loop3A_1266, %parallel_loop3A_1272 : vector<16xf32>
        %parallel_loop3A_1274 = arith.index_cast %parallel_loop3A_1170 : i32 to index
        %parallel_loop3A_1275 = arith.constant 240 : index
        %parallel_loop3A_1276 = tpu.vector_load %arg11[%parallel_loop3A_1274, %parallel_loop3A_1275] {strides = array<i32>} : memref<96x256xf32, #tpu.memory_space<vmem>>, vector<16xf32>,
        %parallel_loop3A_1277 = arith.mulf %parallel_loop3A_1276, %get3A_657 : vector<16xf32>
        %parallel_loop3A_1278 = arith.addf %parallel_loop3A_1271, %parallel_loop3A_1277 : vector<16xf32>
        %parallel_loop3A_1279 = arith.mulf %parallel_loop3A_1276, %parallel_loop3A_1276 : vector<16xf32>
        %parallel_loop3A_1280 = arith.addf %parallel_loop3A_1273, %parallel_loop3A_1279 : vector<16xf32>
        %parallel_loop3A_1281 = arith.constant 104 : i32
        %parallel_loop3A_1282 = arith.addi %parallel_loop3A_1281, %parallel_loop3A_1170 : i32
        %parallel_loop3A_1283 = vector.broadcast %parallel_loop3A_1282 : i32 to vector<16xi32>
        %parallel_loop3A_1284 = arith.constant true
        %parallel_loop3A_1285 = vector.broadcast %parallel_loop3A_1284 : i1 to vector<16xi1>
        %parallel_loop3A_1286 = tpu.scan <sum>, %parallel_loop3A_1278 masked %parallel_loop3A_1285 : vector<16xf32>, vector<16xi1> -> vector<16xf32>
        tpu.vector_store_idx %arg12[%parallel_loop3A_1283], %parallel_loop3A_1286 masked %eq3A_6 : memref<208xf32, #tpu.memory_space<vmem>>[vector<16xi32>], vector<16xf32>, vector<16xi1>
        %parallel_loop3A_1287 = arith.constant true
        %parallel_loop3A_1288 = vector.broadcast %parallel_loop3A_1287 : i1 to vector<16xi1>
        %parallel_loop3A_1289 = tpu.scan <sum>, %parallel_loop3A_1280 masked %parallel_loop3A_1288 : vector<16xf32>, vector<16xi1> -> vector<16xf32>
        tpu.vector_store_idx %arg13[%parallel_loop3A_1283], %parallel_loop3A_1289 masked %eq3A_6 : memref<208xf32, #tpu.memory_space<vmem>>[vector<16xi32>], vector<16xf32>, vector<16xi1>
      } {sc.loop_unroll_factor = 4 : i64, sc.parallel_access}
      %lt3A_683 = arith.constant 30 : i32
      %lt3A_684 = arith.cmpi slt, %add3A_609, %lt3A_683 : i32
      %convert_element_type3A_685 = arith.extui %lt3A_684 : i1 to i32
      %cond3A_686 = arith.constant 0 : i32
      %cond3A_687 = arith.cmpi ne, %convert_element_type3A_685, %cond3A_686 : i32
      scf.if %cond3A_687 {
        %add3A_1170 = arith.constant 2 : i32
        %add3A_1171 = arith.addi %add3A_609, %add3A_1170 : i32
        %mul3A_1172 = arith.constant 200 : i32
        %mul3A_1173 = arith.muli %add3A_1171, %mul3A_1172 : i32
        %add3A_1174 = arith.constant 104 : i32
        %add3A_1175 = arith.addi %mul3A_1173, %add3A_1174 : i32
        %dma_start3A_1176 = tpu.memref_slice %arg6[%add3A_1175] : memref<6400xi32, #tpu.memory_space<vmem>> -> memref<96xi32, #tpu.memory_space<vmem>>
        %dma_start3A_1177 = arith.constant 0 : i32
        %dma_start3A_1178 = arith.constant 0 : i32
        %dma_start3A_1179 = tpu.memref_slice %arg4[%dma_start3A_1177, %dma_start3A_1178] : memref<100001x256xf32, #tpu.memory_space<hbm>> -> memref<100001x256xf32, #tpu.memory_space<hbm>>
        tpu.enqueue_indirect_dma source(%dma_start3A_1179 : memref<100001x256xf32, #tpu.memory_space<hbm>>) target(%arg11 : memref<96x256xf32, #tpu.memory_space<vmem>>) offsets(%dma_start3A_1176 : memref<96xi32, #tpu.memory_space<vmem>>) semaphore(%arg19 : memref<!tpu.dma_semaphore, #tpu.memory_space<semaphore_mem>>)
      } else {
      }
      %ge3A_688 = arith.constant 2 : i32
      %ge3A_689 = arith.cmpi sge, %add3A_609, %ge3A_688 : i32
      %convert_element_type3A_690 = arith.extui %ge3A_689 : i1 to i32
      %cond3A_691 = arith.constant 0 : i32
      %cond3A_692 = arith.cmpi ne, %convert_element_type3A_690, %cond3A_691 : i32
      scf.if %cond3A_692 {
        %add3A_1170 = arith.addi %mul3A_2, %add3A_609 : i32
        %sub3A_1171 = arith.constant 2 : i32
        %sub3A_1172 = arith.subi %add3A_1170, %sub3A_1171 : i32
        %mul3A_1173 = arith.constant 200 : i32
        %mul3A_1174 = arith.muli %sub3A_1172, %mul3A_1173 : i32
        %dma_wait3A_1175 = arith.constant 0 : i32
        %dma_wait3A_1176 = tpu.memref_slice %arg15[%dma_wait3A_1175] : memref<208xf32, #tpu.memory_space<vmem>> -> memref<200xf32, #tpu.memory_space<vmem>>
        %dma_wait3A_1177 = tpu.memref_slice %arg5[%mul3A_1174] : memref<204800xf32, #tpu.memory_space<hbm>> -> memref<200xf32, #tpu.memory_space<hbm>>
        %dma_wait3A_1178 = tpu.memref_slice %arg5[%mul3A_1174] : memref<204800xf32, #tpu.memory_space<hbm>> -> memref<200xf32, #tpu.memory_space<hbm>>
        %dma_wait3A_1179 = arith.constant 0 : i32
        %dma_wait3A_1180 = tpu.memref_slice %arg15[%dma_wait3A_1179] : memref<208xf32, #tpu.memory_space<vmem>> -> memref<200xf32, #tpu.memory_space<vmem>>
        tpu.wait_dma2 semaphore(%arg21 : memref<!tpu.dma_semaphore, #tpu.memory_space<semaphore_mem>>) src(%dma_wait3A_1180 : memref<200xf32, #tpu.memory_space<vmem>>) dst(%dma_wait3A_1178 : memref<200xf32, #tpu.memory_space<hbm>>)
      } else {
      }
      %get3A_693 = arith.constant 0 : index
      %get3A_694 = tpu.vector_load %arg12[%get3A_693] {strides = array<i32>} : memref<208xf32, #tpu.memory_space<vmem>>, vector<16xf32>,
      %get3A_695 = arith.constant 0 : index
      %get3A_696 = tpu.vector_load %arg13[%get3A_695] {strides = array<i32>} : memref<208xf32, #tpu.memory_space<vmem>>, vector<16xf32>,
      %max3A_697 = arith.constant 1.000000e-24 : f32
      %max3A_698 = vector.broadcast %max3A_697 : f32 to vector<16xf32>
      %max3A_699 = arith.maximumf %get3A_696, %max3A_698 : vector<16xf32>
      %bitcast3A_700 = vector.bitcast %max3A_699 : vector<16xf32> to vector<16xi32>
      %shift_right_logical3A_701 = arith.constant 1 : i32
      %shift_right_logical3A_702 = vector.broadcast %shift_right_logical3A_701 : i32 to vector<16xi32>
      %shift_right_logical3A_703 = arith.shrui %bitcast3A_700, %shift_right_logical3A_702 : vector<16xi32>
      %sub3A_704 = arith.constant 1597463007 : i32
      %sub3A_705 = vector.broadcast %sub3A_704 : i32 to vector<16xi32>
      %sub3A_706 = arith.subi %sub3A_705, %shift_right_logical3A_703 : vector<16xi32>
      %bitcast3A_707 = vector.bitcast %sub3A_706 : vector<16xi32> to vector<16xf32>
      %mul3A_708 = arith.constant 5.000000e-01 : f32
      %mul3A_709 = vector.broadcast %mul3A_708 : f32 to vector<16xf32>
      %mul3A_710 = arith.mulf %mul3A_709, %max3A_699 : vector<16xf32>
      %mul3A_711 = arith.mulf %mul3A_710, %bitcast3A_707 : vector<16xf32>
      %mul3A_712 = arith.mulf %mul3A_711, %bitcast3A_707 : vector<16xf32>
      %sub3A_713 = arith.constant 1.500000e+00 : f32
      %sub3A_714 = vector.broadcast %sub3A_713 : f32 to vector<16xf32>
      %sub3A_715 = arith.subf %sub3A_714, %mul3A_712 : vector<16xf32>
      %mul3A_716 = arith.mulf %bitcast3A_707, %sub3A_715 : vector<16xf32>
      %mul3A_717 = arith.constant 5.000000e-01 : f32
      %mul3A_718 = vector.broadcast %mul3A_717 : f32 to vector<16xf32>
      %mul3A_719 = arith.mulf %mul3A_718, %max3A_699 : vector<16xf32>
      %mul3A_720 = arith.mulf %mul3A_719, %mul3A_716 : vector<16xf32>
      %mul3A_721 = arith.mulf %mul3A_720, %mul3A_716 : vector<16xf32>
      %sub3A_722 = arith.constant 1.500000e+00 : f32
      %sub3A_723 = vector.broadcast %sub3A_722 : f32 to vector<16xf32>
      %sub3A_724 = arith.subf %sub3A_723, %mul3A_721 : vector<16xf32>
      %mul3A_725 = arith.mulf %mul3A_716, %sub3A_724 : vector<16xf32>
      %mul3A_726 = arith.mulf %get3A_694, %mul3A_725 : vector<16xf32>
      %swap3A_727 = arith.constant 0 : index
      %swap3A_728 = tpu.vector_load %arg15[%swap3A_727] {strides = array<i32>} : memref<208xf32, #tpu.memory_space<vmem>>, vector<16xf32>,
      tpu.vector_store %arg15[%swap3A_727], %mul3A_726 {strides = array<i32>} : memref<208xf32, #tpu.memory_space<vmem>>, vector<16xf32>,
      %get3A_729 = arith.constant 16 : index
      %get3A_730 = tpu.vector_load %arg12[%get3A_729] {strides = array<i32>} : memref<208xf32, #tpu.memory_space<vmem>>, vector<16xf32>,
      %get3A_731 = arith.constant 16 : index
      %get3A_732 = tpu.vector_load %arg13[%get3A_731] {strides = array<i32>} : memref<208xf32, #tpu.memory_space<vmem>>, vector<16xf32>,
      %max3A_733 = arith.constant 1.000000e-24 : f32
      %max3A_734 = vector.broadcast %max3A_733 : f32 to vector<16xf32>
      %max3A_735 = arith.maximumf %get3A_732, %max3A_734 : vector<16xf32>
      %bitcast3A_736 = vector.bitcast %max3A_735 : vector<16xf32> to vector<16xi32>
      %shift_right_logical3A_737 = arith.constant 1 : i32
      %shift_right_logical3A_738 = vector.broadcast %shift_right_logical3A_737 : i32 to vector<16xi32>
      %shift_right_logical3A_739 = arith.shrui %bitcast3A_736, %shift_right_logical3A_738 : vector<16xi32>
      %sub3A_740 = arith.constant 1597463007 : i32
      %sub3A_741 = vector.broadcast %sub3A_740 : i32 to vector<16xi32>
      %sub3A_742 = arith.subi %sub3A_741, %shift_right_logical3A_739 : vector<16xi32>
      %bitcast3A_743 = vector.bitcast %sub3A_742 : vector<16xi32> to vector<16xf32>
      %mul3A_744 = arith.constant 5.000000e-01 : f32
      %mul3A_745 = vector.broadcast %mul3A_744 : f32 to vector<16xf32>
      %mul3A_746 = arith.mulf %mul3A_745, %max3A_735 : vector<16xf32>
      %mul3A_747 = arith.mulf %mul3A_746, %bitcast3A_743 : vector<16xf32>
      %mul3A_748 = arith.mulf %mul3A_747, %bitcast3A_743 : vector<16xf32>
      %sub3A_749 = arith.constant 1.500000e+00 : f32
      %sub3A_750 = vector.broadcast %sub3A_749 : f32 to vector<16xf32>
      %sub3A_751 = arith.subf %sub3A_750, %mul3A_748 : vector<16xf32>
      %mul3A_752 = arith.mulf %bitcast3A_743, %sub3A_751 : vector<16xf32>
      %mul3A_753 = arith.constant 5.000000e-01 : f32
      %mul3A_754 = vector.broadcast %mul3A_753 : f32 to vector<16xf32>
      %mul3A_755 = arith.mulf %mul3A_754, %max3A_735 : vector<16xf32>
      %mul3A_756 = arith.mulf %mul3A_755, %mul3A_752 : vector<16xf32>
      %mul3A_757 = arith.mulf %mul3A_756, %mul3A_752 : vector<16xf32>
      %sub3A_758 = arith.constant 1.500000e+00 : f32
      %sub3A_759 = vector.broadcast %sub3A_758 : f32 to vector<16xf32>
      %sub3A_760 = arith.subf %sub3A_759, %mul3A_757 : vector<16xf32>
      %mul3A_761 = arith.mulf %mul3A_752, %sub3A_760 : vector<16xf32>
      %mul3A_762 = arith.mulf %get3A_730, %mul3A_761 : vector<16xf32>
      %swap3A_763 = arith.constant 16 : index
      %swap3A_764 = tpu.vector_load %arg15[%swap3A_763] {strides = array<i32>} : memref<208xf32, #tpu.memory_space<vmem>>, vector<16xf32>,
      tpu.vector_store %arg15[%swap3A_763], %mul3A_762 {strides = array<i32>} : memref<208xf32, #tpu.memory_space<vmem>>, vector<16xf32>,
      %get3A_765 = arith.constant 32 : index
      %get3A_766 = tpu.vector_load %arg12[%get3A_765] {strides = array<i32>} : memref<208xf32, #tpu.memory_space<vmem>>, vector<16xf32>,
      %get3A_767 = arith.constant 32 : index
      %get3A_768 = tpu.vector_load %arg13[%get3A_767] {strides = array<i32>} : memref<208xf32, #tpu.memory_space<vmem>>, vector<16xf32>,
      %max3A_769 = arith.constant 1.000000e-24 : f32
      %max3A_770 = vector.broadcast %max3A_769 : f32 to vector<16xf32>
      %max3A_771 = arith.maximumf %get3A_768, %max3A_770 : vector<16xf32>
      %bitcast3A_772 = vector.bitcast %max3A_771 : vector<16xf32> to vector<16xi32>
      %shift_right_logical3A_773 = arith.constant 1 : i32
      %shift_right_logical3A_774 = vector.broadcast %shift_right_logical3A_773 : i32 to vector<16xi32>
      %shift_right_logical3A_775 = arith.shrui %bitcast3A_772, %shift_right_logical3A_774 : vector<16xi32>
      %sub3A_776 = arith.constant 1597463007 : i32
      %sub3A_777 = vector.broadcast %sub3A_776 : i32 to vector<16xi32>
      %sub3A_778 = arith.subi %sub3A_777, %shift_right_logical3A_775 : vector<16xi32>
      %bitcast3A_779 = vector.bitcast %sub3A_778 : vector<16xi32> to vector<16xf32>
      %mul3A_780 = arith.constant 5.000000e-01 : f32
      %mul3A_781 = vector.broadcast %mul3A_780 : f32 to vector<16xf32>
      %mul3A_782 = arith.mulf %mul3A_781, %max3A_771 : vector<16xf32>
      %mul3A_783 = arith.mulf %mul3A_782, %bitcast3A_779 : vector<16xf32>
      %mul3A_784 = arith.mulf %mul3A_783, %bitcast3A_779 : vector<16xf32>
      %sub3A_785 = arith.constant 1.500000e+00 : f32
      %sub3A_786 = vector.broadcast %sub3A_785 : f32 to vector<16xf32>
      %sub3A_787 = arith.subf %sub3A_786, %mul3A_784 : vector<16xf32>
      %mul3A_788 = arith.mulf %bitcast3A_779, %sub3A_787 : vector<16xf32>
      %mul3A_789 = arith.constant 5.000000e-01 : f32
      %mul3A_790 = vector.broadcast %mul3A_789 : f32 to vector<16xf32>
      %mul3A_791 = arith.mulf %mul3A_790, %max3A_771 : vector<16xf32>
      %mul3A_792 = arith.mulf %mul3A_791, %mul3A_788 : vector<16xf32>
      %mul3A_793 = arith.mulf %mul3A_792, %mul3A_788 : vector<16xf32>
      %sub3A_794 = arith.constant 1.500000e+00 : f32
      %sub3A_795 = vector.broadcast %sub3A_794 : f32 to vector<16xf32>
      %sub3A_796 = arith.subf %sub3A_795, %mul3A_793 : vector<16xf32>
      %mul3A_797 = arith.mulf %mul3A_788, %sub3A_796 : vector<16xf32>
      %mul3A_798 = arith.mulf %get3A_766, %mul3A_797 : vector<16xf32>
      %swap3A_799 = arith.constant 32 : index
      %swap3A_800 = tpu.vector_load %arg15[%swap3A_799] {strides = array<i32>} : memref<208xf32, #tpu.memory_space<vmem>>, vector<16xf32>,
      tpu.vector_store %arg15[%swap3A_799], %mul3A_798 {strides = array<i32>} : memref<208xf32, #tpu.memory_space<vmem>>, vector<16xf32>,
      %get3A_801 = arith.constant 48 : index
      %get3A_802 = tpu.vector_load %arg12[%get3A_801] {strides = array<i32>} : memref<208xf32, #tpu.memory_space<vmem>>, vector<16xf32>,
      %get3A_803 = arith.constant 48 : index
      %get3A_804 = tpu.vector_load %arg13[%get3A_803] {strides = array<i32>} : memref<208xf32, #tpu.memory_space<vmem>>, vector<16xf32>,
      %max3A_805 = arith.constant 1.000000e-24 : f32
      %max3A_806 = vector.broadcast %max3A_805 : f32 to vector<16xf32>
      %max3A_807 = arith.maximumf %get3A_804, %max3A_806 : vector<16xf32>
      %bitcast3A_808 = vector.bitcast %max3A_807 : vector<16xf32> to vector<16xi32>
      %shift_right_logical3A_809 = arith.constant 1 : i32
      %shift_right_logical3A_810 = vector.broadcast %shift_right_logical3A_809 : i32 to vector<16xi32>
      %shift_right_logical3A_811 = arith.shrui %bitcast3A_808, %shift_right_logical3A_810 : vector<16xi32>
      %sub3A_812 = arith.constant 1597463007 : i32
      %sub3A_813 = vector.broadcast %sub3A_812 : i32 to vector<16xi32>
      %sub3A_814 = arith.subi %sub3A_813, %shift_right_logical3A_811 : vector<16xi32>
      %bitcast3A_815 = vector.bitcast %sub3A_814 : vector<16xi32> to vector<16xf32>
      %mul3A_816 = arith.constant 5.000000e-01 : f32
      %mul3A_817 = vector.broadcast %mul3A_816 : f32 to vector<16xf32>
      %mul3A_818 = arith.mulf %mul3A_817, %max3A_807 : vector<16xf32>
      %mul3A_819 = arith.mulf %mul3A_818, %bitcast3A_815 : vector<16xf32>
      %mul3A_820 = arith.mulf %mul3A_819, %bitcast3A_815 : vector<16xf32>
      %sub3A_821 = arith.constant 1.500000e+00 : f32
      %sub3A_822 = vector.broadcast %sub3A_821 : f32 to vector<16xf32>
      %sub3A_823 = arith.subf %sub3A_822, %mul3A_820 : vector<16xf32>
      %mul3A_824 = arith.mulf %bitcast3A_815, %sub3A_823 : vector<16xf32>
      %mul3A_825 = arith.constant 5.000000e-01 : f32
      %mul3A_826 = vector.broadcast %mul3A_825 : f32 to vector<16xf32>
      %mul3A_827 = arith.mulf %mul3A_826, %max3A_807 : vector<16xf32>
      %mul3A_828 = arith.mulf %mul3A_827, %mul3A_824 : vector<16xf32>
      %mul3A_829 = arith.mulf %mul3A_828, %mul3A_824 : vector<16xf32>
      %sub3A_830 = arith.constant 1.500000e+00 : f32
      %sub3A_831 = vector.broadcast %sub3A_830 : f32 to vector<16xf32>
      %sub3A_832 = arith.subf %sub3A_831, %mul3A_829 : vector<16xf32>
      %mul3A_833 = arith.mulf %mul3A_824, %sub3A_832 : vector<16xf32>
      %mul3A_834 = arith.mulf %get3A_802, %mul3A_833 : vector<16xf32>
      %swap3A_835 = arith.constant 48 : index
      %swap3A_836 = tpu.vector_load %arg15[%swap3A_835] {strides = array<i32>} : memref<208xf32, #tpu.memory_space<vmem>>, vector<16xf32>,
      tpu.vector_store %arg15[%swap3A_835], %mul3A_834 {strides = array<i32>} : memref<208xf32, #tpu.memory_space<vmem>>, vector<16xf32>,
      %get3A_837 = arith.constant 64 : index
      %get3A_838 = tpu.vector_load %arg12[%get3A_837] {strides = array<i32>} : memref<208xf32, #tpu.memory_space<vmem>>, vector<16xf32>,
      %get3A_839 = arith.constant 64 : index
      %get3A_840 = tpu.vector_load %arg13[%get3A_839] {strides = array<i32>} : memref<208xf32, #tpu.memory_space<vmem>>, vector<16xf32>,
      %max3A_841 = arith.constant 1.000000e-24 : f32
      %max3A_842 = vector.broadcast %max3A_841 : f32 to vector<16xf32>
      %max3A_843 = arith.maximumf %get3A_840, %max3A_842 : vector<16xf32>
      %bitcast3A_844 = vector.bitcast %max3A_843 : vector<16xf32> to vector<16xi32>
      %shift_right_logical3A_845 = arith.constant 1 : i32
      %shift_right_logical3A_846 = vector.broadcast %shift_right_logical3A_845 : i32 to vector<16xi32>
      %shift_right_logical3A_847 = arith.shrui %bitcast3A_844, %shift_right_logical3A_846 : vector<16xi32>
      %sub3A_848 = arith.constant 1597463007 : i32
      %sub3A_849 = vector.broadcast %sub3A_848 : i32 to vector<16xi32>
      %sub3A_850 = arith.subi %sub3A_849, %shift_right_logical3A_847 : vector<16xi32>
      %bitcast3A_851 = vector.bitcast %sub3A_850 : vector<16xi32> to vector<16xf32>
      %mul3A_852 = arith.constant 5.000000e-01 : f32
      %mul3A_853 = vector.broadcast %mul3A_852 : f32 to vector<16xf32>
      %mul3A_854 = arith.mulf %mul3A_853, %max3A_843 : vector<16xf32>
      %mul3A_855 = arith.mulf %mul3A_854, %bitcast3A_851 : vector<16xf32>
      %mul3A_856 = arith.mulf %mul3A_855, %bitcast3A_851 : vector<16xf32>
      %sub3A_857 = arith.constant 1.500000e+00 : f32
      %sub3A_858 = vector.broadcast %sub3A_857 : f32 to vector<16xf32>
      %sub3A_859 = arith.subf %sub3A_858, %mul3A_856 : vector<16xf32>
      %mul3A_860 = arith.mulf %bitcast3A_851, %sub3A_859 : vector<16xf32>
      %mul3A_861 = arith.constant 5.000000e-01 : f32
      %mul3A_862 = vector.broadcast %mul3A_861 : f32 to vector<16xf32>
      %mul3A_863 = arith.mulf %mul3A_862, %max3A_843 : vector<16xf32>
      %mul3A_864 = arith.mulf %mul3A_863, %mul3A_860 : vector<16xf32>
      %mul3A_865 = arith.mulf %mul3A_864, %mul3A_860 : vector<16xf32>
      %sub3A_866 = arith.constant 1.500000e+00 : f32
      %sub3A_867 = vector.broadcast %sub3A_866 : f32 to vector<16xf32>
      %sub3A_868 = arith.subf %sub3A_867, %mul3A_865 : vector<16xf32>
      %mul3A_869 = arith.mulf %mul3A_860, %sub3A_868 : vector<16xf32>
      %mul3A_870 = arith.mulf %get3A_838, %mul3A_869 : vector<16xf32>
      %swap3A_871 = arith.constant 64 : index
      %swap3A_872 = tpu.vector_load %arg15[%swap3A_871] {strides = array<i32>} : memref<208xf32, #tpu.memory_space<vmem>>, vector<16xf32>,
      tpu.vector_store %arg15[%swap3A_871], %mul3A_870 {strides = array<i32>} : memref<208xf32, #tpu.memory_space<vmem>>, vector<16xf32>,
      %get3A_873 = arith.constant 80 : index
      %get3A_874 = tpu.vector_load %arg12[%get3A_873] {strides = array<i32>} : memref<208xf32, #tpu.memory_space<vmem>>, vector<16xf32>,
      %get3A_875 = arith.constant 80 : index
      %get3A_876 = tpu.vector_load %arg13[%get3A_875] {strides = array<i32>} : memref<208xf32, #tpu.memory_space<vmem>>, vector<16xf32>,
      %max3A_877 = arith.constant 1.000000e-24 : f32
      %max3A_878 = vector.broadcast %max3A_877 : f32 to vector<16xf32>
      %max3A_879 = arith.maximumf %get3A_876, %max3A_878 : vector<16xf32>
      %bitcast3A_880 = vector.bitcast %max3A_879 : vector<16xf32> to vector<16xi32>
      %shift_right_logical3A_881 = arith.constant 1 : i32
      %shift_right_logical3A_882 = vector.broadcast %shift_right_logical3A_881 : i32 to vector<16xi32>
      %shift_right_logical3A_883 = arith.shrui %bitcast3A_880, %shift_right_logical3A_882 : vector<16xi32>
      %sub3A_884 = arith.constant 1597463007 : i32
      %sub3A_885 = vector.broadcast %sub3A_884 : i32 to vector<16xi32>
      %sub3A_886 = arith.subi %sub3A_885, %shift_right_logical3A_883 : vector<16xi32>
      %bitcast3A_887 = vector.bitcast %sub3A_886 : vector<16xi32> to vector<16xf32>
      %mul3A_888 = arith.constant 5.000000e-01 : f32
      %mul3A_889 = vector.broadcast %mul3A_888 : f32 to vector<16xf32>
      %mul3A_890 = arith.mulf %mul3A_889, %max3A_879 : vector<16xf32>
      %mul3A_891 = arith.mulf %mul3A_890, %bitcast3A_887 : vector<16xf32>
      %mul3A_892 = arith.mulf %mul3A_891, %bitcast3A_887 : vector<16xf32>
      %sub3A_893 = arith.constant 1.500000e+00 : f32
      %sub3A_894 = vector.broadcast %sub3A_893 : f32 to vector<16xf32>
      %sub3A_895 = arith.subf %sub3A_894, %mul3A_892 : vector<16xf32>
      %mul3A_896 = arith.mulf %bitcast3A_887, %sub3A_895 : vector<16xf32>
      %mul3A_897 = arith.constant 5.000000e-01 : f32
      %mul3A_898 = vector.broadcast %mul3A_897 : f32 to vector<16xf32>
      %mul3A_899 = arith.mulf %mul3A_898, %max3A_879 : vector<16xf32>
      %mul3A_900 = arith.mulf %mul3A_899, %mul3A_896 : vector<16xf32>
      %mul3A_901 = arith.mulf %mul3A_900, %mul3A_896 : vector<16xf32>
      %sub3A_902 = arith.constant 1.500000e+00 : f32
      %sub3A_903 = vector.broadcast %sub3A_902 : f32 to vector<16xf32>
      %sub3A_904 = arith.subf %sub3A_903, %mul3A_901 : vector<16xf32>
      %mul3A_905 = arith.mulf %mul3A_896, %sub3A_904 : vector<16xf32>
      %mul3A_906 = arith.mulf %get3A_874, %mul3A_905 : vector<16xf32>
      %swap3A_907 = arith.constant 80 : index
      %swap3A_908 = tpu.vector_load %arg15[%swap3A_907] {strides = array<i32>} : memref<208xf32, #tpu.memory_space<vmem>>, vector<16xf32>,
      tpu.vector_store %arg15[%swap3A_907], %mul3A_906 {strides = array<i32>} : memref<208xf32, #tpu.memory_space<vmem>>, vector<16xf32>,
      %get3A_909 = arith.constant 96 : index
      %get3A_910 = tpu.vector_load %arg12[%get3A_909] {strides = array<i32>} : memref<208xf32, #tpu.memory_space<vmem>>, vector<16xf32>,
      %get3A_911 = arith.constant 96 : index
      %get3A_912 = tpu.vector_load %arg13[%get3A_911] {strides = array<i32>} : memref<208xf32, #tpu.memory_space<vmem>>, vector<16xf32>,
      %max3A_913 = arith.constant 1.000000e-24 : f32
      %max3A_914 = vector.broadcast %max3A_913 : f32 to vector<16xf32>
      %max3A_915 = arith.maximumf %get3A_912, %max3A_914 : vector<16xf32>
      %bitcast3A_916 = vector.bitcast %max3A_915 : vector<16xf32> to vector<16xi32>
      %shift_right_logical3A_917 = arith.constant 1 : i32
      %shift_right_logical3A_918 = vector.broadcast %shift_right_logical3A_917 : i32 to vector<16xi32>
      %shift_right_logical3A_919 = arith.shrui %bitcast3A_916, %shift_right_logical3A_918 : vector<16xi32>
      %sub3A_920 = arith.constant 1597463007 : i32
      %sub3A_921 = vector.broadcast %sub3A_920 : i32 to vector<16xi32>
      %sub3A_922 = arith.subi %sub3A_921, %shift_right_logical3A_919 : vector<16xi32>
      %bitcast3A_923 = vector.bitcast %sub3A_922 : vector<16xi32> to vector<16xf32>
      %mul3A_924 = arith.constant 5.000000e-01 : f32
      %mul3A_925 = vector.broadcast %mul3A_924 : f32 to vector<16xf32>
      %mul3A_926 = arith.mulf %mul3A_925, %max3A_915 : vector<16xf32>
      %mul3A_927 = arith.mulf %mul3A_926, %bitcast3A_923 : vector<16xf32>
      %mul3A_928 = arith.mulf %mul3A_927, %bitcast3A_923 : vector<16xf32>
      %sub3A_929 = arith.constant 1.500000e+00 : f32
      %sub3A_930 = vector.broadcast %sub3A_929 : f32 to vector<16xf32>
      %sub3A_931 = arith.subf %sub3A_930, %mul3A_928 : vector<16xf32>
      %mul3A_932 = arith.mulf %bitcast3A_923, %sub3A_931 : vector<16xf32>
      %mul3A_933 = arith.constant 5.000000e-01 : f32
      %mul3A_934 = vector.broadcast %mul3A_933 : f32 to vector<16xf32>
      %mul3A_935 = arith.mulf %mul3A_934, %max3A_915 : vector<16xf32>
      %mul3A_936 = arith.mulf %mul3A_935, %mul3A_932 : vector<16xf32>
      %mul3A_937 = arith.mulf %mul3A_936, %mul3A_932 : vector<16xf32>
      %sub3A_938 = arith.constant 1.500000e+00 : f32
      %sub3A_939 = vector.broadcast %sub3A_938 : f32 to vector<16xf32>
      %sub3A_940 = arith.subf %sub3A_939, %mul3A_937 : vector<16xf32>
      %mul3A_941 = arith.mulf %mul3A_932, %sub3A_940 : vector<16xf32>
      %mul3A_942 = arith.mulf %get3A_910, %mul3A_941 : vector<16xf32>
      %swap3A_943 = arith.constant 96 : index
      %swap3A_944 = tpu.vector_load %arg15[%swap3A_943] {strides = array<i32>} : memref<208xf32, #tpu.memory_space<vmem>>, vector<16xf32>,
      tpu.vector_store %arg15[%swap3A_943], %mul3A_942 {strides = array<i32>} : memref<208xf32, #tpu.memory_space<vmem>>, vector<16xf32>,
      %get3A_945 = arith.constant 112 : index
      %get3A_946 = tpu.vector_load %arg12[%get3A_945] {strides = array<i32>} : memref<208xf32, #tpu.memory_space<vmem>>, vector<16xf32>,
      %get3A_947 = arith.constant 112 : index
      %get3A_948 = tpu.vector_load %arg13[%get3A_947] {strides = array<i32>} : memref<208xf32, #tpu.memory_space<vmem>>, vector<16xf32>,
      %max3A_949 = arith.constant 1.000000e-24 : f32
      %max3A_950 = vector.broadcast %max3A_949 : f32 to vector<16xf32>
      %max3A_951 = arith.maximumf %get3A_948, %max3A_950 : vector<16xf32>
      %bitcast3A_952 = vector.bitcast %max3A_951 : vector<16xf32> to vector<16xi32>
      %shift_right_logical3A_953 = arith.constant 1 : i32
      %shift_right_logical3A_954 = vector.broadcast %shift_right_logical3A_953 : i32 to vector<16xi32>
      %shift_right_logical3A_955 = arith.shrui %bitcast3A_952, %shift_right_logical3A_954 : vector<16xi32>
      %sub3A_956 = arith.constant 1597463007 : i32
      %sub3A_957 = vector.broadcast %sub3A_956 : i32 to vector<16xi32>
      %sub3A_958 = arith.subi %sub3A_957, %shift_right_logical3A_955 : vector<16xi32>
      %bitcast3A_959 = vector.bitcast %sub3A_958 : vector<16xi32> to vector<16xf32>
      %mul3A_960 = arith.constant 5.000000e-01 : f32
      %mul3A_961 = vector.broadcast %mul3A_960 : f32 to vector<16xf32>
      %mul3A_962 = arith.mulf %mul3A_961, %max3A_951 : vector<16xf32>
      %mul3A_963 = arith.mulf %mul3A_962, %bitcast3A_959 : vector<16xf32>
      %mul3A_964 = arith.mulf %mul3A_963, %bitcast3A_959 : vector<16xf32>
      %sub3A_965 = arith.constant 1.500000e+00 : f32
      %sub3A_966 = vector.broadcast %sub3A_965 : f32 to vector<16xf32>
      %sub3A_967 = arith.subf %sub3A_966, %mul3A_964 : vector<16xf32>
      %mul3A_968 = arith.mulf %bitcast3A_959, %sub3A_967 : vector<16xf32>
      %mul3A_969 = arith.constant 5.000000e-01 : f32
      %mul3A_970 = vector.broadcast %mul3A_969 : f32 to vector<16xf32>
      %mul3A_971 = arith.mulf %mul3A_970, %max3A_951 : vector<16xf32>
      %mul3A_972 = arith.mulf %mul3A_971, %mul3A_968 : vector<16xf32>
      %mul3A_973 = arith.mulf %mul3A_972, %mul3A_968 : vector<16xf32>
      %sub3A_974 = arith.constant 1.500000e+00 : f32
      %sub3A_975 = vector.broadcast %sub3A_974 : f32 to vector<16xf32>
      %sub3A_976 = arith.subf %sub3A_975, %mul3A_973 : vector<16xf32>
      %mul3A_977 = arith.mulf %mul3A_968, %sub3A_976 : vector<16xf32>
      %mul3A_978 = arith.mulf %get3A_946, %mul3A_977 : vector<16xf32>
      %swap3A_979 = arith.constant 112 : index
      %swap3A_980 = tpu.vector_load %arg15[%swap3A_979] {strides = array<i32>} : memref<208xf32, #tpu.memory_space<vmem>>, vector<16xf32>,
      tpu.vector_store %arg15[%swap3A_979], %mul3A_978 {strides = array<i32>} : memref<208xf32, #tpu.memory_space<vmem>>, vector<16xf32>,
      %get3A_981 = arith.constant 128 : index
      %get3A_982 = tpu.vector_load %arg12[%get3A_981] {strides = array<i32>} : memref<208xf32, #tpu.memory_space<vmem>>, vector<16xf32>,
      %get3A_983 = arith.constant 128 : index
      %get3A_984 = tpu.vector_load %arg13[%get3A_983] {strides = array<i32>} : memref<208xf32, #tpu.memory_space<vmem>>, vector<16xf32>,
      %max3A_985 = arith.constant 1.000000e-24 : f32
      %max3A_986 = vector.broadcast %max3A_985 : f32 to vector<16xf32>
      %max3A_987 = arith.maximumf %get3A_984, %max3A_986 : vector<16xf32>
      %bitcast3A_988 = vector.bitcast %max3A_987 : vector<16xf32> to vector<16xi32>
      %shift_right_logical3A_989 = arith.constant 1 : i32
      %shift_right_logical3A_990 = vector.broadcast %shift_right_logical3A_989 : i32 to vector<16xi32>
      %shift_right_logical3A_991 = arith.shrui %bitcast3A_988, %shift_right_logical3A_990 : vector<16xi32>
      %sub3A_992 = arith.constant 1597463007 : i32
      %sub3A_993 = vector.broadcast %sub3A_992 : i32 to vector<16xi32>
      %sub3A_994 = arith.subi %sub3A_993, %shift_right_logical3A_991 : vector<16xi32>
      %bitcast3A_995 = vector.bitcast %sub3A_994 : vector<16xi32> to vector<16xf32>
      %mul3A_996 = arith.constant 5.000000e-01 : f32
      %mul3A_997 = vector.broadcast %mul3A_996 : f32 to vector<16xf32>
      %mul3A_998 = arith.mulf %mul3A_997, %max3A_987 : vector<16xf32>
      %mul3A_999 = arith.mulf %mul3A_998, %bitcast3A_995 : vector<16xf32>
      %mul3A_1000 = arith.mulf %mul3A_999, %bitcast3A_995 : vector<16xf32>
      %sub3A_1001 = arith.constant 1.500000e+00 : f32
      %sub3A_1002 = vector.broadcast %sub3A_1001 : f32 to vector<16xf32>
      %sub3A_1003 = arith.subf %sub3A_1002, %mul3A_1000 : vector<16xf32>
      %mul3A_1004 = arith.mulf %bitcast3A_995, %sub3A_1003 : vector<16xf32>
      %mul3A_1005 = arith.constant 5.000000e-01 : f32
      %mul3A_1006 = vector.broadcast %mul3A_1005 : f32 to vector<16xf32>
      %mul3A_1007 = arith.mulf %mul3A_1006, %max3A_987 : vector<16xf32>
      %mul3A_1008 = arith.mulf %mul3A_1007, %mul3A_1004 : vector<16xf32>
      %mul3A_1009 = arith.mulf %mul3A_1008, %mul3A_1004 : vector<16xf32>
      %sub3A_1010 = arith.constant 1.500000e+00 : f32
      %sub3A_1011 = vector.broadcast %sub3A_1010 : f32 to vector<16xf32>
      %sub3A_1012 = arith.subf %sub3A_1011, %mul3A_1009 : vector<16xf32>
      %mul3A_1013 = arith.mulf %mul3A_1004, %sub3A_1012 : vector<16xf32>
      %mul3A_1014 = arith.mulf %get3A_982, %mul3A_1013 : vector<16xf32>
      %swap3A_1015 = arith.constant 128 : index
      %swap3A_1016 = tpu.vector_load %arg15[%swap3A_1015] {strides = array<i32>} : memref<208xf32, #tpu.memory_space<vmem>>, vector<16xf32>,
      tpu.vector_store %arg15[%swap3A_1015], %mul3A_1014 {strides = array<i32>} : memref<208xf32, #tpu.memory_space<vmem>>, vector<16xf32>,
      %get3A_1017 = arith.constant 144 : index
      %get3A_1018 = tpu.vector_load %arg12[%get3A_1017] {strides = array<i32>} : memref<208xf32, #tpu.memory_space<vmem>>, vector<16xf32>,
      %get3A_1019 = arith.constant 144 : index
      %get3A_1020 = tpu.vector_load %arg13[%get3A_1019] {strides = array<i32>} : memref<208xf32, #tpu.memory_space<vmem>>, vector<16xf32>,
      %max3A_1021 = arith.constant 1.000000e-24 : f32
      %max3A_1022 = vector.broadcast %max3A_1021 : f32 to vector<16xf32>
      %max3A_1023 = arith.maximumf %get3A_1020, %max3A_1022 : vector<16xf32>
      %bitcast3A_1024 = vector.bitcast %max3A_1023 : vector<16xf32> to vector<16xi32>
      %shift_right_logical3A_1025 = arith.constant 1 : i32
      %shift_right_logical3A_1026 = vector.broadcast %shift_right_logical3A_1025 : i32 to vector<16xi32>
      %shift_right_logical3A_1027 = arith.shrui %bitcast3A_1024, %shift_right_logical3A_1026 : vector<16xi32>
      %sub3A_1028 = arith.constant 1597463007 : i32
      %sub3A_1029 = vector.broadcast %sub3A_1028 : i32 to vector<16xi32>
      %sub3A_1030 = arith.subi %sub3A_1029, %shift_right_logical3A_1027 : vector<16xi32>
      %bitcast3A_1031 = vector.bitcast %sub3A_1030 : vector<16xi32> to vector<16xf32>
      %mul3A_1032 = arith.constant 5.000000e-01 : f32
      %mul3A_1033 = vector.broadcast %mul3A_1032 : f32 to vector<16xf32>
      %mul3A_1034 = arith.mulf %mul3A_1033, %max3A_1023 : vector<16xf32>
      %mul3A_1035 = arith.mulf %mul3A_1034, %bitcast3A_1031 : vector<16xf32>
      %mul3A_1036 = arith.mulf %mul3A_1035, %bitcast3A_1031 : vector<16xf32>
      %sub3A_1037 = arith.constant 1.500000e+00 : f32
      %sub3A_1038 = vector.broadcast %sub3A_1037 : f32 to vector<16xf32>
      %sub3A_1039 = arith.subf %sub3A_1038, %mul3A_1036 : vector<16xf32>
      %mul3A_1040 = arith.mulf %bitcast3A_1031, %sub3A_1039 : vector<16xf32>
      %mul3A_1041 = arith.constant 5.000000e-01 : f32
      %mul3A_1042 = vector.broadcast %mul3A_1041 : f32 to vector<16xf32>
      %mul3A_1043 = arith.mulf %mul3A_1042, %max3A_1023 : vector<16xf32>
      %mul3A_1044 = arith.mulf %mul3A_1043, %mul3A_1040 : vector<16xf32>
      %mul3A_1045 = arith.mulf %mul3A_1044, %mul3A_1040 : vector<16xf32>
      %sub3A_1046 = arith.constant 1.500000e+00 : f32
      %sub3A_1047 = vector.broadcast %sub3A_1046 : f32 to vector<16xf32>
      %sub3A_1048 = arith.subf %sub3A_1047, %mul3A_1045 : vector<16xf32>
      %mul3A_1049 = arith.mulf %mul3A_1040, %sub3A_1048 : vector<16xf32>
      %mul3A_1050 = arith.mulf %get3A_1018, %mul3A_1049 : vector<16xf32>
      %swap3A_1051 = arith.constant 144 : index
      %swap3A_1052 = tpu.vector_load %arg15[%swap3A_1051] {strides = array<i32>} : memref<208xf32, #tpu.memory_space<vmem>>, vector<16xf32>,
      tpu.vector_store %arg15[%swap3A_1051], %mul3A_1050 {strides = array<i32>} : memref<208xf32, #tpu.memory_space<vmem>>, vector<16xf32>,
      %get3A_1053 = arith.constant 160 : index
      %get3A_1054 = tpu.vector_load %arg12[%get3A_1053] {strides = array<i32>} : memref<208xf32, #tpu.memory_space<vmem>>, vector<16xf32>,
      %get3A_1055 = arith.constant 160 : index
      %get3A_1056 = tpu.vector_load %arg13[%get3A_1055] {strides = array<i32>} : memref<208xf32, #tpu.memory_space<vmem>>, vector<16xf32>,
      %max3A_1057 = arith.constant 1.000000e-24 : f32
      %max3A_1058 = vector.broadcast %max3A_1057 : f32 to vector<16xf32>
      %max3A_1059 = arith.maximumf %get3A_1056, %max3A_1058 : vector<16xf32>
      %bitcast3A_1060 = vector.bitcast %max3A_1059 : vector<16xf32> to vector<16xi32>
      %shift_right_logical3A_1061 = arith.constant 1 : i32
      %shift_right_logical3A_1062 = vector.broadcast %shift_right_logical3A_1061 : i32 to vector<16xi32>
      %shift_right_logical3A_1063 = arith.shrui %bitcast3A_1060, %shift_right_logical3A_1062 : vector<16xi32>
      %sub3A_1064 = arith.constant 1597463007 : i32
      %sub3A_1065 = vector.broadcast %sub3A_1064 : i32 to vector<16xi32>
      %sub3A_1066 = arith.subi %sub3A_1065, %shift_right_logical3A_1063 : vector<16xi32>
      %bitcast3A_1067 = vector.bitcast %sub3A_1066 : vector<16xi32> to vector<16xf32>
      %mul3A_1068 = arith.constant 5.000000e-01 : f32
      %mul3A_1069 = vector.broadcast %mul3A_1068 : f32 to vector<16xf32>
      %mul3A_1070 = arith.mulf %mul3A_1069, %max3A_1059 : vector<16xf32>
      %mul3A_1071 = arith.mulf %mul3A_1070, %bitcast3A_1067 : vector<16xf32>
      %mul3A_1072 = arith.mulf %mul3A_1071, %bitcast3A_1067 : vector<16xf32>
      %sub3A_1073 = arith.constant 1.500000e+00 : f32
      %sub3A_1074 = vector.broadcast %sub3A_1073 : f32 to vector<16xf32>
      %sub3A_1075 = arith.subf %sub3A_1074, %mul3A_1072 : vector<16xf32>
      %mul3A_1076 = arith.mulf %bitcast3A_1067, %sub3A_1075 : vector<16xf32>
      %mul3A_1077 = arith.constant 5.000000e-01 : f32
      %mul3A_1078 = vector.broadcast %mul3A_1077 : f32 to vector<16xf32>
      %mul3A_1079 = arith.mulf %mul3A_1078, %max3A_1059 : vector<16xf32>
      %mul3A_1080 = arith.mulf %mul3A_1079, %mul3A_1076 : vector<16xf32>
      %mul3A_1081 = arith.mulf %mul3A_1080, %mul3A_1076 : vector<16xf32>
      %sub3A_1082 = arith.constant 1.500000e+00 : f32
      %sub3A_1083 = vector.broadcast %sub3A_1082 : f32 to vector<16xf32>
      %sub3A_1084 = arith.subf %sub3A_1083, %mul3A_1081 : vector<16xf32>
      %mul3A_1085 = arith.mulf %mul3A_1076, %sub3A_1084 : vector<16xf32>
      %mul3A_1086 = arith.mulf %get3A_1054, %mul3A_1085 : vector<16xf32>
      %swap3A_1087 = arith.constant 160 : index
      %swap3A_1088 = tpu.vector_load %arg15[%swap3A_1087] {strides = array<i32>} : memref<208xf32, #tpu.memory_space<vmem>>, vector<16xf32>,
      tpu.vector_store %arg15[%swap3A_1087], %mul3A_1086 {strides = array<i32>} : memref<208xf32, #tpu.memory_space<vmem>>, vector<16xf32>,
      %get3A_1089 = arith.constant 176 : index
      %get3A_1090 = tpu.vector_load %arg12[%get3A_1089] {strides = array<i32>} : memref<208xf32, #tpu.memory_space<vmem>>, vector<16xf32>,
      %get3A_1091 = arith.constant 176 : index
      %get3A_1092 = tpu.vector_load %arg13[%get3A_1091] {strides = array<i32>} : memref<208xf32, #tpu.memory_space<vmem>>, vector<16xf32>,
      %max3A_1093 = arith.constant 1.000000e-24 : f32
      %max3A_1094 = vector.broadcast %max3A_1093 : f32 to vector<16xf32>
      %max3A_1095 = arith.maximumf %get3A_1092, %max3A_1094 : vector<16xf32>
      %bitcast3A_1096 = vector.bitcast %max3A_1095 : vector<16xf32> to vector<16xi32>
      %shift_right_logical3A_1097 = arith.constant 1 : i32
      %shift_right_logical3A_1098 = vector.broadcast %shift_right_logical3A_1097 : i32 to vector<16xi32>
      %shift_right_logical3A_1099 = arith.shrui %bitcast3A_1096, %shift_right_logical3A_1098 : vector<16xi32>
      %sub3A_1100 = arith.constant 1597463007 : i32
      %sub3A_1101 = vector.broadcast %sub3A_1100 : i32 to vector<16xi32>
      %sub3A_1102 = arith.subi %sub3A_1101, %shift_right_logical3A_1099 : vector<16xi32>
      %bitcast3A_1103 = vector.bitcast %sub3A_1102 : vector<16xi32> to vector<16xf32>
      %mul3A_1104 = arith.constant 5.000000e-01 : f32
      %mul3A_1105 = vector.broadcast %mul3A_1104 : f32 to vector<16xf32>
      %mul3A_1106 = arith.mulf %mul3A_1105, %max3A_1095 : vector<16xf32>
      %mul3A_1107 = arith.mulf %mul3A_1106, %bitcast3A_1103 : vector<16xf32>
      %mul3A_1108 = arith.mulf %mul3A_1107, %bitcast3A_1103 : vector<16xf32>
      %sub3A_1109 = arith.constant 1.500000e+00 : f32
      %sub3A_1110 = vector.broadcast %sub3A_1109 : f32 to vector<16xf32>
      %sub3A_1111 = arith.subf %sub3A_1110, %mul3A_1108 : vector<16xf32>
      %mul3A_1112 = arith.mulf %bitcast3A_1103, %sub3A_1111 : vector<16xf32>
      %mul3A_1113 = arith.constant 5.000000e-01 : f32
      %mul3A_1114 = vector.broadcast %mul3A_1113 : f32 to vector<16xf32>
      %mul3A_1115 = arith.mulf %mul3A_1114, %max3A_1095 : vector<16xf32>
      %mul3A_1116 = arith.mulf %mul3A_1115, %mul3A_1112 : vector<16xf32>
      %mul3A_1117 = arith.mulf %mul3A_1116, %mul3A_1112 : vector<16xf32>
      %sub3A_1118 = arith.constant 1.500000e+00 : f32
      %sub3A_1119 = vector.broadcast %sub3A_1118 : f32 to vector<16xf32>
      %sub3A_1120 = arith.subf %sub3A_1119, %mul3A_1117 : vector<16xf32>
      %mul3A_1121 = arith.mulf %mul3A_1112, %sub3A_1120 : vector<16xf32>
      %mul3A_1122 = arith.mulf %get3A_1090, %mul3A_1121 : vector<16xf32>
      %swap3A_1123 = arith.constant 176 : index
      %swap3A_1124 = tpu.vector_load %arg15[%swap3A_1123] {strides = array<i32>} : memref<208xf32, #tpu.memory_space<vmem>>, vector<16xf32>,
      tpu.vector_store %arg15[%swap3A_1123], %mul3A_1122 {strides = array<i32>} : memref<208xf32, #tpu.memory_space<vmem>>, vector<16xf32>,
      %get3A_1125 = arith.constant 192 : index
      %get3A_1126 = tpu.vector_load %arg12[%get3A_1125] {strides = array<i32>} : memref<208xf32, #tpu.memory_space<vmem>>, vector<16xf32>,
      %get3A_1127 = arith.constant 192 : index
      %get3A_1128 = tpu.vector_load %arg13[%get3A_1127] {strides = array<i32>} : memref<208xf32, #tpu.memory_space<vmem>>, vector<16xf32>,
      %max3A_1129 = arith.constant 1.000000e-24 : f32
      %max3A_1130 = vector.broadcast %max3A_1129 : f32 to vector<16xf32>
      %max3A_1131 = arith.maximumf %get3A_1128, %max3A_1130 : vector<16xf32>
      %bitcast3A_1132 = vector.bitcast %max3A_1131 : vector<16xf32> to vector<16xi32>
      %shift_right_logical3A_1133 = arith.constant 1 : i32
      %shift_right_logical3A_1134 = vector.broadcast %shift_right_logical3A_1133 : i32 to vector<16xi32>
      %shift_right_logical3A_1135 = arith.shrui %bitcast3A_1132, %shift_right_logical3A_1134 : vector<16xi32>
      %sub3A_1136 = arith.constant 1597463007 : i32
      %sub3A_1137 = vector.broadcast %sub3A_1136 : i32 to vector<16xi32>
      %sub3A_1138 = arith.subi %sub3A_1137, %shift_right_logical3A_1135 : vector<16xi32>
      %bitcast3A_1139 = vector.bitcast %sub3A_1138 : vector<16xi32> to vector<16xf32>
      %mul3A_1140 = arith.constant 5.000000e-01 : f32
      %mul3A_1141 = vector.broadcast %mul3A_1140 : f32 to vector<16xf32>
      %mul3A_1142 = arith.mulf %mul3A_1141, %max3A_1131 : vector<16xf32>
      %mul3A_1143 = arith.mulf %mul3A_1142, %bitcast3A_1139 : vector<16xf32>
      %mul3A_1144 = arith.mulf %mul3A_1143, %bitcast3A_1139 : vector<16xf32>
      %sub3A_1145 = arith.constant 1.500000e+00 : f32
      %sub3A_1146 = vector.broadcast %sub3A_1145 : f32 to vector<16xf32>
      %sub3A_1147 = arith.subf %sub3A_1146, %mul3A_1144 : vector<16xf32>
      %mul3A_1148 = arith.mulf %bitcast3A_1139, %sub3A_1147 : vector<16xf32>
      %mul3A_1149 = arith.constant 5.000000e-01 : f32
      %mul3A_1150 = vector.broadcast %mul3A_1149 : f32 to vector<16xf32>
      %mul3A_1151 = arith.mulf %mul3A_1150, %max3A_1131 : vector<16xf32>
      %mul3A_1152 = arith.mulf %mul3A_1151, %mul3A_1148 : vector<16xf32>
      %mul3A_1153 = arith.mulf %mul3A_1152, %mul3A_1148 : vector<16xf32>
      %sub3A_1154 = arith.constant 1.500000e+00 : f32
      %sub3A_1155 = vector.broadcast %sub3A_1154 : f32 to vector<16xf32>
      %sub3A_1156 = arith.subf %sub3A_1155, %mul3A_1153 : vector<16xf32>
      %mul3A_1157 = arith.mulf %mul3A_1148, %sub3A_1156 : vector<16xf32>
      %mul3A_1158 = arith.mulf %get3A_1126, %mul3A_1157 : vector<16xf32>
      %swap3A_1159 = arith.constant 192 : index
      %swap3A_1160 = tpu.vector_load %arg15[%swap3A_1159] {strides = array<i32>} : memref<208xf32, #tpu.memory_space<vmem>>, vector<16xf32>,
      tpu.vector_store %arg15[%swap3A_1159], %mul3A_1158 {strides = array<i32>} : memref<208xf32, #tpu.memory_space<vmem>>, vector<16xf32>,
      %add3A_1161 = arith.addi %mul3A_2, %add3A_609 : i32
      %mul3A_1162 = arith.constant 200 : i32
      %mul3A_1163 = arith.muli %add3A_1161, %mul3A_1162 : i32
      %dma_start3A_1164 = arith.constant 0 : i32
      %dma_start3A_1165 = tpu.memref_slice %arg15[%dma_start3A_1164] : memref<208xf32, #tpu.memory_space<vmem>> -> memref<200xf32, #tpu.memory_space<vmem>>
      %dma_start3A_1166 = tpu.memref_slice %arg5[%mul3A_1163] : memref<204800xf32, #tpu.memory_space<hbm>> -> memref<200xf32, #tpu.memory_space<hbm>>
      %dma_start3A_1167 = tpu.memref_slice %arg5[%mul3A_1163] : memref<204800xf32, #tpu.memory_space<hbm>> -> memref<200xf32, #tpu.memory_space<hbm>>
      %dma_start3A_1168 = arith.constant 0 : i32
      %dma_start3A_1169 = tpu.memref_slice %arg15[%dma_start3A_1168] : memref<208xf32, #tpu.memory_space<vmem>> -> memref<200xf32, #tpu.memory_space<vmem>>
      tpu.enqueue_dma source(%dma_start3A_1169 : memref<200xf32, #tpu.memory_space<vmem>>) target(%dma_start3A_1167 : memref<200xf32, #tpu.memory_space<hbm>>) target_semaphore(%arg21 : memref<!tpu.dma_semaphore, #tpu.memory_space<semaphore_mem>>)
    }
    %scan3A_30 = arith.constant 16 : i32
    %add3A_31 = arith.constant 32 : i32
    %add3A_32 = arith.addi %mul3A_2, %add3A_31 : i32
    %sub3A = arith.constant 2 : i32
    %sub3A_33 = arith.subi %add3A_32, %sub3A : i32
    %mul3A_34 = arith.constant 200 : i32
    %mul3A_35 = arith.muli %sub3A_33, %mul3A_34 : i32
    %dma_wait3A = arith.constant 0 : i32
    %dma_wait3A_36 = tpu.memref_slice %arg14[%dma_wait3A] : memref<208xf32, #tpu.memory_space<vmem>> -> memref<200xf32, #tpu.memory_space<vmem>>
    %dma_wait3A_37 = tpu.memref_slice %arg5[%mul3A_35] : memref<204800xf32, #tpu.memory_space<hbm>> -> memref<200xf32, #tpu.memory_space<hbm>>
    %dma_wait3A_38 = tpu.memref_slice %arg5[%mul3A_35] : memref<204800xf32, #tpu.memory_space<hbm>> -> memref<200xf32, #tpu.memory_space<hbm>>
    %dma_wait3A_39 = arith.constant 0 : i32
    %dma_wait3A_40 = tpu.memref_slice %arg14[%dma_wait3A_39] : memref<208xf32, #tpu.memory_space<vmem>> -> memref<200xf32, #tpu.memory_space<vmem>>
    tpu.wait_dma2 semaphore(%arg20 : memref<!tpu.dma_semaphore, #tpu.memory_space<semaphore_mem>>) src(%dma_wait3A_40 : memref<200xf32, #tpu.memory_space<vmem>>) dst(%dma_wait3A_38 : memref<200xf32, #tpu.memory_space<hbm>>)
    %add3A_41 = arith.constant 32 : i32
    %add3A_42 = arith.addi %mul3A_2, %add3A_41 : i32
    %sub3A_43 = arith.constant 1 : i32
    %sub3A_44 = arith.subi %add3A_42, %sub3A_43 : i32
    %mul3A_45 = arith.constant 200 : i32
    %mul3A_46 = arith.muli %sub3A_44, %mul3A_45 : i32
    %dma_wait3A_47 = arith.constant 0 : i32
    %dma_wait3A_48 = tpu.memref_slice %arg15[%dma_wait3A_47] : memref<208xf32, #tpu.memory_space<vmem>> -> memref<200xf32, #tpu.memory_space<vmem>>
    %dma_wait3A_49 = tpu.memref_slice %arg5[%mul3A_46] : memref<204800xf32, #tpu.memory_space<hbm>> -> memref<200xf32, #tpu.memory_space<hbm>>
    %dma_wait3A_50 = tpu.memref_slice %arg5[%mul3A_46] : memref<204800xf32, #tpu.memory_space<hbm>> -> memref<200xf32, #tpu.memory_space<hbm>>
    %dma_wait3A_51 = arith.constant 0 : i32
    %dma_wait3A_52 = tpu.memref_slice %arg15[%dma_wait3A_51] : memref<208xf32, #tpu.memory_space<vmem>> -> memref<200xf32, #tpu.memory_space<vmem>>
    tpu.wait_dma2 semaphore(%arg21 : memref<!tpu.dma_semaphore, #tpu.memory_space<semaphore_mem>>) src(%dma_wait3A_52 : memref<200xf32, #tpu.memory_space<vmem>>) dst(%dma_wait3A_50 : memref<200xf32, #tpu.memory_space<hbm>>)
    return
  }
}

module attributes {stable_mosaic.version = 14 : i64} {
  func.func @_mlp_body(%arg0: memref<1024x384xf32, #tpu.memory_space<vmem>>, %arg1: memref<384x512xf32, #tpu.memory_space<vmem>>, %arg2: memref<1x512xf32, #tpu.memory_space<vmem>>, %arg3: memref<512x256xf32, #tpu.memory_space<vmem>>, %arg4: memref<1x256xf32, #tpu.memory_space<vmem>>, %arg5: memref<1x256xf32, #tpu.memory_space<vmem>>, %arg6: memref<1x256xf32, #tpu.memory_space<vmem>>, %arg7: memref<1024x256xf32, #tpu.memory_space<vmem>>) attributes {dimension_semantics = [], scalar_prefetch = 0 : i64, scratch_operands = 0 : i64, tpu.core_type = #tpu.core_type<tc>} {
    %get3A = arith.constant 0 : index
    %get3A_0 = arith.constant 0 : index
    %get3A_1 = vector.load %arg0[%get3A, %get3A_0] : memref<1024x384xf32, #tpu.memory_space<vmem>>, vector<1024x384xf32>
    %get3A_2 = arith.constant 0 : index
    %get3A_3 = arith.constant 0 : index
    %get3A_4 = vector.load %arg1[%get3A_2, %get3A_3] : memref<384x512xf32, #tpu.memory_space<vmem>>, vector<384x512xf32>
    %dot_general3A = arith.constant dense<0.000000e+00> : vector<1024x512xf32>
    %dot_general3A_5 = tpu.matmul %get3A_1, %get3A_4, %dot_general3A {dimension_numbers = #tpu.dot_dimension_numbers<[1], [0], [0], [1], [0, 0, 1, 1], [], []>, transpose_lhs_hint = false} : vector<1024x384xf32>, vector<384x512xf32>, vector<1024x512xf32> -> vector<1024x512xf32>
    %get3A_6 = arith.constant 0 : index
    %get3A_7 = arith.constant 0 : index
    %get3A_8 = vector.load %arg2[%get3A_6, %get3A_7] : memref<1x512xf32, #tpu.memory_space<vmem>>, vector<1x512xf32>
    %add3A = vector.broadcast %get3A_8 : vector<1x512xf32> to vector<1024x512xf32>
    %add3A_9 = arith.addf %dot_general3A_5, %add3A : vector<1024x512xf32>
    %max3A = arith.constant 0.000000e+00 : f32
    %max3A_10 = vector.broadcast %max3A : f32 to vector<1024x512xf32>
    %max3A_11 = arith.maximumf %add3A_9, %max3A_10 : vector<1024x512xf32>
    %get3A_12 = arith.constant 0 : index
    %get3A_13 = arith.constant 0 : index
    %get3A_14 = vector.load %arg3[%get3A_12, %get3A_13] : memref<512x256xf32, #tpu.memory_space<vmem>>, vector<512x256xf32>
    %dot_general3A_15 = arith.constant dense<0.000000e+00> : vector<1024x256xf32>
    %dot_general3A_16 = tpu.matmul %max3A_11, %get3A_14, %dot_general3A_15 {dimension_numbers = #tpu.dot_dimension_numbers<[1], [0], [0], [1], [0, 0, 1, 1], [], []>, transpose_lhs_hint = false} : vector<1024x512xf32>, vector<512x256xf32>, vector<1024x256xf32> -> vector<1024x256xf32>
    %get3A_17 = arith.constant 0 : index
    %get3A_18 = arith.constant 0 : index
    %get3A_19 = vector.load %arg4[%get3A_17, %get3A_18] : memref<1x256xf32, #tpu.memory_space<vmem>>, vector<1x256xf32>
    %add3A_20 = vector.broadcast %get3A_19 : vector<1x256xf32> to vector<1024x256xf32>
    %add3A_21 = arith.addf %dot_general3A_16, %add3A_20 : vector<1024x256xf32>
    %reduce_sum3A = arith.constant dense<0.000000e+00> : vector<1024xf32>
    %reduce_sum3A_22 = vector.multi_reduction <add>, %add3A_21, %reduce_sum3A [1] : vector<1024x256xf32> to vector<1024xf32>
    %broadcast_in_dim3A = vector.shape_cast %reduce_sum3A_22 : vector<1024xf32> to vector<1024x1xf32>
    %div3A = arith.constant 2.560000e+02 : f32
    %div3A_23 = vector.broadcast %div3A : f32 to vector<1024x1xf32>
    %div3A_24 = arith.divf %broadcast_in_dim3A, %div3A_23 : vector<1024x1xf32>
    %sub3A = vector.broadcast %div3A_24 : vector<1024x1xf32> to vector<1024x256xf32>
    %sub3A_25 = arith.subf %add3A_21, %sub3A : vector<1024x256xf32>
    %integer_pow3A = arith.mulf %sub3A_25, %sub3A_25 : vector<1024x256xf32>
    %reduce_sum3A_26 = arith.constant dense<0.000000e+00> : vector<1024xf32>
    %reduce_sum3A_27 = vector.multi_reduction <add>, %integer_pow3A, %reduce_sum3A_26 [1] : vector<1024x256xf32> to vector<1024xf32>
    %broadcast_in_dim3A_28 = vector.shape_cast %reduce_sum3A_27 : vector<1024xf32> to vector<1024x1xf32>
    %div3A_29 = arith.constant 2.560000e+02 : f32
    %div3A_30 = vector.broadcast %div3A_29 : f32 to vector<1024x1xf32>
    %div3A_31 = arith.divf %broadcast_in_dim3A_28, %div3A_30 : vector<1024x1xf32>
    %sub3A_32 = vector.broadcast %div3A_24 : vector<1024x1xf32> to vector<1024x256xf32>
    %sub3A_33 = arith.subf %add3A_21, %sub3A_32 : vector<1024x256xf32>
    %add3A_34 = arith.constant 9.99999974E-6 : f32
    %add3A_35 = vector.broadcast %add3A_34 : f32 to vector<1024x1xf32>
    %add3A_36 = arith.addf %div3A_31, %add3A_35 : vector<1024x1xf32>
    %sqrt3A = math.sqrt %add3A_36 : vector<1024x1xf32>
    %div3A_37 = vector.broadcast %sqrt3A : vector<1024x1xf32> to vector<1024x256xf32>
    %div3A_38 = arith.divf %sub3A_33, %div3A_37 : vector<1024x256xf32>
    %get3A_39 = arith.constant 0 : index
    %get3A_40 = arith.constant 0 : index
    %get3A_41 = vector.load %arg5[%get3A_39, %get3A_40] : memref<1x256xf32, #tpu.memory_space<vmem>>, vector<1x256xf32>
    %mul3A = vector.broadcast %get3A_41 : vector<1x256xf32> to vector<1024x256xf32>
    %mul3A_42 = arith.mulf %div3A_38, %mul3A : vector<1024x256xf32>
    %get3A_43 = arith.constant 0 : index
    %get3A_44 = arith.constant 0 : index
    %get3A_45 = vector.load %arg6[%get3A_43, %get3A_44] : memref<1x256xf32, #tpu.memory_space<vmem>>, vector<1x256xf32>
    %add3A_46 = vector.broadcast %get3A_45 : vector<1x256xf32> to vector<1024x256xf32>
    %add3A_47 = arith.addf %mul3A_42, %add3A_46 : vector<1024x256xf32>
    %mul3A_48 = arith.mulf %add3A_47, %add3A_47 : vector<1024x256xf32>
    %reduce_sum3A_49 = arith.constant dense<0.000000e+00> : vector<1024xf32>
    %reduce_sum3A_50 = vector.multi_reduction <add>, %mul3A_48, %reduce_sum3A_49 [1] : vector<1024x256xf32> to vector<1024xf32>
    %broadcast_in_dim3A_51 = vector.shape_cast %reduce_sum3A_50 : vector<1024xf32> to vector<1024x1xf32>
    %sqrt3A_52 = math.sqrt %broadcast_in_dim3A_51 : vector<1024x1xf32>
    %max3A_53 = arith.constant 9.99999996E-13 : f32
    %max3A_54 = vector.broadcast %max3A_53 : f32 to vector<1024x1xf32>
    %max3A_55 = arith.maximumf %sqrt3A_52, %max3A_54 : vector<1024x1xf32>
    %div3A_56 = vector.broadcast %max3A_55 : vector<1024x1xf32> to vector<1024x256xf32>
    %div3A_57 = arith.divf %add3A_47, %div3A_56 : vector<1024x256xf32>
    %swap3A = arith.constant 0 : index
    %swap3A_58 = arith.constant 0 : index
    %swap3A_59 = vector.load %arg7[%swap3A, %swap3A_58] : memref<1024x256xf32, #tpu.memory_space<vmem>>, vector<1024x256xf32>
    tpu.vector_store %arg7[%swap3A, %swap3A_58], %div3A_57 {strides = array<i32>} : memref<1024x256xf32, #tpu.memory_space<vmem>>, vector<1024x256xf32>,
    return
  }
}

</mosaic_0001>

<sc_bundles>
// kernel: kernel.4.cloned.1.call-start
scs
__scs_entry_jumppad:
0x0: {  	(pc) =	sbr.rel $0x88, $3  }
0x1: {  	(tag) =	ssettag $0x0;
	lr =	simm.s32 $0x1  }
0x2: {  	[smem:$0x3F98] =	sst lr;
	_ =	strace $0xD0000000  }
0x3: {  	_ = 	snop  }
0x4: {  	_ = 	snop  }
0x5: {  	_ = 	snop  }
0x6: {  	_ = 	snop  }
0x7: {  	_ = 	snop  }
__scs_overlays_trampoline_lowered:
0x8: {  	[smem:$0x3FA7] =	sst s0  }
0x9: {  	[smem:$0x3FA8] =	sst s1  }
0xa: {  	[smem:$0x3FA9] =	sst s2  }
0xb: {  	[smem:$0x3FAA] =	sst s3  }
0xc: {  	[smem:$0x3FAB] =	sst s4  }
0xd: {  	[smem:$0x3FAC] =	sst s5  }
0xe: {  	[smem:$0x3FAD] =	sst s6  }
0xf: {  	[smem:$0x3FAE] =	sst s7  }
0x10: {  	[smem:$0x3FAF] =	sst s8  }
0x11: {  	[smem:$0x3FB0] =	sst s9;
	s0 =	simm.s32 @!p0 $0x0  }
0x12: {  	s1 =	sld [smem:$0x3F96];
	s0 =	simm.s32 @p0 $0x1  }
0x13: {  	[smem:$0x3FB1] =	sst s0;
	s0 =	simm.s32 @!p1 $0x0  }
0x14: {  	s2 =	sld [smem:$0x3F95];
	s0 =	simm.s32 @p1 $0x1  }
0x15: {  	[smem:$0x3FB2] =	sst s0;
	s0 =	simm.s32 @!p2 $0x0  }
0x16: {  	s3 =	sld [smem:$0x3FDB];
	s0 =	simm.s32 @p2 $0x1  }
0x17: {  	s4 =	simm.s32 $0x1BF5;
	[smem:$0x3FB4] =	sst s0  }
0x18: {  	s0 =	sld [smem:$0x3F97];
	_ =	swait.ge [sflag:s4], $0x0  }
0x19: {  	s7 =	sld [smem:$0x3F98]  }
0x1a: {  	s8 =	sadd.s32 $0xFFFFE003, lr  }
0x1b: {  	s9 =	sadd.s32 $0xFFFFFEF7, lr;
	s5 =	simm.s32 $0xFFFFFFFF;
	p2 =	slt.u32 s8, $0xFFFFF086  }
0x1c: {  	p1 =	slt.u32 s9, $0xF7A;
	s5 =	simm.s32 @!p2 $0x0  }
0x1d: {  	s5 =	simm.s32 @p1 $0x1;
	p0 =	seq.s32 s7, s2  }
0x1e: {  	s7 =	smul.u32 @!p0 $0xF7A, s2;
	p2 =	seq.s32 @!p0 s5, $0x0  }
0x1f: {  	s9 =	smul.u32 $0xF7A, s1;
	s8 =	simm.s32 @!p0 $0x1BF5;
	p2 =	por !p2, p0  }
0x20: {  	[sflag:s8] =	ssyncset.s32 @!p0 $0xFFFFF086;
	s6 =	sadd.s32 @!p0 s3, s7;
	s7 =	simm.s32 @!p0 $0x108  }
0x21: {  	s3 =	sadd.s32 s3, s9;
	s6 =	sadd.s32 @!p0 $0x88, s6;
	s7 =	simm.s32 @p2 $0x1082  }
0x22: {  	[simem:s7], [sflag:s8] =	dma.local @!p0 [hbm:s6], $0xF7A  }
0x23: {  	s9 =	sor.u32 $0xD0000000, s2;
	s6 =	simm.s32 $0x108;
	_ =	swait.ge @!p0 [sflag:s8], $0x0  }
0x24: {  	s3 =	sadd.s32 $0x88, s3;
	s6 =	simm.s32 @!p1 $0x1082;
	[sflag:s4] =	ssyncset.s32 $0xFFFFF086  }
0x25: {  	[simem:s6], [sflag:s4] =	dma.local [hbm:s3], $0xF7A  }
0x26: {  	[smem:$0x3F98] =	sst s1;
	(tag) =	ssettag s2;
	_ =	strace s9  }
0x27: {  	s1 =	sld [smem:$0x3FA8]  }
0x28: {  	s2 =	sld [smem:$0x3FA9]  }
0x29: {  	s4 =	sld [smem:$0x3FAB]  }
0x2a: {  	p0 =	seq.s32 s5, $0x0;
	s5 =	sld [smem:$0x3FAC]  }
0x2b: {  	s6 =	sld [smem:$0x3FAD]  }
0x2c: {  	s7 =	sld [smem:$0x3FAE]  }
0x2d: {  	s3 =	simm.s32 $0x108;
	s8 =	sld [smem:$0x3FAF]  }
0x2e: {  	s3 =	simm.s32 @!p0 $0x1082;
	s9 =	sld [smem:$0x3FB0]  }
0x2f: {  	lr =	sadd.s32 s0, s3;
	s0 =	sld [smem:$0x3FA7]  }
0x30: {  	s3 =	sld [smem:$0x3FAA]  }
0x31: {  	[smem:$0x3FB3] =	sst s10  }
0x32: {  	s10 =	sld [smem:$0x3FB1];
	_ =	sdelay $0x3  }
0x33: {  	p0 =	seq.s32 s10, $0x1;
	s10 =	sld [smem:$0x3FB3];
	_ =	sdelay $0x3  }
0x34: {  	[smem:$0x3FB3] =	sst s10  }
0x35: {  	s10 =	sld [smem:$0x3FB2];
	_ =	sdelay $0x3  }
0x36: {  	p1 =	seq.s32 s10, $0x1;
	s10 =	sld [smem:$0x3FB3];
	_ =	sdelay $0x3  }
0x37: {  	[smem:$0x3FB3] =	sst s10  }
0x38: {  	s10 =	sld [smem:$0x3FB4]  }
0x39: {  	_ = 	snop;
	(pc) =	sbr.ind lr, $3  }
0x3a: {  	_ = 	snop  }
0x3b: {  	_ = 	snop  }
0x3c: {  	p2 =	seq.s32 s10, $0x1;
	s10 =	sld [smem:$0x3FB3]  }
0x3d: {  	_ =	shalt  }
0x3e: {  	_ =	shalt  }
0x3f: {  	_ =	shalt  }
0x40: {  	_ =	shalt  }
0x41: {  	_ =	shalt  }
0x42: {  	_ =	shalt  }
0x43: {  	_ =	shalt  }
0x44: {  	_ =	shalt  }
0x45: {  	_ =	shalt  }
0x46: {  	_ =	shalt  }
0x47: {  	_ =	shalt  }
0x48: {  	_ =	shalt  }
0x49: {  	_ =	shalt  }
0x4a: {  	_ =	shalt  }
0x4b: {  	_ =	shalt  }
0x4c: {  	_ =	shalt  }
0x4d: {  	_ =	shalt  }
0x4e: {  	_ =	shalt  }
0x4f: {  	_ =	shalt  }
0x50: {  	_ =	shalt  }
0x51: {  	_ =	shalt  }
0x52: {  	_ =	shalt  }
0x53: {  	_ =	shalt  }
0x54: {  	_ =	shalt  }
0x55: {  	_ =	shalt  }
0x56: {  	_ =	shalt  }
0x57: {  	_ =	shalt  }
0x58: {  	_ =	shalt  }
0x59: {  	_ =	shalt  }
0x5a: {  	_ =	shalt  }
0x5b: {  	_ =	shalt  }
0x5c: {  	_ =	shalt  }
0x5d: {  	_ =	shalt  }
0x5e: {  	_ =	shalt  }
0x5f: {  	_ =	shalt  }
0x60: {  	_ =	shalt  }
0x61: {  	_ =	shalt  }
0x62: {  	_ =	shalt  }
0x63: {  	_ =	shalt  }
0x64: {  	_ =	shalt  }
0x65: {  	_ =	shalt  }
0x66: {  	_ =	shalt  }
0x67: {  	_ =	shalt  }
0x68: {  	_ =	shalt  }
0x69: {  	_ =	shalt  }
0x6a: {  	_ =	shalt  }
0x6b: {  	_ =	shalt  }
0x6c: {  	_ =	shalt  }
0x6d: {  	_ =	shalt  }
0x6e: {  	_ =	shalt  }
0x6f: {  	_ =	shalt  }
0x70: {  	_ =	shalt  }
0x71: {  	_ =	shalt  }
0x72: {  	_ =	shalt  }
0x73: {  	_ =	shalt  }
0x74: {  	_ =	shalt  }
0x75: {  	_ =	shalt  }
0x76: {  	_ =	shalt  }
0x77: {  	_ =	shalt  }
0x78: {  	_ =	shalt  }
0x79: {  	_ =	shalt  }
0x7a: {  	_ =	shalt  }
0x7b: {  	_ =	shalt  }
0x7c: {  	_ =	shalt  }
0x7d: {  	_ =	shalt  }
0x7e: {  	_ =	shalt  }
0x7f: {  	_ =	shalt  }
0x80: {  	_ =	shalt  }
0x81: {  	_ =	shalt  }
0x82: {  	_ =	shalt  }
0x83: {  	_ =	shalt  }
0x84: {  	_ =	shalt  }
0x85: {  	_ =	shalt  }
0x86: {  	_ =	shalt  }
0x87: {  	_ =	shalt  }
.Lfunc_end0:
.L_simem_size_0:
called_computation_lowered:
.L_overlay_start_0:
0x88: {  	s2 =	sld [smem:$0x3FD9]  }
0x89: {  	s3 =	sld [smem:$0x3FFE];
	_ =	sdelay $0x1  }
0x8a: {  	s1 =	srdreg.scid  }
0x8b: {  	s0 =	sand.u32 $0x1, s1  }
0x8c: {  	s14 =	sshll.u32 s0, $0xA;
	s2 =	sadd.s32 s3, s2  }
0x8d: {  	s2 =	sadd.s32 s2, s14  }
0x8e: {  	[smem:$0x3FBF] =	sst s2  }
0x8f: {  	_ = 	snop  }
0x90: {  	s2 =	sld [smem:$0x3FD0];
	_ =	sdelay $0x2  }
0x91: {  	s4 =	simm.s32 $0xA;
	s5 =	simm.s32 $0x10;
	s15 =	sld [smem:$0x3FC1]  }
0x92: {  	[smem:s5], [sflag:s4] =	dma.local [hbm:s2], $0x1  }
0x93: {  	_ =	swait.eq [sflag:s4], $0x1  }
0x94: {  	[sflag:s4] =	ssyncset.done $0x0  }
0x95: {  	s16 =	sld [smem:$0x10];
	[sflag:s4] =	ssyncadd.s32 $0xFFFFFFFF  }
0x96: {  	s17 =	sld [smem:$0x11];
	(tm) =	ssettm $0x1  }
0x97: {  	s18 =	sld [smem:$0x3FFB];
	_ =	sdelay $0x3  }
0x98: {  	_ =	strace s18  }
0x99: {  	s5 =	sld [smem:$0x3FFC];
	_ =	sdelay $0x3  }
0x9a: {  	_ =	strace s5  }
0x9b: {  	s5 =	sld [smem:$0x3FFD];
	_ =	sdelay $0x3  }
0x9c: {  	_ =	strace s5  }
0x9d: {  	_ =	strace $0x8FFFFFFF  }
0x9e: {  	s19 =	sld [smem:$0x3FDB];
	_ =	sdelay $0x1  }
0x9f: {  	s6 =	simm.s32 $_scs_section_size  }
0xa0: {  	s7 =	simm.s32 $_size__tile_overlayer_lowered;
	s8 =	simm.s32 $_tile_overlayer_lowered  }
0xa1: {  	s22 =	simm.s32 $0x1BFF;
	s21 =	sshll.u32 s8, $0x1;
	s5 =	sadd.s32 s6, s19  }
0xa2: {  	s9 =	simm.s32 $0x0;
	s20 =	sshll.u32 s7, $0x1;
	s7 =	sadd.s32 s21, s5  }
0xa3: {  	[timem:s9], [sflag:s22] =	dma.local [hbm:s7], s20  }
0xa4: {  	_ =	swait.ge [sflag:s22], s20  }
0xa5: {  	s6 =	ssub.s32 $0x0, s20;
	[sflag:s22] =	ssyncset.done $0x0  }
0xa6: {  	[sflag:s22] =	ssyncadd.s32 s6;
	_ =	sdelay $0x1  }
0xa7: {  	s23 =	simm.s32 $0x1B8B  }
0xa8: {  	_ =	swait.ge [sflag:s23], $0x1  }
0xa9: {  	[sflag:s23] =	ssyncset.done $0x0  }
0xaa: {  	s25 =	simm.s32 $0x1B8E;
	s24 =	sld [smem:$0x3FFE];
	[sflag:s23] =	ssyncadd.s32 $0xFFFFFFFF  }
0xab: {  	s26 =	simm.s32 $execute0_lowered;
	[smem:$0x3FD2] =	sst s25  }
0xac: {  	s7 =	sshll.u32 s26, $0x1;
	_ =	strace $0x80000046;
	[dreg:$0x1] =	wrdreg $0xFFFFFFFF  }
0xad: {  	s28 =	simm.s32 $_size_execute0_lowered;
	s5 =	sadd.s32 s5, s7;
	[dreg:$0x0] =	wrdreg $0x0  }
0xae: {  	s7 =	sshll.u32 s28, $0x1;
	[dreg:$0x2] =	wrdreg s5  }
0xaf: {  	[dreg:$0x3] =	wrdreg s7  }
0xb0: {  	[dreg:$0x4] =	wrdreg $0xC0  }
0xb1: {  	_ =	task [dreg:s9], $0x5FFFF  }
0xb2: {  	[dreg:$0x1] =	wrdreg $0xFFFFFFFF  }
0xb3: {  	[dreg:$0x0] =	wrdreg $0x60  }
0xb4: {  	[dreg:$0x2] =	wrdreg s16  }
0xb5: {  	[dreg:$0x3] =	wrdreg s17  }
0xb6: {  	[dreg:$0x4] =	wrdreg s15  }
0xb7: {  	[dreg:$0x5] =	wrdreg s24  }
0xb8: {  	[dreg:$0x6] =	wrdreg $0x9  }
0xb9: {  	_ =	task.clear_ibuf [dreg:s9], $0x7FFFF;
	_ =	strace $0x90000046  }
0xba: {  	s29 =	simm.s32 $0x9;
	_ =	strace $0x80000048  }
0xbb: {  	_ =	swait.ge [sflag:s29], $0x1  }
0xbc: {  	[sflag:s29] =	ssyncadd.s32 $0xFFFFFFFF  }
0xbd: {  	_ =	strace $0x90000048  }
0xbe: {  	_ =	sfence  }
0xbf: {  	s30 =	sld [smem:$0x0];
	_ =	sdelay $0x2  }
0xc0: {  	s31 =	sshll.u32 s1, $0xD;
	s1 =	sshrl.u32 s1, $0x2  }
0xc1: {  	s3 =	sand.u32 $0x4000, s31;
	s1 =	sadd.s32 s1, s30  }
0xc2: {  	s0 =	sor.u32 s3, s0;
	s1 =	sshll.u32 s1, $0x11  }
0xc3: {  	s0 =	sor.u32 s1, s0  }
0xc4: {  	s0 =	sadd.s32 $0x8F2B, s0  }
0xc5: {  	[sflag:s0] =	ssyncadd.remote.s32 $0x1  }
0xc6: {  	_ =	sfence.sel $0xFFFF  }
0xc7: {  	[dreg:$0x0] =	wrdreg $0xFFFFFFFF;
	(pc) =	sbr.abs _section_cstart, $3  }
0xc8: {  	[dreg:$0x1] =	wrdreg $0xFFFFFFFF  }
0xc9: {  	_ =	task.clear_ibuf [dreg:s9], $0x2FFFF;
	_ =	strace $0x9FFFFFFF  }
0xca: {  	(tm) =	ssettm $0x7FFFFFFF  }
0xcb: {  	_ =	shalt  }
tec
execute0_lowered:
.L_overlay_start_1:
0x0: {  	(tag) =	ssettag $0x1  }
0x1: {  	s0 =	rddreg [dreg:$0x0]  }
0x2: {  	s1 =	rddreg [dreg:$0x1]  }
0x3: {  	s2 =	rddreg [dreg:$0x3]  }
0x4: {  	s5 =	simm.s32 $0x0;
	s3 =	srdreg.scid;
	s4 =	stileid.u32  }
0x5: {  	[smem:$0x7FF] =	sst s5;
	s3 =	sand.u32 $0x1, s3;
	s4 =	sshll.u32 s4, $0x1  }
0x6: {  	s2 =	sadd.s32 $0x1200, s2;
	s26 =	ssub.s32 $0x2, s3;
	s3 =	sor.u32 s3, s4  }
0x7: {  	vm1 =	vcmask $0x3F3C;
	_ =	strace $0x80000047;
	[dreg:$0xf] =	wrdreg s2;
	s4 =	smul.u32 $0x320, s3  }
.Ltmp0:
0x8: {  	s29 =	sshll.u32 s3, $0x5;
	s3 =	sshll.u32 s3, $0xA;
	(pc) =	sbr.rel .LBB2_1-.Ltmp0, $4  }
0x9: {  	s28 =	sshrl.u32 s26, $0x1;
	[dreg:$0x10] =	wrdreg s29;
	s30 =	sadd.s32 s1, s3  }
0xa: {  	v2 =	vlaneseq.u32;
	s2 =	ssub.s32 s26, s28;
	s0 =	sadd.s32 s0, s4;
	[dreg:$0x12] =	wrdreg s30  }
0xb: {  	s25 =	simm.s32 $0x1C900;
	vm0 =	vmmov $0xffff;
	v1 =	vshrl.u32 v2, $0x3;
	s31 =	smax.u32 s2, $0x1;
	[dreg:$0x11] =	wrdreg s0  }
0xc: {  	s21 =	simm.s32 $0x1CA00;
	v0 =	vand.u32 $0x7, v2;
	v2 =	vor.u32 $0x8, v2;
	v1 =	vmul.u32 $0x8, v1;
	s2 =	simm.s32 $0x0;
	[dreg:$0x13] =	wrdreg s31  }
.LBB2_20:
0xd: {  	s0 =	simm.s32 $0x5  }
0xe: {  	_ =	swait.ge [sflag:s0], $0xC8  }
0xf: {  	[sflag:s0] =	ssyncset.done $0x0  }
0x10: {  	s1 =	simm.s32 $0x6;
	[sflag:s0] =	ssyncadd.s32 $0xFFFFFF38  }
0x11: {  	_ =	swait.ge [sflag:s1], $0xC8  }
0x12: {  	s2 =	rddreg [dreg:$0x14]  }
0x13: {  	s31 =	rddreg [dreg:$0x13];
	s2 =	sadd.s32 $0x1, s2  }
0x14: {  	p0 =	sne.s32 s2, s31  }
.Ltmp1:
0x15: {  	_ = 	snop;
	(pc) =	sbr.rel @!p0 .LBB2_21-.Ltmp1, $3  }
0x16: {  	_ =	sdelay $0x1  }
0x17: {  	[sflag:s1] =	ssyncset.done $0x0  }
0x18: {  	[sflag:s1] =	ssyncadd.s32 $0xFFFFFF38  }
.LBB2_1:
0x19: {  	[dreg:$0x14] =	wrdreg s2  }
0x1a: {  	s1 =	simm.s32 $0x0;
	s0 =	rddreg [dreg:$0x11];
	s2 =	simm.s32 $0x7  }
0x1b: {  	[tilespmem:s1], [sflag:$0x7] =	stream.linear.gather [hbm4b:s0+s1], $0x1900, $0x38;
	[tilespmem:$0x1CD00] =	vst v63  }
0x1c: {  	_ =	swait.ge [sflag:s2], $0x1900  }
0x1d: {  	[sflag:s2] =	ssyncset.done $0x0  }
0x1e: {  	[sflag:s2] =	ssyncadd.s32 $0xFFFFE700  }
0x1f: {  	v3 =	vld [tilespmem:$0x0];
	_ =	sdelay $0x4  }
0x20: {  	v4 =	vshll.u32 v3, $0x1  }
0x21: {  	v3 =	vand.u32 $0x7, v3;
	v4 =	vand.u32 $0xFFFFFFF0, v4  }
0x22: {  	v3 =	vor.u32 v3, v4  }
0x23: {  	v4 =	vperm.xlane v3, v0;
	_ =	sdelay $0x1  }
0x24: {  	v3 =	vperm.xlane v3, v2;
	v4 =	vadd.s32 v1, v4;
	_ =	sdelay $0x1  }
0x25: {  	v3 =	vadd.s32 v1, v3;
	_ =	sdelay $0x1  }
0x26: {  	s3 =	simm.s32 $0x3900;
	s0 =	rddreg [dreg:$0x2]  }
0x27: {  	[tilespmem:s3], [sflag:$0x1] =	stream.indirect_vreg.gather [hbm4b:s0+s1], $0x80, v4, vm0, $0xb8;
	[tilespmem:$0x1CD00] =	vst v63  }
0x28: {  	s31 =	simm.s32 $0x4100  }
0x29: {  	[tilespmem:s31], [sflag:$0x1] =	stream.indirect_vreg.gather [hbm4b:s0+s1], $0x80, v3, vm0, $0xb8;
	[tilespmem:$0x1CD00] =	vst v63  }
0x2a: {  	v3 =	vld [tilespmem:$0x10];
	_ =	sdelay $0x4  }
0x2b: {  	v39 =	vshll.u32 v3, $0x1  }
0x2c: {  	v3 =	vand.u32 $0x7, v3;
	v4 =	vand.u32 $0xFFFFFFF0, v39  }
0x2d: {  	v3 =	vor.u32 v3, v4  }
0x2e: {  	v4 =	vperm.xlane v3, v0;
	_ =	sdelay $0x1  }
0x2f: {  	v3 =	vperm.xlane v3, v2;
	v4 =	vadd.s32 v1, v4;
	_ =	sdelay $0x1  }
0x30: {  	v3 =	vadd.s32 v1, v3;
	_ =	sdelay $0x1  }
0x31: {  	s4 =	simm.s32 $0x4900  }
0x32: {  	[tilespmem:s4], [sflag:$0x1] =	stream.indirect_vreg.gather [hbm4b:s0+s1], $0x80, v4, vm0, $0xb8;
	[tilespmem:$0x1CD00] =	vst v63  }
0x33: {  	s5 =	simm.s32 $0x5100  }
0x34: {  	[tilespmem:s5], [sflag:$0x1] =	stream.indirect_vreg.gather [hbm4b:s0+s1], $0x80, v3, vm0, $0xb8;
	[tilespmem:$0x1CD00] =	vst v63  }
0x35: {  	v3 =	vld [tilespmem:$0x20];
	_ =	sdelay $0x4  }
0x36: {  	v40 =	vshll.u32 v3, $0x1  }
0x37: {  	v3 =	vand.u32 $0x7, v3;
	v4 =	vand.u32 $0xFFFFFFF0, v40  }
0x38: {  	v3 =	vor.u32 v3, v4  }
0x39: {  	v4 =	vperm.xlane v3, v0;
	_ =	sdelay $0x1  }
0x3a: {  	v3 =	vperm.xlane v3, v2;
	v4 =	vadd.s32 v1, v4;
	_ =	sdelay $0x1  }
0x3b: {  	v3 =	vadd.s32 v1, v3;
	_ =	sdelay $0x1  }
0x3c: {  	s6 =	simm.s32 $0x5900  }
0x3d: {  	[tilespmem:s6], [sflag:$0x1] =	stream.indirect_vreg.gather [hbm4b:s0+s1], $0x80, v4, vm0, $0xb8;
	[tilespmem:$0x1CD00] =	vst v63  }
0x3e: {  	s7 =	simm.s32 $0x6100  }
0x3f: {  	[tilespmem:s7], [sflag:$0x1] =	stream.indirect_vreg.gather [hbm4b:s0+s1], $0x80, v3, vm0, $0xb8;
	[tilespmem:$0x1CD00] =	vst v63  }
0x40: {  	v3 =	vld [tilespmem:$0x30];
	_ =	sdelay $0x4  }
0x41: {  	v41 =	vshll.u32 v3, $0x1  }
0x42: {  	v3 =	vand.u32 $0x7, v3;
	v4 =	vand.u32 $0xFFFFFFF0, v41  }
0x43: {  	v3 =	vor.u32 v3, v4  }
0x44: {  	v4 =	vperm.xlane v3, v0;
	_ =	sdelay $0x1  }
0x45: {  	v3 =	vperm.xlane v3, v2;
	v4 =	vadd.s32 v1, v4;
	_ =	sdelay $0x1  }
0x46: {  	v3 =	vadd.s32 v1, v3;
	_ =	sdelay $0x1  }
0x47: {  	s8 =	simm.s32 $0x6900  }
0x48: {  	[tilespmem:s8], [sflag:$0x1] =	stream.indirect_vreg.gather [hbm4b:s0+s1], $0x80, v4, vm0, $0xb8;
	[tilespmem:$0x1CD00] =	vst v63  }
0x49: {  	s9 =	simm.s32 $0x7100  }
0x4a: {  	[tilespmem:s9], [sflag:$0x1] =	stream.indirect_vreg.gather [hbm4b:s0+s1], $0x80, v3, vm0, $0xb8;
	[tilespmem:$0x1CD00] =	vst v63  }
0x4b: {  	v3 =	vld [tilespmem:$0x40];
	_ =	sdelay $0x4  }
0x4c: {  	v42 =	vshll.u32 v3, $0x1  }
0x4d: {  	v3 =	vand.u32 $0x7, v3;
	v4 =	vand.u32 $0xFFFFFFF0, v42  }
0x4e: {  	v3 =	vor.u32 v3, v4  }
0x4f: {  	v4 =	vperm.xlane v3, v0;
	_ =	sdelay $0x1  }
0x50: {  	v3 =	vperm.xlane v3, v2;
	v4 =	vadd.s32 v1, v4;
	_ =	sdelay $0x1  }
0x51: {  	v3 =	vadd.s32 v1, v3;
	_ =	sdelay $0x1  }
0x52: {  	s10 =	simm.s32 $0x7900  }
0x53: {  	[tilespmem:s10], [sflag:$0x1] =	stream.indirect_vreg.gather [hbm4b:s0+s1], $0x80, v4, vm0, $0xb8;
	[tilespmem:$0x1CD00] =	vst v63  }
0x54: {  	s11 =	simm.s32 $0x8100  }
0x55: {  	[tilespmem:s11], [sflag:$0x1] =	stream.indirect_vreg.gather [hbm4b:s0+s1], $0x80, v3, vm0, $0xb8;
	[tilespmem:$0x1CD00] =	vst v63  }
0x56: {  	v3 =	vld [tilespmem:$0x50];
	_ =	sdelay $0x4  }
0x57: {  	v43 =	vshll.u32 v3, $0x1  }
0x58: {  	v3 =	vand.u32 $0x7, v3;
	v4 =	vand.u32 $0xFFFFFFF0, v43  }
0x59: {  	v3 =	vor.u32 v3, v4  }
0x5a: {  	v4 =	vperm.xlane v3, v0;
	_ =	sdelay $0x1  }
0x5b: {  	v3 =	vperm.xlane v3, v2;
	v4 =	vadd.s32 v1, v4;
	_ =	sdelay $0x1  }
0x5c: {  	v3 =	vadd.s32 v1, v3;
	_ =	sdelay $0x1  }
0x5d: {  	s12 =	simm.s32 $0x8900  }
0x5e: {  	[tilespmem:s12], [sflag:$0x1] =	stream.indirect_vreg.gather [hbm4b:s0+s1], $0x80, v4, vm0, $0xb8;
	[tilespmem:$0x1CD00] =	vst v63  }
0x5f: {  	s13 =	simm.s32 $0x9100  }
0x60: {  	[tilespmem:s13], [sflag:$0x1] =	stream.indirect_vreg.gather [hbm4b:s0+s1], $0x80, v3, vm0, $0xb8;
	[tilespmem:$0x1CD00] =	vst v63  }
0x61: {  	v3 =	vld.msk [tilespmem:$0x60], $0xff;
	_ =	sdelay $0x4  }
0x62: {  	v44 =	vshll.u32 v3, $0x1  }
0x63: {  	v3 =	vand.u32 $0x7, v3;
	v4 =	vand.u32 $0xFFFFFFF0, v44  }
0x64: {  	v3 =	vor.u32 v3, v4  }
0x65: {  	v3 =	vperm.xlane v3, v0;
	_ =	sdelay $0x1  }
0x66: {  	v3 =	vadd.s32 v1, v3;
	_ =	sdelay $0x3  }
0x67: {  	s14 =	simm.s32 $0x9900  }
0x68: {  	[tilespmem:s14], [sflag:$0x1] =	stream.indirect_vreg.gather [hbm4b:s0+s1], $0x80, v3, vm0, $0xb8;
	[tilespmem:$0x1CD00] =	vst v63  }
0x69: {  	v3 =	vld [tilespmem:$0x68];
	_ =	sdelay $0x4  }
0x6a: {  	v45 =	vshll.u32 v3, $0x1  }
0x6b: {  	v3 =	vand.u32 $0x7, v3;
	v4 =	vand.u32 $0xFFFFFFF0, v45  }
0x6c: {  	v3 =	vor.u32 v3, v4  }
0x6d: {  	v4 =	vperm.xlane v3, v0;
	_ =	sdelay $0x1  }
0x6e: {  	v3 =	vperm.xlane v3, v2;
	v4 =	vadd.s32 v1, v4;
	_ =	sdelay $0x1  }
0x6f: {  	v3 =	vadd.s32 v1, v3;
	_ =	sdelay $0x1  }
0x70: {  	s15 =	simm.s32 $0xA100  }
0x71: {  	[tilespmem:s15], [sflag:$0x2] =	stream.indirect_vreg.gather [hbm4b:s0+s1], $0x80, v4, vm0, $0xb8;
	[tilespmem:$0x1CD00] =	vst v63  }
0x72: {  	s16 =	simm.s32 $0xA900  }
0x73: {  	[tilespmem:s16], [sflag:$0x2] =	stream.indirect_vreg.gather [hbm4b:s0+s1], $0x80, v3, vm0, $0xb8;
	[tilespmem:$0x1CD00] =	vst v63  }
0x74: {  	v3 =	vld [tilespmem:$0x78];
	_ =	sdelay $0x4  }
0x75: {  	v46 =	vshll.u32 v3, $0x1  }
0x76: {  	v3 =	vand.u32 $0x7, v3;
	v4 =	vand.u32 $0xFFFFFFF0, v46  }
0x77: {  	v3 =	vor.u32 v3, v4  }
0x78: {  	v4 =	vperm.xlane v3, v0;
	_ =	sdelay $0x1  }
0x79: {  	v3 =	vperm.xlane v3, v2;
	v4 =	vadd.s32 v1, v4;
	_ =	sdelay $0x1  }
0x7a: {  	v3 =	vadd.s32 v1, v3;
	_ =	sdelay $0x1  }
0x7b: {  	s17 =	simm.s32 $0xB100  }
0x7c: {  	[tilespmem:s17], [sflag:$0x2] =	stream.indirect_vreg.gather [hbm4b:s0+s1], $0x80, v4, vm0, $0xb8;
	[tilespmem:$0x1CD00] =	vst v63  }
0x7d: {  	s18 =	simm.s32 $0xB900  }
0x7e: {  	[tilespmem:s18], [sflag:$0x2] =	stream.indirect_vreg.gather [hbm4b:s0+s1], $0x80, v3, vm0, $0xb8;
	[tilespmem:$0x1CD00] =	vst v63  }
0x7f: {  	v3 =	vld [tilespmem:$0x88];
	_ =	sdelay $0x4  }
0x80: {  	v47 =	vshll.u32 v3, $0x1  }
0x81: {  	v3 =	vand.u32 $0x7, v3;
	v4 =	vand.u32 $0xFFFFFFF0, v47  }
0x82: {  	v3 =	vor.u32 v3, v4  }
0x83: {  	v4 =	vperm.xlane v3, v0;
	_ =	sdelay $0x1  }
0x84: {  	v3 =	vperm.xlane v3, v2;
	v4 =	vadd.s32 v1, v4;
	_ =	sdelay $0x1  }
0x85: {  	v3 =	vadd.s32 v1, v3;
	_ =	sdelay $0x1  }
0x86: {  	s19 =	simm.s32 $0xC100  }
0x87: {  	[tilespmem:s19], [sflag:$0x2] =	stream.indirect_vreg.gather [hbm4b:s0+s1], $0x80, v4, vm0, $0xb8;
	[tilespmem:$0x1CD00] =	vst v63  }
0x88: {  	s20 =	simm.s32 $0xC900  }
0x89: {  	[tilespmem:s20], [sflag:$0x2] =	stream.indirect_vreg.gather [hbm4b:s0+s1], $0x80, v3, vm0, $0xb8;
	[tilespmem:$0x1CD00] =	vst v63  }
0x8a: {  	v3 =	vld [tilespmem:$0x98];
	_ =	sdelay $0x4  }
0x8b: {  	v48 =	vshll.u32 v3, $0x1  }
0x8c: {  	v3 =	vand.u32 $0x7, v3;
	v4 =	vand.u32 $0xFFFFFFF0, v48  }
0x8d: {  	v3 =	vor.u32 v3, v4  }
0x8e: {  	v4 =	vperm.xlane v3, v0;
	_ =	sdelay $0x1  }
0x8f: {  	v3 =	vperm.xlane v3, v2;
	v4 =	vadd.s32 v1, v4;
	_ =	sdelay $0x1  }
0x90: {  	v3 =	vadd.s32 v1, v3;
	_ =	sdelay $0x1  }
0x91: {  	s22 =	simm.s32 $0xD100  }
0x92: {  	[tilespmem:s22], [sflag:$0x2] =	stream.indirect_vreg.gather [hbm4b:s0+s1], $0x80, v4, vm0, $0xb8;
	[tilespmem:$0x1CD00] =	vst v63  }
0x93: {  	s23 =	simm.s32 $0xD900  }
0x94: {  	[tilespmem:s23], [sflag:$0x2] =	stream.indirect_vreg.gather [hbm4b:s0+s1], $0x80, v3, vm0, $0xb8;
	[tilespmem:$0x1CD00] =	vst v63  }
0x95: {  	v3 =	vld [tilespmem:$0xA8];
	_ =	sdelay $0x4  }
0x96: {  	v49 =	vshll.u32 v3, $0x1  }
0x97: {  	v3 =	vand.u32 $0x7, v3;
	v4 =	vand.u32 $0xFFFFFFF0, v49  }
0x98: {  	v3 =	vor.u32 v3, v4  }
0x99: {  	v4 =	vperm.xlane v3, v0;
	_ =	sdelay $0x1  }
0x9a: {  	v3 =	vperm.xlane v3, v2;
	v4 =	vadd.s32 v1, v4;
	_ =	sdelay $0x1  }
0x9b: {  	v3 =	vadd.s32 v1, v3;
	_ =	sdelay $0x1  }
0x9c: {  	s24 =	simm.s32 $0xE100  }
0x9d: {  	[tilespmem:s24], [sflag:$0x2] =	stream.indirect_vreg.gather [hbm4b:s0+s1], $0x80, v4, vm0, $0xb8;
	[tilespmem:$0x1CD00] =	vst v63  }
0x9e: {  	s26 =	simm.s32 $0xE900  }
0x9f: {  	[tilespmem:s26], [sflag:$0x2] =	stream.indirect_vreg.gather [hbm4b:s0+s1], $0x80, v3, vm0, $0xb8;
	[tilespmem:$0x1CD00] =	vst v63  }
0xa0: {  	v3 =	vld [tilespmem:$0xB8];
	_ =	sdelay $0x4  }
0xa1: {  	v50 =	vshll.u32 v3, $0x1  }
0xa2: {  	v3 =	vand.u32 $0x7, v3;
	v4 =	vand.u32 $0xFFFFFFF0, v50  }
0xa3: {  	v3 =	vor.u32 v3, v4  }
0xa4: {  	v4 =	vperm.xlane v3, v0;
	_ =	sdelay $0x1  }
0xa5: {  	v3 =	vperm.xlane v3, v2;
	v4 =	vadd.s32 v1, v4;
	_ =	sdelay $0x1  }
0xa6: {  	v3 =	vadd.s32 v1, v3;
	_ =	sdelay $0x1  }
0xa7: {  	s28 =	simm.s32 $0xF100  }
0xa8: {  	[tilespmem:s28], [sflag:$0x2] =	stream.indirect_vreg.gather [hbm4b:s0+s1], $0x80, v4, vm0, $0xb8;
	[tilespmem:$0x1CD00] =	vst v63  }
0xa9: {  	s29 =	simm.s32 $0xF900  }
0xaa: {  	[tilespmem:s29], [sflag:$0x2] =	stream.indirect_vreg.gather [hbm4b:s0+s1], $0x80, v3, vm0, $0xb8;
	[tilespmem:$0x1CD00] =	vst v63  }
0xab: {  	v3 =	vld [tilespmem:$0xC8];
	_ =	sdelay $0x4  }
0xac: {  	v51 =	vshll.u32 v3, $0x1  }
0xad: {  	v3 =	vand.u32 $0x7, v3;
	v4 =	vand.u32 $0xFFFFFFF0, v51  }
0xae: {  	v3 =	vor.u32 v3, v4  }
0xaf: {  	v4 =	vperm.xlane v3, v0;
	_ =	sdelay $0x1  }
0xb0: {  	v3 =	vperm.xlane v3, v2;
	v4 =	vadd.s32 v1, v4;
	_ =	sdelay $0x1  }
0xb1: {  	v3 =	vadd.s32 v1, v3;
	_ =	sdelay $0x1  }
0xb2: {  	s30 =	simm.s32 $0x10100  }
0xb3: {  	[tilespmem:s30], [sflag:$0x3] =	stream.indirect_vreg.gather [hbm4b:s0+s1], $0x80, v4, vm0, $0xb8;
	[tilespmem:$0x1CD00] =	vst v63  }
0xb4: {  	s31 =	simm.s32 $0x10900  }
0xb5: {  	[tilespmem:s31], [sflag:$0x3] =	stream.indirect_vreg.gather [hbm4b:s0+s1], $0x80, v3, vm0, $0xb8;
	[tilespmem:$0x1CD00] =	vst v63  }
0xb6: {  	v3 =	vld [tilespmem:$0xD8];
	_ =	sdelay $0x4  }
0xb7: {  	v52 =	vshll.u32 v3, $0x1  }
0xb8: {  	v3 =	vand.u32 $0x7, v3;
	v4 =	vand.u32 $0xFFFFFFF0, v52  }
0xb9: {  	v3 =	vor.u32 v3, v4  }
0xba: {  	v4 =	vperm.xlane v3, v0;
	_ =	sdelay $0x1  }
0xbb: {  	v3 =	vperm.xlane v3, v2;
	v4 =	vadd.s32 v1, v4;
	_ =	sdelay $0x1  }
0xbc: {  	v3 =	vadd.s32 v1, v3;
	_ =	sdelay $0x1  }
0xbd: {  	s4 =	simm.s32 $0x11100  }
0xbe: {  	[tilespmem:s4], [sflag:$0x3] =	stream.indirect_vreg.gather [hbm4b:s0+s1], $0x80, v4, vm0, $0xb8;
	[tilespmem:$0x1CD00] =	vst v63  }
0xbf: {  	s5 =	simm.s32 $0x11900  }
0xc0: {  	[tilespmem:s5], [sflag:$0x3] =	stream.indirect_vreg.gather [hbm4b:s0+s1], $0x80, v3, vm0, $0xb8;
	[tilespmem:$0x1CD00] =	vst v63  }
0xc1: {  	v3 =	vld [tilespmem:$0xE8];
	_ =	sdelay $0x4  }
0xc2: {  	v53 =	vshll.u32 v3, $0x1  }
0xc3: {  	v3 =	vand.u32 $0x7, v3;
	v4 =	vand.u32 $0xFFFFFFF0, v53  }
0xc4: {  	v3 =	vor.u32 v3, v4  }
0xc5: {  	v4 =	vperm.xlane v3, v0;
	_ =	sdelay $0x1  }
0xc6: {  	v3 =	vperm.xlane v3, v2;
	v4 =	vadd.s32 v1, v4;
	_ =	sdelay $0x1  }
0xc7: {  	v3 =	vadd.s32 v1, v3;
	_ =	sdelay $0x1  }
0xc8: {  	s6 =	simm.s32 $0x12100  }
0xc9: {  	[tilespmem:s6], [sflag:$0x3] =	stream.indirect_vreg.gather [hbm4b:s0+s1], $0x80, v4, vm0, $0xb8;
	[tilespmem:$0x1CD00] =	vst v63  }
0xca: {  	s7 =	simm.s32 $0x12900  }
0xcb: {  	[tilespmem:s7], [sflag:$0x3] =	stream.indirect_vreg.gather [hbm4b:s0+s1], $0x80, v3, vm0, $0xb8;
	[tilespmem:$0x1CD00] =	vst v63  }
0xcc: {  	v3 =	vld [tilespmem:$0xF8];
	_ =	sdelay $0x4  }
0xcd: {  	v54 =	vshll.u32 v3, $0x1  }
0xce: {  	v3 =	vand.u32 $0x7, v3;
	v4 =	vand.u32 $0xFFFFFFF0, v54  }
0xcf: {  	v3 =	vor.u32 v3, v4  }
0xd0: {  	v4 =	vperm.xlane v3, v0;
	_ =	sdelay $0x1  }
0xd1: {  	v3 =	vperm.xlane v3, v2;
	v4 =	vadd.s32 v1, v4;
	_ =	sdelay $0x1  }
0xd2: {  	v3 =	vadd.s32 v1, v3;
	_ =	sdelay $0x1  }
0xd3: {  	s8 =	simm.s32 $0x13100  }
0xd4: {  	[tilespmem:s8], [sflag:$0x3] =	stream.indirect_vreg.gather [hbm4b:s0+s1], $0x80, v4, vm0, $0xb8;
	[tilespmem:$0x1CD00] =	vst v63  }
0xd5: {  	s9 =	simm.s32 $0x13900  }
0xd6: {  	[tilespmem:s9], [sflag:$0x3] =	stream.indirect_vreg.gather [hbm4b:s0+s1], $0x80, v3, vm0, $0xb8;
	[tilespmem:$0x1CD00] =	vst v63  }
0xd7: {  	v3 =	vld [tilespmem:$0x108];
	_ =	sdelay $0x4  }
0xd8: {  	v55 =	vshll.u32 v3, $0x1  }
0xd9: {  	v3 =	vand.u32 $0x7, v3;
	v4 =	vand.u32 $0xFFFFFFF0, v55  }
0xda: {  	v3 =	vor.u32 v3, v4  }
0xdb: {  	v4 =	vperm.xlane v3, v0;
	_ =	sdelay $0x1  }
0xdc: {  	v3 =	vperm.xlane v3, v2;
	v4 =	vadd.s32 v1, v4;
	_ =	sdelay $0x1  }
0xdd: {  	v3 =	vadd.s32 v1, v3;
	_ =	sdelay $0x1  }
0xde: {  	s10 =	simm.s32 $0x14100  }
0xdf: {  	[tilespmem:s10], [sflag:$0x3] =	stream.indirect_vreg.gather [hbm4b:s0+s1], $0x80, v4, vm0, $0xb8;
	[tilespmem:$0x1CD00] =	vst v63  }
0xe0: {  	s11 =	simm.s32 $0x14900  }
0xe1: {  	[tilespmem:s11], [sflag:$0x3] =	stream.indirect_vreg.gather [hbm4b:s0+s1], $0x80, v3, vm0, $0xb8;
	[tilespmem:$0x1CD00] =	vst v63  }
0xe2: {  	v3 =	vld [tilespmem:$0x118];
	_ =	sdelay $0x4  }
0xe3: {  	v56 =	vshll.u32 v3, $0x1  }
0xe4: {  	v3 =	vand.u32 $0x7, v3;
	v4 =	vand.u32 $0xFFFFFFF0, v56  }
0xe5: {  	v3 =	vor.u32 v3, v4  }
0xe6: {  	v4 =	vperm.xlane v3, v0;
	_ =	sdelay $0x1  }
0xe7: {  	v3 =	vperm.xlane v3, v2;
	v4 =	vadd.s32 v1, v4;
	_ =	sdelay $0x1  }
0xe8: {  	v3 =	vadd.s32 v1, v3;
	_ =	sdelay $0x1  }
0xe9: {  	s12 =	simm.s32 $0x15100  }
0xea: {  	[tilespmem:s12], [sflag:$0x3] =	stream.indirect_vreg.gather [hbm4b:s0+s1], $0x80, v4, vm0, $0xb8;
	[tilespmem:$0x1CD00] =	vst v63  }
0xeb: {  	s13 =	simm.s32 $0x15900  }
0xec: {  	[tilespmem:s13], [sflag:$0x3] =	stream.indirect_vreg.gather [hbm4b:s0+s1], $0x80, v3, vm0, $0xb8;
	[tilespmem:$0x1CD00] =	vst v63  }
0xed: {  	v3 =	vld.msk [tilespmem:$0x128], $0xff;
	_ =	sdelay $0x4  }
0xee: {  	v57 =	vshll.u32 v3, $0x1  }
0xef: {  	v3 =	vand.u32 $0x7, v3;
	v4 =	vand.u32 $0xFFFFFFF0, v57  }
0xf0: {  	v3 =	vor.u32 v3, v4  }
0xf1: {  	v3 =	vperm.xlane v3, v0;
	_ =	sdelay $0x1  }
0xf2: {  	v3 =	vadd.s32 v1, v3;
	_ =	sdelay $0x3  }
0xf3: {  	s14 =	simm.s32 $0x16100  }
0xf4: {  	[tilespmem:s14], [sflag:$0x3] =	stream.indirect_vreg.gather [hbm4b:s0+s1], $0x80, v3, vm0, $0xb8;
	[tilespmem:$0x1CD00] =	vst v63  }
0xf5: {  	v3 =	vld [tilespmem:$0x130];
	_ =	sdelay $0x4  }
0xf6: {  	v58 =	vshll.u32 v3, $0x1  }
0xf7: {  	v3 =	vand.u32 $0x7, v3;
	v4 =	vand.u32 $0xFFFFFFF0, v58  }
0xf8: {  	v3 =	vor.u32 v3, v4  }
0xf9: {  	v4 =	vperm.xlane v3, v0;
	_ =	sdelay $0x1  }
0xfa: {  	v3 =	vperm.xlane v3, v2;
	v4 =	vadd.s32 v1, v4;
	_ =	sdelay $0x1  }
0xfb: {  	v3 =	vadd.s32 v1, v3;
	_ =	sdelay $0x1  }
0xfc: {  	s15 =	simm.s32 $0x16900  }
0xfd: {  	[tilespmem:s15], [sflag:$0x4] =	stream.indirect_vreg.gather [hbm4b:s0+s1], $0x80, v4, vm0, $0xb8;
	[tilespmem:$0x1CD00] =	vst v63  }
0xfe: {  	s16 =	simm.s32 $0x17100  }
0xff: {  	[tilespmem:s16], [sflag:$0x4] =	stream.indirect_vreg.gather [hbm4b:s0+s1], $0x80, v3, vm0, $0xb8;
	[tilespmem:$0x1CD00] =	vst v63  }
0x100: {  	v3 =	vld [tilespmem:$0x140];
	_ =	sdelay $0x4  }
0x101: {  	v59 =	vshll.u32 v3, $0x1  }
0x102: {  	v3 =	vand.u32 $0x7, v3;
	v4 =	vand.u32 $0xFFFFFFF0, v59  }
0x103: {  	v3 =	vor.u32 v3, v4  }
0x104: {  	v4 =	vperm.xlane v3, v0;
	_ =	sdelay $0x1  }
0x105: {  	v3 =	vperm.xlane v3, v2;
	v4 =	vadd.s32 v1, v4;
	_ =	sdelay $0x1  }
0x106: {  	v3 =	vadd.s32 v1, v3;
	_ =	sdelay $0x1  }
0x107: {  	s17 =	simm.s32 $0x17900  }
0x108: {  	[tilespmem:s17], [sflag:$0x4] =	stream.indirect_vreg.gather [hbm4b:s0+s1], $0x80, v4, vm0, $0xb8;
	[tilespmem:$0x1CD00] =	vst v63  }
0x109: {  	s18 =	simm.s32 $0x18100  }
0x10a: {  	[tilespmem:s18], [sflag:$0x4] =	stream.indirect_vreg.gather [hbm4b:s0+s1], $0x80, v3, vm0, $0xb8;
	[tilespmem:$0x1CD00] =	vst v63  }
0x10b: {  	v3 =	vld [tilespmem:$0x150];
	_ =	sdelay $0x4  }
0x10c: {  	v60 =	vshll.u32 v3, $0x1  }
0x10d: {  	v3 =	vand.u32 $0x7, v3;
	v4 =	vand.u32 $0xFFFFFFF0, v60  }
0x10e: {  	v3 =	vor.u32 v3, v4  }
0x10f: {  	v4 =	vperm.xlane v3, v0;
	_ =	sdelay $0x1  }
0x110: {  	v3 =	vperm.xlane v3, v2;
	v4 =	vadd.s32 v1, v4;
	_ =	sdelay $0x1  }
0x111: {  	v3 =	vadd.s32 v1, v3;
	_ =	sdelay $0x1  }
0x112: {  	s19 =	simm.s32 $0x18900  }
0x113: {  	[tilespmem:s19], [sflag:$0x4] =	stream.indirect_vreg.gather [hbm4b:s0+s1], $0x80, v4, vm0, $0xb8;
	[tilespmem:$0x1CD00] =	vst v63  }
0x114: {  	s20 =	simm.s32 $0x19100  }
0x115: {  	[tilespmem:s20], [sflag:$0x4] =	stream.indirect_vreg.gather [hbm4b:s0+s1], $0x80, v3, vm0, $0xb8;
	[tilespmem:$0x1CD00] =	vst v63  }
0x116: {  	v3 =	vld [tilespmem:$0x160];
	_ =	sdelay $0x4  }
0x117: {  	v61 =	vshll.u32 v3, $0x1  }
0x118: {  	v3 =	vand.u32 $0x7, v3;
	v4 =	vand.u32 $0xFFFFFFF0, v61  }
0x119: {  	v3 =	vor.u32 v3, v4  }
0x11a: {  	v4 =	vperm.xlane v3, v0;
	_ =	sdelay $0x1  }
0x11b: {  	v3 =	vperm.xlane v3, v2;
	v4 =	vadd.s32 v1, v4;
	_ =	sdelay $0x1  }
0x11c: {  	v3 =	vadd.s32 v1, v3;
	_ =	sdelay $0x1  }
0x11d: {  	s22 =	simm.s32 $0x19900  }
0x11e: {  	[tilespmem:s22], [sflag:$0x4] =	stream.indirect_vreg.gather [hbm4b:s0+s1], $0x80, v4, vm0, $0xb8;
	[tilespmem:$0x1CD00] =	vst v63  }
0x11f: {  	s23 =	simm.s32 $0x1A100  }
0x120: {  	[tilespmem:s23], [sflag:$0x4] =	stream.indirect_vreg.gather [hbm4b:s0+s1], $0x80, v3, vm0, $0xb8;
	[tilespmem:$0x1CD00] =	vst v63  }
0x121: {  	v3 =	vld [tilespmem:$0x170];
	_ =	sdelay $0x4  }
0x122: {  	v62 =	vshll.u32 v3, $0x1  }
0x123: {  	v3 =	vand.u32 $0x7, v3;
	v4 =	vand.u32 $0xFFFFFFF0, v62  }
0x124: {  	v3 =	vor.u32 v3, v4  }
0x125: {  	v4 =	vperm.xlane v3, v0;
	_ =	sdelay $0x1  }
0x126: {  	v3 =	vperm.xlane v3, v2;
	v4 =	vadd.s32 v1, v4;
	_ =	sdelay $0x1  }
0x127: {  	v3 =	vadd.s32 v1, v3;
	_ =	sdelay $0x1  }
0x128: {  	s24 =	simm.s32 $0x1A900  }
0x129: {  	[tilespmem:s24], [sflag:$0x4] =	stream.indirect_vreg.gather [hbm4b:s0+s1], $0x80, v4, vm0, $0xb8;
	[tilespmem:$0x1CD00] =	vst v63  }
0x12a: {  	s26 =	simm.s32 $0x1B100  }
0x12b: {  	[tilespmem:s26], [sflag:$0x4] =	stream.indirect_vreg.gather [hbm4b:s0+s1], $0x80, v3, vm0, $0xb8;
	[tilespmem:$0x1CD00] =	vst v63  }
0x12c: {  	v3 =	vld [tilespmem:$0x180];
	_ =	sdelay $0x4  }
0x12d: {  	v63 =	vshll.u32 v3, $0x1  }
0x12e: {  	v3 =	vand.u32 $0x7, v3;
	v4 =	vand.u32 $0xFFFFFFF0, v63  }
0x12f: {  	v3 =	vor.u32 v3, v4  }
0x130: {  	v4 =	vperm.xlane v3, v0;
	_ =	sdelay $0x1  }
0x131: {  	v3 =	vperm.xlane v3, v2;
	v4 =	vadd.s32 v1, v4;
	_ =	sdelay $0x1  }
0x132: {  	v3 =	vadd.s32 v1, v3;
	_ =	sdelay $0x1  }
0x133: {  	s28 =	simm.s32 $0x1B900  }
0x134: {  	[tilespmem:s28], [sflag:$0x4] =	stream.indirect_vreg.gather [hbm4b:s0+s1], $0x80, v4, vm0, $0xb8;
	[tilespmem:$0x1CD00] =	vst v63  }
0x135: {  	s29 =	simm.s32 $0x1C100  }
0x136: {  	[tilespmem:s29], [sflag:$0x4] =	stream.indirect_vreg.gather [hbm4b:s0+s1], $0x80, v3, vm0, $0xb8;
	[tilespmem:$0x1CD00] =	vst v63  }
.Ltmp2:
0x137: {  	s30 =	rddreg [dreg:$0x12];
	s31 =	simm.s32 $0x1900;
	(pc) =	sbr.rel .LBB2_2-.Ltmp2, $4  }
0x138: {  	[tilespmem:s31], [sflag:$0x7] =	stream.linear.gather [hbm4b:s30+s1], $0x2000, $0x38;
	[tilespmem:$0x1CD00] =	vst v63  }
0x139: {  	_ =	swait.ge [sflag:s2], $0x2000  }
0x13a: {  	[sflag:s2] =	ssyncset.done $0x0  }
0x13b: {  	s4 =	simm.s32 $0x0;
	[sflag:s2] =	ssyncadd.s32 $0xFFFFE000  }
.LBB2_19:
0x13c: {  	s0 =	simm.s32 @!p1 $0x6  }
0x13d: {  	_ =	swait.ge @!p1 [sflag:s0], $0xC8  }
0x13e: {  	[sflag:s0] =	ssyncset.done @!p1 $0x0  }
0x13f: {  	[sflag:s0] =	ssyncadd.s32 @!p1 $0xFFFFFF38  }
0x140: {  	v3 =	vld [tilespmem:$0x1CA00]  }
0x141: {  	v7 =	vld [tilespmem:$0x1CA20]  }
0x142: {  	v11 =	vld [tilespmem:$0x1CA30]  }
0x143: {  	v13 =	vld [tilespmem:$0x1CA40];
	_ =	sdelay $0x3  }
0x144: {  	v3 =	vmax.f32 v3, $1.000000020e-24;
	v7 =	vmax.f32 v7, $1.000000020e-24  }
0x145: {  	v56 =	vld [tilespmem:$0x1CA60];
	v54 =	vmax.f32 v11, $1.000000020e-24;
	v58 =	vmax.f32 v13, $1.000000020e-24;
	v4 =	vshrl.u32 v3, $0x1  }
0x146: {  	v3 =	vmul.f32 $5.000000000e-01, v3;
	v10 =	vshrl.u32 v7, $0x1;
	v7 =	vmul.f32 $5.000000000e-01, v7  }
0x147: {  	v11 =	vshrl.u32 v54, $0x1;
	v4 =	vsub.s32 $0x5F3759DF, v4;
	v10 =	vsub.s32 $0x5F3759DF, v10  }
0x148: {  	v6 =	vld [tilespmem:$0x1CA10];
	v14 =	vshrl.u32 v58, $0x1;
	v5 =	vmul.f32 v4, v3;
	v12 =	vmul.f32 v10, v7  }
0x149: {  	v57 =	vsub.s32 $0x5F3759DF, v11;
	v11 =	vmul.f32 $5.000000000e-01, v58;
	v14 =	vsub.s32 $0x5F3759DF, v14  }
0x14a: {  	v5 =	vmul.f32 v4, v5;
	v53 =	vmul.f32 v10, v12;
	v12 =	vmax.f32 v56, $1.000000020e-24  }
0x14b: {  	v15 =	vmul.f32 v14, v11;
	v17 =	vshrl.u32 v12, $0x1;
	v12 =	vmul.f32 $5.000000000e-01, v12  }
0x14c: {  	v5 =	vsub.f32 $1.500000000e+00, v5;
	v17 =	vsub.s32 $0x5F3759DF, v17  }
0x14d: {  	v52 =	vmax.f32 v6, $1.000000020e-24;
	v15 =	vmul.f32 v14, v15;
	v19 =	vmul.f32 v17, v12  }
0x14e: {  	v6 =	vshrl.u32 v52, $0x1;
	v4 =	vmul.f32 v4, v5;
	v5 =	vmul.f32 $5.000000000e-01, v52  }
0x14f: {  	v6 =	vsub.s32 $0x5F3759DF, v6;
	v15 =	vsub.f32 $1.500000000e+00, v15;
	v61 =	vmul.f32 v17, v19  }
0x150: {  	v29 =	vld [tilespmem:$0x1CA80];
	v3 =	vmul.f32 v4, v3;
	v8 =	vmul.f32 v6, v5  }
0x151: {  	v63 =	vmul.f32 v14, v15;
	v21 =	vsub.f32 $1.500000000e+00, v61  }
0x152: {  	v9 =	vld [tilespmem:$0x1C900];
	v3 =	vmul.f32 v3, v4;
	v8 =	vmul.f32 v6, v8  }
0x153: {  	v55 =	vld [tilespmem:$0x1CA50];
	v11 =	vmul.f32 v63, v11;
	v14 =	vmul.f32 v17, v21  }
0x154: {  	v3 =	vsub.f32 $1.500000000e+00, v3;
	v8 =	vsub.f32 $1.500000000e+00, v8  }
0x155: {  	v32 =	vld [tilespmem:$0x1CA90];
	v36 =	vmax.f32 v29, $1.000000020e-24;
	v11 =	vmul.f32 v11, v63;
	v12 =	vmul.f32 v14, v12  }
0x156: {  	v37 =	vshrl.u32 v36, $0x1;
	v3 =	vmul.f32 v3, v4;
	v6 =	vmul.f32 v6, v8  }
0x157: {  	v4 =	vsub.f32 $1.500000000e+00, v53;
	v8 =	vmul.f32 $5.000000000e-01, v54;
	v12 =	vmul.f32 v12, v14  }
0x158: {  	v3 =	vmul.f32 v3, v9;
	v5 =	vmul.f32 v6, v5;
	v9 =	vmax.f32 v55, $1.000000020e-24  }
0x159: {  	v4 =	vmul.f32 v10, v4;
	v59 =	vmul.f32 v57, v8;
	v16 =	vshrl.u32 v9, $0x1  }
0x15a: {  	v62 =	vld [tilespmem:$0x1C910];
	v9 =	vmul.f32 $5.000000000e-01, v9;
	v31 =	vsub.f32 $1.500000000e+00, v12;
	v12 =	vmax.f32 v32, $1.000000020e-24  }
0x15b: {  	v22 =	vld [tilespmem:$0x1C920];
	v5 =	vmul.f32 v5, v6;
	v13 =	vmul.f32 v57, v59;
	v16 =	vsub.s32 $0x5F3759DF, v16  }
0x15c: {  	v38 =	vld [tilespmem:$0x1CAB0];
	v7 =	vmul.f32 v4, v7;
	v20 =	vshrl.u32 v12, $0x1;
	v18 =	vmul.f32 v16, v9  }
0x15d: {  	v27 =	vld [tilespmem:$0x1C940];
	v12 =	vmul.f32 $5.000000000e-01, v12;
	v13 =	vsub.f32 $1.500000000e+00, v13;
	v5 =	vsub.f32 $1.500000000e+00, v5  }
0x15e: {  	v30 =	vld [tilespmem:$0x1C960];
	v11 =	vsub.f32 $1.500000000e+00, v11;
	v7 =	vmul.f32 v7, v4;
	v60 =	vmul.f32 v16, v18  }
0x15f: {  	v39 =	vld [tilespmem:$0x1CAC0];
	v15 =	vsub.s32 $0x5F3759DF, v37;
	v10 =	vmul.f32 v57, v13;
	v5 =	vmul.f32 v5, v6  }
0x160: {  	v34 =	vld [tilespmem:$0x1CAA0];
	v7 =	vsub.f32 $1.500000000e+00, v7;
	v6 =	vmul.f32 v11, v63;
	v11 =	vmul.f32 v31, v14  }
0x161: {  	v17 =	vmax.f32 v38, $1.000000020e-24;
	v14 =	vmul.f32 $5.000000000e-01, v36;
	v8 =	vmul.f32 v10, v8  }
0x162: {  	v26 =	vld [tilespmem:$0x1CA70];
	v13 =	vsub.f32 $1.500000000e+00, v60;
	v4 =	vmul.f32 v7, v4;
	v5 =	vmul.f32 v5, v62  }
0x163: {  	v20 =	vsub.s32 $0x5F3759DF, v20;
	v6 =	vmul.f32 v6, v27;
	v11 =	vmul.f32 v11, v30  }
0x164: {  	v18 =	vmax.f32 v39, $1.000000020e-24;
	v40 =	vmul.f32 v15, v14;
	v13 =	vmul.f32 v16, v13  }
0x165: {  	v16 =	vmax.f32 v34, $1.000000020e-24;
	v8 =	vmul.f32 v8, v10;
	v4 =	vmul.f32 v4, v22  }
0x166: {  	v21 =	vshrl.u32 v16, $0x1;
	v16 =	vmul.f32 $5.000000000e-01, v16;
	v25 =	vmul.f32 v13, v9  }
0x167: {  	v19 =	vmul.f32 v15, v40;
	v22 =	vmul.f32 v20, v12;
	v9 =	vmax.f32 v26, $1.000000020e-24  }
0x168: {  	v21 =	vsub.s32 $0x5F3759DF, v21;
	v24 =	vsub.f32 $1.500000000e+00, v8;
	v8 =	vmul.f32 v25, v13  }
0x169: {  	v23 =	vld [tilespmem:$0x1C930];
	v33 =	vshrl.u32 v9, $0x1;
	v9 =	vmul.f32 $5.000000000e-01, v9;
	v22 =	vmul.f32 v20, v22  }
0x16a: {  	v19 =	vsub.f32 $1.500000000e+00, v19;
	v25 =	vshrl.u32 v18, $0x1;
	v8 =	vsub.f32 $1.500000000e+00, v8  }
0x16b: {  	v18 =	vmul.f32 $5.000000000e-01, v18;
	v7 =	vmul.f32 v24, v10;
	v24 =	vshrl.u32 v17, $0x1  }
0x16c: {  	v17 =	vmul.f32 $5.000000000e-01, v17;
	v8 =	vmul.f32 v8, v13;
	v13 =	vsub.s32 $0x5F3759DF, v33  }
0x16d: {  	v25 =	vsub.s32 $0x5F3759DF, v25;
	v41 =	vmul.f32 v15, v19;
	v35 =	vmul.f32 v13, v9  }
0x16e: {  	v22 =	vsub.f32 $1.500000000e+00, v22;
	v7 =	vmul.f32 v7, v23;
	v23 =	vmul.f32 v21, v16  }
0x16f: {  	v24 =	vsub.s32 $0x5F3759DF, v24;
	v27 =	vmul.f32 v25, v18;
	v10 =	vmul.f32 v13, v35  }
0x170: {  	v28 =	vld [tilespmem:$0x1C950];
	v26 =	vmul.f32 v24, v17;
	v23 =	vmul.f32 v21, v23  }
0x171: {  	v43 =	vmul.f32 v20, v22;
	v14 =	vmul.f32 v41, v14;
	v10 =	vsub.f32 $1.500000000e+00, v10  }
0x172: {  	v27 =	vmul.f32 v25, v27;
	v26 =	vmul.f32 v24, v26;
	v23 =	vsub.f32 $1.500000000e+00, v23  }
0x173: {  	v12 =	vmul.f32 v43, v12;
	v10 =	vmul.f32 v13, v10  }
0x174: {  	v14 =	vmul.f32 v14, v41;
	v45 =	vsub.f32 $1.500000000e+00, v27;
	v44 =	vmul.f32 v21, v23  }
0x175: {  	v8 =	vmul.f32 v8, v28;
	v42 =	vsub.f32 $1.500000000e+00, v26;
	v9 =	vmul.f32 v10, v9  }
0x176: {  	v21 =	vmul.f32 v25, v45;
	v16 =	vmul.f32 v44, v16  }
0x177: {  	v47 =	vld [tilespmem:$0x1C980];
	[tilespmem:$0x1CC00] =	vst v3;
	v15 =	vmul.f32 v24, v42;
	v9 =	vmul.f32 v9, v10  }
0x178: {  	v3 =	vld [tilespmem:$0x1C970];
	[tilespmem:$0x1CC10] =	vst v5;
	v48 =	vsub.f32 $1.500000000e+00, v14;
	v18 =	vmul.f32 v21, v18;
	v16 =	vmul.f32 v16, v44  }
0x179: {  	v51 =	vld [tilespmem:$0x1C9A0];
	[tilespmem:$0x1CC40] =	vst v6;
	v12 =	vmul.f32 v12, v43;
	v17 =	vmul.f32 v15, v17;
	v46 =	vsub.f32 $1.500000000e+00, v9  }
0x17a: {  	v49 =	vld [tilespmem:$0x1C990];
	[tilespmem:$0x1CC20] =	vst v4;
	v4 =	vmul.f32 v48, v41;
	v55 =	vmul.f32 v18, v21;
	v53 =	vsub.f32 $1.500000000e+00, v16  }
0x17b: {  	v58 =	vld [tilespmem:$0x1C9C0];
	[tilespmem:$0x1CC60] =	vst v11;
	v50 =	vsub.f32 $1.500000000e+00, v12;
	v52 =	vmul.f32 v17, v15;
	v5 =	vmul.f32 v46, v10  }
0x17c: {  	v54 =	vld [tilespmem:$0x1C9B0];
	[tilespmem:$0x1CC30] =	vst v7;
	v4 =	vmul.f32 v4, v47;
	v59 =	vsub.f32 $1.500000000e+00, v55;
	v6 =	vmul.f32 v53, v44  }
0x17d: {  	[tilespmem:$0x1CC50] =	vst v8;
	v56 =	vmul.f32 v50, v43;
	v57 =	vsub.f32 $1.500000000e+00, v52;
	v3 =	vmul.f32 v5, v3  }
0x17e: {  	s4 =	sadd.s32 $0x1, s4;
	s29 =	rddreg [dreg:$0x10];
	[tilespmem:$0x1CC80] =	vst v4;
	v62 =	vmul.f32 v59, v21;
	v61 =	vmul.f32 v6, v51  }
0x17f: {  	p0 =	sne.s32 s4, $0x10;
	s1 =	rddreg [dreg:$0x17];
	v60 =	vmul.f32 v57, v15;
	[tilespmem:$0x1CC70] =	vst v3;
	v3 =	vmul.f32 v56, v49  }
.Ltmp3:
0x180: {  	s0 =	sadd.s32 s29, s1;
	v63 =	vmul.f32 v62, v58;
	[tilespmem:$0x1CCA0] =	vst v61;
	(pc) =	sbr.rel @!p0 .LBB2_20-.Ltmp3, $4  }
0x181: {  	s0 =	smul.u32 $0x19, s0;
	[tilespmem:$0x1CC90] =	vst v3;
	v3 =	vmul.f32 v60, v54  }
0x182: {  	s30 =	rddreg [dreg:$0xf];
	[tilespmem:$0x1CCC0] =	vst v63  }
0x183: {  	s31 =	simm.s32 $0x0;
	s2 =	simm.s32 $0x1CC00;
	s0 =	sadd.s32 s30, s0;
	[tilespmem:$0x1CCB0] =	vst v3  }
0x184: {  	[hbm4b:s0+s31] =	stream.linear.scatter [tilespmem:s2], [sflag:$0x6], $0xC8, $0x38;
	[tilespmem:$0x1CD00] =	vst v63  }
.LBB2_2:
0x185: {  	s0 =	sshll.u32 s4, $0x9  }
0x186: {  	s1 =	sshll.u32 s4, $0x8;
	s0 =	sand.u32 $0x1800, s0  }
0x187: {  	s1 =	sand.u32 $0x300, s1;
	s0 =	sadd.s32 $0x1900, s0  }
0x188: {  	[dreg:$0x16] =	wrdreg s0;
	s0 =	sadd.s32 s1, s0  }
0x189: {  	v3 =	vld [tilespmem:s0+$0x0]  }
0x18a: {  	v4 =	vld [tilespmem:s0+$0x10]  }
0x18b: {  	v5 =	vld [tilespmem:s0+$0x20]  }
0x18c: {  	v7 =	vld [tilespmem:s0+$0x30]  }
0x18d: {  	v8 =	vld [tilespmem:s0+$0x40]  }
0x18e: {  	v9 =	vld [tilespmem:s0+$0x50]  }
0x18f: {  	v10 =	vld [tilespmem:s0+$0x60]  }
0x190: {  	v11 =	vld [tilespmem:s0+$0x70]  }
0x191: {  	v12 =	vld [tilespmem:s0+$0x400]  }
0x192: {  	v13 =	vld [tilespmem:s0+$0x410]  }
0x193: {  	v14 =	vld [tilespmem:s0+$0x420]  }
0x194: {  	v15 =	vld [tilespmem:s0+$0x430]  }
0x195: {  	v16 =	vld [tilespmem:s0+$0x440]  }
0x196: {  	v17 =	vld [tilespmem:s0+$0x450]  }
0x197: {  	[dreg:$0x15] =	wrdreg s4;
	s31 =	simm.s32 $0x0;
	s6 =	simm.s32 $0x1;
	v18 =	vld [tilespmem:s0+$0x460]  }
0x198: {  	s7 =	simm.s32 $0x180;
	s2 =	sand.u32 $0x7800, s31;
	v6 =	vld [tilespmem:s0+$0x470];
	_ =	swait.ge [sflag:s6], $0x6800  }
0x199: {  	s3 =	sadd.s32 $0x3900, s2;
	s1 =	sand.u32 $0x380, s7;
	[sflag:s6] =	ssyncset.done $0x0  }
0x19a: {  	s8 =	simm.s32 $0x0;
	s5 =	sadd.s32 s1, s3;
	[sflag:s6] =	ssyncadd.s32 $0xFFFF9800  }
0x19b: {  	s9 =	sand.u32 $0x200, s8;
	v19 =	vld [tilespmem:s5+$0x0]  }
0x19c: {  	s1 =	sor.u32 s9, s3;
	v20 =	vld [tilespmem:s5+$0x10]  }
0x19d: {  	s10 =	simm.s32 $0x80;
	v21 =	vld [tilespmem:s1+$0x0]  }
0x19e: {  	s2 =	sand.u32 $0x280, s10  }
0x19f: {  	s2 =	sor.u32 s2, s3;
	v23 =	vld [tilespmem:s1+$0x10]  }
0x1a0: {  	v25 =	vld [tilespmem:s2+$0x0]  }
0x1a1: {  	s11 =	simm.s32 $0x100;
	v22 =	vld [tilespmem:s5+$0x20];
	v26 =	vmul.f32 v19, v3  }
0x1a2: {  	s4 =	sand.u32 $0x300, s11;
	v30 =	vld [tilespmem:s2+$0x10];
	v27 =	vmul.f32 v20, v4;
	v28 =	vmul.f32 v21, v3  }
0x1a3: {  	s3 =	sadd.s32 s4, s3;
	v24 =	vld [tilespmem:s5+$0x30];
	v21 =	vmul.f32 v21, v21;
	v19 =	vmul.f32 v19, v19  }
0x1a4: {  	v33 =	vld [tilespmem:s3+$0x0];
	v20 =	vmul.f32 v20, v20;
	v32 =	vmul.f32 v23, v4  }
0x1a5: {  	v29 =	vld [tilespmem:s5+$0x40];
	v23 =	vmul.f32 v23, v23;
	v34 =	vmul.f32 v25, v3  }
0x1a6: {  	v35 =	vld [tilespmem:s3+$0x10];
	v25 =	vmul.f32 v25, v25;
	v26 =	vadd.f32 v27, v26;
	v27 =	vmul.f32 v22, v5  }
0x1a7: {  	v31 =	vld [tilespmem:s5+$0x50];
	v36 =	vmul.f32 v30, v4;
	v19 =	vadd.f32 v20, v19;
	v20 =	vmul.f32 v22, v22  }
0x1a8: {  	s12 =	sand.u32 $0x7, s31;
	v39 =	vld [tilespmem:s1+$0x20];
	v30 =	vmul.f32 v30, v30;
	v26 =	vadd.f32 v27, v26;
	v27 =	vmul.f32 v24, v7  }
0x1a9: {  	s4 =	sshll.u32 s12, $0x7;
	v37 =	vmul.f32 v33, v3;
	v22 =	vld [tilespmem:s5+$0x60];
	v19 =	vadd.f32 v20, v19;
	v20 =	vmul.f32 v24, v24  }
0x1aa: {  	s4 =	sadd.s32 $0x0, s4;
	v49 =	vld [tilespmem:s1+$0x60];
	v33 =	vmul.f32 v33, v33;
	v26 =	vadd.f32 v27, v26;
	v27 =	vmul.f32 v29, v8  }
0x1ab: {  	s13 =	sadd.s32 $0x180, s4;
	v38 =	vmul.f32 v35, v4;
	v24 =	vld [tilespmem:s5+$0x70];
	v19 =	vadd.f32 v20, v19;
	v20 =	vmul.f32 v29, v29  }
0x1ac: {  	s6 =	sor.u32 $0x400, s13;
	v35 =	vmul.f32 v35, v35;
	v26 =	vadd.f32 v27, v26;
	v27 =	vmul.f32 v31, v9  }
0x1ad: {  	v60 =	vmul.f32 v39, v5;
	v29 =	vld [tilespmem:s6+$0x3900];
	v19 =	vadd.f32 v20, v19;
	v20 =	vmul.f32 v31, v31  }
0x1ae: {  	s14 =	sor.u32 $0x410, s13;
	v61 =	vmul.f32 v39, v39;
	v26 =	vadd.f32 v27, v26;
	v27 =	vmul.f32 v22, v10  }
0x1af: {  	v54 =	vmul.f32 v49, v10;
	v31 =	vld [tilespmem:s14+$0x3900];
	v19 =	vadd.f32 v20, v19;
	v20 =	vmul.f32 v22, v22  }
0x1b0: {  	s15 =	sor.u32 $0x420, s13;
	v28 =	vadd.f32 v32, v28;
	v26 =	vadd.f32 v27, v26;
	v27 =	vmul.f32 v24, v11  }
0x1b1: {  	s16 =	sor.u32 $0x430, s13;
	v21 =	vadd.f32 v23, v21;
	v22 =	vld [tilespmem:s15+$0x3900];
	v19 =	vadd.f32 v20, v19;
	v20 =	vmul.f32 v24, v24  }
0x1b2: {  	v23 =	vld [tilespmem:s16+$0x3900];
	v58 =	vadd.f32 v36, v34;
	v26 =	vadd.f32 v27, v26;
	v27 =	vmul.f32 v29, v12  }
0x1b3: {  	v25 =	vadd.f32 v30, v25;
	v30 =	vld [tilespmem:s3+$0x20];
	v19 =	vadd.f32 v20, v19;
	v20 =	vmul.f32 v29, v29  }
0x1b4: {  	s17 =	sor.u32 $0x440, s13;
	v42 =	vld [tilespmem:s1+$0x30];
	v59 =	vadd.f32 v38, v37;
	v26 =	vadd.f32 v27, v26;
	v27 =	vmul.f32 v31, v13  }
0x1b5: {  	v33 =	vadd.f32 v35, v33;
	v29 =	vld [tilespmem:s17+$0x3900];
	v19 =	vadd.f32 v20, v19;
	v20 =	vmul.f32 v31, v31  }
0x1b6: {  	s18 =	sor.u32 $0x450, s13;
	v46 =	vld [tilespmem:s2+$0x50];
	v28 =	vadd.f32 v60, v28;
	v26 =	vadd.f32 v27, v26;
	v27 =	vmul.f32 v22, v14  }
0x1b7: {  	p0 =	por $0x0, $0x0;
	v43 =	vadd.f32 v61, v21;
	s6 =	simm.s32 $0x1;
	v31 =	vld [tilespmem:s18+$0x3900];
	v19 =	vadd.f32 v20, v19;
	v20 =	vmul.f32 v22, v22  }
0x1b8: {  	s26 =	sadd.s32 $0x80, s4;
	s19 =	sor.u32 $0x460, s13;
	v63 =	vmul.f32 v30, v5;
	s6 =	simm.s32 @!p0 $0x0;
	v24 =	vld [tilespmem:s2+$0x20];
	v26 =	vadd.f32 v27, v26;
	v27 =	vmul.f32 v23, v15  }
0x1b9: {  	s29 =	sor.u32 $0x400, s26;
	v30 =	vmul.f32 v30, v30;
	s28 =	sshll.u32 s6, $0x9;
	v22 =	vld [tilespmem:s19+$0x3900];
	v19 =	vadd.f32 v20, v19;
	v20 =	vmul.f32 v23, v23  }
0x1ba: {  	v57 =	vld [tilespmem:s29+$0x3900];
	s5 =	sor.u32 $0x470, s13;
	v34 =	vadd.f32 v63, v59;
	s30 =	sadd.s32 $0x0, s28;
	v26 =	vadd.f32 v27, v26;
	v27 =	vmul.f32 v29, v16  }
0x1bb: {  	v30 =	vadd.f32 v30, v33;
	s4 =	sor.u32 $0x400, s30;
	v23 =	vld [tilespmem:s5+$0x3900];
	v19 =	vadd.f32 v20, v19;
	v20 =	vmul.f32 v29, v29  }
0x1bc: {  	v33 =	vmul.f32 v46, v46;
	v60 =	vld [tilespmem:s4+$0x3900];
	v26 =	vadd.f32 v27, v26;
	v27 =	vmul.f32 v31, v17  }
0x1bd: {  	v62 =	vmul.f32 v24, v5;
	v19 =	vadd.f32 v20, v19;
	v20 =	vmul.f32 v31, v31;
	v31 =	vld [tilespmem:s3+$0x30]  }
0x1be: {  	v24 =	vmul.f32 v24, v24;
	v26 =	vadd.f32 v27, v26;
	v27 =	vmul.f32 v22, v18  }
0x1bf: {  	v63 =	vmul.f32 v57, v12;
	v29 =	vld [tilespmem:s2+$0x30];
	v19 =	vadd.f32 v20, v19;
	v22 =	vmul.f32 v22, v22  }
0x1c0: {  	v24 =	vadd.f32 v24, v25;
	v25 =	vld [tilespmem:s1+$0x40];
	v21 =	vadd.f32 v27, v26;
	v26 =	vmul.f32 v23, v6  }
0x1c1: {  	v40 =	vmul.f32 v60, v12;
	v27 =	vmul.f32 v42, v7;
	v19 =	vadd.f32 v22, v19  }
0x1c2: {  	v51 =	vld [tilespmem:s1+$0x70];
	s5 =	sor.u32 $0x410, s26;
	v44 =	vmul.f32 v31, v7;
	v31 =	vmul.f32 v31, v31;
	v20 =	vadd.f32 v26, v21  }
0x1c3: {  	v61 =	vld [tilespmem:s5+$0x3900];
	v21 =	vmul.f32 v23, v23;
	v23 =	vadd.f32 v27, v28;
	v27 =	vmul.f32 v42, v42  }
0x1c4: {  	v32 =	vadd.f32 v62, v58;
	v22 =	vld [tilespmem:s3+$0x40];
	v28 =	vmul.f32 v29, v7;
	v29 =	vmul.f32 v29, v29  }
0x1c5: {  	v45 =	vmul.f32 v25, v8;
	v26 =	vld [tilespmem:s2+$0x40];
	v30 =	vadd.f32 v31, v30;
	v21 =	vadd.f32 v21, v19  }
0x1c6: {  	v25 =	vmul.f32 v25, v25;
	v31 =	vld [tilespmem:s3+$0x50];
	v27 =	vadd.f32 v27, v43;
	v24 =	vadd.f32 v29, v24  }
0x1c7: {  	v19 =	vld [tilespmem:s1+$0x50];
	v29 =	vadd.f32 v44, v34;
	v34 =	vmul.f32 v51, v51;
	v43 =	vmul.f32 v60, v60  }
0x1c8: {  	v23 =	vadd.f32 v45, v23;
	v44 =	vmul.f32 v61, v13;
	v45 =	vmul.f32 v61, v61  }
0x1c9: {  	s8 =	sor.u32 $0x420, s26;
	v28 =	vadd.f32 v28, v32;
	v48 =	vmul.f32 v22, v8;
	v22 =	vmul.f32 v22, v22  }
0x1ca: {  	v41 =	vld [tilespmem:s8+$0x3900];
	v25 =	vadd.f32 v25, v27;
	v47 =	vmul.f32 v26, v8;
	v26 =	vmul.f32 v26, v26  }
0x1cb: {  	s22 =	sand.u32 $0x3, s31;
	v22 =	vadd.f32 v22, v30;
	v30 =	vld [tilespmem:s3+$0x60];
	v52 =	vmul.f32 v31, v9;
	v31 =	vmul.f32 v31, v31  }
0x1cc: {  	s20 =	simm.s32 $0x3;
	s23 =	sshll.u32 s22, $0x8;
	v27 =	vadd.f32 v47, v28;
	v28 =	vmul.f32 v19, v9;
	v24 =	vadd.f32 v26, v24  }
0x1cd: {  	s24 =	sadd.s32 $0x0, s23;
	v53 =	vld [tilespmem:s2+$0x70];
	v26 =	vadd.f32 v48, v29;
	v50 =	vmul.f32 v19, v19;
	v19 =	vmov s20  }
0x1ce: {  	s11 =	sor.u32 $0x430, s26;
	v29 =	vld [tilespmem:s2+$0x60];
	s2 =	sadd.s32 $0x100, s24;
	v31 =	vadd.f32 v31, v22;
	v22 =	vmov s31;
	v23 =	vadd.f32 v28, v23  }
0x1cf: {  	v48 =	vld [tilespmem:s11+$0x3900];
	s31 =	sor.u32 $0x400, s2;
	v28 =	vmul.f32 v46, v9;
	v25 =	vadd.f32 v50, v25;
	v26 =	vadd.f32 v52, v26  }
0x1d0: {  	s6 =	sor.u32 $0x410, s2;
	v59 =	vld [tilespmem:s31+$0x3900];
	v52 =	vmul.f32 v41, v41;
	v22 =	vand.u32 $0xFFFFFFFC, v22;
	v58 =	vmul.f32 v30, v10  }
0x1d1: {  	s13 =	sor.u32 $0x430, s30;
	v24 =	vadd.f32 v33, v24;
	v62 =	vld [tilespmem:s6+$0x3900];
	v30 =	vmul.f32 v30, v30;
	v22 =	vbroadcast v22, $0x0  }
0x1d2: {  	v50 =	vld [tilespmem:s13+$0x3900];
	v27 =	vadd.f32 v28, v27;
	v28 =	vmul.f32 v49, v49;
	v23 =	vadd.f32 v54, v23  }
0x1d3: {  	v55 =	vld [tilespmem:s3+$0x70];
	s12 =	sor.u32 $0x430, s2;
	v56 =	vmul.f32 v29, v10;
	v29 =	vmul.f32 v29, v29;
	v30 =	vadd.f32 v30, v31  }
0x1d4: {  	s14 =	sor.u32 $0x440, s26;
	v49 =	vld [tilespmem:s12+$0x3900];
	v31 =	vmul.f32 v53, v53;
	v25 =	vadd.f32 v28, v25;
	v28 =	vmul.f32 v51, v11  }
0x1d5: {  	v54 =	vld [tilespmem:s14+$0x3900];
	v51 =	vmul.f32 v41, v14;
	v24 =	vadd.f32 v29, v24;
	v29 =	vmul.f32 v53, v11  }
0x1d6: {  	v26 =	vadd.f32 v58, v26;
	v42 =	vmul.f32 v59, v59;
	v46 =	vmul.f32 v62, v13  }
0x1d7: {  	s17 =	sor.u32 $0x450, s26;
	v27 =	vadd.f32 v56, v27;
	v56 =	vmul.f32 v48, v15;
	v33 =	vmul.f32 v50, v50  }
0x1d8: {  	s0 =	sor.u32 $0x470, s30;
	v58 =	vld [tilespmem:s17+$0x3900];
	v23 =	vadd.f32 v28, v23;
	v28 =	vmul.f32 v55, v11;
	v25 =	vadd.f32 v34, v25  }
0x1d9: {  	(xrf2) =	vadd.scan.msk.f32 $0xffff, v20;
	v20 =	vld [tilespmem:s0+$0x3900];
	v34 =	vmul.f32 v62, v62;
	v27 =	vadd.f32 v29, v27;
	v29 =	vmul.f32 v55, v55  }
0x1da: {  	s7 =	sor.u32 $0x410, s30;
	v24 =	vadd.f32 v31, v24;
	v32 =	vmul.f32 v49, v49;
	v60 =	vmul.f32 v54, v54  }
0x1db: {  	s15 =	sor.u32 $0x440, s2;
	v31 =	vld [tilespmem:s7+$0x3900];
	v26 =	vadd.f32 v28, v26;
	v28 =	vmul.f32 v57, v57;
	v23 =	vadd.f32 v40, v23  }
0x1dc: {  	v55 =	vld [tilespmem:s15+$0x3900];
	v25 =	vadd.f32 v43, v25;
	v29 =	vadd.f32 v29, v30;
	v30 =	vmul.f32 v59, v12  }
0x1dd: {  	v57 =	vmul.f32 v50, v15;
	v43 =	vmul.f32 v58, v58;
	v27 =	vadd.f32 v63, v27  }
0x1de: {  	s9 =	sor.u32 $0x420, s2;
	v50 =	vmul.f32 v20, v20;
	v24 =	vadd.f32 v28, v24;
	v26 =	vadd.f32 v30, v26  }
0x1df: {  	s10 =	sor.u32 $0x420, s30;
	s16 =	sor.u32 $0x440, s30;
	v59 =	vmul.f32 v54, v16;
	v28 =	vld [tilespmem:s9+$0x3900];
	v29 =	vadd.f32 v42, v29;
	v27 =	vadd.f32 v44, v27  }
0x1e0: {  	s23 =	sor.u32 $0x460, s30;
	s19 =	sor.u32 $0x450, s30;
	s30 =	simm.s32 $0x200;
	v30 =	vld [tilespmem:s10+$0x3900];
	v42 =	vmul.f32 v58, v17;
	v47 =	vmul.f32 v31, v13;
	v24 =	vadd.f32 v45, v24  }
0x1e1: {  	s5 =	sand.u32 $0x200, s30;
	s24 =	simm.s32 $0x400;
	v31 =	vmul.f32 v31, v31;
	v61 =	vmul.f32 v55, v16;
	v26 =	vadd.f32 v46, v26  }
0x1e2: {  	s1 =	sor.u32 $0x470, s26;
	s0 =	sand.u32 $0x7800, s24;
	s9 =	simm.s32 $0x2;
	v29 =	vadd.f32 v34, v29;
	v27 =	vadd.f32 v51, v27;
	v34 =	vmul.f32 v55, v55  }
0x1e3: {  	s20 =	sor.u32 $0x460, s26;
	s26 =	simm.s32 $0x380;
	s28 =	sadd.s32 $0x3900, s0;
	v55 =	vmov s9;
	v23 =	vadd.f32 v47, v23;
	v25 =	vadd.f32 v31, v25  }
0x1e4: {  	s29 =	sand.u32 $0x380, s26;
	s0 =	sor.u32 s5, s28;
	s7 =	simm.s32 $0x280;
	v45 =	vld [tilespmem:s1+$0x3900];
	v24 =	vadd.f32 v52, v24;
	v31 =	vmul.f32 v28, v14;
	v28 =	vmul.f32 v28, v28  }
0x1e5: {  	s31 =	sadd.s32 s29, s28;
	s8 =	sand.u32 $0x280, s7;
	v51 =	vld [tilespmem:s0+$0x10];
	v39 =	vand.u32 $0xFFFFFFFE, v55;
	v27 =	vadd.f32 v56, v27;
	v53 =	vmul.f32 v30, v14  }
0x1e6: {  	s1 =	sor.u32 s8, s28;
	v47 =	vld [tilespmem:s31+$0x10];
	v30 =	vmul.f32 v30, v30;
	v26 =	vadd.f32 v31, v26;
	v28 =	vadd.f32 v28, v29  }
0x1e7: {  	s6 =	simm.s32 $0x1;
	v52 =	vld [tilespmem:s1+$0x0];
	v29 =	vmul.f32 v48, v48;
	v27 =	vadd.f32 v59, v27;
	v48 =	vmul.f32 v20, v6  }
0x1e8: {  	v63 =	vld [tilespmem:s20+$0x3900];
	v20 =	vmov s6;
	v23 =	vadd.f32 v53, v23;
	v25 =	vadd.f32 v30, v25  }
0x1e9: {  	v31 =	vld [tilespmem:s16+$0x3900];
	v30 =	vmul.f32 v49, v15;
	v20 =	vand.u32 $0xFFFFFFFD, v20;
	v24 =	vadd.f32 v29, v24  }
0x1ea: {  	s18 =	sor.u32 $0x450, s2;
	v49 =	vld [tilespmem:s0+$0x0];
	v58 =	vmul.f32 v51, v4;
	v28 =	vadd.f32 v32, v28;
	v27 =	vadd.f32 v42, v27  }
0x1eb: {  	v29 =	vld [tilespmem:s18+$0x3900];
	v54 =	vmul.f32 v47, v4;
	v32 =	vmul.f32 v47, v47;
	v26 =	vadd.f32 v30, v26  }
0x1ec: {  	v36 =	vmul.f32 v52, v52;
	v23 =	vadd.f32 v57, v23;
	v30 =	vld [tilespmem:s19+$0x3900];
	v25 =	vadd.f32 v33, v25  }
0x1ed: {  	v57 =	vld [tilespmem:s31+$0x50];
	v33 =	vmul.f32 v51, v51;
	v24 =	vadd.f32 v60, v24;
	v28 =	vadd.f32 v34, v28  }
0x1ee: {  	s22 =	sor.u32 $0x460, s2;
	v60 =	vld [tilespmem:s31+$0x60];
	v62 =	vmul.f32 v31, v16;
	v31 =	vmul.f32 v31, v31;
	v26 =	vadd.f32 v61, v26  }
0x1ef: {  	v40 =	vld [tilespmem:s22+$0x3900];
	v24 =	vadd.f32 v43, v24;
	v34 =	vmul.f32 v49, v49;
	v43 =	vmul.f32 v52, v3  }
0x1f0: {  	v41 =	vld [tilespmem:s23+$0x3900];
	s10 =	simm.s32 $0x300;
	s18 =	simm.s32 $0x4;
	v25 =	vadd.f32 v31, v25;
	v31 =	vmul.f32 v29, v17;
	v29 =	vmul.f32 v29, v29  }
0x1f1: {  	s2 =	sor.u32 $0x470, s2;
	s3 =	sand.u32 $0x300, s10;
	s11 =	sand.u32 $0x7, s18;
	v23 =	vadd.f32 v62, v23;
	v44 =	vmul.f32 v30, v17;
	v30 =	vmul.f32 v30, v30  }
0x1f2: {  	v46 =	vld [tilespmem:s2+$0x3900];
	s2 =	sadd.s32 s3, s28;
	s3 =	sshll.u32 s11, $0x7;
	v62 =	vmul.f32 v57, v9;
	v26 =	vadd.f32 v31, v26;
	v31 =	vmul.f32 v63, v18  }
0x1f3: {  	(xrf2) =	vadd.scan.msk.f32 $0xffff, v21;
	s3 =	sadd.s32 $0x400, s3;
	v28 =	vadd.f32 v29, v28;
	v29 =	vmul.f32 v63, v63;
	v51 =	vmul.f32 v60, v10  }
0x1f4: {  	s12 =	sadd.s32 $0x180, s3;
	v23 =	vadd.f32 v44, v23;
	v21 =	vadd.f32 v30, v25;
	v25 =	vmul.f32 v40, v18  }
0x1f5: {  	v42 =	vld [tilespmem:s2+$0x0];
	s13 =	sor.u32 $0x400, s12;
	v30 =	vmul.f32 v41, v18;
	v27 =	vadd.f32 v31, v27;
	v31 =	vmul.f32 v40, v40  }
0x1f6: {  	v63 =	vld [tilespmem:s13+$0x3900];
	v24 =	vadd.f32 v29, v24;
	v29 =	vmul.f32 v41, v41;
	v40 =	vmul.f32 v49, v3  }
0x1f7: {  	v25 =	vadd.f32 v25, v26;
	v26 =	vadd.f32 v30, v23;
	v23 =	vmul.f32 v45, v6;
	v30 =	vld [tilespmem:s31+$0x0]  }
0x1f8: {  	v44 =	vld [tilespmem:s2+$0x10];
	v28 =	vadd.f32 v31, v28;
	v31 =	vmul.f32 v45, v45;
	v29 =	vadd.f32 v29, v21  }
0x1f9: {  	v41 =	vld [tilespmem:s31+$0x40];
	v21 =	vmul.f32 v46, v6;
	v23 =	vadd.f32 v23, v27;
	v27 =	vmul.f32 v46, v46  }
0x1fa: {  	v26 =	vadd.f32 v48, v26;
	v46 =	vmul.f32 v42, v3;
	v24 =	vadd.f32 v31, v24;
	v31 =	vld [tilespmem:s31+$0x20]  }
0x1fb: {  	v42 =	vmul.f32 v42, v42;
	v21 =	vadd.f32 v21, v25;
	v25 =	vadd.f32 v27, v28;
	v27 =	vld [tilespmem:s31+$0x30]  }
0x1fc: {  	v55 =	vmul.f32 v63, v12;
	v29 =	vadd.f32 v50, v29;
	v28, _, _ =	vpop (xrf2);
	v53 =	vmul.f32 v30, v3  }
0x1fd: {  	v47 =	vmul.f32 v44, v4;
	v30 =	vmul.f32 v30, v30;
	[tilespmem:v19+s25+$0x0] =	vst.idx.msk vm1, v28;
	v28, _, _ =	vpop (xrf2);
	(xrf2) =	vadd.scan.msk.f32 $0xffff, v26;
	v26 =	vld [tilespmem:s2+$0x30]  }
0x1fe: {  	v20 =	vbroadcast v20, $0x0;
	v44 =	vmul.f32 v44, v44;
	[tilespmem:v19+s21+$0x0] =	vst.idx.msk vm1, v28;
	v37 =	vadd.f32 v54, v53  }
0x1ff: {  	s14 =	sor.u32 $0x410, s12;
	v28 =	vld [tilespmem:s1+$0x10];
	v30 =	vadd.f32 v32, v30;
	v56 =	vmul.f32 v31, v5;
	v31 =	vmul.f32 v31, v31  }
0x200: {  	v52 =	vld [tilespmem:s14+$0x3900];
	v33 =	vadd.f32 v33, v34;
	v61 =	vmul.f32 v41, v8;
	v59 =	vmul.f32 v27, v7  }
0x201: {  	v48 =	vld [tilespmem:s0+$0x20];
	(xrf2) =	vadd.scan.msk.f32 $0xffff, v29;
	v27 =	vmul.f32 v27, v27;
	v37 =	vadd.f32 v56, v37;
	v30 =	vadd.f32 v31, v30  }
0x202: {  	v42 =	vadd.f32 v44, v42;
	v19 =	vbroadcast v39, $0x0;
	(xrf2) =	vadd.scan.msk.f32 $0xffff, v23;
	v23 =	vld [tilespmem:s0+$0x40];
	v44 =	vmul.f32 v26, v7  }
0x203: {  	v31 =	vld [tilespmem:s31+$0x70];
	v37 =	vadd.f32 v59, v37;
	v27 =	vadd.f32 v27, v30;
	v30 =	vmul.f32 v41, v41  }
0x204: {  	v39 =	vadd.f32 v58, v40;
	v56 =	vld [tilespmem:s1+$0x20];
	v26 =	vmul.f32 v26, v26;
	v45 =	vmul.f32 v28, v4  }
0x205: {  	v28 =	vmul.f32 v28, v28;
	v59 =	vld [tilespmem:s2+$0x20];
	v37 =	vadd.f32 v61, v37;
	v27 =	vadd.f32 v30, v27  }
0x206: {  	s15 =	sor.u32 $0x420, s12;
	v30 =	vmul.f32 v57, v57;
	v40 =	vadd.f32 v45, v43;
	v57 =	vmul.f32 v52, v13  }
0x207: {  	v54 =	vld [tilespmem:s15+$0x3900];
	v28 =	vadd.f32 v28, v36;
	v43 =	vadd.f32 v47, v46;
	v61 =	vmul.f32 v48, v5  }
0x208: {  	s19 =	sor.u32 $0x450, s12;
	v46 =	vmul.f32 v23, v8;
	v23 =	vmul.f32 v23, v23;
	v37 =	vadd.f32 v62, v37  }
0x209: {  	v35 =	vld [tilespmem:s19+$0x3900];
	(xrf2) =	vadd.scan.msk.f32 $0xffff, v24;
	v34 =	vmul.f32 v56, v56;
	v27 =	vadd.f32 v30, v27;
	v30 =	vmul.f32 v60, v60  }
0x20a: {  	(xrf2) =	vadd.scan.msk.f32 $0xffff, v21;
	v21 =	vld [tilespmem:s2+$0x40];
	v53 =	vmul.f32 v31, v11;
	v41 =	vmul.f32 v59, v59;
	v37 =	vadd.f32 v51, v37  }
0x20b: {  	v28 =	vadd.f32 v34, v28;
	v27 =	vadd.f32 v30, v27;
	v30 =	vmul.f32 v31, v31  }
0x20c: {  	s16 =	sor.u32 $0x430, s12;
	v60 =	vmul.f32 v54, v14;
	v42 =	vadd.f32 v41, v42;
	v37 =	vadd.f32 v53, v37  }
0x20d: {  	s17 =	sor.u32 $0x440, s12;
	v31 =	vld [tilespmem:s16+$0x3900];
	v27 =	vadd.f32 v30, v27;
	v30 =	vmul.f32 v63, v63;
	v63 =	vmul.f32 v48, v48  }
0x20e: {  	v58 =	vld [tilespmem:s17+$0x3900];
	v53 =	vmul.f32 v56, v5;
	v56 =	vmul.f32 v35, v17;
	v47 =	vadd.f32 v26, v42  }
0x20f: {  	s20 =	sor.u32 $0x460, s12;
	v48 =	vld [tilespmem:s2+$0x50];
	v26 =	vmul.f32 v21, v8;
	v27 =	vadd.f32 v30, v27;
	v30 =	vmul.f32 v52, v52  }
0x210: {  	v21 =	vmul.f32 v21, v21;
	v37 =	vadd.f32 v55, v37;
	v52 =	vld [tilespmem:s20+$0x3900];
	v55 =	vmul.f32 v59, v5  }
0x211: {  	v33 =	vadd.f32 v63, v33;
	v27 =	vadd.f32 v30, v27;
	v30 =	vmul.f32 v54, v54  }
0x212: {  	v62 =	vmul.f32 v31, v15;
	v37 =	vadd.f32 v57, v37;
	v63 =	vadd.f32 v55, v43  }
0x213: {  	s4 =	sor.u32 $0x470, s12;
	v54 =	vmul.f32 v58, v16;
	v27 =	vadd.f32 v30, v27;
	v30 =	vmul.f32 v31, v31  }
0x214: {  	v36 =	vmul.f32 v48, v48;
	v37 =	vadd.f32 v60, v37;
	v31 =	vld [tilespmem:s4+$0x3900];
	v32 =	vadd.f32 v44, v63  }
0x215: {  	v60 =	vld [tilespmem:s1+$0x30];
	v59 =	vmul.f32 v52, v18;
	v27 =	vadd.f32 v30, v27;
	v30 =	vmul.f32 v58, v58  }
0x216: {  	v57 =	vld [tilespmem:s0+$0x30];
	v29 =	vmul.f32 v52, v52;
	v37 =	vadd.f32 v62, v37;
	v58 =	vadd.f32 v61, v39  }
0x217: {  	s22 =	simm.s32 $0x7;
	v49, _, _ =	vpop (xrf2);
	v52 =	vld [tilespmem:s1+$0x60];
	v61 =	vadd.f32 v53, v40;
	v27 =	vadd.f32 v30, v27;
	v30 =	vmul.f32 v35, v35  }
0x218: {  	v24 =	vld [tilespmem:s1+$0x40];
	[tilespmem:v22+s25+$0x0] =	vst.idx.msk vm1, v49;
	v32 =	vadd.f32 v26, v32;
	v53 =	vmov s22;
	v37 =	vadd.f32 v54, v37  }
0x219: {  	v35 =	vadd.f32 v21, v47;
	v62 =	vmul.f32 v31, v6;
	v27 =	vadd.f32 v30, v27  }
0x21a: {  	(xrf2) =	vadd.scan.msk.f32 $0xffff, v25;
	v43 =	vmul.f32 v60, v7;
	v25 =	vmul.f32 v60, v60;
	v37 =	vadd.f32 v56, v37  }
0x21b: {  	v50 =	vld [tilespmem:s0+$0x60];
	v30 =	vmul.f32 v57, v7;
	v27 =	vadd.f32 v29, v27;
	v29 =	vmul.f32 v31, v31  }
0x21c: {  	v54 =	vld [tilespmem:s2+$0x60];
	v39 =	vmul.f32 v52, v52;
	v45 =	vadd.f32 v43, v61;
	v37 =	vadd.f32 v59, v37  }
0x21d: {  	v28 =	vadd.f32 v25, v28;
	v25 =	vmul.f32 v24, v8;
	v27 =	vadd.f32 v29, v27;
	v29 =	vld [tilespmem:s0+$0x50]  }
0x21e: {  	p0 =	por !p0, !p0;
	s23 =	simm.s32 $0x2;
	s4 =	simm.s32 $0x1;
	v60 =	vld [tilespmem:s2+$0x70];
	v24 =	vmul.f32 v24, v24;
	v31 =	vmul.f32 v57, v57;
	v40 =	vadd.f32 v62, v37  }
0x21f: {  	s24 =	sand.u32 $0x3, s23;
	s4 =	simm.s32 @!p0 $0x0;
	v56 =	vld [tilespmem:s0+$0x70];
	v61 =	vmul.f32 v52, v10;
	v30 =	vadd.f32 v30, v58;
	v59 =	vadd.f32 v36, v35  }
0x220: {  	s29 =	sshll.u32 s4, $0x9;
	v57 =	vmul.f32 v50, v10;
	v58 =	vld [tilespmem:s1+$0x70];
	v28 =	vadd.f32 v24, v28;
	v31 =	vadd.f32 v31, v33;
	s0 =	sshll.u32 s24, $0x8;
	(xrf2) =	vadd.scan.msk.f32 $0xffff, v40  }
0x221: {  	s2 =	sadd.s32 $0x400, s29;
	v63 =	vmul.f32 v54, v10;
	v34 =	vmul.f32 v54, v54;
	v30 =	vadd.f32 v46, v30;
	s26 =	sadd.s32 $0x400, s0;
	(xrf2) =	vadd.scan.msk.f32 $0xffff, v27;
	v27 =	vld [tilespmem:s1+$0x50]  }
0x222: {  	s9 =	sor.u32 $0x420, s2;
	v31 =	vadd.f32 v23, v31;
	s1 =	sadd.s32 $0x100, s26;
	v51 =	vmul.f32 v29, v9;
	v29 =	vmul.f32 v29, v29  }
0x223: {  	v33 =	vadd.f32 v25, v45;
	v37 =	vmul.f32 v50, v50;
	v54 =	vmul.f32 v60, v11;
	v45 =	vld [tilespmem:s9+$0x3900];
	s30 =	sor.u32 $0x400, s1  }
0x224: {  	s28 =	sadd.s32 $0x80, s3;
	v35 =	vmul.f32 v60, v60;
	s5 =	sor.u32 $0x410, s1;
	v50 =	vld [tilespmem:s30+$0x3900];
	v29 =	vadd.f32 v29, v31;
	v31 =	vmul.f32 v48, v9  }
0x225: {  	s3 =	sor.u32 $0x400, s28;
	v49 =	vmul.f32 v56, v11;
	v41 =	vmul.f32 v56, v56;
	v56 =	vld [tilespmem:s5+$0x3900];
	v30 =	vadd.f32 v51, v30  }
0x226: {  	s31 =	sor.u32 $0x400, s2;
	v52 =	vmul.f32 v58, v11;
	v48 =	vld [tilespmem:s3+$0x3900];
	v55 =	vmul.f32 v27, v9;
	v31 =	vadd.f32 v31, v32  }
0x227: {  	v25, _, _ =	vpop (xrf2);
	v51 =	vld [tilespmem:s31+$0x3900];
	v27 =	vmul.f32 v27, v27;
	v30 =	vadd.f32 v57, v30;
	v29 =	vadd.f32 v37, v29  }
0x228: {  	v26, _, _ =	vpop (xrf2);
	v32 =	vadd.f32 v34, v59;
	v34 =	vmul.f32 v45, v45;
	v33 =	vadd.f32 v55, v33  }
0x229: {  	v23, _, _ =	vpop (xrf2);
	v27 =	vadd.f32 v27, v28;
	v59 =	vmul.f32 v50, v12;
	v31 =	vadd.f32 v63, v31  }
0x22a: {  	s4 =	sor.u32 $0x410, s28;
	v24, _, _ =	vpop (xrf2);
	v47 =	vmul.f32 v56, v13;
	v30 =	vadd.f32 v49, v30;
	v29 =	vadd.f32 v41, v29  }
0x22b: {  	s8 =	sor.u32 $0x420, s1;
	v21, _, _ =	vpop (xrf2);
	v55 =	vld [tilespmem:s4+$0x3900];
	v32 =	vadd.f32 v35, v32;
	v33 =	vadd.f32 v61, v33;
	v57 =	vmul.f32 v48, v12  }
0x22c: {  	s10 =	sor.u32 $0x430, s28;
	v63 =	vld [tilespmem:s8+$0x3900];
	v28, _, _ =	vpop (xrf2);
	v27 =	vadd.f32 v39, v27;
	v40 =	vmul.f32 v48, v48;
	v60 =	vmul.f32 v51, v12  }
0x22d: {  	s11 =	sor.u32 $0x430, s1;
	v49 =	vld [tilespmem:s10+$0x3900];
	v61 =	vmul.f32 v50, v50;
	v36 =	vmul.f32 v51, v51;
	[tilespmem:v53+s25+$0x0] =	vst.idx.msk vm1, v28;
	v62, _, _ =	vpop (xrf2)  }
0x22e: {  	s13 =	sor.u32 $0x440, s28;
	v39 =	vmul.f32 v56, v56;
	v50 =	vld [tilespmem:s11+$0x3900];
	v28 =	vmov s18;
	v31 =	vadd.f32 v54, v31;
	[tilespmem:v53+s21+$0x0] =	vst.idx.msk vm1, v62  }
0x22f: {  	s6 =	sor.u32 $0x410, s2;
	v56 =	vld [tilespmem:s13+$0x3900];
	v53 =	vmul.f32 v58, v58;
	v33 =	vadd.f32 v52, v33;
	v30 =	vadd.f32 v60, v30  }
0x230: {  	s7 =	sor.u32 $0x420, s28;
	v58 =	vld [tilespmem:s6+$0x3900];
	v32 =	vadd.f32 v61, v32;
	v29 =	vadd.f32 v36, v29;
	v44 =	vmul.f32 v55, v13  }
0x231: {  	v62 =	vld [tilespmem:s7+$0x3900];
	v31 =	vadd.f32 v59, v31;
	v46 =	vmul.f32 v55, v55;
	v55 =	vmul.f32 v45, v14  }
0x232: {  	s12 =	sor.u32 $0x430, s2;
	v27 =	vadd.f32 v53, v27;
	v33 =	vadd.f32 v57, v33;
	v54 =	vmul.f32 v63, v14  }
0x233: {  	v52 =	vld [tilespmem:s12+$0x3900];
	v32 =	vadd.f32 v39, v32;
	v35 =	vmul.f32 v63, v63;
	v60 =	vmul.f32 v49, v49  }
0x234: {  	s15 =	sor.u32 $0x440, s2;
	v31 =	vadd.f32 v47, v31;
	v61 =	vmul.f32 v50, v15;
	v36 =	vmul.f32 v50, v50  }
0x235: {  	s17 =	sor.u32 $0x450, s1;
	v59 =	vld [tilespmem:s15+$0x3900];
	v38 =	vmul.f32 v56, v56;
	v27 =	vadd.f32 v40, v27;
	v48 =	vmul.f32 v58, v13  }
0x236: {  	s14 =	sor.u32 $0x440, s1;
	v45 =	vld [tilespmem:s17+$0x3900];
	v33 =	vadd.f32 v44, v33;
	v37 =	vmul.f32 v58, v58;
	v51 =	vmul.f32 v62, v14  }
0x237: {  	s16 =	sor.u32 $0x450, s28;
	v57 =	vld [tilespmem:s14+$0x3900];
	v32 =	vadd.f32 v35, v32;
	v53 =	vmul.f32 v62, v62;
	v58 =	vmul.f32 v49, v15  }
0x238: {  	s19 =	sor.u32 $0x450, s2;
	v63 =	vld [tilespmem:s16+$0x3900];
	v31 =	vadd.f32 v54, v31;
	v62 =	vmul.f32 v52, v15;
	v39 =	vmul.f32 v52, v52  }
0x239: {  	v47 =	vld [tilespmem:s19+$0x3900];
	v27 =	vadd.f32 v46, v27;
	v46 =	vmul.f32 v56, v16;
	v32 =	vadd.f32 v36, v32  }
0x23a: {  	v49 =	vmul.f32 v59, v16;
	v35 =	vmul.f32 v59, v59;
	v30 =	vadd.f32 v48, v30  }
0x23b: {  	s20 =	sor.u32 $0x460, s28;
	v54 =	vmul.f32 v45, v17;
	v29 =	vadd.f32 v37, v29;
	v33 =	vadd.f32 v51, v33  }
0x23c: {  	v50 =	vld [tilespmem:s20+$0x3900];
	v31 =	vadd.f32 v61, v31;
	v48 =	vmul.f32 v57, v16;
	v37 =	vmul.f32 v57, v57  }
0x23d: {  	s22 =	sor.u32 $0x460, s1;
	v52 =	vmul.f32 v63, v17;
	v27 =	vadd.f32 v53, v27;
	v30 =	vadd.f32 v55, v30  }
0x23e: {  	s0 =	sor.u32 $0x470, s28;
	v51 =	vld [tilespmem:s22+$0x3900];
	v36 =	vmul.f32 v47, v47;
	v29 =	vadd.f32 v34, v29;
	v33 =	vadd.f32 v58, v33  }
0x23f: {  	s1 =	sor.u32 $0x470, s1;
	v56 =	vld [tilespmem:s0+$0x3900];
	v31 =	vadd.f32 v48, v31;
	v32 =	vadd.f32 v37, v32;
	v55 =	vmul.f32 v47, v17  }
0x240: {  	s23 =	sor.u32 $0x460, s2;
	v57 =	vld [tilespmem:s1+$0x3900];
	v34 =	vmul.f32 v45, v45;
	v27 =	vadd.f32 v60, v27;
	v30 =	vadd.f32 v62, v30  }
0x241: {  	v53 =	vld [tilespmem:s23+$0x3900];
	v58 =	vmul.f32 v50, v50;
	v29 =	vadd.f32 v39, v29;
	v33 =	vadd.f32 v46, v33  }
0x242: {  	p0 =	por !p0, !p0;
	s29 =	simm.s32 $0x400;
	s9 =	simm.s32 $0x580;
	v41 =	vadd.f32 v54, v31;
	v31 =	vmul.f32 v50, v18;
	v27 =	vadd.f32 v38, v27  }
0x243: {  	s24 =	sor.u32 $0x470, s2;
	s2 =	simm.s32 $0x5;
	s30 =	sand.u32 $0x380, s9;
	v59 =	vmul.f32 v51, v18;
	v35 =	vadd.f32 v35, v29;
	v29 =	vmul.f32 v63, v63  }
0x244: {  	s3 =	simm.s32 $0x6;
	s31 =	simm.s32 $0x480;
	s8 =	simm.s32 $0x4;
	v34 =	vadd.f32 v34, v32;
	v62 =	vmul.f32 v51, v51;
	v38 =	vmul.f32 v56, v56  }
0x245: {  	s10 =	simm.s32 $0x500;
	s26 =	sand.u32 $0x3, s8;
	s7 =	simm.s32 $0x800;
	v39 =	vmul.f32 v57, v6;
	v30 =	vadd.f32 v49, v30;
	v27 =	vadd.f32 v29, v27;
	v29 =	vld [tilespmem:s24+$0x3900]  }
0x246: {  	s11 =	sand.u32 $0x200, s29;
	s28 =	sand.u32 $0x7800, s7;
	s0 =	simm.s32 $0x1;
	v33 =	vadd.f32 v52, v33;
	v60 =	vmul.f32 v53, v18;
	v32 =	vadd.f32 v59, v41  }
0x247: {  	s4 =	sadd.s32 $0x3900, s28;
	s0 =	simm.s32 @!p0 $0x0;
	s1 =	sshll.u32 s26, $0x8;
	v63 =	vmul.f32 v53, v53;
	v30 =	vadd.f32 v55, v30;
	v35 =	vadd.f32 v36, v35  }
0x248: {  	s13 =	sshll.u32 s0, $0x9;
	s0 =	sadd.s32 $0x800, s1;
	s1 =	sadd.s32 s30, s4;
	v61 =	vadd.f32 v31, v33;
	v31 =	vadd.f32 v58, v27;
	v27 =	vmul.f32 v56, v6  }
0x249: {  	s5 =	sand.u32 $0x300, s10;
	s10 =	simm.s32 $0xC;
	s6 =	sand.u32 $0x280, s31;
	v37 =	vadd.f32 v62, v34;
	v34 =	vld [tilespmem:s1+$0x10];
	v41 =	vmul.f32 v57, v57;
	v36 =	vadd.f32 v60, v30  }
0x24a: {  	s17 =	simm.s32 $0x8;
	s12 =	sor.u32 s11, s4;
	s11 =	sor.u32 s6, s4;
	v33 =	vld [tilespmem:s1+$0x0];
	v35 =	vadd.f32 v63, v35;
	v27 =	vadd.f32 v27, v61;
	v40 =	vmul.f32 v29, v6  }
.LBB2_3:
0x24b: {  	v30 =	vld [tilespmem:s12+$0x0];
	[tilespmem:v22+s21+$0x0] =	vst.idx.msk vm1, v25  }
0x24c: {  	v42 =	vmul.f32 v29, v29;
	v51 =	vmov s2;
	v22 =	vand.u32 $0xFFFFFFFC, v28;
	[tilespmem:v20+s25+$0x0] =	vst.idx.msk vm1, v26  }
0x24d: {  	v50 =	vld [tilespmem:s1+$0x20];
	s24 =	simm.s32 $0x1CA00;
	v53 =	vmov s3;
	[tilespmem:v19+s25+$0x0] =	vst.idx.msk vm1, v24;
	v29 =	vadd.f32 v41, v37;
	v28 =	vand.u32 $0xFFFFFFFD, v51  }
0x24e: {  	v26 =	vld [tilespmem:s1+$0x30];
	v22 =	vbroadcast v22, $0x0;
	[tilespmem:v20+s24+$0x0] =	vst.idx.msk vm1, v23;
	v37 =	vand.u32 $0xFFFFFFFE, v53;
	v20 =	vbroadcast v28, $0x0  }
0x24f: {  	v57 =	vld [tilespmem:s1+$0x50];
	[tilespmem:v19+s24+$0x0] =	vst.idx.msk vm1, v21;
	v19 =	vbroadcast v37, $0x0;
	v28 =	vmul.f32 v33, v3  }
0x250: {  	v62 =	vld [tilespmem:s1+$0x60];
	v52 =	vmul.f32 v34, v4;
	v55 =	vmul.f32 v33, v33  }
0x251: {  	v25 =	vld [tilespmem:s12+$0x10];
	v56 =	vmul.f32 v34, v34;
	v24 =	vmul.f32 v30, v3  }
0x252: {  	v36 =	vadd.f32 v40, v36;
	v53 =	vld [tilespmem:s1+$0x70];
	v30 =	vmul.f32 v30, v30;
	v54 =	vmul.f32 v50, v5  }
0x253: {  	v35 =	vadd.f32 v42, v35;
	v23 =	vld [tilespmem:s11+$0x0];
	v59 =	vmul.f32 v26, v7;
	v61 =	vmul.f32 v50, v50  }
0x254: {  	s5 =	sadd.s32 s5, s4;
	s0 =	sadd.s32 $0x100, s0;
	s18 =	sadd.s32 $0x4, s18;
	v21 =	vld [tilespmem:s11+$0x10];
	(xrf2) =	vadd.scan.msk.f32 $0xffff, v36;
	v26 =	vmul.f32 v26, v26;
	v44 =	vmul.f32 v57, v9  }
0x255: {  	v32 =	vadd.f32 v39, v32;
	s4 =	sor.u32 $0x400, s0;
	s29 =	sor.u32 $0x410, s0;
	s21 =	sor.u32 $0x420, s0;
	v58 =	vld [tilespmem:s5+$0x0];
	(xrf2) =	vadd.scan.msk.f32 $0xffff, v35;
	v35 =	vmul.f32 v57, v57;
	v34 =	vmul.f32 v62, v62  }
0x256: {  	s14 =	sor.u32 $0x430, s0;
	s28 =	sor.u32 $0x440, s0;
	s15 =	sor.u32 $0x450, s0;
	v28 =	vadd.f32 v52, v28;
	v37 =	vmul.f32 v25, v4;
	v60 =	vmul.f32 v25, v25  }
0x257: {  	s22 =	sor.u32 $0x460, s0;
	v39 =	vld [tilespmem:s1+$0x40];
	s0 =	sor.u32 $0x470, s0;
	s25 =	sand.u32 $0x7, s18;
	v25 =	vadd.f32 v56, v55;
	v56 =	vmul.f32 v62, v10;
	v33 =	vmul.f32 v53, v53  }
0x258: {  	v31 =	vadd.f32 v38, v31;
	[dreg:$0x7] =	wrdreg s0;
	s0 =	sshll.u32 s25, $0x7;
	v52 =	vld [tilespmem:s5+$0x10];
	v63 =	vmul.f32 v23, v3;
	v23 =	vmul.f32 v23, v23  }
0x259: {  	v47 =	vld [tilespmem:s5+$0x20];
	s0 =	sadd.s32 s7, s0;
	v43 =	vmul.f32 v21, v4;
	v21 =	vmul.f32 v21, v21;
	v28 =	vadd.f32 v54, v28  }
0x25a: {  	s6 =	sadd.s32 s13, s7;
	[dreg:$0xd] =	wrdreg s15;
	v41 =	vld [tilespmem:s11+$0x30];
	s15 =	sadd.s32 $0x180, s0;
	v55 =	vmul.f32 v58, v3;
	v40 =	vmul.f32 v58, v58;
	v25 =	vadd.f32 v61, v25  }
0x25b: {  	s16 =	sor.u32 $0x460, s6;
	(xrf2) =	vadd.scan.msk.f32 $0xffff, v27;
	s2 =	sor.u32 $0x400, s15;
	v58 =	vmul.f32 v53, v11;
	v54 =	vld [tilespmem:s12+$0x20];
	v37 =	vadd.f32 v37, v24;
	v45 =	vadd.f32 v59, v28  }
0x25c: {  	[dreg:$0x9] =	wrdreg s16;
	s16 =	sor.u32 $0x410, s15;
	(xrf2) =	vadd.scan.msk.f32 $0xffff, v31;
	v31 =	vld [tilespmem:s2+$0x3900];
	v28 =	vmul.f32 v39, v8;
	v48 =	vadd.f32 v26, v25;
	v26 =	vmul.f32 v39, v39  }
0x25d: {  	v46 =	vld [tilespmem:s16+$0x3900];
	v38 =	vadd.f32 v43, v63;
	v43 =	vadd.f32 v21, v23;
	v57 =	vmul.f32 v52, v4  }
0x25e: {  	v42 =	vmul.f32 v52, v52;
	v28 =	vadd.f32 v28, v45;
	v26 =	vadd.f32 v26, v48;
	v48 =	vld [tilespmem:s12+$0x30]  }
0x25f: {  	s16 =	sor.u32 $0x420, s15;
	v39 =	vld [tilespmem:s11+$0x20];
	v52 =	vmul.f32 v47, v5;
	v47 =	vmul.f32 v47, v47;
	v27, _, _ =	vpop (xrf2);
	(xrf2) =	vadd.scan.msk.f32 $0xffff, v32;
	v32 =	vadd.f32 v57, v55  }
0x260: {  	v59 =	vld [tilespmem:s16+$0x3900];
	s16 =	sor.u32 $0x430, s15;
	v40 =	vadd.f32 v42, v40;
	v62 =	vmul.f32 v54, v5;
	v28 =	vadd.f32 v44, v28  }
0x261: {  	v36 =	vmul.f32 v54, v54;
	v25, _, _ =	vpop (xrf2);
	v49 =	vadd.f32 v35, v26;
	(xrf2) =	vadd.scan.msk.f32 $0xffff, v29;
	v29 =	vadd.f32 v60, v30;
	v60 =	vld [tilespmem:s16+$0x3900]  }
0x262: {  	v55 =	vmul.f32 v41, v7;
	v32 =	vadd.f32 v52, v32;
	v28 =	vadd.f32 v56, v28  }
0x263: {  	v40 =	vadd.f32 v47, v40;
	v30 =	vadd.f32 v34, v49;
	v49 =	vmul.f32 v48, v7  }
0x264: {  	v52 =	vmul.f32 v48, v48;
	v24 =	vadd.f32 v58, v28;
	v28 =	vmul.f32 v31, v12  }
0x265: {  	v50 =	vld [tilespmem:s11+$0x40];
	s16 =	sor.u32 $0x440, s15;
	v21 =	vadd.f32 v33, v30;
	v30 =	vmul.f32 v31, v31;
	v58 =	vmul.f32 v39, v5  }
0x266: {  	v29 =	vadd.f32 v36, v29;
	v31 =	vld [tilespmem:s16+$0x3900];
	v39 =	vmul.f32 v39, v39;
	v63 =	vmul.f32 v60, v15  }
0x267: {  	v33 =	vld [tilespmem:s5+$0x30];
	v34 =	vmul.f32 v60, v60;
	v24 =	vadd.f32 v28, v24;
	v28 =	vmul.f32 v46, v13  }
0x268: {  	s16 =	sor.u32 $0x450, s15;
	v29 =	vadd.f32 v52, v29;
	v21 =	vadd.f32 v30, v21;
	v30 =	vmul.f32 v46, v46  }
0x269: {  	v42 =	vld [tilespmem:s16+$0x3900];
	s16 =	sor.u32 $0x460, s15;
	v38 =	vadd.f32 v58, v38;
	v61 =	vadd.f32 v28, v24;
	v28 =	vmul.f32 v59, v14  }
0x26a: {  	s15 =	sor.u32 $0x470, s15;
	v57 =	vld [tilespmem:s16+$0x3900];
	v39 =	vadd.f32 v39, v43;
	v54 =	vadd.f32 v30, v21;
	v30 =	vmul.f32 v59, v59  }
0x26b: {  	v51 =	vld [tilespmem:s15+$0x3900];
	v58 =	vmul.f32 v50, v8;
	v59 =	vmul.f32 v31, v16;
	v28 =	vadd.f32 v28, v61  }
0x26c: {  	v53 =	vld [tilespmem:s5+$0x40];
	v31 =	vmul.f32 v31, v31;
	v56 =	vmul.f32 v33, v7;
	v30 =	vadd.f32 v30, v54  }
0x26d: {  	v45 =	vld [tilespmem:s12+$0x40];
	v33 =	vmul.f32 v33, v33;
	v61 =	vadd.f32 v62, v37;
	v28 =	vadd.f32 v63, v28  }
0x26e: {  	v60 =	vmul.f32 v42, v17;
	v54 =	vld [tilespmem:s12+$0x50];
	v32 =	vadd.f32 v56, v32;
	v30 =	vadd.f32 v34, v30  }
0x26f: {  	v62 =	vmul.f32 v57, v18;
	v33 =	vadd.f32 v33, v40;
	v28 =	vadd.f32 v59, v28  }
0x270: {  	v37 =	vld [tilespmem:s11+$0x50];
	v63 =	vmul.f32 v51, v6;
	v30 =	vadd.f32 v31, v30;
	v31 =	vmul.f32 v42, v42  }
0x271: {  	v34 =	vadd.f32 v49, v61;
	v42 =	vld [tilespmem:s12+$0x60];
	v59 =	vmul.f32 v50, v50;
	v28 =	vadd.f32 v60, v28  }
0x272: {  	v44 =	vld [tilespmem:s12+$0x70];
	v30 =	vadd.f32 v31, v30;
	v31 =	vmul.f32 v57, v57;
	v57 =	vmul.f32 v45, v8  }
0x273: {  	v36 =	vld [tilespmem:s5+$0x50];
	v61 =	vmul.f32 v54, v9;
	v60 =	vmul.f32 v53, v8;
	v28 =	vadd.f32 v62, v28  }
0x274: {  	v43 =	vld [tilespmem:s11+$0x60];
	v30 =	vadd.f32 v31, v30;
	v31 =	vmul.f32 v51, v51;
	v34 =	vadd.f32 v57, v34  }
0x275: {  	v26, _, _ =	vpop (xrf2);
	v48 =	vld [tilespmem:s11+$0x70];
	v32 =	vadd.f32 v60, v32;
	v62 =	vmul.f32 v54, v54;
	v57 =	vmul.f32 v37, v9  }
0x276: {  	s30 =	sor.u32 $0x410, s6;
	v23, _, _ =	vpop (xrf2);
	v49 =	vld [tilespmem:s5+$0x70];
	v37 =	vmul.f32 v37, v37;
	v60 =	vmul.f32 v42, v10;
	v28 =	vadd.f32 v63, v28  }
0x277: {  	s13 =	smov.u32 s17;
	s23 =	sor.u32 $0x400, s6;
	v24, _, _ =	vpop (xrf2);
	s12 =	simm.s32 $0x1C900;
	v51 =	vld [tilespmem:s30+$0x3900];
	v42 =	vmul.f32 v42, v42;
	v30 =	vadd.f32 v31, v30;
	v31 =	vadd.f32 v55, v38  }
0x278: {  	s11 =	sadd.s32 $0x3, s13;
	v21, _, _ =	vpop (xrf2);
	(xrf2) =	vadd.scan.msk.f32 $0xffff, v28;
	v28 =	vmul.f32 v41, v41;
	v41 =	vld [tilespmem:s23+$0x3900];
	[tilespmem:v22+s12+$0x0] =	vst.idx.msk vm1, v27;
	v27 =	vadd.f32 v61, v34  }
0x279: {  	v46 =	vld [tilespmem:s5+$0x60];
	v63 =	vmov s11;
	v55 =	vmul.f32 v43, v10;
	(xrf2) =	vadd.scan.msk.f32 $0xffff, v30;
	v30 =	vmul.f32 v45, v45  }
0x27a: {  	s26 =	sor.u32 $0x420, s6;
	v43 =	vmul.f32 v43, v43;
	v28 =	vadd.f32 v28, v39;
	v27 =	vadd.f32 v60, v27  }
0x27b: {  	s31 =	sor.u32 $0x430, s6;
	s20 =	sor.u32 $0x440, s6;
	s3 =	sadd.s32 $0x80, s0;
	v29 =	vadd.f32 v30, v29;
	v30 =	vadd.f32 v58, v31;
	v31 =	vmul.f32 v53, v53  }
0x27c: {  	s19 =	sor.u32 $0x450, s6;
	s24 =	sor.u32 $0x470, s6;
	s6 =	sor.u32 $0x400, s3;
	v52 =	vld [tilespmem:s31+$0x3900];
	v60 =	vmul.f32 v49, v49;
	v58 =	vmul.f32 v36, v9;
	v28 =	vadd.f32 v59, v28  }
0x27d: {  	v35 =	vld [tilespmem:s6+$0x3900];
	v36 =	vmul.f32 v36, v36;
	v31 =	vadd.f32 v31, v33;
	v29 =	vadd.f32 v62, v29  }
0x27e: {  	s0 =	sor.u32 $0x410, s3;
	v30 =	vadd.f32 v57, v30;
	v32 =	vadd.f32 v58, v32;
	v57 =	vmul.f32 v46, v10  }
0x27f: {  	v40 =	vld [tilespmem:s0+$0x3900];
	v46 =	vmul.f32 v46, v46;
	v61 =	vadd.f32 v37, v28;
	v31 =	vadd.f32 v36, v31  }
0x280: {  	v58 =	vmul.f32 v48, v11;
	v29 =	vadd.f32 v42, v29;
	v30 =	vadd.f32 v55, v30  }
0x281: {  	s25 =	sor.u32 $0x430, s3;
	v39 =	vld [tilespmem:s4+$0x3900];
	v32 =	vadd.f32 v57, v32;
	v55 =	vmul.f32 v52, v52;
	v34 =	vadd.f32 v43, v61  }
0x282: {  	v37 =	vld [tilespmem:s25+$0x3900];
	s25 =	simm.s32 $0x1C900;
	v61 =	vmul.f32 v35, v12;
	v35 =	vmul.f32 v35, v35;
	v31 =	vadd.f32 v46, v31;
	v59, _, _ =	vpop (xrf2)  }
0x283: {  	v30 =	vadd.f32 v58, v30;
	v58 =	vmul.f32 v51, v51;
	[tilespmem:v63+s25+$0x0] =	vst.idx.msk vm1, v59  }
0x284: {  	[dreg:$0x5] =	wrdreg s24;
	s24 =	sor.u32 $0x420, s3;
	v50 =	vld [tilespmem:s21+$0x3900];
	s21 =	simm.s32 $0x1CA00;
	v62, _, _ =	vpop (xrf2);
	v59 =	vmul.f32 v49, v11;
	v31 =	vadd.f32 v60, v31;
	v60 =	vmul.f32 v40, v13  }
0x285: {  	v47 =	vld [tilespmem:s24+$0x3900];
	v28 =	vmov s13;
	v40 =	vmul.f32 v40, v40;
	[tilespmem:v63+s21+$0x0] =	vst.idx.msk vm1, v62;
	v63 =	vmul.f32 v44, v11  }
0x286: {  	v45 =	vld [tilespmem:s29+$0x3900];
	v44 =	vmul.f32 v44, v44;
	v62 =	vmul.f32 v39, v12;
	v32 =	vadd.f32 v59, v32  }
0x287: {  	v53 =	vld [tilespmem:s20+$0x3900];
	v59 =	vmul.f32 v41, v41;
	v33 =	vadd.f32 v63, v27;
	v27 =	vmul.f32 v48, v48  }
0x288: {  	v29 =	vadd.f32 v44, v29;
	v63 =	vmul.f32 v41, v12;
	v32 =	vadd.f32 v62, v32  }
0x289: {  	v38 =	vld [tilespmem:s26+$0x3900];
	v62 =	vmul.f32 v51, v13;
	v51 =	vmul.f32 v52, v15;
	v27 =	vadd.f32 v27, v34  }
0x28a: {  	[dreg:$0xb] =	wrdreg s22;
	s22 =	sor.u32 $0x440, s3;
	v34 =	vadd.f32 v61, v30;
	v30 =	vmul.f32 v39, v39;
	v33 =	vadd.f32 v63, v33  }
0x28b: {  	v56 =	vld [tilespmem:s22+$0x3900];
	v39 =	vadd.f32 v59, v29;
	v61 =	vmul.f32 v45, v13;
	v63 =	vmul.f32 v45, v45  }
0x28c: {  	v44 =	vld [tilespmem:s19+$0x3900];
	v59 =	vmul.f32 v47, v14;
	v45 =	vmul.f32 v53, v53;
	v35 =	vadd.f32 v35, v27  }
0x28d: {  	v34 =	vadd.f32 v60, v34;
	v32 =	vadd.f32 v61, v32;
	v60 =	vmul.f32 v47, v47  }
0x28e: {  	v36 =	vld [tilespmem:s14+$0x3900];
	v33 =	vadd.f32 v62, v33;
	v61 =	vmul.f32 v50, v14;
	v62 =	vmul.f32 v38, v14  }
0x28f: {  	s15 =	rddreg [dreg:$0xd];
	v42 =	vld [tilespmem:s28+$0x3900];
	v31 =	vadd.f32 v30, v31;
	v38 =	vmul.f32 v38, v38;
	v47 =	vmul.f32 v37, v15  }
0x290: {  	s22 =	rddreg [dreg:$0x5];
	v48 =	vld [tilespmem:s15+$0x3900];
	v39 =	vadd.f32 v58, v39;
	v37 =	vmul.f32 v37, v37;
	v58 =	vmul.f32 v56, v16  }
0x291: {  	v29 =	vld [tilespmem:s22+$0x3900];
	v52 =	vmul.f32 v44, v17;
	v35 =	vadd.f32 v40, v35;
	v31 =	vadd.f32 v63, v31  }
0x292: {  	s1 =	sor.u32 $0x450, s3;
	v34 =	vadd.f32 v59, v34;
	v63 =	vmul.f32 v50, v50;
	v32 =	vadd.f32 v61, v32  }
0x293: {  	v54 =	vld [tilespmem:s1+$0x3900];
	v33 =	vadd.f32 v62, v33;
	v50 =	vmul.f32 v36, v15;
	v36 =	vmul.f32 v36, v36  }
0x294: {  	s2 =	sor.u32 $0x460, s3;
	v38 =	vadd.f32 v38, v39;
	v61 =	vmul.f32 v42, v16;
	v62 =	vmul.f32 v53, v16  }
0x295: {  	s20 =	rddreg [dreg:$0x7];
	v49 =	vld [tilespmem:s2+$0x3900];
	v53 =	vmul.f32 v48, v48;
	v35 =	vadd.f32 v60, v35;
	v31 =	vadd.f32 v63, v31  }
0x296: {  	s16 =	rddreg [dreg:$0xb];
	v30 =	vld [tilespmem:s20+$0x3900];
	v40 =	vmul.f32 v29, v6;
	v34 =	vadd.f32 v47, v34;
	v32 =	vadd.f32 v50, v32  }
0x297: {  	v46 =	vld [tilespmem:s16+$0x3900];
	s19 =	rddreg [dreg:$0x9];
	v33 =	vadd.f32 v51, v33;
	v60 =	vmul.f32 v56, v56;
	v63 =	vmul.f32 v42, v42  }
0x298: {  	v57 =	vld [tilespmem:s19+$0x3900];
	v59 =	vadd.f32 v55, v38;
	v47 =	vmul.f32 v54, v17;
	v50 =	vmul.f32 v54, v54  }
0x299: {  	v51 =	vmul.f32 v48, v17;
	v54 =	vmul.f32 v44, v44;
	v35 =	vadd.f32 v37, v35  }
0x29a: {  	p1 =	slt.u32 s10, $0x64;
	s17 =	smov.u32 s10;
	v55 =	vmul.f32 v49, v18;
	v31 =	vadd.f32 v36, v31;
	v34 =	vadd.f32 v58, v34  }
0x29b: {  	s8 =	sadd.s32 $0x2, s8;
	p0 =	por !p0, !p0;
	s3 =	sor.u32 $0x470, s3;
	v39 =	vmul.f32 v30, v6;
	v32 =	vadd.f32 v61, v32;
	v33 =	vadd.f32 v62, v33  }
0x29c: {  	s9 =	sadd.s32 $0x200, s9;
	s10 =	sadd.s32 $0x4, s10;
	s7 =	sadd.s32 $0x400, s7;
	v27 =	vld [tilespmem:s3+$0x3900];
	v36 =	vadd.f32 v45, v59;
	v58 =	vmul.f32 v46, v18;
	v35 =	vadd.f32 v60, v35  }
0x29d: {  	s24 =	sand.u32 $0x7800, s7;
	s1 =	simm.s32 $0x1;
	s30 =	sadd.s32 $0xFFFFFF80, s9;
	v59 =	vmul.f32 v57, v18;
	v31 =	vadd.f32 v63, v31;
	v34 =	vadd.f32 v47, v34  }
0x29e: {  	s1 =	simm.s32 @!p0 $0x0;
	s5 =	sand.u32 $0x300, s30;
	s23 =	sand.u32 $0x3, s8;
	v61 =	vmul.f32 v46, v46;
	v32 =	vadd.f32 v51, v32;
	v33 =	vadd.f32 v52, v33  }
.Ltmp4:
0x29f: {  	s26 =	sadd.s32 $0xFFFFFE80, s9;
	s29 =	sadd.s32 $0xFFFFFF00, s9;
	v62 =	vmul.f32 v57, v57;
	v56 =	vadd.f32 v54, v36;
	v35 =	vadd.f32 v50, v35;
	(pc) =	sbr.rel @p1 .LBB2_3-.Ltmp4, $4  }
0x2a0: {  	s4 =	sadd.s32 $0x3900, s24;
	s28 =	sand.u32 $0x380, s9;
	s2 =	sadd.s32 $0x1, s13;
	v38 =	vadd.f32 v53, v31;
	v31 =	vmul.f32 v49, v49;
	v60 =	vadd.f32 v55, v34  }
0x2a1: {  	s3 =	sadd.s32 $0x2, s13;
	s13 =	sshll.u32 s1, $0x9;
	s1 =	sadd.s32 s28, s4;
	v63 =	vmul.f32 v27, v6;
	v32 =	vadd.f32 v58, v32;
	v36 =	vadd.f32 v59, v33  }
0x2a2: {  	s0 =	sshll.u32 s23, $0x8;
	s31 =	sand.u32 $0x200, s26;
	s6 =	sand.u32 $0x280, s29;
	v41 =	vmul.f32 v30, v30;
	v33 =	vld [tilespmem:s1+$0x0];
	v31 =	vadd.f32 v31, v35;
	v37 =	vadd.f32 v61, v38  }
0x2a3: {  	s0 =	sadd.s32 s7, s0;
	s12 =	sor.u32 s31, s4;
	s11 =	sor.u32 s6, s4;
	v34 =	vld [tilespmem:s1+$0x10];
	v35 =	vadd.f32 v62, v56;
	v38 =	vmul.f32 v27, v27;
	v27 =	vadd.f32 v63, v60  }
0x2a4: {  	_ = 	snop  }
0x2a5: {  	v42 =	vld [tilespmem:s12+$0x0]  }
0x2a6: {  	v45 =	vld [tilespmem:s1+$0x20]  }
0x2a7: {  	v43 =	vmov s2;
	v55 =	vld [tilespmem:s12+$0x10];
	v28 =	vand.u32 $0xFFFFFFFC, v28  }
0x2a8: {  	v44 =	vmul.f32 v29, v29;
	v56 =	vld [tilespmem:s1+$0x30];
	v28 =	vbroadcast v28, $0x0;
	v57 =	vand.u32 $0xFFFFFFFD, v43  }
0x2a9: {  	v58 =	vld [tilespmem:s11+$0x0];
	[tilespmem:v22+s21+$0x0] =	vst.idx.msk vm1, v25;
	v22 =	vbroadcast v57, $0x0;
	v50 =	vmul.f32 v33, v3  }
0x2aa: {  	v52 =	vld [tilespmem:s1+$0x40];
	v61 =	vmul.f32 v33, v33;
	v51 =	vmul.f32 v34, v4  }
0x2ab: {  	v59 =	vld [tilespmem:s11+$0x10];
	v25 =	vadd.f32 v44, v35;
	v62 =	vmul.f32 v34, v34;
	v35 =	vmul.f32 v42, v3  }
0x2ac: {  	v30 =	vadd.f32 v39, v32;
	v63 =	vld [tilespmem:s1+$0x50];
	v42 =	vmul.f32 v42, v42;
	v60 =	vmul.f32 v45, v5  }
0x2ad: {  	v32 =	vadd.f32 v40, v36;
	s16 =	sadd.s32 s5, s4;
	v46 =	vmul.f32 v55, v4;
	v53 =	vmul.f32 v56, v7  }
0x2ae: {  	s19 =	sadd.s32 $0x4, s18;
	v31 =	vadd.f32 v38, v31;
	v47 =	vld [tilespmem:s16+$0x0];
	v38 =	vmul.f32 v55, v55;
	v54 =	vmul.f32 v45, v45  }
0x2af: {  	[tilespmem:v20+s25+$0x0] =	vst.idx.msk vm1, v26;
	v26 =	vmov s3;
	s3 =	sand.u32 $0x7, s19;
	v48 =	vmul.f32 v58, v3;
	v55 =	vmul.f32 v52, v8  }
0x2b0: {  	v29 =	vadd.f32 v41, v37;
	v49 =	vld [tilespmem:s16+$0x10];
	s3 =	sshll.u32 s3, $0x7;
	v39 =	vmul.f32 v58, v58;
	v56 =	vmul.f32 v56, v56  }
0x2b1: {  	v57 =	vld [tilespmem:s1+$0x70];
	s3 =	sadd.s32 s7, s3;
	v58 =	vmul.f32 v63, v9;
	v43 =	vmul.f32 v59, v59;
	v40 =	vadd.f32 v51, v50  }
0x2b2: {  	s20 =	sadd.s32 $0x180, s3;
	v45 =	vld [tilespmem:s1+$0x60];
	v33 =	vadd.f32 v62, v61;
	v50 =	vmul.f32 v59, v4;
	v59 =	vmul.f32 v52, v52  }
0x2b3: {  	[tilespmem:v20+s21+$0x0] =	vst.idx.msk vm1, v23;
	v23 =	vand.u32 $0xFFFFFFFE, v26;
	s22 =	sor.u32 $0x400, s20;
	v51 =	vmul.f32 v47, v3;
	v47 =	vmul.f32 v47, v47  }
0x2b4: {  	s30 =	sadd.s32 $0x3, s17;
	v37 =	vld [tilespmem:s22+$0x3900];
	v61 =	vmul.f32 v63, v63;
	v40 =	vadd.f32 v60, v40;
	v33 =	vadd.f32 v54, v33  }
0x2b5: {  	[tilespmem:v19+s25+$0x0] =	vst.idx.msk vm1, v24;
	v20 =	vmov s30;
	s23 =	sor.u32 $0x410, s20;
	v52 =	vmul.f32 v49, v4;
	v49 =	vmul.f32 v49, v49  }
0x2b6: {  	s24 =	sor.u32 $0x420, s20;
	v62 =	vld [tilespmem:s23+$0x3900];
	v63 =	vmul.f32 v57, v11;
	v40 =	vadd.f32 v53, v40;
	v33 =	vadd.f32 v56, v33  }
0x2b7: {  	s26 =	sor.u32 $0x430, s20;
	v38 =	vadd.f32 v38, v42;
	v60 =	vmul.f32 v45, v10;
	v53 =	vmul.f32 v45, v45;
	v45 =	vld [tilespmem:s24+$0x3900]  }
0x2b8: {  	v56 =	vmul.f32 v57, v57;
	v57 =	vld [tilespmem:s26+$0x3900];
	v40 =	vadd.f32 v55, v40;
	v33 =	vadd.f32 v59, v33  }
0x2b9: {  	v39 =	vadd.f32 v43, v39;
	v42 =	vadd.f32 v50, v48;
	v54 =	vmul.f32 v37, v12;
	v55 =	vld [tilespmem:s12+$0x20]  }
0x2ba: {  	s29 =	sor.u32 $0x450, s20;
	v50 =	vmul.f32 v37, v37;
	v59 =	vld [tilespmem:s11+$0x20];
	v40 =	vadd.f32 v58, v40;
	v33 =	vadd.f32 v61, v33  }
0x2bb: {  	s28 =	sor.u32 $0x440, s20;
	v44 =	vld [tilespmem:s29+$0x3900];
	v43 =	vadd.f32 v52, v51;
	v58 =	vmul.f32 v62, v13;
	v62 =	vmul.f32 v62, v62  }
0x2bc: {  	v37 =	vld [tilespmem:s28+$0x3900];
	v52 =	vmul.f32 v45, v14;
	v40 =	vadd.f32 v60, v40;
	v33 =	vadd.f32 v53, v33  }
0x2bd: {  	s31 =	sor.u32 $0x460, s20;
	v35 =	vadd.f32 v46, v35;
	v60 =	vmul.f32 v57, v15;
	v57 =	vmul.f32 v57, v57  }
0x2be: {  	v61 =	vld [tilespmem:s31+$0x3900];
	v41 =	vmul.f32 v55, v55;
	v40 =	vadd.f32 v63, v40;
	v33 =	vadd.f32 v56, v33  }
0x2bf: {  	v47 =	vadd.f32 v49, v47;
	v53 =	vld [tilespmem:s16+$0x20];
	v48 =	vmul.f32 v59, v59;
	v63 =	vmul.f32 v55, v5  }
0x2c0: {  	v55 =	vmul.f32 v59, v5;
	v40 =	vadd.f32 v54, v40;
	v33 =	vadd.f32 v50, v33  }
0x2c1: {  	v56 =	vmul.f32 v37, v16;
	v59 =	vmul.f32 v44, v17;
	v38 =	vadd.f32 v41, v38  }
0x2c2: {  	s1 =	sor.u32 $0x470, s20;
	v51 =	vld [tilespmem:s16+$0x50];
	v54 =	vmul.f32 v45, v45;
	v40 =	vadd.f32 v58, v40;
	v33 =	vadd.f32 v62, v33  }
0x2c3: {  	v39 =	vadd.f32 v48, v39;
	v50 =	vld [tilespmem:s1+$0x3900];
	v35 =	vadd.f32 v63, v35;
	v63 =	vmul.f32 v61, v18  }
0x2c4: {  	v49 =	vld [tilespmem:s11+$0x30];
	v26 =	vmul.f32 v53, v53;
	v40 =	vadd.f32 v52, v40;
	v33 =	vadd.f32 v54, v33  }
0x2c5: {  	v41 =	vadd.f32 v55, v42;
	v58 =	vmul.f32 v53, v5;
	v53 =	vmul.f32 v44, v44;
	v44 =	vld [tilespmem:s12+$0x40]  }
0x2c6: {  	v42 =	vld [tilespmem:s16+$0x30];
	v62 =	vmul.f32 v37, v37;
	v24 =	vadd.f32 v60, v40;
	v33 =	vadd.f32 v57, v33  }
0x2c7: {  	v55 =	vmul.f32 v61, v61;
	v36 =	vadd.f32 v58, v43;
	v43 =	vmul.f32 v51, v51;
	v60 =	vld [tilespmem:s12+$0x30]  }
0x2c8: {  	v58 =	vld [tilespmem:s11+$0x40];
	v54 =	vmul.f32 v50, v6;
	v24 =	vadd.f32 v56, v24;
	v33 =	vadd.f32 v62, v33  }
0x2c9: {  	v52 =	vld [tilespmem:s16+$0x40];
	v57 =	vadd.f32 v26, v47;
	v40 =	vmul.f32 v49, v49;
	v62 =	vmul.f32 v50, v50  }
0x2ca: {  	v50 =	vmul.f32 v44, v44;
	v24 =	vadd.f32 v59, v24;
	v33 =	vadd.f32 v53, v33  }
0x2cb: {  	v39 =	vadd.f32 v40, v39;
	v53 =	vmul.f32 v49, v7;
	v59 =	vmul.f32 v42, v7  }
0x2cc: {  	v49 =	vld [tilespmem:s11+$0x50];
	v56 =	vmul.f32 v60, v7;
	v24 =	vadd.f32 v63, v24;
	v61 =	vadd.f32 v55, v33  }
0x2cd: {  	v63 =	vmul.f32 v60, v60;
	v36 =	vadd.f32 v59, v36;
	v55 =	vmul.f32 v58, v8  }
0x2ce: {  	v35 =	vadd.f32 v56, v35;
	v56 =	vmul.f32 v58, v58;
	v58 =	vmul.f32 v52, v52  }
0x2cf: {  	v24 =	vadd.f32 v54, v24;
	v26 =	vadd.f32 v62, v61;
	v62 =	vmul.f32 v42, v42  }
0x2d0: {  	v54 =	vld [tilespmem:s12+$0x50];
	v60 =	vadd.f32 v63, v38;
	v61 =	vadd.f32 v53, v41;
	v63 =	vmul.f32 v44, v8  }
0x2d1: {  	v38 =	vld [tilespmem:s12+$0x60];
	v39 =	vadd.f32 v56, v39;
	v42 =	vmul.f32 v49, v49;
	v37 =	vadd.f32 v62, v57  }
0x2d2: {  	v56 =	vld [tilespmem:s16+$0x70];
	v35 =	vadd.f32 v63, v35;
	v57 =	vmul.f32 v52, v8;
	v33 =	vadd.f32 v50, v60  }
0x2d3: {  	v34 =	vadd.f32 v55, v61;
	v60 =	vld [tilespmem:s11+$0x60];
	v63 =	vmul.f32 v49, v9;
	v39 =	vadd.f32 v42, v39  }
0x2d4: {  	v53 =	vmul.f32 v51, v9;
	v62 =	vld [tilespmem:s16+$0x60];
	v36 =	vadd.f32 v57, v36;
	v37 =	vadd.f32 v58, v37  }
0x2d5: {  	s5 =	sadd.s32 s13, s7;
	v52 =	vld [tilespmem:s12+$0x70];
	v34 =	vadd.f32 v63, v34;
	v59 =	vmul.f32 v54, v9;
	v61 =	vmul.f32 v54, v54  }
0x2d6: {  	s7 =	sor.u32 $0x400, s5;
	v55 =	vmul.f32 v38, v10;
	v38 =	vmul.f32 v38, v38;
	v36 =	vadd.f32 v53, v36  }
0x2d7: {  	v63 =	vld [tilespmem:s7+$0x3900];
	v53 =	vmul.f32 v56, v11;
	v40 =	vmul.f32 v56, v56;
	v35 =	vadd.f32 v59, v35  }
0x2d8: {  	s4 =	sadd.s32 $0x80, s3;
	v54 =	vld [tilespmem:s11+$0x70];
	v33 =	vadd.f32 v61, v33;
	v57 =	vmul.f32 v60, v10;
	v58 =	vmul.f32 v60, v60  }
0x2d9: {  	s0 =	sadd.s32 $0x100, s0;
	s3 =	sor.u32 $0x400, s4;
	v37 =	vadd.f32 v43, v37;
	v60 =	vmul.f32 v62, v10;
	v45 =	vmul.f32 v62, v62  }
0x2da: {  	s6 =	sor.u32 $0x400, s0;
	v59 =	vld [tilespmem:s3+$0x3900];
	v62 =	vmul.f32 v52, v11;
	v35 =	vadd.f32 v55, v35;
	v33 =	vadd.f32 v38, v33  }
0x2db: {  	s8 =	sor.u32 $0x410, s4;
	v61 =	vld [tilespmem:s6+$0x3900];
	v44 =	vmul.f32 v52, v52;
	v34 =	vadd.f32 v57, v34;
	v39 =	vadd.f32 v58, v39  }
0x2dc: {  	s10 =	sor.u32 $0x410, s5;
	v52 =	vld [tilespmem:s8+$0x3900];
	v36 =	vadd.f32 v60, v36;
	v37 =	vadd.f32 v45, v37;
	v57 =	vmul.f32 v63, v12  }
0x2dd: {  	v41 =	vld [tilespmem:s10+$0x3900];
	v60 =	vmul.f32 v63, v63;
	v50 =	vmul.f32 v54, v11;
	v35 =	vadd.f32 v62, v35  }
0x2de: {  	s11 =	sor.u32 $0x420, s4;
	v51 =	vmul.f32 v54, v54;
	v33 =	vadd.f32 v44, v33;
	v36 =	vadd.f32 v53, v36  }
0x2df: {  	s9 =	sor.u32 $0x410, s0;
	v58 =	vld [tilespmem:s11+$0x3900];
	v37 =	vadd.f32 v40, v37;
	v54 =	vmul.f32 v59, v12;
	v55 =	vmul.f32 v59, v59  }
0x2e0: {  	s13 =	sor.u32 $0x420, s5;
	v44 =	vld [tilespmem:s9+$0x3900];
	v34 =	vadd.f32 v50, v34;
	v56 =	vmul.f32 v61, v12;
	v59 =	vmul.f32 v61, v61  }
0x2e1: {  	s14 =	sor.u32 $0x430, s4;
	v40 =	vld [tilespmem:s13+$0x3900];
	v39 =	vadd.f32 v51, v39;
	v61 =	vmul.f32 v52, v13;
	v62 =	vmul.f32 v52, v52  }
0x2e2: {  	s2 =	sor.u32 $0x470, s5;
	v53 =	vld [tilespmem:s14+$0x3900];
	v52 =	vmul.f32 v41, v13;
	v35 =	vadd.f32 v57, v35;
	v33 =	vadd.f32 v60, v33  }
0x2e3: {  	s12 =	sor.u32 $0x420, s0;
	v41 =	vmul.f32 v41, v41;
	v51 =	vld [tilespmem:s2+$0x3900];
	v34 =	vadd.f32 v54, v34;
	v38 =	vadd.f32 v55, v39  }
0x2e4: {  	s15 =	sor.u32 $0x430, s0;
	v39 =	vld [tilespmem:s12+$0x3900];
	v36 =	vadd.f32 v56, v36;
	v37 =	vadd.f32 v59, v37;
	v57 =	vmul.f32 v58, v14  }
0x2e5: {  	s16 =	sor.u32 $0x430, s5;
	v55 =	vld [tilespmem:s15+$0x3900];
	v58 =	vmul.f32 v58, v58;
	v35 =	vadd.f32 v52, v35;
	v33 =	vadd.f32 v41, v33  }
0x2e6: {  	v56 =	vld [tilespmem:s16+$0x3900];
	v63 =	vmul.f32 v44, v13;
	v34 =	vadd.f32 v61, v34;
	v54 =	vmul.f32 v44, v44  }
0x2e7: {  	s20 =	sor.u32 $0x440, s5;
	v38 =	vadd.f32 v62, v38;
	v60 =	vmul.f32 v40, v14;
	v40 =	vmul.f32 v40, v40  }
0x2e8: {  	s19 =	sor.u32 $0x440, s0;
	v41 =	vld [tilespmem:s20+$0x3900];
	v62 =	vmul.f32 v53, v15;
	v46 =	vmul.f32 v51, v51;
	v36 =	vadd.f32 v63, v36  }
0x2e9: {  	s18 =	sor.u32 $0x440, s4;
	v43 =	vld [tilespmem:s19+$0x3900];
	v37 =	vadd.f32 v54, v37;
	v34 =	vadd.f32 v57, v34;
	v63 =	vmul.f32 v53, v53  }
0x2ea: {  	v61 =	vld [tilespmem:s18+$0x3900];
	v38 =	vadd.f32 v58, v38;
	v59 =	vmul.f32 v39, v14;
	v39 =	vmul.f32 v39, v39  }
0x2eb: {  	v35 =	vadd.f32 v60, v35;
	v52 =	vmul.f32 v55, v15;
	v53 =	vmul.f32 v56, v15  }
0x2ec: {  	s22 =	sor.u32 $0x450, s4;
	v33 =	vadd.f32 v40, v33;
	v42 =	vmul.f32 v55, v55;
	v44 =	vmul.f32 v56, v56  }
0x2ed: {  	s24 =	sor.u32 $0x450, s5;
	v54 =	vld [tilespmem:s22+$0x3900];
	v34 =	vadd.f32 v62, v34;
	v38 =	vadd.f32 v63, v38;
	v60 =	vmul.f32 v41, v16  }
0x2ee: {  	s23 =	sor.u32 $0x450, s0;
	v40 =	vld [tilespmem:s24+$0x3900];
	v63 =	vmul.f32 v43, v43;
	v47 =	vmul.f32 v41, v41;
	v36 =	vadd.f32 v59, v36  }
0x2ef: {  	(xrf2) =	vadd.scan.msk.f32 $0xffff, v32;
	v55 =	vld [tilespmem:s23+$0x3900];
	v37 =	vadd.f32 v39, v37;
	v35 =	vadd.f32 v53, v35;
	v56 =	vmul.f32 v61, v16  }
0x2f0: {  	(xrf2) =	vadd.scan.msk.f32 $0xffff, v25;
	s28 =	sor.u32 $0x460, s5;
	v57 =	vmul.f32 v61, v61;
	v58 =	vadd.f32 v44, v33;
	v36 =	vadd.f32 v52, v36  }
0x2f1: {  	(xrf2) =	vadd.scan.msk.f32 $0xffff, v27;
	s26 =	sor.u32 $0x460, s4;
	v45 =	vld [tilespmem:s28+$0x3900];
	v59 =	vmul.f32 v43, v16;
	v37 =	vadd.f32 v42, v37;
	v62 =	vadd.f32 v56, v34  }
0x2f2: {  	(xrf2) =	vadd.scan.msk.f32 $0xffff, v31;
	v61 =	vld [tilespmem:s26+$0x3900];
	v38 =	vadd.f32 v57, v38;
	v35 =	vadd.f32 v60, v35;
	v49 =	vmul.f32 v54, v17  }
0x2f3: {  	(xrf2) =	vadd.scan.msk.f32 $0xffff, v30;
	s1 =	sor.u32 $0x470, s4;
	v50 =	vmul.f32 v54, v54;
	v27 =	vadd.f32 v47, v58;
	v53 =	vmul.f32 v40, v17  }
0x2f4: {  	s29 =	sor.u32 $0x460, s0;
	(xrf2) =	vadd.scan.msk.f32 $0xffff, v29;
	v56 =	vld [tilespmem:s1+$0x3900];
	v57 =	vmul.f32 v40, v40;
	v52 =	vmul.f32 v55, v17;
	v33 =	vadd.f32 v59, v36  }
0x2f5: {  	(xrf2) =	vadd.scan.msk.f32 $0xffff, v24;
	v54 =	vmul.f32 v55, v55;
	v36 =	vld [tilespmem:s29+$0x3900];
	v34 =	vadd.f32 v63, v37;
	v25 =	vadd.f32 v49, v62  }
0x2f6: {  	s0 =	sor.u32 $0x470, s0;
	(xrf2) =	vadd.scan.msk.f32 $0xffff, v26;
	v55 =	vadd.f32 v50, v38;
	v32 =	vadd.f32 v53, v35;
	v59 =	vmul.f32 v45, v18  }
0x2f7: {  	v60 =	vld [tilespmem:s0+$0x3900];
	v24 =	vadd.f32 v57, v27;
	v62 =	vmul.f32 v45, v45;
	v58 =	vmul.f32 v61, v18  }
0x2f8: {  	v44 =	vmul.f32 v51, v6;
	v30 =	vadd.f32 v52, v33;
	v32 =	vadd.f32 v59, v32  }
0x2f9: {  	v45, _, _ =	vpop (xrf2);
	v61 =	vmul.f32 v61, v61;
	v24 =	vadd.f32 v62, v24;
	v25 =	vadd.f32 v58, v25  }
0x2fa: {  	v47, _, _ =	vpop (xrf2);
	v48 =	vmul.f32 v56, v6;
	v32 =	vadd.f32 v44, v32;
	v63 =	vmul.f32 v36, v18  }
0x2fb: {  	v49, _, _ =	vpop (xrf2);
	v27 =	vadd.f32 v61, v55;
	v50 =	vmul.f32 v56, v56;
	v24 =	vadd.f32 v46, v24  }
0x2fc: {  	v51, _, _ =	vpop (xrf2);
	v52 =	vmul.f32 v60, v6;
	v25 =	vadd.f32 v48, v25;
	(xrf2) =	vadd.scan.msk.f32 $0xffff, v32;
	v30 =	vadd.f32 v63, v30  }
0x2fd: {  	v53, _, _ =	vpop (xrf2);
	v27 =	vadd.f32 v50, v27;
	(xrf2) =	vadd.scan.msk.f32 $0xffff, v24  }
0x2fe: {  	[tilespmem:v19+s21+$0x0] =	vst.idx.msk vm1, v21;
	v29 =	vadd.f32 v54, v34;
	v54, _, _ =	vpop (xrf2);
	(xrf2) =	vadd.scan.msk.f32 $0xffff, v25;
	v55 =	vadd.f32 v52, v30  }
0x2ff: {  	v19 =	vbroadcast v23, $0x0;
	v57 =	vmov s17;
	[tilespmem:v28+s25+$0x0] =	vst.idx.msk vm1, v45;
	v56, _, _ =	vpop (xrf2);
	(xrf2) =	vadd.scan.msk.f32 $0xffff, v27  }
0x300: {  	s30 =	sadd.s32 $0x1, s17;
	[tilespmem:v20+s25+$0x0] =	vst.idx.msk vm1, v56;
	v58, _, _ =	vpop (xrf2);
	v25 =	vand.u32 $0xFFFFFFFC, v57;
	(xrf2) =	vadd.scan.msk.f32 $0xffff, v55  }
0x301: {  	v59 =	vmov s30;
	v36 =	vmul.f32 v36, v36;
	[tilespmem:v20+s21+$0x0] =	vst.idx.msk vm1, v58;
	v20 =	vbroadcast v25, $0x0  }
0x302: {  	s31 =	sadd.s32 $0x2, s17;
	[tilespmem:v28+s21+$0x0] =	vst.idx.msk vm1, v47;
	v34 =	vmul.f32 v60, v60;
	v23 =	vand.u32 $0xFFFFFFFD, v59  }
0x303: {  	v60 =	vmov s31;
	[tilespmem:v22+s25+$0x0] =	vst.idx.msk vm1, v49;
	v23 =	vbroadcast v23, $0x0;
	v29 =	vadd.f32 v36, v29  }
0x304: {  	[tilespmem:v22+s21+$0x0] =	vst.idx.msk vm1, v51;
	v61 =	vand.u32 $0xFFFFFFFE, v60  }
0x305: {  	[tilespmem:v19+s25+$0x0] =	vst.idx.msk vm1, v53;
	v22 =	vbroadcast v61, $0x0;
	v29 =	vadd.f32 v34, v29  }
0x306: {  	[tilespmem:v19+s21+$0x0] =	vst.idx.msk vm1, v54;
	v62, _, _ =	vpop (xrf2)  }
0x307: {  	(xrf2) =	vadd.scan.msk.f32 $0xffff, v29;
	v19, _, _ =	vpop (xrf2);
	[tilespmem:v20+s25+$0x0] =	vst.idx.msk vm1, v62  }
0x308: {  	v63, _, _ =	vpop (xrf2);
	[tilespmem:v20+s21+$0x0] =	vst.idx.msk vm1, v19  }
0x309: {  	v19, _, _ =	vpop (xrf2);
	[tilespmem:v23+s25+$0x0] =	vst.idx.msk vm1, v63  }
0x30a: {  	[tilespmem:v23+s21+$0x0] =	vst.idx.msk vm1, v19;
	v20, _, _ =	vpop (xrf2)  }
0x30b: {  	[tilespmem:v22+s25+$0x0] =	vst.idx.msk vm1, v20  }
0x30c: {  	s4 =	rddreg [dreg:$0x15]  }
0x30d: {  	p0 =	seq.s32 s4, $0xF  }
.Ltmp5:
0x30e: {  	_ = 	snop;
	(pc) =	sbr.rel @p0 .LBB2_6-.Ltmp5, $3  }
0x30f: {  	_ =	sdelay $0x1  }
0x310: {  	v19, _, _ =	vpop (xrf2)  }
0x311: {  	[tilespmem:v22+s21+$0x0] =	vst.idx.msk vm1, v19  }
0x312: {  	s0 =	smul.u32 $0x640, s4;
	_ =	sdelay $0x1  }
0x313: {  	s0 =	sshra.s32 s0, $0x2  }
0x314: {  	v19 =	vld [tilespmem:s0+$0x190];
	_ =	sdelay $0x4  }
0x315: {  	v20 =	vshll.u32 v19, $0x1  }
0x316: {  	v19 =	vand.u32 $0x7, v19;
	v20 =	vand.u32 $0xFFFFFFF0, v20  }
0x317: {  	v19 =	vor.u32 v19, v20  }
0x318: {  	v20 =	vperm.xlane v19, v0;
	_ =	sdelay $0x1  }
0x319: {  	v19 =	vperm.xlane v19, v2;
	v20 =	vadd.s32 v1, v20;
	_ =	sdelay $0x1  }
0x31a: {  	v19 =	vadd.s32 v1, v19;
	_ =	sdelay $0x1  }
0x31b: {  	s1 =	rddreg [dreg:$0x2];
	s2 =	simm.s32 $0x0;
	s3 =	simm.s32 $0x3900  }
0x31c: {  	[tilespmem:s3], [sflag:$0x1] =	stream.indirect_vreg.gather [hbm4b:s1+s2], $0x80, v20, vm0, $0xb8;
	[tilespmem:$0x1CD00] =	vst v63  }
0x31d: {  	s17 =	simm.s32 $0x4100  }
0x31e: {  	[tilespmem:s17], [sflag:$0x1] =	stream.indirect_vreg.gather [hbm4b:s1+s2], $0x80, v19, vm0, $0xb8;
	[tilespmem:$0x1CD00] =	vst v63  }
0x31f: {  	v19 =	vld [tilespmem:s0+$0x1A0];
	_ =	sdelay $0x4  }
0x320: {  	v20 =	vshll.u32 v19, $0x1  }
0x321: {  	v19 =	vand.u32 $0x7, v19;
	v20 =	vand.u32 $0xFFFFFFF0, v20  }
0x322: {  	v19 =	vor.u32 v19, v20  }
0x323: {  	v20 =	vperm.xlane v19, v0;
	_ =	sdelay $0x1  }
0x324: {  	v19 =	vperm.xlane v19, v2;
	v20 =	vadd.s32 v1, v20;
	_ =	sdelay $0x1  }
0x325: {  	v19 =	vadd.s32 v1, v19;
	_ =	sdelay $0x1  }
0x326: {  	s18 =	simm.s32 $0x4900  }
0x327: {  	[tilespmem:s18], [sflag:$0x1] =	stream.indirect_vreg.gather [hbm4b:s1+s2], $0x80, v20, vm0, $0xb8;
	[tilespmem:$0x1CD00] =	vst v63  }
0x328: {  	s19 =	simm.s32 $0x5100  }
0x329: {  	[tilespmem:s19], [sflag:$0x1] =	stream.indirect_vreg.gather [hbm4b:s1+s2], $0x80, v19, vm0, $0xb8;
	[tilespmem:$0x1CD00] =	vst v63  }
0x32a: {  	v19 =	vld [tilespmem:s0+$0x1B0];
	_ =	sdelay $0x4  }
0x32b: {  	v20 =	vshll.u32 v19, $0x1  }
0x32c: {  	v19 =	vand.u32 $0x7, v19;
	v20 =	vand.u32 $0xFFFFFFF0, v20  }
0x32d: {  	v19 =	vor.u32 v19, v20  }
0x32e: {  	v20 =	vperm.xlane v19, v0;
	_ =	sdelay $0x1  }
0x32f: {  	v19 =	vperm.xlane v19, v2;
	v20 =	vadd.s32 v1, v20;
	_ =	sdelay $0x1  }
0x330: {  	v19 =	vadd.s32 v1, v19;
	_ =	sdelay $0x1  }
0x331: {  	s20 =	simm.s32 $0x5900  }
0x332: {  	[tilespmem:s20], [sflag:$0x1] =	stream.indirect_vreg.gather [hbm4b:s1+s2], $0x80, v20, vm0, $0xb8;
	[tilespmem:$0x1CD00] =	vst v63  }
0x333: {  	s22 =	simm.s32 $0x6100  }
0x334: {  	[tilespmem:s22], [sflag:$0x1] =	stream.indirect_vreg.gather [hbm4b:s1+s2], $0x80, v19, vm0, $0xb8;
	[tilespmem:$0x1CD00] =	vst v63  }
0x335: {  	v19 =	vld [tilespmem:s0+$0x1C0];
	_ =	sdelay $0x4  }
0x336: {  	v20 =	vshll.u32 v19, $0x1  }
0x337: {  	v19 =	vand.u32 $0x7, v19;
	v20 =	vand.u32 $0xFFFFFFF0, v20  }
0x338: {  	v19 =	vor.u32 v19, v20  }
0x339: {  	v20 =	vperm.xlane v19, v0;
	_ =	sdelay $0x1  }
0x33a: {  	v19 =	vperm.xlane v19, v2;
	v20 =	vadd.s32 v1, v20;
	_ =	sdelay $0x1  }
0x33b: {  	v19 =	vadd.s32 v1, v19;
	_ =	sdelay $0x1  }
0x33c: {  	s23 =	simm.s32 $0x6900  }
0x33d: {  	[tilespmem:s23], [sflag:$0x1] =	stream.indirect_vreg.gather [hbm4b:s1+s2], $0x80, v20, vm0, $0xb8;
	[tilespmem:$0x1CD00] =	vst v63  }
0x33e: {  	s24 =	simm.s32 $0x7100  }
0x33f: {  	[tilespmem:s24], [sflag:$0x1] =	stream.indirect_vreg.gather [hbm4b:s1+s2], $0x80, v19, vm0, $0xb8;
	[tilespmem:$0x1CD00] =	vst v63  }
0x340: {  	v19 =	vld [tilespmem:s0+$0x1D0];
	_ =	sdelay $0x4  }
0x341: {  	v20 =	vshll.u32 v19, $0x1  }
0x342: {  	v19 =	vand.u32 $0x7, v19;
	v20 =	vand.u32 $0xFFFFFFF0, v20  }
0x343: {  	v19 =	vor.u32 v19, v20  }
0x344: {  	v20 =	vperm.xlane v19, v0;
	_ =	sdelay $0x1  }
0x345: {  	v19 =	vperm.xlane v19, v2;
	v20 =	vadd.s32 v1, v20;
	_ =	sdelay $0x1  }
0x346: {  	v19 =	vadd.s32 v1, v19;
	_ =	sdelay $0x1  }
0x347: {  	s26 =	simm.s32 $0x7900  }
0x348: {  	[tilespmem:s26], [sflag:$0x1] =	stream.indirect_vreg.gather [hbm4b:s1+s2], $0x80, v20, vm0, $0xb8;
	[tilespmem:$0x1CD00] =	vst v63  }
0x349: {  	s28 =	simm.s32 $0x8100  }
0x34a: {  	[tilespmem:s28], [sflag:$0x1] =	stream.indirect_vreg.gather [hbm4b:s1+s2], $0x80, v19, vm0, $0xb8;
	[tilespmem:$0x1CD00] =	vst v63  }
0x34b: {  	v19 =	vld [tilespmem:s0+$0x1E0];
	_ =	sdelay $0x4  }
0x34c: {  	v20 =	vshll.u32 v19, $0x1  }
0x34d: {  	v19 =	vand.u32 $0x7, v19;
	v20 =	vand.u32 $0xFFFFFFF0, v20  }
0x34e: {  	v19 =	vor.u32 v19, v20  }
0x34f: {  	v20 =	vperm.xlane v19, v0;
	_ =	sdelay $0x1  }
0x350: {  	v19 =	vperm.xlane v19, v2;
	v20 =	vadd.s32 v1, v20;
	_ =	sdelay $0x1  }
0x351: {  	v19 =	vadd.s32 v1, v19;
	_ =	sdelay $0x1  }
0x352: {  	s29 =	simm.s32 $0x8900  }
0x353: {  	[tilespmem:s29], [sflag:$0x1] =	stream.indirect_vreg.gather [hbm4b:s1+s2], $0x80, v20, vm0, $0xb8;
	[tilespmem:$0x1CD00] =	vst v63  }
0x354: {  	s30 =	simm.s32 $0x9100  }
0x355: {  	[tilespmem:s30], [sflag:$0x1] =	stream.indirect_vreg.gather [hbm4b:s1+s2], $0x80, v19, vm0, $0xb8;
	[tilespmem:$0x1CD00] =	vst v63  }
0x356: {  	v19 =	vld.msk [tilespmem:s0+$0x1F0], $0xff;
	_ =	sdelay $0x4  }
0x357: {  	v20 =	vshll.u32 v19, $0x1  }
0x358: {  	v19 =	vand.u32 $0x7, v19;
	v20 =	vand.u32 $0xFFFFFFF0, v20  }
0x359: {  	v19 =	vor.u32 v19, v20  }
0x35a: {  	v19 =	vperm.xlane v19, v0;
	_ =	sdelay $0x1  }
0x35b: {  	v19 =	vadd.s32 v1, v19;
	_ =	sdelay $0x3  }
0x35c: {  	s31 =	simm.s32 $0x9900  }
0x35d: {  	[tilespmem:s31], [sflag:$0x1] =	stream.indirect_vreg.gather [hbm4b:s1+s2], $0x80, v19, vm0, $0xb8;
	[tilespmem:$0x1CD00] =	vst v63  }
.LBB2_6:
0x35e: {  	s2 =	simm.s32 $0x2  }
0x35f: {  	s0 =	simm.s32 $0x0;
	_ =	swait.ge [sflag:s2], $0x6000  }
0x360: {  	s1 =	sand.u32 $0x7800, s0;
	s0 =	sand.u32 $0x200, s0;
	[sflag:s2] =	ssyncset.done $0x0  }
0x361: {  	s0 =	sor.u32 s0, s1;
	[sflag:s2] =	ssyncadd.s32 $0xFFFFA000  }
0x362: {  	v19 =	vld [tilespmem:s0+$0xA280]  }
0x363: {  	v20 =	vld [tilespmem:s0+$0xA290]  }
0x364: {  	v21 =	vld [tilespmem:s0+$0xA100]  }
0x365: {  	v22 =	vld [tilespmem:s0+$0xA2A0]  }
0x366: {  	v23 =	vld [tilespmem:s0+$0xA110]  }
0x367: {  	v24 =	vld [tilespmem:s0+$0xA2B0]  }
0x368: {  	v25 =	vld [tilespmem:s0+$0xA180]  }
0x369: {  	v30 =	vld [tilespmem:s0+$0xA190];
	v26 =	vmul.f32 v19, v3;
	v27 =	vmul.f32 v20, v4  }
0x36a: {  	v33 =	vld [tilespmem:s0+$0xA200];
	v28 =	vmul.f32 v21, v3;
	v21 =	vmul.f32 v21, v21  }
0x36b: {  	v35 =	vld [tilespmem:s0+$0xA210];
	v19 =	vmul.f32 v19, v19;
	v20 =	vmul.f32 v20, v20  }
0x36c: {  	v29 =	vld [tilespmem:s0+$0xA2C0];
	v32 =	vmul.f32 v23, v4;
	v23 =	vmul.f32 v23, v23  }
0x36d: {  	v39 =	vld [tilespmem:s0+$0xA120];
	v34 =	vmul.f32 v25, v3;
	v25 =	vmul.f32 v25, v25  }
0x36e: {  	v31 =	vld [tilespmem:s0+$0xA2D0];
	v36 =	vmul.f32 v30, v4;
	v30 =	vmul.f32 v30, v30  }
0x36f: {  	v63 =	vld [tilespmem:s0+$0xA130];
	v37 =	vmul.f32 v33, v3;
	v33 =	vmul.f32 v33, v33  }
0x370: {  	p1 =	por $0x0, $0x0;
	s1 =	simm.s32 $0x1;
	v48 =	vld [tilespmem:s0+$0xA160];
	v38 =	vmul.f32 v35, v4;
	v26 =	vadd.f32 v27, v26;
	v27 =	vmul.f32 v22, v5  }
0x371: {  	s1 =	simm.s32 @!p1 $0x0;
	v49 =	vld [tilespmem:s0+$0xA260];
	v35 =	vmul.f32 v35, v35;
	v19 =	vadd.f32 v20, v19;
	v20 =	vmul.f32 v22, v22  }
0x372: {  	s1 =	sshll.u32 s1, $0x9;
	v59 =	vmul.f32 v39, v5;
	v26 =	vadd.f32 v27, v26;
	v27 =	vmul.f32 v24, v7  }
0x373: {  	s6 =	sadd.s32 $0x0, s1;
	v60 =	vmul.f32 v39, v39;
	v22 =	vld [tilespmem:s0+$0xA2E0];
	v19 =	vadd.f32 v20, v19;
	v20 =	vmul.f32 v24, v24  }
0x374: {  	s13 =	sadd.s32 $0x100, s6;
	v41 =	vmul.f32 v63, v7;
	v26 =	vadd.f32 v27, v26;
	v27 =	vmul.f32 v29, v8  }
0x375: {  	s1 =	sadd.s32 $0x180, s6;
	s15 =	sor.u32 $0x400, s13;
	v52 =	vmul.f32 v48, v10;
	v24 =	vld [tilespmem:s0+$0xA2F0];
	v19 =	vadd.f32 v20, v19;
	v20 =	vmul.f32 v29, v29  }
0x376: {  	s31 =	sor.u32 $0x400, s1;
	v56 =	vld [tilespmem:s15+$0xA100];
	v55 =	vmul.f32 v49, v10;
	v26 =	vadd.f32 v27, v26;
	v27 =	vmul.f32 v31, v9  }
0x377: {  	v28 =	vadd.f32 v32, v28;
	v29 =	vld [tilespmem:s31+$0xA100];
	v19 =	vadd.f32 v20, v19;
	v20 =	vmul.f32 v31, v31  }
0x378: {  	s3 =	sor.u32 $0x410, s1;
	v25 =	vadd.f32 v30, v25;
	v30 =	vld [tilespmem:s0+$0xA220];
	v26 =	vadd.f32 v27, v26;
	v27 =	vmul.f32 v22, v10  }
0x379: {  	s5 =	sor.u32 $0x420, s1;
	v21 =	vadd.f32 v23, v21;
	v31 =	vld [tilespmem:s3+$0xA100];
	v19 =	vadd.f32 v20, v19;
	v20 =	vmul.f32 v22, v22  }
0x37a: {  	v57 =	vadd.f32 v36, v34;
	v22 =	vld [tilespmem:s5+$0xA100];
	v26 =	vadd.f32 v27, v26;
	v27 =	vmul.f32 v24, v11  }
0x37b: {  	v58 =	vadd.f32 v38, v37;
	v19 =	vadd.f32 v20, v19;
	v20 =	vmul.f32 v24, v24;
	v24 =	vld [tilespmem:s0+$0xA1A0]  }
0x37c: {  	s7 =	sor.u32 $0x430, s1;
	v28 =	vadd.f32 v59, v28;
	v26 =	vadd.f32 v27, v26;
	v27 =	vmul.f32 v29, v12  }
0x37d: {  	v23 =	vld [tilespmem:s7+$0xA100];
	v21 =	vadd.f32 v60, v21;
	v19 =	vadd.f32 v20, v19;
	v20 =	vmul.f32 v29, v29  }
0x37e: {  	s8 =	sor.u32 $0x440, s1;
	v40 =	vmul.f32 v56, v56;
	v26 =	vadd.f32 v27, v26;
	v27 =	vmul.f32 v31, v13  }
0x37f: {  	s12 =	sadd.s32 $0x80, s6;
	v62 =	vmul.f32 v30, v5;
	v29 =	vld [tilespmem:s8+$0xA100];
	v19 =	vadd.f32 v20, v19;
	v20 =	vmul.f32 v31, v31  }
0x380: {  	v51 =	vld [tilespmem:s0+$0xA1F0];
	s14 =	sor.u32 $0x400, s12;
	v61 =	vmul.f32 v24, v5;
	v26 =	vadd.f32 v27, v26;
	v27 =	vmul.f32 v22, v14  }
0x381: {  	s9 =	sor.u32 $0x450, s1;
	v54 =	vld [tilespmem:s14+$0xA100];
	v24 =	vmul.f32 v24, v24;
	v19 =	vadd.f32 v20, v19;
	v20 =	vmul.f32 v22, v22  }
0x382: {  	v30 =	vmul.f32 v30, v30;
	v31 =	vld [tilespmem:s9+$0xA100];
	v26 =	vadd.f32 v27, v26;
	v27 =	vmul.f32 v23, v15  }
0x383: {  	s16 =	sor.u32 $0x400, s6;
	v24 =	vadd.f32 v24, v25;
	v25 =	vld [tilespmem:s0+$0xA140];
	v19 =	vadd.f32 v20, v19;
	v20 =	vmul.f32 v23, v23  }
0x384: {  	s10 =	sor.u32 $0x460, s1;
	v32 =	vadd.f32 v61, v57;
	v57 =	vld [tilespmem:s16+$0xA100];
	v26 =	vadd.f32 v27, v26;
	v27 =	vmul.f32 v29, v16  }
0x385: {  	s18 =	sor.u32 $0x410, s13;
	v34 =	vadd.f32 v62, v58;
	v22 =	vld [tilespmem:s10+$0xA100];
	v19 =	vadd.f32 v20, v19;
	v20 =	vmul.f32 v29, v29  }
0x386: {  	v60 =	vld [tilespmem:s18+$0xA100];
	v58 =	vmul.f32 v51, v51;
	v61 =	vmul.f32 v54, v12;
	v26 =	vadd.f32 v27, v26  }
0x387: {  	s1 =	sor.u32 $0x470, s1;
	v29 =	vld [tilespmem:s0+$0xA1B0];
	v27 =	vmul.f32 v31, v17;
	v19 =	vadd.f32 v20, v19;
	v20 =	vmul.f32 v31, v31  }
0x388: {  	v33 =	vadd.f32 v35, v33;
	v23 =	vld [tilespmem:s1+$0xA100];
	v44 =	vmul.f32 v25, v8;
	v25 =	vmul.f32 v25, v25  }
0x389: {  	v28 =	vadd.f32 v41, v28;
	v31 =	vld [tilespmem:s0+$0xA230];
	v62 =	vmul.f32 v57, v12;
	v41 =	vmul.f32 v57, v57  }
0x38a: {  	v45 =	vld [tilespmem:s0+$0xA1D0];
	v26 =	vadd.f32 v27, v26;
	v27 =	vmul.f32 v22, v18;
	v20 =	vadd.f32 v20, v19  }
0x38b: {  	v50 =	vld [tilespmem:s0+$0xA170];
	s17 =	sor.u32 $0x410, s12;
	v22 =	vmul.f32 v22, v22;
	v28 =	vadd.f32 v44, v28;
	v44 =	vmul.f32 v60, v13  }
0x38c: {  	v59 =	vld [tilespmem:s17+$0xA100];
	v42 =	vmul.f32 v29, v7;
	v29 =	vmul.f32 v29, v29;
	v26 =	vadd.f32 v27, v26  }
0x38d: {  	v27 =	vmul.f32 v23, v6;
	v20 =	vadd.f32 v22, v20;
	v22 =	vmul.f32 v23, v23  }
0x38e: {  	v23 =	vld [tilespmem:s0+$0xA240];
	v43 =	vmul.f32 v31, v7;
	v31 =	vmul.f32 v31, v31;
	v24 =	vadd.f32 v29, v24  }
0x38f: {  	v19 =	vadd.f32 v27, v26;
	v26 =	vld [tilespmem:s0+$0xA1C0];
	v27 =	vadd.f32 v30, v33;
	v30 =	vmul.f32 v63, v63  }
0x390: {  	v20 =	vadd.f32 v22, v20;
	v22 =	vld [tilespmem:s0+$0xA150];
	v33 =	vmul.f32 v45, v45;
	v29 =	vadd.f32 v43, v34  }
0x391: {  	v34 =	vmul.f32 v50, v50;
	v43 =	vmul.f32 v59, v59;
	v21 =	vadd.f32 v30, v21  }
0x392: {  	v30 =	vadd.f32 v42, v32;
	v27 =	vadd.f32 v31, v27;
	v32 =	vmul.f32 v49, v49  }
0x393: {  	v31 =	vld [tilespmem:s0+$0xA250];
	v42 =	vmul.f32 v59, v13;
	v25 =	vadd.f32 v25, v21;
	v21 =	vmul.f32 v23, v23  }
0x394: {  	s20 =	sor.u32 $0x420, s12;
	v46 =	vmul.f32 v26, v8;
	v26 =	vmul.f32 v26, v26  }
0x395: {  	v63 =	vld [tilespmem:s20+$0xA100];
	v47 =	vmul.f32 v23, v8;
	v23 =	vmul.f32 v22, v9;
	v27 =	vadd.f32 v21, v27  }
0x396: {  	v22 =	vmul.f32 v22, v22;
	v30 =	vadd.f32 v46, v30;
	v24 =	vadd.f32 v26, v24  }
0x397: {  	v26 =	vadd.f32 v47, v29;
	v23 =	vadd.f32 v23, v28;
	v28 =	vmul.f32 v45, v9  }
0x398: {  	s26 =	sor.u32 $0x430, s13;
	v29 =	vld [tilespmem:s0+$0xA1E0];
	v25 =	vadd.f32 v22, v25;
	v22 =	vmul.f32 v31, v9;
	v31 =	vmul.f32 v31, v31  }
0x399: {  	v47 =	vld [tilespmem:s26+$0xA100];
	v28 =	vadd.f32 v28, v30;
	v24 =	vadd.f32 v33, v24;
	v30 =	vmul.f32 v48, v48  }
0x39a: {  	s11 =	simm.s32 $0x6B;
	s28 =	sor.u32 $0x430, s6;
	v49 =	vmul.f32 v63, v14;
	v26 =	vadd.f32 v22, v26;
	v27 =	vadd.f32 v31, v27;
	v31 =	vld [tilespmem:s0+$0xA270]  }
0x39b: {  	s29 =	sor.u32 $0x440, s12;
	v21 =	vmov s11;
	v23 =	vadd.f32 v52, v23;
	v48 =	vld [tilespmem:s28+$0xA100];
	v25 =	vadd.f32 v30, v25  }
0x39c: {  	v52 =	vld [tilespmem:s29+$0xA100];
	v30 =	vmul.f32 v50, v11;
	v26 =	vadd.f32 v55, v26;
	v50 =	vmul.f32 v63, v63  }
0x39d: {  	v27 =	vadd.f32 v32, v27;
	v53 =	vmul.f32 v29, v10;
	v29 =	vmul.f32 v29, v29  }
0x39e: {  	v32 =	vmul.f32 v47, v47;
	v23 =	vadd.f32 v30, v23;
	v25 =	vadd.f32 v34, v25  }
0x39f: {  	s24 =	sor.u32 $0x430, s12;
	v34 =	vmul.f32 v60, v60;
	v24 =	vadd.f32 v29, v24;
	v29 =	vmul.f32 v51, v11  }
0x3a0: {  	s3 =	simm.s32 $0x68;
	v46 =	vld [tilespmem:s24+$0xA100];
	v28 =	vadd.f32 v53, v28;
	v30 =	vmul.f32 v31, v11;
	v55 =	vmul.f32 v48, v15  }
0x3a1: {  	s30 =	sor.u32 $0x440, s13;
	v22 =	vmov s3;
	v33 =	vmul.f32 v48, v48;
	v57 =	vmul.f32 v52, v16  }
0x3a2: {  	s19 =	sor.u32 $0x410, s6;
	v53 =	vld [tilespmem:s30+$0xA100];
	v23 =	vadd.f32 v62, v23;
	v28 =	vadd.f32 v29, v28;
	v29 =	vmul.f32 v31, v31  }
0x3a3: {  	v24 =	vadd.f32 v58, v24;
	v31 =	vld [tilespmem:s19+$0xA100];
	v26 =	vadd.f32 v30, v26;
	v30 =	vmul.f32 v54, v54  }
0x3a4: {  	s14 =	sor.u32 $0x470, s6;
	v25 =	vadd.f32 v41, v25;
	v27 =	vadd.f32 v29, v27;
	v29 =	vmul.f32 v56, v12  }
0x3a5: {  	s22 =	sor.u32 $0x420, s13;
	(xrf2) =	vadd.scan.msk.f32 $0xffff, v19;
	v19 =	vld [tilespmem:s14+$0xA100];
	v54 =	vmul.f32 v46, v15;
	v28 =	vadd.f32 v61, v28;
	v24 =	vadd.f32 v30, v24  }
0x3a6: {  	s5 =	sor.u32 $0x450, s12;
	v58 =	vmul.f32 v52, v52;
	v30 =	vld [tilespmem:s22+$0xA100];
	v26 =	vadd.f32 v29, v26;
	v27 =	vadd.f32 v40, v27  }
0x3a7: {  	s23 =	sor.u32 $0x420, s6;
	v56 =	vld [tilespmem:s5+$0xA100];
	v59 =	vmul.f32 v53, v16;
	v28 =	vadd.f32 v42, v28;
	v24 =	vadd.f32 v43, v24  }
0x3a8: {  	v29 =	vld [tilespmem:s23+$0xA100];
	v45 =	vmul.f32 v31, v13;
	v26 =	vadd.f32 v44, v26;
	v27 =	vadd.f32 v34, v27  }
0x3a9: {  	s15 =	simm.s32 $0x200;
	s18 =	simm.s32 $0x6A;
	s16 =	simm.s32 $0x400;
	v31 =	vmul.f32 v31, v31;
	v28 =	vadd.f32 v49, v28;
	v24 =	vadd.f32 v50, v24  }
0x3aa: {  	s1 =	sand.u32 $0x7800, s16;
	s0 =	sand.u32 $0x200, s15;
	v34 =	vmul.f32 v53, v53;
	v49 =	vmul.f32 v19, v19;
	v53 =	vmov s18  }
0x3ab: {  	s0 =	sor.u32 s0, s1;
	v23 =	vadd.f32 v45, v23;
	v25 =	vadd.f32 v31, v25;
	v31 =	vmul.f32 v30, v14  }
0x3ac: {  	v50 =	vld [tilespmem:s0+$0xA180];
	v30 =	vmul.f32 v30, v30;
	v40 =	vmul.f32 v56, v17;
	v28 =	vadd.f32 v54, v28  }
0x3ad: {  	v48 =	vld [tilespmem:s0+$0xA100];
	v51 =	vmul.f32 v29, v14;
	v29 =	vmul.f32 v29, v29;
	v26 =	vadd.f32 v31, v26  }
0x3ae: {  	s31 =	sor.u32 $0x440, s6;
	v27 =	vadd.f32 v30, v27;
	v30 =	vmul.f32 v46, v46;
	v28 =	vadd.f32 v57, v28  }
0x3af: {  	v41 =	vmul.f32 v56, v56;
	v31 =	vld [tilespmem:s31+$0xA100];
	v23 =	vadd.f32 v51, v23;
	v25 =	vadd.f32 v29, v25  }
0x3b0: {  	s7 =	sor.u32 $0x450, s13;
	v46 =	vld [tilespmem:s0+$0xA290];
	v29 =	vmul.f32 v47, v15;
	v24 =	vadd.f32 v30, v24;
	v27 =	vadd.f32 v32, v27  }
0x3b1: {  	s8 =	sor.u32 $0x450, s6;
	v30 =	vld [tilespmem:s7+$0xA100];
	v47 =	vmul.f32 v19, v6;
	v35 =	vmul.f32 v50, v50;
	v28 =	vadd.f32 v40, v28  }
0x3b2: {  	s9 =	sor.u32 $0x460, s12;
	v40 =	vmul.f32 v48, v3;
	v26 =	vadd.f32 v29, v26;
	v23 =	vadd.f32 v55, v23;
	v29 =	vld [tilespmem:s8+$0xA100]  }
0x3b3: {  	v61 =	vld [tilespmem:s9+$0xA100];
	v25 =	vadd.f32 v33, v25;
	v27 =	vadd.f32 v34, v27;
	v34 =	vmul.f32 v48, v48  }
0x3b4: {  	s10 =	sor.u32 $0x460, s13;
	v24 =	vadd.f32 v58, v24;
	v55 =	vld [tilespmem:s0+$0xA2D0];
	v60 =	vmul.f32 v31, v16;
	v31 =	vmul.f32 v31, v31  }
0x3b5: {  	s11 =	sor.u32 $0x460, s6;
	v62 =	vld [tilespmem:s10+$0xA100];
	v52 =	vmul.f32 v46, v4;
	v33 =	vmul.f32 v46, v46;
	v26 =	vadd.f32 v59, v26  }
0x3b6: {  	v63 =	vld [tilespmem:s11+$0xA100];
	v24 =	vadd.f32 v41, v24;
	v25 =	vadd.f32 v31, v25;
	v31 =	vmul.f32 v30, v17  }
0x3b7: {  	s12 =	sor.u32 $0x470, s12;
	v23 =	vadd.f32 v60, v23;
	v30 =	vmul.f32 v30, v30;
	v42 =	vmul.f32 v29, v17  }
0x3b8: {  	s13 =	sor.u32 $0x470, s13;
	v43 =	vld [tilespmem:s12+$0xA100];
	v29 =	vmul.f32 v29, v29;
	v26 =	vadd.f32 v31, v26;
	v31 =	vmul.f32 v61, v18  }
0x3b9: {  	v44 =	vld [tilespmem:s13+$0xA100];
	v27 =	vadd.f32 v30, v27;
	v30 =	vmul.f32 v61, v61;
	v60 =	vmul.f32 v55, v9  }
0x3ba: {  	(xrf2) =	vadd.scan.msk.f32 $0xffff, v20;
	v23 =	vadd.f32 v42, v23;
	v20 =	vadd.f32 v29, v25;
	v25 =	vmul.f32 v62, v18  }
0x3bb: {  	v41 =	vld [tilespmem:s0+$0xA2C0];
	v29 =	vmul.f32 v63, v18;
	v28 =	vadd.f32 v31, v28;
	v31 =	vmul.f32 v62, v62  }
0x3bc: {  	v58 =	vld [tilespmem:s0+$0xA2E0];
	v30 =	vadd.f32 v30, v24;
	v24 =	vmul.f32 v63, v63;
	v26 =	vadd.f32 v25, v26  }
0x3bd: {  	v42 =	vld [tilespmem:s0+$0xA200];
	v29 =	vadd.f32 v29, v23;
	v23 =	vmul.f32 v43, v6;
	v25 =	vmul.f32 v43, v43  }
0x3be: {  	p1 =	por !p1, !p1;
	s1 =	simm.s32 $0x1;
	v27 =	vadd.f32 v31, v27;
	v31 =	vld [tilespmem:s0+$0xA280];
	v45 =	vadd.f32 v24, v20;
	v20 =	vmul.f32 v44, v6  }
0x3bf: {  	s1 =	simm.s32 @!p1 $0x0;
	v24 =	vadd.f32 v23, v28;
	v28 =	vmul.f32 v44, v44;
	v25 =	vadd.f32 v25, v30;
	v30 =	vld [tilespmem:s0+$0xA2A0]  }
0x3c0: {  	s1 =	sshll.u32 s1, $0x9;
	v59 =	vmul.f32 v41, v8;
	v23 =	vadd.f32 v20, v26;
	v26 =	vadd.f32 v47, v29;
	v29 =	vld [tilespmem:s0+$0xA110]  }
0x3c1: {  	v39 =	vand.u32 $0xFFFFFFFE, v53;
	s8 =	sadd.s32 $0x400, s1;
	v62 =	vmul.f32 v58, v10;
	v43 =	vmul.f32 v50, v3;
	v44 =	vld [tilespmem:s0+$0xA210]  }
0x3c2: {  	s1 =	sadd.s32 $0x180, s8;
	v20 =	vand.u32 $0xFFFFFFFC, v22;
	v46 =	vmul.f32 v42, v3;
	v22 =	vadd.f32 v28, v27;
	v27 =	vld [tilespmem:s0+$0xA2B0]  }
0x3c3: {  	s17 =	simm.s32 $0x69;
	s19 =	sor.u32 $0x400, s1;
	v32 =	vadd.f32 v49, v45;
	v42 =	vmul.f32 v42, v42;
	v51 =	vmul.f32 v31, v3;
	v28, _, _ =	vpop (xrf2)  }
0x3c4: {  	v19 =	vmov s17;
	s20 =	sor.u32 $0x410, s1;
	v61 =	vld [tilespmem:s19+$0xA100];
	v31 =	vmul.f32 v31, v31;
	[tilespmem:v21+s25+$0x0] =	vst.idx.msk vm1, v28;
	v54 =	vmul.f32 v30, v5  }
0x3c5: {  	v63 =	vld [tilespmem:s20+$0xA100];
	v28, _, _ =	vpop (xrf2);
	v37 =	vadd.f32 v52, v51;
	v56 =	vmul.f32 v29, v4;
	v29 =	vmul.f32 v29, v29  }
0x3c6: {  	s22 =	sor.u32 $0x420, s1;
	v20 =	vbroadcast v20, $0x0;
	v31 =	vadd.f32 v33, v31;
	v30 =	vmul.f32 v30, v30;
	[tilespmem:v21+s21+$0x0] =	vst.idx.msk vm1, v28;
	v28 =	vld [tilespmem:s0+$0xA190]  }
0x3c7: {  	v53 =	vld [tilespmem:s22+$0xA100];
	v47 =	vmul.f32 v44, v4;
	v37 =	vadd.f32 v54, v37;
	v57 =	vmul.f32 v27, v7  }
0x3c8: {  	v44 =	vmul.f32 v44, v44;
	v30 =	vadd.f32 v30, v31;
	v27 =	vmul.f32 v27, v27;
	v31 =	vld [tilespmem:s0+$0xA2F0]  }
0x3c9: {  	v48 =	vld [tilespmem:s0+$0xA120];
	(xrf2) =	vadd.scan.msk.f32 $0xffff, v26;
	v21 =	vbroadcast v39, $0x0;
	v39 =	vadd.f32 v56, v40;
	v37 =	vadd.f32 v57, v37  }
0x3ca: {  	v26 =	vld [tilespmem:s0+$0xA230];
	(xrf2) =	vadd.scan.msk.f32 $0xffff, v32;
	v54 =	vmul.f32 v61, v12;
	v27 =	vadd.f32 v27, v30;
	v30 =	vmul.f32 v41, v41  }
0x3cb: {  	(xrf2) =	vadd.scan.msk.f32 $0xffff, v24;
	v24 =	vld [tilespmem:s0+$0xA140];
	v56 =	vmul.f32 v63, v13;
	v45 =	vmul.f32 v28, v4;
	v37 =	vadd.f32 v59, v37  }
0x3cc: {  	(xrf2) =	vadd.scan.msk.f32 $0xffff, v25;
	v28 =	vmul.f32 v28, v28;
	v27 =	vadd.f32 v30, v27;
	v30 =	vmul.f32 v55, v55  }
0x3cd: {  	v29 =	vadd.f32 v29, v34;
	(xrf2) =	vadd.scan.msk.f32 $0xffff, v23;
	v23 =	vld [tilespmem:s0+$0xA240];
	v59 =	vmul.f32 v53, v14;
	v52 =	vmul.f32 v31, v11  }
0x3ce: {  	v37 =	vadd.f32 v60, v37;
	v27 =	vadd.f32 v30, v27;
	v30 =	vmul.f32 v58, v58  }
0x3cf: {  	s26 =	sor.u32 $0x450, s1;
	v55 =	vld [tilespmem:s0+$0xA1A0];
	v40 =	vadd.f32 v45, v43;
	v60 =	vmul.f32 v48, v5;
	v45 =	vmul.f32 v26, v7  }
0x3d0: {  	v36 =	vld [tilespmem:s26+$0xA100];
	v43 =	vadd.f32 v47, v46;
	v26 =	vmul.f32 v26, v26;
	v47 =	vmul.f32 v24, v8  }
0x3d1: {  	v58 =	vld [tilespmem:s0+$0xA220];
	v37 =	vadd.f32 v62, v37;
	v27 =	vadd.f32 v30, v27;
	v30 =	vmul.f32 v31, v31  }
0x3d2: {  	s23 =	sor.u32 $0x430, s1;
	v42 =	vadd.f32 v44, v42;
	v49 =	vmul.f32 v23, v8;
	v62 =	vmul.f32 v48, v48  }
0x3d3: {  	v31 =	vld [tilespmem:s23+$0xA100];
	v37 =	vadd.f32 v52, v37;
	v27 =	vadd.f32 v30, v27;
	v30 =	vmul.f32 v61, v61  }
0x3d4: {  	v28 =	vadd.f32 v28, v35;
	v34 =	vmul.f32 v55, v55;
	v52 =	vmul.f32 v55, v5  }
0x3d5: {  	s24 =	sor.u32 $0x440, s1;
	v50, _, _ =	vpop (xrf2);
	v48 =	vld [tilespmem:s0+$0xA250];
	v37 =	vadd.f32 v54, v37;
	v27 =	vadd.f32 v30, v27;
	v30 =	vmul.f32 v63, v63  }
0x3d6: {  	v19 =	vand.u32 $0xFFFFFFFD, v19;
	s28 =	sor.u32 $0x460, s1;
	v57 =	vld [tilespmem:s24+$0xA100];
	[tilespmem:v20+s25+$0x0] =	vst.idx.msk vm1, v50;
	v55 =	vmul.f32 v36, v17;
	v41 =	vmul.f32 v58, v58  }
0x3d7: {  	v63 =	vld [tilespmem:s28+$0xA100];
	v37 =	vadd.f32 v56, v37;
	v27 =	vadd.f32 v30, v27;
	v30 =	vmul.f32 v53, v53  }
0x3d8: {  	s1 =	sor.u32 $0x470, s1;
	v29 =	vadd.f32 v62, v29;
	v61 =	vmul.f32 v31, v15;
	v42 =	vadd.f32 v41, v42;
	v56 =	vld [tilespmem:s0+$0xA130]  }
0x3d9: {  	v37 =	vadd.f32 v59, v37;
	v27 =	vadd.f32 v30, v27;
	v30 =	vmul.f32 v31, v31;
	v31 =	vld [tilespmem:s1+$0xA100]  }
0x3da: {  	v28 =	vadd.f32 v34, v28;
	v54 =	vmul.f32 v58, v5;
	v35 =	vmul.f32 v48, v48;
	v59 =	vld [tilespmem:s0+$0xA1B0]  }
0x3db: {  	v51 =	vld [tilespmem:s0+$0xA160];
	v53 =	vmul.f32 v57, v16;
	v26 =	vadd.f32 v26, v42;
	v37 =	vadd.f32 v61, v37  }
0x3dc: {  	v58 =	vmul.f32 v63, v18;
	v27 =	vadd.f32 v30, v27;
	v30 =	vmul.f32 v57, v57  }
0x3dd: {  	v57 =	vadd.f32 v60, v39;
	v62 =	vmul.f32 v56, v7;
	v37 =	vadd.f32 v53, v37  }
0x3de: {  	v25 =	vld [tilespmem:s0+$0xA1C0];
	v27 =	vadd.f32 v30, v27;
	v30 =	vmul.f32 v36, v36;
	v61 =	vmul.f32 v31, v6  }
0x3df: {  	(xrf2) =	vadd.scan.msk.f32 $0xffff, v22;
	s1 =	sadd.s32 $0x80, s8;
	v60 =	vadd.f32 v52, v40;
	v44 =	vmul.f32 v59, v7;
	v22 =	vmul.f32 v59, v59  }
0x3e0: {  	s5 =	sor.u32 $0x400, s1;
	v59 =	vmul.f32 v51, v10;
	v37 =	vadd.f32 v55, v37;
	v27 =	vadd.f32 v30, v27  }
0x3e1: {  	s29 =	simm.s32 $0x6F;
	v50 =	vld [tilespmem:s5+$0xA100];
	v30 =	vmul.f32 v63, v63;
	v63 =	vadd.f32 v54, v43;
	v43 =	vmul.f32 v56, v56  }
0x3e2: {  	v53 =	vld [tilespmem:s0+$0xA1E0];
	v55 =	vmov s29;
	v46 =	vadd.f32 v44, v60;
	v28 =	vadd.f32 v22, v28  }
0x3e3: {  	v56 =	vld [tilespmem:s0+$0xA260];
	v22 =	vmul.f32 v24, v24;
	v24 =	vmul.f32 v25, v8;
	v37 =	vadd.f32 v58, v37  }
0x3e4: {  	v60 =	vld [tilespmem:s0+$0xA1F0];
	v27 =	vadd.f32 v30, v27;
	v30 =	vmul.f32 v31, v31;
	v31 =	vadd.f32 v62, v57  }
0x3e5: {  	v25 =	vmul.f32 v25, v25;
	v33 =	vadd.f32 v45, v63;
	v58 =	vld [tilespmem:s0+$0xA170];
	v32 =	vadd.f32 v24, v46  }
0x3e6: {  	v24 =	vmul.f32 v23, v23;
	v40 =	vadd.f32 v61, v37;
	v27 =	vadd.f32 v30, v27;
	v30 =	vld [tilespmem:s0+$0xA150]  }
0x3e7: {  	v29 =	vadd.f32 v43, v29;
	v62 =	vld [tilespmem:s0+$0xA270];
	v63 =	vmul.f32 v53, v10;
	v34 =	vmul.f32 v53, v53  }
0x3e8: {  	v33 =	vadd.f32 v49, v33;
	v37 =	vmul.f32 v51, v51;
	v49 =	vmul.f32 v56, v10;
	(xrf2) =	vadd.scan.msk.f32 $0xffff, v40  }
0x3e9: {  	v31 =	vadd.f32 v47, v31;
	v36 =	vmul.f32 v56, v56;
	v40 =	vmul.f32 v50, v50;
	(xrf2) =	vadd.scan.msk.f32 $0xffff, v27;
	v27 =	vld [tilespmem:s0+$0xA1D0]  }
0x3ea: {  	s31 =	sadd.s32 $0x100, s8;
	s7 =	sor.u32 $0x400, s8;
	v54 =	vadd.f32 v24, v26;
	v51 =	vmul.f32 v58, v11;
	v41 =	vmul.f32 v58, v58  }
0x3eb: {  	s10 =	sor.u32 $0x410, s31;
	v53 =	vld [tilespmem:s7+$0xA100];
	v29 =	vadd.f32 v22, v29;
	v52 =	vmul.f32 v30, v9;
	v30 =	vmul.f32 v30, v30  }
0x3ec: {  	v61 =	vadd.f32 v35, v54;
	v54 =	vmul.f32 v60, v11;
	v56 =	vmul.f32 v62, v11;
	v58 =	vld [tilespmem:s10+$0xA100]  }
0x3ed: {  	s13 =	sor.u32 $0x420, s31;
	v31 =	vadd.f32 v52, v31;
	v29 =	vadd.f32 v30, v29;
	v30 =	vmul.f32 v48, v9  }
0x3ee: {  	s6 =	sor.u32 $0x400, s31;
	v28 =	vadd.f32 v25, v28;
	v46 =	vld [tilespmem:s13+$0xA100];
	v35 =	vmul.f32 v62, v62;
	v57 =	vmul.f32 v27, v9  }
0x3ef: {  	v52 =	vld [tilespmem:s6+$0xA100];
	v27 =	vmul.f32 v27, v27;
	v30 =	vadd.f32 v30, v33;
	v31 =	vadd.f32 v59, v31  }
0x3f0: {  	v22, _, _ =	vpop (xrf2);
	v62 =	vmul.f32 v53, v12;
	v29 =	vadd.f32 v37, v29;
	v33 =	vadd.f32 v36, v61  }
0x3f1: {  	s12 =	sor.u32 $0x420, s1;
	v23, _, _ =	vpop (xrf2);
	v39 =	vmul.f32 v58, v58;
	v32 =	vadd.f32 v57, v32;
	v28 =	vadd.f32 v27, v28  }
0x3f2: {  	v45 =	vld [tilespmem:s12+$0xA100];
	v24, _, _ =	vpop (xrf2);
	v59 =	vmul.f32 v50, v12;
	v30 =	vadd.f32 v49, v30;
	v31 =	vadd.f32 v51, v31  }
0x3f3: {  	s9 =	sor.u32 $0x410, s1;
	v25, _, _ =	vpop (xrf2);
	v50 =	vmul.f32 v58, v13;
	v29 =	vadd.f32 v41, v29;
	v33 =	vadd.f32 v35, v33  }
0x3f4: {  	v26, _, _ =	vpop (xrf2);
	v57 =	vld [tilespmem:s9+$0xA100];
	v35 =	vmul.f32 v46, v46;
	v32 =	vadd.f32 v63, v32;
	v61 =	vmul.f32 v52, v12  }
0x3f5: {  	s15 =	sor.u32 $0x430, s1;
	v27, _, _ =	vpop (xrf2);
	v28 =	vadd.f32 v34, v28;
	v63 =	vmul.f32 v52, v52;
	v34 =	vmul.f32 v53, v53  }
0x3f6: {  	s30 =	simm.s32 $0x6C;
	v19 =	vbroadcast v19, $0x0;
	s16 =	sor.u32 $0x430, s31;
	v52 =	vld [tilespmem:s15+$0xA100];
	[tilespmem:v55+s25+$0x0] =	vst.idx.msk vm1, v27;
	v48, _, _ =	vpop (xrf2);
	v30 =	vadd.f32 v56, v30;
	v31 =	vadd.f32 v62, v31  }
0x3f7: {  	v53 =	vld [tilespmem:s16+$0xA100];
	v27 =	vmov s30;
	v56 =	vmul.f32 v45, v45;
	[tilespmem:v55+s21+$0x0] =	vst.idx.msk vm1, v48;
	v32 =	vadd.f32 v54, v32  }
0x3f8: {  	s20 =	sor.u32 $0x440, s8;
	v55 =	vmul.f32 v60, v60;
	v33 =	vadd.f32 v63, v33;
	v29 =	vadd.f32 v34, v29  }
0x3f9: {  	s11 =	sor.u32 $0x410, s8;
	v62 =	vld [tilespmem:s20+$0xA100];
	v54 =	vmul.f32 v45, v14;
	v30 =	vadd.f32 v61, v30;
	v47 =	vmul.f32 v57, v13  }
0x3fa: {  	s14 =	sor.u32 $0x420, s8;
	v60 =	vld [tilespmem:s11+$0xA100];
	v49 =	vmul.f32 v57, v57;
	v57 =	vmul.f32 v46, v14;
	v28 =	vadd.f32 v55, v28  }
0x3fb: {  	v48 =	vld [tilespmem:s14+$0xA100];
	v32 =	vadd.f32 v59, v32;
	v33 =	vadd.f32 v39, v33;
	v61 =	vmul.f32 v52, v15  }
0x3fc: {  	s17 =	sor.u32 $0x430, s8;
	v30 =	vadd.f32 v50, v30;
	v63 =	vmul.f32 v52, v52;
	v45 =	vmul.f32 v53, v15  }
0x3fd: {  	s18 =	sor.u32 $0x440, s1;
	v55 =	vld [tilespmem:s17+$0xA100];
	v34 =	vmul.f32 v53, v53;
	v28 =	vadd.f32 v40, v28;
	v32 =	vadd.f32 v47, v32  }
0x3fe: {  	s24 =	sor.u32 $0x450, s8;
	v59 =	vld [tilespmem:s18+$0xA100];
	v33 =	vadd.f32 v35, v33;
	v52 =	vmul.f32 v62, v16;
	v35 =	vmul.f32 v62, v62  }
0x3ff: {  	s26 =	sor.u32 $0x460, s1;
	v50 =	vld [tilespmem:s24+$0xA100];
	v51 =	vmul.f32 v60, v13;
	v37 =	vmul.f32 v60, v60;
	v30 =	vadd.f32 v57, v30  }
0x400: {  	s22 =	sor.u32 $0x450, s1;
	v53 =	vld [tilespmem:s26+$0xA100];
	v58 =	vmul.f32 v48, v14;
	v28 =	vadd.f32 v49, v28;
	v32 =	vadd.f32 v54, v32  }
0x401: {  	s19 =	sor.u32 $0x440, s31;
	v47 =	vld [tilespmem:s22+$0xA100];
	v36 =	vmul.f32 v48, v48;
	v33 =	vadd.f32 v34, v33;
	v31 =	vadd.f32 v51, v31  }
0x402: {  	v60 =	vld [tilespmem:s19+$0xA100];
	v29 =	vadd.f32 v37, v29;
	v46 =	vmul.f32 v55, v15;
	v39 =	vmul.f32 v55, v55  }
0x403: {  	v30 =	vadd.f32 v45, v30;
	v49 =	vmul.f32 v59, v16;
	v38 =	vmul.f32 v59, v59  }
0x404: {  	s23 =	sor.u32 $0x450, s31;
	v28 =	vadd.f32 v56, v28;
	v32 =	vadd.f32 v61, v32;
	v59 =	vmul.f32 v50, v17  }
0x405: {  	v48 =	vld [tilespmem:s23+$0xA100];
	v62 =	vmul.f32 v50, v50;
	v40 =	vmul.f32 v53, v53;
	v29 =	vadd.f32 v36, v29  }
0x406: {  	s28 =	sor.u32 $0x460, s31;
	v31 =	vadd.f32 v58, v31;
	v56 =	vmul.f32 v47, v17;
	v28 =	vadd.f32 v63, v28  }
0x407: {  	v55 =	vld [tilespmem:s28+$0xA100];
	v51 =	vmul.f32 v60, v16;
	v32 =	vadd.f32 v49, v32;
	v29 =	vadd.f32 v39, v29  }
0x408: {  	s29 =	sor.u32 $0x460, s8;
	v37 =	vmul.f32 v60, v60;
	v31 =	vadd.f32 v46, v31;
	v28 =	vadd.f32 v38, v28  }
0x409: {  	v54 =	vadd.f32 v51, v30;
	v30 =	vld [tilespmem:s29+$0xA100];
	v57 =	vadd.f32 v35, v29;
	v29 =	vmul.f32 v47, v47  }
0x40a: {  	s1 =	sor.u32 $0x470, s1;
	s30 =	sshll.u32 s4, $0x1;
	v58 =	vmul.f32 v48, v17;
	v61 =	vmul.f32 v48, v48;
	v37 =	vadd.f32 v37, v33  }
0x40b: {  	s0 =	sor.u32 $0x470, s31;
	v63 =	vmul.f32 v53, v18;
	v31 =	vadd.f32 v52, v31;
	v34 =	vadd.f32 v29, v28;
	v28 =	vld [tilespmem:s1+$0xA100];
	[dreg:$0x18] =	wrdreg s30  }
0x40c: {  	s31 =	sor.u32 $0x470, s8;
	v60 =	vadd.f32 v56, v32;
	v39 =	vmul.f32 v55, v18;
	v33 =	vadd.f32 v58, v54;
	v29 =	vld [tilespmem:s0+$0xA100]  }
0x40d: {  	s7 =	simm.s32 $0x0;
	v38 =	vmul.f32 v55, v55;
	v32 =	vadd.f32 v61, v37;
	v35 =	vadd.f32 v59, v31;
	v31 =	vld [tilespmem:s31+$0xA100]  }
0x40e: {  	s8 =	simm.s32 $0x4;
	s10 =	simm.s32 $0x800;
	s9 =	simm.s32 $0x400;
	v36 =	vadd.f32 v63, v60;
	v37 =	vadd.f32 v62, v57;
	v41 =	vmul.f32 v30, v18  }
.LBB2_7:
0x40f: {  	s0 =	sand.u32 $0x7800, s10;
	s1 =	sand.u32 $0x200, s9;
	v30 =	vmul.f32 v30, v30;
	v34 =	vadd.f32 v40, v34;
	v33 =	vadd.f32 v39, v33;
	s2 =	smov.u32 s8  }
0x410: {  	v39 =	vmul.f32 v28, v6;
	s0 =	sor.u32 s1, s0;
	v35 =	vadd.f32 v41, v35;
	v32 =	vadd.f32 v38, v32  }
0x411: {  	v28 =	vmul.f32 v28, v28;
	v38 =	vld [tilespmem:s0+$0xA280];
	v30 =	vadd.f32 v30, v37;
	v37 =	vmul.f32 v29, v6  }
0x412: {  	v41 =	vmul.f32 v31, v6;
	v36 =	vadd.f32 v39, v36;
	v29 =	vmul.f32 v29, v29;
	v40 =	vld [tilespmem:s0+$0xA290]  }
0x413: {  	s8 =	sadd.s32 $0x4, s8;
	v31 =	vmul.f32 v31, v31;
	s1 =	sadd.s32 $0x6D, s7;
	v28 =	vadd.f32 v28, v34;
	v39 =	vld [tilespmem:s0+$0xA100];
	v33 =	vadd.f32 v37, v33  }
0x414: {  	p2 =	slt.u32 s8, $0x5C;
	v35 =	vadd.f32 v41, v35;
	v37 =	vmov s1;
	v29 =	vadd.f32 v29, v32;
	v34 =	vld [tilespmem:s0+$0xA2A0];
	[tilespmem:v20+s21+$0x0] =	vst.idx.msk vm1, v22  }
0x415: {  	v30 =	vadd.f32 v31, v30;
	v20 =	vand.u32 $0xFFFFFFFC, v27;
	v27 =	vand.u32 $0xFFFFFFFD, v37;
	v22 =	vld [tilespmem:s0+$0xA110];
	[tilespmem:v19+s25+$0x0] =	vst.idx.msk vm1, v23  }
0x416: {  	s1 =	sadd.s32 $0x6E, s7;
	s7 =	smov.u32 s2;
	v20 =	vbroadcast v20, $0x0;
	v23 =	vld [tilespmem:s0+$0xA2B0];
	(xrf2) =	vadd.scan.msk.f32 $0xffff, v35;
	[tilespmem:v19+s21+$0x0] =	vst.idx.msk vm1, v24;
	v19 =	vbroadcast v27, $0x0  }
0x417: {  	v32 =	vmov s1;
	v27 =	vmul.f32 v38, v3;
	v24 =	vld [tilespmem:s0+$0xA180];
	v31 =	vmul.f32 v40, v4;
	[tilespmem:v21+s25+$0x0] =	vst.idx.msk vm1, v25  }
0x418: {  	v32 =	vand.u32 $0xFFFFFFFE, v32;
	v25 =	vmul.f32 v39, v3;
	v35 =	vmul.f32 v39, v39;
	v37 =	vld [tilespmem:s0+$0xA2C0];
	[tilespmem:v21+s21+$0x0] =	vst.idx.msk vm1, v26  }
0x419: {  	v21 =	vbroadcast v32, $0x0;
	v26 =	vld [tilespmem:s0+$0xA190];
	v27 =	vadd.f32 v31, v27;
	v31 =	vmul.f32 v34, v5;
	(xrf2) =	vadd.scan.msk.f32 $0xffff, v30  }
0x41a: {  	p1 =	por !p1, !p1;
	s1 =	simm.s32 $0x1;
	v32 =	vmul.f32 v40, v40;
	v30 =	vmul.f32 v38, v38;
	v38 =	vld [tilespmem:s0+$0xA2D0]  }
0x41b: {  	s1 =	simm.s32 @!p1 $0x0;
	v39 =	vmul.f32 v22, v4;
	v40 =	vld [tilespmem:s0+$0xA200];
	v27 =	vadd.f32 v31, v27;
	v31 =	vmul.f32 v23, v7  }
0x41c: {  	s1 =	sshll.u32 s1, $0x9;
	v41 =	vmul.f32 v22, v22;
	v22 =	vadd.f32 v32, v30;
	v30 =	vmul.f32 v34, v34;
	v32 =	vld [tilespmem:s0+$0xA2E0];
	(xrf2) =	vadd.scan.msk.f32 $0xffff, v36  }
0x41d: {  	s1 =	sadd.s32 s1, s10;
	v34 =	vmul.f32 v24, v3;
	v36 =	vld [tilespmem:s0+$0xA210];
	v45 =	vadd.f32 v31, v27;
	v31 =	vmul.f32 v37, v8  }
0x41e: {  	s2 =	sadd.s32 $0x80, s1;
	s4 =	sadd.s32 $0x100, s1;
	s31 =	sadd.s32 $0x180, s1;
	v23 =	vmul.f32 v23, v23;
	v24 =	vmul.f32 v24, v24;
	v22 =	vadd.f32 v30, v22;
	v30 =	vld [tilespmem:s0+$0xA2F0]  }
0x41f: {  	s30 =	sor.u32 $0x400, s2;
	s28 =	sor.u32 $0x400, s4;
	s3 =	sor.u32 $0x400, s31;
	v43 =	vmul.f32 v26, v4;
	v42 =	vld [tilespmem:s0+$0xA120];
	v31 =	vadd.f32 v31, v45;
	v44 =	vmul.f32 v38, v9;
	(xrf2) =	vadd.scan.msk.f32 $0xffff, v28  }
0x420: {  	s29 =	sor.u32 $0x400, s1;
	s26 =	sor.u32 $0x410, s2;
	s23 =	sor.u32 $0x410, s4;
	v26 =	vmul.f32 v26, v26;
	v48 =	vadd.f32 v23, v22;
	v23 =	vmul.f32 v37, v37;
	v28 =	vld [tilespmem:s3+$0xA100];
	v27, _, _ =	vpop (xrf2)  }
0x421: {  	s25 =	sor.u32 $0x410, s1;
	s22 =	sor.u32 $0x420, s2;
	v45 =	vmul.f32 v40, v3;
	s3 =	sor.u32 $0x410, s31;
	v37 =	vld [tilespmem:s0+$0xA1A0];
	v31 =	vadd.f32 v44, v31;
	v44 =	vmul.f32 v32, v10  }
0x422: {  	s21 =	sor.u32 $0x420, s1;
	s17 =	sor.u32 $0x430, s2;
	s24 =	sor.u32 $0x420, s4;
	v38 =	vmul.f32 v38, v38;
	v40 =	vmul.f32 v40, v40;
	v23 =	vadd.f32 v23, v48;
	v46 =	vld [tilespmem:s3+$0xA100];
	(xrf2) =	vadd.scan.msk.f32 $0xffff, v33  }
0x423: {  	s18 =	sor.u32 $0x430, s1;
	s20 =	sor.u32 $0x430, s4;
	v33 =	vmul.f32 v36, v4;
	s3 =	sor.u32 $0x420, s31;
	v47 =	vld [tilespmem:s0+$0xA220];
	v31 =	vadd.f32 v44, v31;
	v44 =	vmul.f32 v30, v11;
	v22, _, _ =	vpop (xrf2)  }
0x424: {  	s13 =	sor.u32 $0x440, s1;
	s19 =	sor.u32 $0x440, s2;
	s16 =	sor.u32 $0x440, s4;
	v32 =	vmul.f32 v32, v32;
	v36 =	vmul.f32 v36, v36;
	v49 =	vadd.f32 v38, v23;
	v38 =	vld [tilespmem:s3+$0xA100]  }
0x425: {  	s15 =	sor.u32 $0x450, s2;
	s12 =	sor.u32 $0x450, s4;
	s5 =	sor.u32 $0x430, s31;
	v39 =	vadd.f32 v39, v25;
	v48 =	vld [tilespmem:s0+$0xA130];
	v25 =	vadd.f32 v44, v31;
	v31 =	vmul.f32 v28, v12;
	(xrf2) =	vadd.scan.msk.f32 $0xffff, v29  }
0x426: {  	s14 =	sor.u32 $0x450, s1;
	s11 =	sor.u32 $0x460, s2;
	v30 =	vmul.f32 v30, v30;
	s3 =	sor.u32 $0x460, s4;
	v29 =	vadd.f32 v41, v35;
	v32 =	vadd.f32 v32, v49;
	v35 =	vld [tilespmem:s5+$0xA100];
	v23, _, _ =	vpop (xrf2)  }
0x427: {  	s2 =	sor.u32 $0x470, s2;
	s6 =	sor.u32 $0x440, s31;
	v34 =	vadd.f32 v43, v34;
	s5 =	sor.u32 $0x460, s1;
	v41 =	vld [tilespmem:s0+$0xA1B0];
	v25 =	vadd.f32 v31, v25;
	v31 =	vmul.f32 v46, v13  }
0x428: {  	v43 =	vadd.f32 v26, v24;
	s4 =	sor.u32 $0x470, s4;
	v28 =	vmul.f32 v28, v28;
	s1 =	sor.u32 $0x470, s1;
	v26 =	vadd.f32 v30, v32;
	v30 =	vld [tilespmem:s6+$0xA100]  }
0x429: {  	v32 =	vadd.f32 v33, v45;
	s6 =	sor.u32 $0x450, s31;
	v33 =	vld [tilespmem:s0+$0xA230];
	v49 =	vadd.f32 v31, v25;
	v31 =	vmul.f32 v38, v14;
	v24, _, _ =	vpop (xrf2)  }
0x42a: {  	v36 =	vadd.f32 v36, v40;
	v26 =	vadd.f32 v28, v26;
	v28 =	vmul.f32 v46, v46;
	v40 =	vld [tilespmem:s6+$0xA100]  }
0x42b: {  	v44 =	vmul.f32 v42, v5;
	s6 =	sor.u32 $0x460, s31;
	v45 =	vld [tilespmem:s0+$0xA140];
	v31 =	vadd.f32 v31, v49;
	v46 =	vmul.f32 v35, v15  }
0x42c: {  	v42 =	vmul.f32 v42, v42;
	v54 =	vadd.f32 v28, v26;
	v28 =	vmul.f32 v38, v38;
	v38 =	vld [tilespmem:s6+$0xA100];
	v25, _, _ =	vpop (xrf2)  }
0x42d: {  	v49 =	vmul.f32 v37, v5;
	s6 =	sor.u32 $0x470, s31;
	v50 =	vld [tilespmem:s0+$0xA1C0];
	v31 =	vadd.f32 v46, v31;
	v46 =	vmul.f32 v30, v16  }
0x42e: {  	v37 =	vmul.f32 v37, v37;
	v35 =	vmul.f32 v35, v35;
	v28 =	vadd.f32 v28, v54;
	v51 =	vld [tilespmem:s6+$0xA100]  }
0x42f: {  	v52 =	vmul.f32 v47, v5;
	v53 =	vld [tilespmem:s0+$0xA240];
	v31 =	vadd.f32 v46, v31;
	v46 =	vmul.f32 v40, v17;
	v26, _, _ =	vpop (xrf2)  }
0x430: {  	v47 =	vmul.f32 v47, v47;
	v30 =	vmul.f32 v30, v30;
	v28 =	vadd.f32 v35, v28;
	v54 =	vld [tilespmem:s0+$0xA150]  }
0x431: {  	v35 =	vadd.f32 v44, v39;
	v39 =	vld [tilespmem:s0+$0xA1D0];
	v31 =	vadd.f32 v46, v31;
	v44 =	vmul.f32 v38, v18  }
0x432: {  	v29 =	vadd.f32 v42, v29;
	v28 =	vadd.f32 v30, v28;
	v30 =	vmul.f32 v40, v40;
	v42 =	vld [tilespmem:s0+$0xA250]  }
0x433: {  	v34 =	vadd.f32 v49, v34;
	v40 =	vld [tilespmem:s0+$0xA160];
	v31 =	vadd.f32 v44, v31;
	v44 =	vmul.f32 v51, v6  }
0x434: {  	v37 =	vadd.f32 v37, v43;
	v28 =	vadd.f32 v30, v28;
	v30 =	vmul.f32 v38, v38;
	v43 =	vld [tilespmem:s0+$0xA1E0]  }
0x435: {  	v32 =	vadd.f32 v52, v32;
	v38 =	vmul.f32 v48, v7;
	v46 =	vld [tilespmem:s0+$0xA260];
	v31 =	vadd.f32 v44, v31  }
0x436: {  	v36 =	vadd.f32 v47, v36;
	v28 =	vadd.f32 v30, v28;
	v30 =	vmul.f32 v51, v51;
	v44 =	vld [tilespmem:s0+$0xA170]  }
0x437: {  	v47 =	vmul.f32 v41, v7;
	v35 =	vadd.f32 v38, v35;
	v38 =	vmul.f32 v48, v48;
	v48 =	vld [tilespmem:s0+$0xA1F0];
	(xrf2) =	vadd.scan.msk.f32 $0xffff, v31  }
0x438: {  	v31 =	vmul.f32 v41, v41;
	v41 =	vmul.f32 v33, v7;
	v28 =	vadd.f32 v30, v28;
	v49 =	vld [tilespmem:s0+$0xA270]  }
0x439: {  	v29 =	vadd.f32 v38, v29;
	v30 =	vadd.f32 v47, v34;
	v33 =	vmul.f32 v33, v33;
	v34 =	vld [tilespmem:s30+$0xA100]  }
0x43a: {  	v38 =	vmul.f32 v45, v8;
	v31 =	vadd.f32 v31, v37;
	v32 =	vadd.f32 v41, v32;
	v37 =	vld [tilespmem:s28+$0xA100];
	(xrf2) =	vadd.scan.msk.f32 $0xffff, v28  }
0x43b: {  	v33 =	vadd.f32 v33, v36;
	v28 =	vmul.f32 v45, v45;
	v45 =	vmul.f32 v50, v8;
	v41 =	vld [tilespmem:s29+$0xA100]  }
0x43c: {  	v47 =	vmul.f32 v53, v8;
	v35 =	vadd.f32 v38, v35;
	v36 =	vmul.f32 v50, v50;
	v38 =	vld [tilespmem:s26+$0xA100]  }
0x43d: {  	v28 =	vadd.f32 v28, v29;
	v29 =	vadd.f32 v45, v30;
	v30 =	vmul.f32 v53, v53;
	v45 =	vld [tilespmem:s23+$0xA100]  }
0x43e: {  	s0 =	sadd.s32 $0x6F, s7;
	v50 =	vmul.f32 v54, v9;
	v31 =	vadd.f32 v36, v31;
	v32 =	vadd.f32 v47, v32;
	v51 =	vld [tilespmem:s25+$0xA100];
	s25 =	simm.s32 $0x1C900  }
0x43f: {  	v36 =	vmul.f32 v54, v54;
	v30 =	vadd.f32 v30, v33;
	v33 =	vmov s0;
	v47 =	vld [tilespmem:s22+$0xA100];
	[tilespmem:v20+s25+$0x0] =	vst.idx.msk vm1, v27  }
0x440: {  	v35 =	vadd.f32 v50, v35;
	v27 =	vmul.f32 v39, v9;
	v39 =	vmul.f32 v39, v39;
	v50 =	vld [tilespmem:s24+$0xA100]  }
0x441: {  	v52 =	vmul.f32 v42, v9;
	v42 =	vmul.f32 v42, v42;
	v28 =	vadd.f32 v36, v28;
	v36 =	vld [tilespmem:s21+$0xA100];
	s21 =	simm.s32 $0x1CA00;
	v53, _, _ =	vpop (xrf2)  }
0x442: {  	v54 =	vmul.f32 v40, v10;
	v29 =	vadd.f32 v27, v29;
	v31 =	vadd.f32 v39, v31;
	v39 =	vld [tilespmem:s17+$0xA100]  }
0x443: {  	v40 =	vmul.f32 v40, v40;
	v32 =	vadd.f32 v52, v32;
	v30 =	vadd.f32 v42, v30;
	v42 =	vld [tilespmem:s20+$0xA100]  }
0x444: {  	v55 =	vmul.f32 v43, v10;
	v43 =	vmul.f32 v43, v43;
	s0 =	sadd.s32 $0x6C, s7;
	v52 =	vld [tilespmem:s18+$0xA100];
	[tilespmem:v33+s25+$0x0] =	vst.idx.msk vm1, v53;
	v53, _, _ =	vpop (xrf2)  }
0x445: {  	v57 =	vmul.f32 v46, v10;
	v46 =	vmul.f32 v46, v46;
	v27 =	vmov s0;
	v56 =	vld [tilespmem:s19+$0xA100];
	[tilespmem:v33+s21+$0x0] =	vst.idx.msk vm1, v53  }
0x446: {  	v28 =	vadd.f32 v40, v28;
	v33 =	vadd.f32 v54, v35;
	v35 =	vmul.f32 v44, v11;
	v40 =	vld [tilespmem:s16+$0xA100]  }
0x447: {  	v29 =	vadd.f32 v55, v29;
	v31 =	vadd.f32 v43, v31;
	v44 =	vmul.f32 v44, v44;
	v53 =	vld [tilespmem:s13+$0xA100]  }
0x448: {  	v32 =	vadd.f32 v57, v32;
	v30 =	vadd.f32 v46, v30;
	v43 =	vmul.f32 v48, v11;
	v54 =	vld [tilespmem:s15+$0xA100]  }
0x449: {  	v46 =	vmul.f32 v49, v11;
	v33 =	vadd.f32 v35, v33;
	v35 =	vmul.f32 v48, v48;
	v48 =	vld [tilespmem:s12+$0xA100]  }
0x44a: {  	v44 =	vadd.f32 v44, v28;
	v28 =	vadd.f32 v43, v29;
	v29 =	vmul.f32 v49, v49;
	v55 =	vld [tilespmem:s14+$0xA100]  }
0x44b: {  	v32 =	vadd.f32 v46, v32;
	v31 =	vadd.f32 v35, v31;
	v35 =	vmul.f32 v34, v12;
	v43 =	vld [tilespmem:s11+$0xA100]  }
0x44c: {  	v46 =	vmul.f32 v37, v12;
	v34 =	vmul.f32 v34, v34;
	v29 =	vadd.f32 v29, v30;
	v49 =	vld [tilespmem:s3+$0xA100]  }
0x44d: {  	v57 =	vmul.f32 v41, v12;
	v37 =	vmul.f32 v37, v37;
	v35 =	vadd.f32 v35, v28;
	v30 =	vld [tilespmem:s5+$0xA100]  }
0x44e: {  	v41 =	vmul.f32 v41, v41;
	v32 =	vadd.f32 v46, v32;
	v34 =	vadd.f32 v34, v31;
	v28 =	vld [tilespmem:s2+$0xA100]  }
0x44f: {  	v46 =	vmul.f32 v38, v13;
	v33 =	vadd.f32 v57, v33;
	v37 =	vadd.f32 v37, v29;
	v29 =	vld [tilespmem:s4+$0xA100]  }
0x450: {  	v38 =	vmul.f32 v38, v38;
	v41 =	vadd.f32 v41, v44;
	v44 =	vmul.f32 v45, v13;
	v31 =	vld [tilespmem:s1+$0xA100]  }
0x451: {  	v57 =	vmul.f32 v51, v13;
	v45 =	vmul.f32 v45, v45;
	v35 =	vadd.f32 v46, v35  }
0x452: {  	v32 =	vadd.f32 v44, v32;
	v46 =	vmul.f32 v51, v51;
	v34 =	vadd.f32 v38, v34  }
0x453: {  	v33 =	vadd.f32 v57, v33;
	v38 =	vmul.f32 v47, v14;
	v37 =	vadd.f32 v45, v37  }
0x454: {  	v44 =	vmul.f32 v47, v47;
	v45 =	vmul.f32 v50, v14;
	v41 =	vadd.f32 v46, v41  }
0x455: {  	v46 =	vmul.f32 v36, v14;
	v35 =	vadd.f32 v38, v35;
	v38 =	vmul.f32 v50, v50  }
0x456: {  	v36 =	vmul.f32 v36, v36;
	v34 =	vadd.f32 v44, v34;
	v32 =	vadd.f32 v45, v32  }
0x457: {  	v44 =	vmul.f32 v39, v15;
	v33 =	vadd.f32 v46, v33;
	v37 =	vadd.f32 v38, v37  }
0x458: {  	v36 =	vadd.f32 v36, v41;
	v38 =	vmul.f32 v39, v39;
	v39 =	vmul.f32 v42, v15  }
0x459: {  	v41 =	vmul.f32 v52, v15;
	v35 =	vadd.f32 v44, v35;
	v42 =	vmul.f32 v42, v42  }
0x45a: {  	v44 =	vmul.f32 v52, v52;
	v34 =	vadd.f32 v38, v34;
	v32 =	vadd.f32 v39, v32  }
0x45b: {  	v33 =	vadd.f32 v41, v33;
	v38 =	vmul.f32 v56, v16;
	v37 =	vadd.f32 v42, v37  }
0x45c: {  	v36 =	vadd.f32 v44, v36;
	v39 =	vmul.f32 v56, v56;
	v41 =	vmul.f32 v40, v16  }
0x45d: {  	v42 =	vmul.f32 v53, v16;
	v35 =	vadd.f32 v38, v35;
	v38 =	vmul.f32 v40, v40  }
0x45e: {  	v40 =	vmul.f32 v53, v53;
	v34 =	vadd.f32 v39, v34;
	v32 =	vadd.f32 v41, v32  }
0x45f: {  	v39 =	vadd.f32 v42, v33;
	v33 =	vmul.f32 v54, v17;
	v37 =	vadd.f32 v38, v37  }
0x460: {  	v36 =	vadd.f32 v40, v36;
	v38 =	vmul.f32 v54, v54;
	v40 =	vmul.f32 v48, v17  }
.Ltmp6:
0x461: {  	v44 =	vmul.f32 v48, v48;
	v41 =	vmul.f32 v55, v17;
	v42 =	vadd.f32 v33, v35;
	(pc) =	sbr.rel @p2 .LBB2_7-.Ltmp6, $4  }
0x462: {  	v45 =	vmul.f32 v55, v55;
	v34 =	vadd.f32 v38, v34;
	v33 =	vadd.f32 v40, v32  }
0x463: {  	v35 =	vadd.f32 v41, v39;
	v38 =	vmul.f32 v43, v18;
	v32 =	vadd.f32 v44, v37  }
0x464: {  	v39 =	vmul.f32 v49, v18;
	v37 =	vadd.f32 v45, v36;
	v40 =	vmul.f32 v43, v43  }
0x465: {  	s9 =	sadd.s32 $0x200, s9;
	s10 =	sadd.s32 $0x400, s10;
	v41 =	vmul.f32 v30, v18;
	v36 =	vadd.f32 v38, v42;
	v38 =	vmul.f32 v49, v49  }
0x466: {  	v3 =	vmul.f32 v30, v30  }
0x467: {  	v5 =	vmul.f32 v31, v6;
	v4 =	vadd.f32 v41, v35  }
0x468: {  	v7 =	vmul.f32 v31, v31;
	v3 =	vadd.f32 v3, v37  }
0x469: {  	v8 =	vmul.f32 v28, v6;
	v4 =	vadd.f32 v5, v4  }
0x46a: {  	v53 =	vadd.f32 v40, v34;
	v9 =	vmul.f32 v28, v28;
	v3 =	vadd.f32 v7, v3  }
0x46b: {  	v8 =	vadd.f32 v8, v36;
	(xrf2) =	vadd.scan.msk.f32 $0xffff, v4  }
0x46c: {  	v54 =	vadd.f32 v39, v33;
	v55 =	vmul.f32 v29, v6;
	v5 =	vadd.f32 v9, v53;
	(xrf2) =	vadd.scan.msk.f32 $0xffff, v3  }
0x46d: {  	(xrf2) =	vadd.scan.msk.f32 $0xffff, v8  }
0x46e: {  	v10 =	vmul.f32 v29, v29;
	v56 =	vadd.f32 v38, v32;
	v3 =	vadd.f32 v55, v54;
	(xrf2) =	vadd.scan.msk.f32 $0xffff, v5  }
0x46f: {  	s0 =	sadd.s32 $0x6D, s7;
	v57 =	vand.u32 $0xFFFFFFFC, v27  }
0x470: {  	v4 =	vadd.f32 v10, v56;
	v5 =	vbroadcast v57, $0x0;
	(xrf2) =	vadd.scan.msk.f32 $0xffff, v3;
	v3 =	vmov s0  }
0x471: {  	[tilespmem:v20+s21+$0x0] =	vst.idx.msk vm1, v22;
	v3 =	vand.u32 $0xFFFFFFFD, v3  }
0x472: {  	[tilespmem:v19+s25+$0x0] =	vst.idx.msk vm1, v23;
	(xrf2) =	vadd.scan.msk.f32 $0xffff, v4;
	v3 =	vbroadcast v3, $0x0  }
0x473: {  	s31 =	sadd.s32 $0x6E, s7;
	[tilespmem:v21+s25+$0x0] =	vst.idx.msk vm1, v25  }
0x474: {  	v58 =	vmov s31;
	[tilespmem:v19+s21+$0x0] =	vst.idx.msk vm1, v24  }
0x475: {  	[tilespmem:v21+s21+$0x0] =	vst.idx.msk vm1, v26;
	v4 =	vand.u32 $0xFFFFFFFE, v58;
	v59, _, _ =	vpop (xrf2)  }
0x476: {  	v4 =	vbroadcast v4, $0x0;
	v60, _, _ =	vpop (xrf2);
	[tilespmem:v5+s25+$0x0] =	vst.idx.msk vm1, v59  }
0x477: {  	v61, _, _ =	vpop (xrf2);
	[tilespmem:v5+s21+$0x0] =	vst.idx.msk vm1, v60  }
0x478: {  	v62, _, _ =	vpop (xrf2);
	[tilespmem:v3+s25+$0x0] =	vst.idx.msk vm1, v61  }
0x479: {  	[tilespmem:v3+s21+$0x0] =	vst.idx.msk vm1, v62  }
0x47a: {  	s4 =	rddreg [dreg:$0x15]  }
0x47b: {  	v63, _, _ =	vpop (xrf2);
	s0 =	smul.u32 @!p0 $0x640, s4  }
0x47c: {  	v3, _, _ =	vpop (xrf2);
	[tilespmem:v4+s25+$0x0] =	vst.idx.msk vm1, v63  }
0x47d: {  	[tilespmem:v4+s21+$0x0] =	vst.idx.msk vm1, v3;
	s0 =	sshra.s32 @!p0 s0, $0x2  }
0x47e: {  	v3 =	vld @!p0 [tilespmem:s0+$0x1F8];
	_ =	sdelay $0x4  }
0x47f: {  	v4 =	vshll.u32 @!p0 v3, $0x1  }
0x480: {  	v5 =	vlaneseq.u32 @!p0;
	v3 =	vand.u32 @!p0 $0x7, v3;
	v4 =	vand.u32 @!p0 $0xFFFFFFF0, v4  }
0x481: {  	v6 =	vshrl.u32 @!p0 v5, $0x3;
	v3 =	vor.u32 @!p0 v3, v4;
	v4 =	vand.u32 @!p0 $0x7, v5  }
0x482: {  	v6 =	vmul.u32 @!p0 $0x8, v6;
	v7 =	vperm.xlane @!p0 v3, v4  }
0x483: {  	v5 =	vor.u32 @!p0 $0x8, v5  }
0x484: {  	v3 =	vperm.xlane @!p0 v3, v5;
	v7 =	vadd.s32 @!p0 v6, v7;
	_ =	sdelay $0x1  }
0x485: {  	v3 =	vadd.s32 @!p0 v6, v3;
	_ =	sdelay $0x1  }
0x486: {  	vm2 =	vmmov @!p0 $0xffff;
	s1 =	simm.s32 @!p0 $0x0;
	s2 =	simm.s32 @!p0 $0xA100;
	s3 =	rddreg [dreg:$0x2]  }
0x487: {  	[tilespmem:s2], [sflag:$0x2] =	stream.indirect_vreg.gather @!p0 [hbm4b:s3+s1], $0x80, v7, vm2, $0xb8;
	[tilespmem:$0x1CD00] =	vst v63  }
0x488: {  	s2 =	simm.s32 @!p0 $0xA900  }
0x489: {  	[tilespmem:s2], [sflag:$0x2] =	stream.indirect_vreg.gather @!p0 [hbm4b:s3+s1], $0x80, v3, vm2, $0xb8;
	[tilespmem:$0x1CD00] =	vst v63  }
0x48a: {  	v3 =	vld @!p0 [tilespmem:s0+$0x208];
	_ =	sdelay $0x4  }
0x48b: {  	v7 =	vshll.u32 @!p0 v3, $0x1  }
0x48c: {  	v3 =	vand.u32 @!p0 $0x7, v3;
	v7 =	vand.u32 @!p0 $0xFFFFFFF0, v7  }
0x48d: {  	v3 =	vor.u32 @!p0 v3, v7  }
0x48e: {  	v7 =	vperm.xlane @!p0 v3, v4;
	_ =	sdelay $0x1  }
0x48f: {  	v3 =	vperm.xlane @!p0 v3, v5;
	v7 =	vadd.s32 @!p0 v6, v7;
	_ =	sdelay $0x1  }
0x490: {  	v3 =	vadd.s32 @!p0 v6, v3;
	_ =	sdelay $0x1  }
0x491: {  	s2 =	simm.s32 @!p0 $0xB100  }
0x492: {  	[tilespmem:s2], [sflag:$0x2] =	stream.indirect_vreg.gather @!p0 [hbm4b:s3+s1], $0x80, v7, vm2, $0xb8;
	[tilespmem:$0x1CD00] =	vst v63  }
0x493: {  	s2 =	simm.s32 @!p0 $0xB900  }
0x494: {  	[tilespmem:s2], [sflag:$0x2] =	stream.indirect_vreg.gather @!p0 [hbm4b:s3+s1], $0x80, v3, vm2, $0xb8;
	[tilespmem:$0x1CD00] =	vst v63  }
0x495: {  	v3 =	vld @!p0 [tilespmem:s0+$0x218];
	_ =	sdelay $0x4  }
0x496: {  	v7 =	vshll.u32 @!p0 v3, $0x1  }
0x497: {  	v3 =	vand.u32 @!p0 $0x7, v3;
	v7 =	vand.u32 @!p0 $0xFFFFFFF0, v7  }
0x498: {  	v3 =	vor.u32 @!p0 v3, v7  }
0x499: {  	v7 =	vperm.xlane @!p0 v3, v4;
	_ =	sdelay $0x1  }
0x49a: {  	v3 =	vperm.xlane @!p0 v3, v5;
	v7 =	vadd.s32 @!p0 v6, v7;
	_ =	sdelay $0x1  }
0x49b: {  	v3 =	vadd.s32 @!p0 v6, v3;
	_ =	sdelay $0x1  }
0x49c: {  	s2 =	simm.s32 @!p0 $0xC100  }
0x49d: {  	[tilespmem:s2], [sflag:$0x2] =	stream.indirect_vreg.gather @!p0 [hbm4b:s3+s1], $0x80, v7, vm2, $0xb8;
	[tilespmem:$0x1CD00] =	vst v63  }
0x49e: {  	s2 =	simm.s32 @!p0 $0xC900  }
0x49f: {  	[tilespmem:s2], [sflag:$0x2] =	stream.indirect_vreg.gather @!p0 [hbm4b:s3+s1], $0x80, v3, vm2, $0xb8;
	[tilespmem:$0x1CD00] =	vst v63  }
0x4a0: {  	v3 =	vld @!p0 [tilespmem:s0+$0x228];
	_ =	sdelay $0x4  }
0x4a1: {  	v7 =	vshll.u32 @!p0 v3, $0x1  }
0x4a2: {  	v3 =	vand.u32 @!p0 $0x7, v3;
	v7 =	vand.u32 @!p0 $0xFFFFFFF0, v7  }
0x4a3: {  	v3 =	vor.u32 @!p0 v3, v7  }
0x4a4: {  	v7 =	vperm.xlane @!p0 v3, v4;
	_ =	sdelay $0x1  }
0x4a5: {  	v3 =	vperm.xlane @!p0 v3, v5;
	v7 =	vadd.s32 @!p0 v6, v7;
	_ =	sdelay $0x1  }
0x4a6: {  	v3 =	vadd.s32 @!p0 v6, v3;
	_ =	sdelay $0x1  }
0x4a7: {  	s2 =	simm.s32 @!p0 $0xD100  }
0x4a8: {  	[tilespmem:s2], [sflag:$0x2] =	stream.indirect_vreg.gather @!p0 [hbm4b:s3+s1], $0x80, v7, vm2, $0xb8;
	[tilespmem:$0x1CD00] =	vst v63  }
0x4a9: {  	s2 =	simm.s32 @!p0 $0xD900  }
0x4aa: {  	[tilespmem:s2], [sflag:$0x2] =	stream.indirect_vreg.gather @!p0 [hbm4b:s3+s1], $0x80, v3, vm2, $0xb8;
	[tilespmem:$0x1CD00] =	vst v63  }
0x4ab: {  	v3 =	vld @!p0 [tilespmem:s0+$0x238];
	_ =	sdelay $0x4  }
0x4ac: {  	v7 =	vshll.u32 @!p0 v3, $0x1  }
0x4ad: {  	v3 =	vand.u32 @!p0 $0x7, v3;
	v7 =	vand.u32 @!p0 $0xFFFFFFF0, v7  }
0x4ae: {  	v3 =	vor.u32 @!p0 v3, v7  }
0x4af: {  	v7 =	vperm.xlane @!p0 v3, v4;
	_ =	sdelay $0x1  }
0x4b0: {  	v3 =	vperm.xlane @!p0 v3, v5;
	v7 =	vadd.s32 @!p0 v6, v7;
	_ =	sdelay $0x1  }
0x4b1: {  	v3 =	vadd.s32 @!p0 v6, v3;
	_ =	sdelay $0x1  }
0x4b2: {  	s2 =	simm.s32 @!p0 $0xE100  }
0x4b3: {  	[tilespmem:s2], [sflag:$0x2] =	stream.indirect_vreg.gather @!p0 [hbm4b:s3+s1], $0x80, v7, vm2, $0xb8;
	[tilespmem:$0x1CD00] =	vst v63  }
0x4b4: {  	s2 =	simm.s32 @!p0 $0xE900  }
0x4b5: {  	[tilespmem:s2], [sflag:$0x2] =	stream.indirect_vreg.gather @!p0 [hbm4b:s3+s1], $0x80, v3, vm2, $0xb8;
	[tilespmem:$0x1CD00] =	vst v63  }
0x4b6: {  	v3 =	vld @!p0 [tilespmem:s0+$0x248];
	_ =	sdelay $0x4  }
0x4b7: {  	v7 =	vshll.u32 @!p0 v3, $0x1  }
0x4b8: {  	v3 =	vand.u32 @!p0 $0x7, v3;
	v7 =	vand.u32 @!p0 $0xFFFFFFF0, v7  }
0x4b9: {  	v3 =	vor.u32 @!p0 v3, v7  }
0x4ba: {  	v4 =	vperm.xlane @!p0 v3, v4;
	_ =	sdelay $0x1  }
0x4bb: {  	v3 =	vperm.xlane @!p0 v3, v5;
	v4 =	vadd.s32 @!p0 v6, v4  }
0x4bc: {  	p1 =	seq.s32 @!p0 s4, $0x0  }
0x4bd: {  	p1 =	por p0, !p1;
	v3 =	vadd.s32 @!p0 v6, v3  }
.Ltmp7:
0x4be: {  	_ = 	snop;
	(pc) =	sbr.rel @!p1 .LBB2_9-.Ltmp7, $4  }
0x4bf: {  	s0 =	simm.s32 @!p0 $0xF100  }
0x4c0: {  	[tilespmem:s0], [sflag:$0x2] =	stream.indirect_vreg.gather @!p0 [hbm4b:s3+s1], $0x80, v4, vm2, $0xb8;
	[tilespmem:$0x1CD00] =	vst v63  }
0x4c1: {  	s0 =	simm.s32 @!p0 $0xF900  }
0x4c2: {  	[tilespmem:s0], [sflag:$0x2] =	stream.indirect_vreg.gather @!p0 [hbm4b:s3+s1], $0x80, v3, vm2, $0xb8;
	[tilespmem:$0x1CD00] =	vst v63  }
.Ltmp8:
0x4c3: {  	(pc) =	sbr.rel .LBB2_11-.Ltmp8, $4  }
0x4c4: {  	s0 =	simm.s32 $0x5  }
0x4c5: {  	_ =	swait.ge [sflag:s0], $0xC8  }
0x4c6: {  	[sflag:s0] =	ssyncset.done $0x0  }
0x4c7: {  	p1 =	por $0x0, $0x0;
	[sflag:s0] =	ssyncadd.s32 $0xFFFFFF38  }
.LBB2_9:
0x4c8: {  	p1 =	por @!p0 $0x1, $0x1  }
.LBB2_11:
0x4c9: {  	v3 =	vld [tilespmem:$0x1CA00];
	_ =	sdelay $0x4  }
0x4ca: {  	v3 =	vmax.f32 v3, $1.000000020e-24  }
0x4cb: {  	v4 =	vshrl.u32 v3, $0x1;
	v3 =	vmul.f32 $5.000000000e-01, v3  }
0x4cc: {  	v5 =	vld [tilespmem:$0x1CA10];
	v4 =	vsub.s32 $0x5F3759DF, v4  }
0x4cd: {  	v6 =	vmul.f32 v4, v3;
	_ =	sdelay $0x1  }
0x4ce: {  	v6 =	vmul.f32 v4, v6  }
0x4cf: {  	v7 =	vld [tilespmem:$0x1CA20]  }
0x4d0: {  	v5 =	vmax.f32 v5, $1.000000020e-24;
	v6 =	vsub.f32 $1.500000000e+00, v6  }
0x4d1: {  	v8 =	vshrl.u32 v5, $0x1;
	v5 =	vmul.f32 $5.000000000e-01, v5  }
0x4d2: {  	v4 =	vmul.f32 v4, v6;
	v6 =	vsub.s32 $0x5F3759DF, v8;
	v8 =	vld [tilespmem:$0x1CA30]  }
0x4d3: {  	v9 =	vmul.f32 v6, v5  }
0x4d4: {  	v7 =	vmax.f32 v7, $1.000000020e-24;
	v3 =	vmul.f32 v4, v3  }
0x4d5: {  	v10 =	vshrl.u32 v7, $0x1;
	v7 =	vmul.f32 $5.000000000e-01, v7;
	v9 =	vmul.f32 v6, v9  }
0x4d6: {  	v10 =	vsub.s32 $0x5F3759DF, v10;
	v3 =	vmul.f32 v3, v4  }
0x4d7: {  	v11 =	vld [tilespmem:$0x1C900];
	v12 =	vmul.f32 v10, v7;
	v9 =	vsub.f32 $1.500000000e+00, v9;
	v8 =	vmax.f32 v8, $1.000000020e-24  }
0x4d8: {  	v14 =	vld [tilespmem:$0x1CA40];
	v3 =	vsub.f32 $1.500000000e+00, v3;
	v13 =	vshrl.u32 v8, $0x1;
	v8 =	vmul.f32 $5.000000000e-01, v8  }
0x4d9: {  	v6 =	vmul.f32 v6, v9;
	v9 =	vmul.f32 v10, v12;
	v12 =	vsub.s32 $0x5F3759DF, v13  }
0x4da: {  	v3 =	vmul.f32 v3, v4;
	v4 =	vmul.f32 v12, v8  }
0x4db: {  	v5 =	vmul.f32 v6, v5;
	v9 =	vsub.f32 $1.500000000e+00, v9  }
0x4dc: {  	v3 =	vmul.f32 v3, v11;
	v4 =	vmul.f32 v12, v4  }
0x4dd: {  	v11 =	vld [tilespmem:$0x1CA50];
	v5 =	vmul.f32 v5, v6;
	v9 =	vmul.f32 v10, v9;
	v10 =	vmax.f32 v14, $1.000000020e-24  }
0x4de: {  	v14 =	vld [tilespmem:$0x1CA60];
	v4 =	vsub.f32 $1.500000000e+00, v4;
	v13 =	vshrl.u32 v10, $0x1;
	v10 =	vmul.f32 $5.000000000e-01, v10  }
0x4df: {  	v5 =	vsub.f32 $1.500000000e+00, v5;
	v7 =	vmul.f32 v9, v7;
	v13 =	vsub.s32 $0x5F3759DF, v13  }
0x4e0: {  	v4 =	vmul.f32 v12, v4;
	v12 =	vmul.f32 v13, v10  }
0x4e1: {  	v5 =	vmul.f32 v5, v6;
	v6 =	vmul.f32 v7, v9  }
0x4e2: {  	v11 =	vmax.f32 v11, $1.000000020e-24;
	v7 =	vmul.f32 v4, v8;
	v8 =	vmul.f32 v13, v12  }
0x4e3: {  	v12 =	vshrl.u32 v11, $0x1;
	v11 =	vmul.f32 $5.000000000e-01, v11;
	v14 =	vmax.f32 v14, $1.000000020e-24  }
0x4e4: {  	v15 =	vld [tilespmem:$0x1C910];
	v12 =	vsub.s32 $0x5F3759DF, v12;
	v16 =	vshrl.u32 v14, $0x1;
	v14 =	vmul.f32 $5.000000000e-01, v14  }
0x4e5: {  	v17 =	vld [tilespmem:$0x1C920];
	v8 =	vsub.f32 $1.500000000e+00, v8;
	v18 =	vmul.f32 v12, v11;
	v16 =	vsub.s32 $0x5F3759DF, v16  }
0x4e6: {  	v6 =	vsub.f32 $1.500000000e+00, v6;
	v7 =	vmul.f32 v7, v4;
	v19 =	vmul.f32 v16, v14  }
0x4e7: {  	v20 =	vld [tilespmem:$0x1C930];
	v8 =	vmul.f32 v13, v8;
	v13 =	vmul.f32 v12, v18  }
0x4e8: {  	v6 =	vmul.f32 v6, v9;
	v7 =	vsub.f32 $1.500000000e+00, v7;
	v18 =	vld [tilespmem:$0x1CA70];
	v9 =	vmul.f32 v16, v19  }
0x4e9: {  	v5 =	vmul.f32 v5, v15;
	v10 =	vmul.f32 v8, v10;
	v13 =	vsub.f32 $1.500000000e+00, v13  }
0x4ea: {  	v6 =	vmul.f32 v6, v17;
	v4 =	vmul.f32 v7, v4;
	v7 =	vsub.f32 $1.500000000e+00, v9  }
0x4eb: {  	v9 =	vmul.f32 v10, v8;
	v10 =	vmul.f32 v12, v13;
	v12 =	vld [tilespmem:$0x1CA80]  }
0x4ec: {  	v4 =	vmul.f32 v4, v20;
	v7 =	vmul.f32 v16, v7  }
0x4ed: {  	v13 =	vmax.f32 v18, $1.000000020e-24;
	v9 =	vsub.f32 $1.500000000e+00, v9;
	v11 =	vmul.f32 v10, v11  }
0x4ee: {  	v21 =	vld [tilespmem:$0x1CAA0];
	v16 =	vshrl.u32 v13, $0x1;
	v13 =	vmul.f32 $5.000000000e-01, v13;
	v14 =	vmul.f32 v7, v14  }
0x4ef: {  	v15 =	vld [tilespmem:$0x1C940];
	v16 =	vsub.s32 $0x5F3759DF, v16;
	v8 =	vmul.f32 v9, v8;
	v11 =	vmul.f32 v11, v10  }
0x4f0: {  	v9 =	vld [tilespmem:$0x1C950];
	v18 =	vmul.f32 v16, v13;
	v14 =	vmul.f32 v14, v7;
	v12 =	vmax.f32 v12, $1.000000020e-24  }
0x4f1: {  	v20 =	vld [tilespmem:$0x1CA90];
	v11 =	vsub.f32 $1.500000000e+00, v11;
	v19 =	vshrl.u32 v12, $0x1;
	v12 =	vmul.f32 $5.000000000e-01, v12  }
0x4f2: {  	v18 =	vmul.f32 v16, v18;
	v14 =	vsub.f32 $1.500000000e+00, v14;
	v19 =	vsub.s32 $0x5F3759DF, v19  }
0x4f3: {  	v17 =	vld [tilespmem:$0x1C960];
	v10 =	vmul.f32 v11, v10;
	v11 =	vmul.f32 v19, v12  }
0x4f4: {  	v8 =	vmul.f32 v8, v15;
	v7 =	vmul.f32 v14, v7;
	v14 =	vsub.f32 $1.500000000e+00, v18  }
0x4f5: {  	v9 =	vmul.f32 v10, v9;
	v10 =	vmul.f32 v19, v11;
	v11 =	vld [tilespmem:$0x1CAB0]  }
0x4f6: {  	v15 =	vmax.f32 v20, $1.000000020e-24;
	v18 =	vmax.f32 v21, $1.000000020e-24;
	v14 =	vmul.f32 v16, v14;
	v16 =	vld [tilespmem:$0x1CAC0]  }
0x4f7: {  	v20 =	vshrl.u32 v18, $0x1;
	v18 =	vmul.f32 $5.000000000e-01, v18;
	v10 =	vsub.f32 $1.500000000e+00, v10  }
0x4f8: {  	v7 =	vmul.f32 v7, v17;
	v17 =	vshrl.u32 v15, $0x1;
	v15 =	vmul.f32 $5.000000000e-01, v15  }
0x4f9: {  	v17 =	vsub.s32 $0x5F3759DF, v17;
	v10 =	vmul.f32 v19, v10;
	v19 =	vsub.s32 $0x5F3759DF, v20  }
0x4fa: {  	v20 =	vmul.f32 v17, v15;
	v21 =	vmul.f32 v19, v18;
	v11 =	vmax.f32 v11, $1.000000020e-24  }
0x4fb: {  	v22 =	vshrl.u32 v11, $0x1;
	v11 =	vmul.f32 $5.000000000e-01, v11;
	v16 =	vmax.f32 v16, $1.000000020e-24  }
0x4fc: {  	v22 =	vsub.s32 $0x5F3759DF, v22;
	v23 =	vshrl.u32 v16, $0x1;
	v16 =	vmul.f32 $5.000000000e-01, v16  }
0x4fd: {  	v20 =	vmul.f32 v17, v20;
	v24 =	vmul.f32 v22, v11;
	v23 =	vsub.s32 $0x5F3759DF, v23  }
0x4fe: {  	v21 =	vmul.f32 v19, v21;
	v25 =	vmul.f32 v23, v16  }
0x4ff: {  	v13 =	vmul.f32 v14, v13;
	v20 =	vsub.f32 $1.500000000e+00, v20;
	v24 =	vmul.f32 v22, v24  }
0x500: {  	v12 =	vmul.f32 v10, v12;
	v21 =	vsub.f32 $1.500000000e+00, v21;
	v25 =	vmul.f32 v23, v25  }
0x501: {  	v13 =	vmul.f32 v13, v14;
	v17 =	vmul.f32 v17, v20;
	v20 =	vsub.f32 $1.500000000e+00, v24  }
0x502: {  	v12 =	vmul.f32 v12, v10;
	v19 =	vmul.f32 v19, v21;
	v21 =	vsub.f32 $1.500000000e+00, v25  }
0x503: {  	v15 =	vmul.f32 v17, v15;
	v20 =	vmul.f32 v22, v20  }
0x504: {  	[tilespmem:$0x1CB00] =	vst v3;
	v3 =	vld [tilespmem:$0x1C970];
	v18 =	vmul.f32 v19, v18;
	v21 =	vmul.f32 v23, v21  }
0x505: {  	[tilespmem:$0x1CB10] =	vst v5;
	v5 =	vsub.f32 $1.500000000e+00, v13;
	v13 =	vld [tilespmem:$0x1C980];
	v15 =	vmul.f32 v15, v17;
	v11 =	vmul.f32 v20, v11  }
0x506: {  	[tilespmem:$0x1CB20] =	vst v6;
	v6 =	vsub.f32 $1.500000000e+00, v12;
	v12 =	vld [tilespmem:$0x1C990];
	v18 =	vmul.f32 v18, v19;
	v16 =	vmul.f32 v21, v16  }
0x507: {  	[tilespmem:$0x1CB30] =	vst v4;
	v4 =	vmul.f32 v5, v14;
	v14 =	vld [tilespmem:$0x1C9A0];
	v5 =	vsub.f32 $1.500000000e+00, v15;
	v11 =	vmul.f32 v11, v20  }
0x508: {  	[tilespmem:$0x1CB40] =	vst v8;
	v6 =	vmul.f32 v6, v10;
	v10 =	vld [tilespmem:$0x1C9B0];
	v8 =	vsub.f32 $1.500000000e+00, v18;
	v15 =	vmul.f32 v16, v21  }
0x509: {  	[tilespmem:$0x1CB50] =	vst v9;
	v9 =	vld [tilespmem:$0x1C9C0];
	v3 =	vmul.f32 v4, v3;
	v4 =	vmul.f32 v5, v17;
	v5 =	vsub.f32 $1.500000000e+00, v11  }
0x50a: {  	[tilespmem:$0x1CB60] =	vst v7;
	v6 =	vmul.f32 v6, v13;
	v7 =	vmul.f32 v8, v19;
	v8 =	vsub.f32 $1.500000000e+00, v15  }
0x50b: {  	s0 =	rddreg [dreg:$0x10];
	[tilespmem:$0x1CB70] =	vst v3;
	v3 =	vmul.f32 v4, v12;
	v4 =	vmul.f32 v5, v20  }
0x50c: {  	s3 =	rddreg [dreg:$0x18];
	[tilespmem:$0x1CB80] =	vst v6;
	v5 =	vmul.f32 v7, v14;
	v6 =	vmul.f32 v8, v21  }
0x50d: {  	s0 =	sadd.s32 s0, s3;
	[tilespmem:$0x1CB90] =	vst v3;
	v3 =	vmul.f32 v4, v10  }
0x50e: {  	s0 =	smul.u32 $0x19, s0;
	[tilespmem:$0x1CBA0] =	vst v5;
	v4 =	vmul.f32 v6, v9  }
0x50f: {  	s1 =	rddreg [dreg:$0xf];
	s31 =	simm.s32 $0x0;
	[tilespmem:$0x1CBB0] =	vst v3  }
0x510: {  	s2 =	simm.s32 $0x1CB00;
	s3 =	sor.u32 $0x1, s3;
	s1 =	sadd.s32 s1, s0;
	[tilespmem:$0x1CBC0] =	vst v4  }
0x511: {  	[hbm4b:s1+s31] =	stream.linear.scatter [tilespmem:s2], [sflag:$0x5], $0xC8, $0x38;
	[tilespmem:$0x1CD00] =	vst v63  }
0x512: {  	s1 =	sshll.u32 s3, $0x7  }
0x513: {  	s4 =	rddreg [dreg:$0x16];
	s1 =	sand.u32 $0x380, s1  }
0x514: {  	s1 =	sadd.s32 s1, s4  }
0x515: {  	v3 =	vld [tilespmem:s1+$0x0]  }
0x516: {  	v4 =	vld [tilespmem:s1+$0x10]  }
0x517: {  	v5 =	vld [tilespmem:s1+$0x20]  }
0x518: {  	v7 =	vld [tilespmem:s1+$0x30]  }
0x519: {  	v8 =	vld [tilespmem:s1+$0x40]  }
0x51a: {  	v9 =	vld [tilespmem:s1+$0x50]  }
0x51b: {  	v10 =	vld [tilespmem:s1+$0x60]  }
0x51c: {  	v11 =	vld [tilespmem:s1+$0x70]  }
0x51d: {  	v12 =	vld [tilespmem:s1+$0x400]  }
0x51e: {  	v13 =	vld [tilespmem:s1+$0x410]  }
0x51f: {  	v14 =	vld [tilespmem:s1+$0x420]  }
0x520: {  	v15 =	vld [tilespmem:s1+$0x430]  }
0x521: {  	v16 =	vld [tilespmem:s1+$0x440]  }
0x522: {  	v17 =	vld [tilespmem:s1+$0x450]  }
0x523: {  	[dreg:$0x17] =	wrdreg s3;
	s4 =	simm.s32 $0x3;
	v18 =	vld [tilespmem:s1+$0x460]  }
0x524: {  	s5 =	simm.s32 $0x180;
	s6 =	sand.u32 $0x7800, s31;
	v6 =	vld [tilespmem:s1+$0x470];
	_ =	swait.ge [sflag:s4], $0x6800  }
0x525: {  	s7 =	sor.u32 $0x10100, s6;
	s1 =	sand.u32 $0x380, s5;
	[sflag:s4] =	ssyncset.done $0x0  }
0x526: {  	s8 =	simm.s32 $0x0;
	s5 =	sadd.s32 s1, s7;
	[sflag:s4] =	ssyncadd.s32 $0xFFFF9800  }
0x527: {  	s9 =	sand.u32 $0x200, s8;
	v19 =	vld [tilespmem:s5+$0x0]  }
0x528: {  	s1 =	sor.u32 s9, s7;
	v20 =	vld [tilespmem:s5+$0x10]  }
0x529: {  	s10 =	simm.s32 $0x80;
	v21 =	vld [tilespmem:s1+$0x0]  }
0x52a: {  	s2 =	sand.u32 $0x280, s10;
	v22 =	vld [tilespmem:s5+$0x20]  }
0x52b: {  	s2 =	sor.u32 s2, s7;
	v23 =	vld [tilespmem:s1+$0x10]  }
0x52c: {  	v25 =	vld [tilespmem:s2+$0x0]  }
0x52d: {  	v24 =	vld [tilespmem:s5+$0x30];
	v26 =	vmul.f32 v19, v3  }
0x52e: {  	v30 =	vld [tilespmem:s2+$0x10];
	v27 =	vmul.f32 v20, v4;
	v28 =	vmul.f32 v21, v3  }
0x52f: {  	v29 =	vld [tilespmem:s5+$0x40];
	v21 =	vmul.f32 v21, v21;
	v19 =	vmul.f32 v19, v19  }
0x530: {  	s11 =	simm.s32 $0x100;
	v39 =	vld [tilespmem:s1+$0x20];
	v20 =	vmul.f32 v20, v20;
	v32 =	vmul.f32 v23, v4  }
0x531: {  	s4 =	sand.u32 $0x300, s11;
	v31 =	vld [tilespmem:s5+$0x50];
	v23 =	vmul.f32 v23, v23;
	v34 =	vmul.f32 v25, v3  }
0x532: {  	s3 =	sadd.s32 s4, s7;
	v49 =	vld [tilespmem:s1+$0x60];
	v25 =	vmul.f32 v25, v25;
	v26 =	vadd.f32 v27, v26;
	v27 =	vmul.f32 v22, v5  }
0x533: {  	v33 =	vld [tilespmem:s3+$0x0];
	v36 =	vmul.f32 v30, v4;
	v19 =	vadd.f32 v20, v19;
	v20 =	vmul.f32 v22, v22  }
0x534: {  	s12 =	sand.u32 $0x7, s31;
	v35 =	vld [tilespmem:s3+$0x10];
	v30 =	vmul.f32 v30, v30;
	v26 =	vadd.f32 v27, v26;
	v27 =	vmul.f32 v24, v7  }
0x535: {  	s4 =	sshll.u32 s12, $0x7;
	v60 =	vmul.f32 v39, v5;
	v22 =	vld [tilespmem:s5+$0x60];
	v19 =	vadd.f32 v20, v19;
	v20 =	vmul.f32 v24, v24  }
0x536: {  	s4 =	sadd.s32 $0x0, s4;
	v61 =	vmul.f32 v39, v39;
	v26 =	vadd.f32 v27, v26;
	v27 =	vmul.f32 v29, v8  }
0x537: {  	s13 =	sadd.s32 $0x180, s4;
	v54 =	vmul.f32 v49, v10;
	v24 =	vld [tilespmem:s5+$0x70];
	v19 =	vadd.f32 v20, v19;
	v20 =	vmul.f32 v29, v29  }
0x538: {  	s6 =	sor.u32 $0x400, s13;
	v37 =	vmul.f32 v33, v3;
	v26 =	vadd.f32 v27, v26;
	v27 =	vmul.f32 v31, v9  }
0x539: {  	v33 =	vmul.f32 v33, v33;
	v29 =	vld [tilespmem:s6+$0x10100];
	v19 =	vadd.f32 v20, v19;
	v20 =	vmul.f32 v31, v31  }
0x53a: {  	s14 =	sor.u32 $0x410, s13;
	v38 =	vmul.f32 v35, v4;
	v26 =	vadd.f32 v27, v26;
	v27 =	vmul.f32 v22, v10  }
0x53b: {  	v35 =	vmul.f32 v35, v35;
	v31 =	vld [tilespmem:s14+$0x10100];
	v19 =	vadd.f32 v20, v19;
	v20 =	vmul.f32 v22, v22  }
0x53c: {  	s15 =	sor.u32 $0x420, s13;
	v28 =	vadd.f32 v32, v28;
	v26 =	vadd.f32 v27, v26;
	v27 =	vmul.f32 v24, v11  }
0x53d: {  	s16 =	sor.u32 $0x430, s13;
	v21 =	vadd.f32 v23, v21;
	v22 =	vld [tilespmem:s15+$0x10100];
	v19 =	vadd.f32 v20, v19;
	v20 =	vmul.f32 v24, v24  }
0x53e: {  	v23 =	vld [tilespmem:s16+$0x10100];
	v58 =	vadd.f32 v36, v34;
	v26 =	vadd.f32 v27, v26;
	v27 =	vmul.f32 v29, v12  }
0x53f: {  	v25 =	vadd.f32 v30, v25;
	v30 =	vld [tilespmem:s3+$0x20];
	v19 =	vadd.f32 v20, v19;
	v20 =	vmul.f32 v29, v29  }
0x540: {  	v42 =	vld [tilespmem:s1+$0x30];
	s17 =	sor.u32 $0x440, s13;
	v59 =	vadd.f32 v38, v37;
	v26 =	vadd.f32 v27, v26;
	v27 =	vmul.f32 v31, v13  }
0x541: {  	v33 =	vadd.f32 v35, v33;
	v29 =	vld [tilespmem:s17+$0x10100];
	v19 =	vadd.f32 v20, v19;
	v20 =	vmul.f32 v31, v31  }
0x542: {  	v46 =	vld [tilespmem:s2+$0x50];
	s18 =	sor.u32 $0x450, s13;
	v28 =	vadd.f32 v60, v28;
	v26 =	vadd.f32 v27, v26;
	v27 =	vmul.f32 v22, v14  }
0x543: {  	p2 =	por $0x0, $0x0;
	v43 =	vadd.f32 v61, v21;
	s6 =	simm.s32 $0x1;
	v31 =	vld [tilespmem:s18+$0x10100];
	v19 =	vadd.f32 v20, v19;
	v20 =	vmul.f32 v22, v22  }
0x544: {  	s26 =	sadd.s32 $0x80, s4;
	s19 =	sor.u32 $0x460, s13;
	v63 =	vmul.f32 v30, v5;
	s6 =	simm.s32 @!p2 $0x0;
	v24 =	vld [tilespmem:s2+$0x20];
	v26 =	vadd.f32 v27, v26;
	v27 =	vmul.f32 v23, v15  }
0x545: {  	s29 =	sor.u32 $0x400, s26;
	v30 =	vmul.f32 v30, v30;
	s28 =	sshll.u32 s6, $0x9;
	v22 =	vld [tilespmem:s19+$0x10100];
	v19 =	vadd.f32 v20, v19;
	v20 =	vmul.f32 v23, v23  }
0x546: {  	v57 =	vld [tilespmem:s29+$0x10100];
	s5 =	sor.u32 $0x470, s13;
	v34 =	vadd.f32 v63, v59;
	s30 =	sadd.s32 $0x0, s28;
	v26 =	vadd.f32 v27, v26;
	v27 =	vmul.f32 v29, v16  }
0x547: {  	v30 =	vadd.f32 v30, v33;
	s4 =	sor.u32 $0x400, s30;
	v23 =	vld [tilespmem:s5+$0x10100];
	v19 =	vadd.f32 v20, v19;
	v20 =	vmul.f32 v29, v29  }
0x548: {  	v33 =	vmul.f32 v46, v46;
	v60 =	vld [tilespmem:s4+$0x10100];
	v26 =	vadd.f32 v27, v26;
	v27 =	vmul.f32 v31, v17  }
0x549: {  	v62 =	vmul.f32 v24, v5;
	v19 =	vadd.f32 v20, v19;
	v20 =	vmul.f32 v31, v31;
	v31 =	vld [tilespmem:s3+$0x30]  }
0x54a: {  	v24 =	vmul.f32 v24, v24;
	v26 =	vadd.f32 v27, v26;
	v27 =	vmul.f32 v22, v18  }
0x54b: {  	v63 =	vmul.f32 v57, v12;
	v29 =	vld [tilespmem:s2+$0x30];
	v19 =	vadd.f32 v20, v19;
	v22 =	vmul.f32 v22, v22  }
0x54c: {  	v24 =	vadd.f32 v24, v25;
	v25 =	vld [tilespmem:s1+$0x40];
	v21 =	vadd.f32 v27, v26;
	v26 =	vmul.f32 v23, v6  }
0x54d: {  	v40 =	vmul.f32 v60, v12;
	v27 =	vmul.f32 v42, v7;
	v19 =	vadd.f32 v22, v19  }
0x54e: {  	v51 =	vld [tilespmem:s1+$0x70];
	s5 =	sor.u32 $0x410, s26;
	v44 =	vmul.f32 v31, v7;
	v31 =	vmul.f32 v31, v31;
	v20 =	vadd.f32 v26, v21  }
0x54f: {  	v61 =	vld [tilespmem:s5+$0x10100];
	v21 =	vmul.f32 v23, v23;
	v23 =	vadd.f32 v27, v28;
	v27 =	vmul.f32 v42, v42  }
0x550: {  	v32 =	vadd.f32 v62, v58;
	v22 =	vld [tilespmem:s3+$0x40];
	v28 =	vmul.f32 v29, v7;
	v29 =	vmul.f32 v29, v29  }
0x551: {  	v45 =	vmul.f32 v25, v8;
	v26 =	vld [tilespmem:s2+$0x40];
	v30 =	vadd.f32 v31, v30;
	v21 =	vadd.f32 v21, v19  }
0x552: {  	v25 =	vmul.f32 v25, v25;
	v31 =	vld [tilespmem:s3+$0x50];
	v27 =	vadd.f32 v27, v43;
	v24 =	vadd.f32 v29, v24  }
0x553: {  	v19 =	vld [tilespmem:s1+$0x50];
	v29 =	vadd.f32 v44, v34;
	v34 =	vmul.f32 v51, v51;
	v43 =	vmul.f32 v60, v60  }
0x554: {  	v23 =	vadd.f32 v45, v23;
	v44 =	vmul.f32 v61, v13;
	v45 =	vmul.f32 v61, v61  }
0x555: {  	s8 =	sor.u32 $0x420, s26;
	v28 =	vadd.f32 v28, v32;
	v48 =	vmul.f32 v22, v8;
	v22 =	vmul.f32 v22, v22  }
0x556: {  	v41 =	vld [tilespmem:s8+$0x10100];
	v25 =	vadd.f32 v25, v27;
	v47 =	vmul.f32 v26, v8;
	v26 =	vmul.f32 v26, v26  }
0x557: {  	s22 =	sand.u32 $0x3, s31;
	v22 =	vadd.f32 v22, v30;
	v30 =	vld [tilespmem:s3+$0x60];
	v52 =	vmul.f32 v31, v9;
	v31 =	vmul.f32 v31, v31  }
0x558: {  	s20 =	simm.s32 $0x3;
	s23 =	sshll.u32 s22, $0x8;
	v27 =	vadd.f32 v47, v28;
	v28 =	vmul.f32 v19, v9;
	v24 =	vadd.f32 v26, v24  }
0x559: {  	s24 =	sadd.s32 $0x0, s23;
	v53 =	vld [tilespmem:s2+$0x70];
	v26 =	vadd.f32 v48, v29;
	v50 =	vmul.f32 v19, v19;
	v19 =	vmov s20  }
0x55a: {  	s11 =	sor.u32 $0x430, s26;
	v29 =	vld [tilespmem:s2+$0x60];
	s2 =	sadd.s32 $0x100, s24;
	v31 =	vadd.f32 v31, v22;
	v22 =	vmov s31;
	v23 =	vadd.f32 v28, v23  }
0x55b: {  	v48 =	vld [tilespmem:s11+$0x10100];
	s31 =	sor.u32 $0x400, s2;
	v28 =	vmul.f32 v46, v9;
	v25 =	vadd.f32 v50, v25;
	v26 =	vadd.f32 v52, v26  }
0x55c: {  	s6 =	sor.u32 $0x410, s2;
	v59 =	vld [tilespmem:s31+$0x10100];
	v52 =	vmul.f32 v41, v41;
	v22 =	vand.u32 $0xFFFFFFFC, v22;
	v58 =	vmul.f32 v30, v10  }
0x55d: {  	s13 =	sor.u32 $0x430, s30;
	v24 =	vadd.f32 v33, v24;
	v62 =	vld [tilespmem:s6+$0x10100];
	v30 =	vmul.f32 v30, v30;
	v22 =	vbroadcast v22, $0x0  }
0x55e: {  	v50 =	vld [tilespmem:s13+$0x10100];
	v27 =	vadd.f32 v28, v27;
	v28 =	vmul.f32 v49, v49;
	v23 =	vadd.f32 v54, v23  }
0x55f: {  	v55 =	vld [tilespmem:s3+$0x70];
	s12 =	sor.u32 $0x430, s2;
	v56 =	vmul.f32 v29, v10;
	v29 =	vmul.f32 v29, v29;
	v30 =	vadd.f32 v30, v31  }
0x560: {  	s14 =	sor.u32 $0x440, s26;
	v49 =	vld [tilespmem:s12+$0x10100];
	v31 =	vmul.f32 v53, v53;
	v25 =	vadd.f32 v28, v25;
	v28 =	vmul.f32 v51, v11  }
0x561: {  	v54 =	vld [tilespmem:s14+$0x10100];
	v51 =	vmul.f32 v41, v14;
	v24 =	vadd.f32 v29, v24;
	v29 =	vmul.f32 v53, v11  }
0x562: {  	v26 =	vadd.f32 v58, v26;
	v42 =	vmul.f32 v59, v59;
	v46 =	vmul.f32 v62, v13  }
0x563: {  	s17 =	sor.u32 $0x450, s26;
	v27 =	vadd.f32 v56, v27;
	v56 =	vmul.f32 v48, v15;
	v33 =	vmul.f32 v50, v50  }
0x564: {  	s0 =	sor.u32 $0x470, s30;
	v58 =	vld [tilespmem:s17+$0x10100];
	v23 =	vadd.f32 v28, v23;
	v28 =	vmul.f32 v55, v11;
	v25 =	vadd.f32 v34, v25  }
0x565: {  	(xrf2) =	vadd.scan.msk.f32 $0xffff, v20;
	v20 =	vld [tilespmem:s0+$0x10100];
	v34 =	vmul.f32 v62, v62;
	v27 =	vadd.f32 v29, v27;
	v29 =	vmul.f32 v55, v55  }
0x566: {  	s7 =	sor.u32 $0x410, s30;
	v24 =	vadd.f32 v31, v24;
	v32 =	vmul.f32 v49, v49;
	v60 =	vmul.f32 v54, v54  }
0x567: {  	s15 =	sor.u32 $0x440, s2;
	v31 =	vld [tilespmem:s7+$0x10100];
	v26 =	vadd.f32 v28, v26;
	v28 =	vmul.f32 v57, v57;
	v23 =	vadd.f32 v40, v23  }
0x568: {  	v55 =	vld [tilespmem:s15+$0x10100];
	v25 =	vadd.f32 v43, v25;
	v29 =	vadd.f32 v29, v30;
	v30 =	vmul.f32 v59, v12  }
0x569: {  	v57 =	vmul.f32 v50, v15;
	v43 =	vmul.f32 v58, v58;
	v27 =	vadd.f32 v63, v27  }
0x56a: {  	s9 =	sor.u32 $0x420, s2;
	v50 =	vmul.f32 v20, v20;
	v24 =	vadd.f32 v28, v24;
	v26 =	vadd.f32 v30, v26  }
0x56b: {  	s10 =	sor.u32 $0x420, s30;
	s16 =	sor.u32 $0x440, s30;
	v59 =	vmul.f32 v54, v16;
	v28 =	vld [tilespmem:s9+$0x10100];
	v29 =	vadd.f32 v42, v29;
	v27 =	vadd.f32 v44, v27  }
0x56c: {  	s23 =	sor.u32 $0x460, s30;
	s19 =	sor.u32 $0x450, s30;
	s30 =	simm.s32 $0x200;
	v30 =	vld [tilespmem:s10+$0x10100];
	v42 =	vmul.f32 v58, v17;
	v47 =	vmul.f32 v31, v13;
	v24 =	vadd.f32 v45, v24  }
0x56d: {  	s5 =	sand.u32 $0x200, s30;
	s24 =	simm.s32 $0x400;
	v31 =	vmul.f32 v31, v31;
	v61 =	vmul.f32 v55, v16;
	v26 =	vadd.f32 v46, v26  }
0x56e: {  	s1 =	sor.u32 $0x470, s26;
	s0 =	sand.u32 $0x7800, s24;
	s9 =	simm.s32 $0x2;
	v29 =	vadd.f32 v34, v29;
	v27 =	vadd.f32 v51, v27;
	v34 =	vmul.f32 v55, v55  }
0x56f: {  	s20 =	sor.u32 $0x460, s26;
	s26 =	simm.s32 $0x380;
	s28 =	sor.u32 $0x10100, s0;
	v55 =	vmov s9;
	v23 =	vadd.f32 v47, v23;
	v25 =	vadd.f32 v31, v25  }
0x570: {  	s29 =	sand.u32 $0x380, s26;
	s0 =	sor.u32 s5, s28;
	s7 =	simm.s32 $0x280;
	v45 =	vld [tilespmem:s1+$0x10100];
	v24 =	vadd.f32 v52, v24;
	v31 =	vmul.f32 v28, v14;
	v28 =	vmul.f32 v28, v28  }
0x571: {  	s31 =	sadd.s32 s29, s28;
	s8 =	sand.u32 $0x280, s7;
	v51 =	vld [tilespmem:s0+$0x10];
	v39 =	vand.u32 $0xFFFFFFFE, v55;
	v27 =	vadd.f32 v56, v27;
	v53 =	vmul.f32 v30, v14  }
0x572: {  	s1 =	sor.u32 s8, s28;
	v47 =	vld [tilespmem:s31+$0x10];
	v30 =	vmul.f32 v30, v30;
	v26 =	vadd.f32 v31, v26;
	v28 =	vadd.f32 v28, v29  }
0x573: {  	s6 =	simm.s32 $0x1;
	v52 =	vld [tilespmem:s1+$0x0];
	v29 =	vmul.f32 v48, v48;
	v27 =	vadd.f32 v59, v27;
	v48 =	vmul.f32 v20, v6  }
0x574: {  	v63 =	vld [tilespmem:s20+$0x10100];
	v20 =	vmov s6;
	v23 =	vadd.f32 v53, v23;
	v25 =	vadd.f32 v30, v25  }
0x575: {  	v31 =	vld [tilespmem:s16+$0x10100];
	v30 =	vmul.f32 v49, v15;
	v20 =	vand.u32 $0xFFFFFFFD, v20;
	v24 =	vadd.f32 v29, v24  }
0x576: {  	s18 =	sor.u32 $0x450, s2;
	v49 =	vld [tilespmem:s0+$0x0];
	v58 =	vmul.f32 v51, v4;
	v28 =	vadd.f32 v32, v28;
	v27 =	vadd.f32 v42, v27  }
0x577: {  	v29 =	vld [tilespmem:s18+$0x10100];
	v54 =	vmul.f32 v47, v4;
	v32 =	vmul.f32 v47, v47;
	v26 =	vadd.f32 v30, v26  }
0x578: {  	v36 =	vmul.f32 v52, v52;
	v23 =	vadd.f32 v57, v23;
	v30 =	vld [tilespmem:s19+$0x10100];
	v25 =	vadd.f32 v33, v25  }
0x579: {  	v57 =	vld [tilespmem:s31+$0x50];
	v33 =	vmul.f32 v51, v51;
	v24 =	vadd.f32 v60, v24;
	v28 =	vadd.f32 v34, v28  }
0x57a: {  	s22 =	sor.u32 $0x460, s2;
	v60 =	vld [tilespmem:s31+$0x60];
	v62 =	vmul.f32 v31, v16;
	v31 =	vmul.f32 v31, v31;
	v26 =	vadd.f32 v61, v26  }
0x57b: {  	v40 =	vld [tilespmem:s22+$0x10100];
	v24 =	vadd.f32 v43, v24;
	v34 =	vmul.f32 v49, v49;
	v43 =	vmul.f32 v52, v3  }
0x57c: {  	v41 =	vld [tilespmem:s23+$0x10100];
	s10 =	simm.s32 $0x300;
	s18 =	simm.s32 $0x4;
	v25 =	vadd.f32 v31, v25;
	v31 =	vmul.f32 v29, v17;
	v29 =	vmul.f32 v29, v29  }
0x57d: {  	s2 =	sor.u32 $0x470, s2;
	s3 =	sand.u32 $0x300, s10;
	s11 =	sand.u32 $0x7, s18;
	v23 =	vadd.f32 v62, v23;
	v44 =	vmul.f32 v30, v17;
	v30 =	vmul.f32 v30, v30  }
0x57e: {  	v46 =	vld [tilespmem:s2+$0x10100];
	s2 =	sadd.s32 s3, s28;
	s3 =	sshll.u32 s11, $0x7;
	v62 =	vmul.f32 v57, v9;
	v26 =	vadd.f32 v31, v26;
	v31 =	vmul.f32 v63, v18  }
0x57f: {  	(xrf2) =	vadd.scan.msk.f32 $0xffff, v21;
	s3 =	sadd.s32 $0x400, s3;
	v28 =	vadd.f32 v29, v28;
	v29 =	vmul.f32 v63, v63;
	v51 =	vmul.f32 v60, v10  }
0x580: {  	s12 =	sadd.s32 $0x180, s3;
	v23 =	vadd.f32 v44, v23;
	v21 =	vadd.f32 v30, v25;
	v25 =	vmul.f32 v40, v18  }
0x581: {  	v42 =	vld [tilespmem:s2+$0x0];
	s13 =	sor.u32 $0x400, s12;
	v30 =	vmul.f32 v41, v18;
	v27 =	vadd.f32 v31, v27;
	v31 =	vmul.f32 v40, v40  }
0x582: {  	v63 =	vld [tilespmem:s13+$0x10100];
	v24 =	vadd.f32 v29, v24;
	v29 =	vmul.f32 v41, v41;
	v40 =	vmul.f32 v49, v3  }
0x583: {  	v25 =	vadd.f32 v25, v26;
	v26 =	vadd.f32 v30, v23;
	v23 =	vmul.f32 v45, v6;
	v30 =	vld [tilespmem:s31+$0x0]  }
0x584: {  	v44 =	vld [tilespmem:s2+$0x10];
	v28 =	vadd.f32 v31, v28;
	v31 =	vmul.f32 v45, v45;
	v29 =	vadd.f32 v29, v21  }
0x585: {  	v41 =	vld [tilespmem:s31+$0x40];
	v21 =	vmul.f32 v46, v6;
	v23 =	vadd.f32 v23, v27;
	v27 =	vmul.f32 v46, v46  }
0x586: {  	v26 =	vadd.f32 v48, v26;
	v46 =	vmul.f32 v42, v3;
	v24 =	vadd.f32 v31, v24;
	v31 =	vld [tilespmem:s31+$0x20]  }
0x587: {  	v42 =	vmul.f32 v42, v42;
	v21 =	vadd.f32 v21, v25;
	v25 =	vadd.f32 v27, v28;
	v27 =	vld [tilespmem:s31+$0x30]  }
0x588: {  	v55 =	vmul.f32 v63, v12;
	v29 =	vadd.f32 v50, v29;
	v28, _, _ =	vpop (xrf2);
	v53 =	vmul.f32 v30, v3  }
0x589: {  	v47 =	vmul.f32 v44, v4;
	v30 =	vmul.f32 v30, v30;
	[tilespmem:v19+s25+$0x0] =	vst.idx.msk vm1, v28;
	v28, _, _ =	vpop (xrf2);
	(xrf2) =	vadd.scan.msk.f32 $0xffff, v26;
	v26 =	vld [tilespmem:s2+$0x30]  }
0x58a: {  	v20 =	vbroadcast v20, $0x0;
	v44 =	vmul.f32 v44, v44;
	[tilespmem:v19+s21+$0x0] =	vst.idx.msk vm1, v28;
	v37 =	vadd.f32 v54, v53  }
0x58b: {  	s14 =	sor.u32 $0x410, s12;
	v28 =	vld [tilespmem:s1+$0x10];
	v30 =	vadd.f32 v32, v30;
	v56 =	vmul.f32 v31, v5;
	v31 =	vmul.f32 v31, v31  }
0x58c: {  	v52 =	vld [tilespmem:s14+$0x10100];
	v33 =	vadd.f32 v33, v34;
	v61 =	vmul.f32 v41, v8;
	v59 =	vmul.f32 v27, v7  }
0x58d: {  	v48 =	vld [tilespmem:s0+$0x20];
	(xrf2) =	vadd.scan.msk.f32 $0xffff, v29;
	v27 =	vmul.f32 v27, v27;
	v37 =	vadd.f32 v56, v37;
	v30 =	vadd.f32 v31, v30  }
0x58e: {  	v42 =	vadd.f32 v44, v42;
	v19 =	vbroadcast v39, $0x0;
	(xrf2) =	vadd.scan.msk.f32 $0xffff, v23;
	v23 =	vld [tilespmem:s0+$0x40];
	v44 =	vmul.f32 v26, v7  }
0x58f: {  	v31 =	vld [tilespmem:s31+$0x70];
	v37 =	vadd.f32 v59, v37;
	v27 =	vadd.f32 v27, v30;
	v30 =	vmul.f32 v41, v41  }
0x590: {  	v39 =	vadd.f32 v58, v40;
	v56 =	vld [tilespmem:s1+$0x20];
	v26 =	vmul.f32 v26, v26;
	v45 =	vmul.f32 v28, v4  }
0x591: {  	v28 =	vmul.f32 v28, v28;
	v59 =	vld [tilespmem:s2+$0x20];
	v37 =	vadd.f32 v61, v37;
	v27 =	vadd.f32 v30, v27  }
0x592: {  	s15 =	sor.u32 $0x420, s12;
	v30 =	vmul.f32 v57, v57;
	v40 =	vadd.f32 v45, v43;
	v57 =	vmul.f32 v52, v13  }
0x593: {  	v54 =	vld [tilespmem:s15+$0x10100];
	v28 =	vadd.f32 v28, v36;
	v43 =	vadd.f32 v47, v46;
	v61 =	vmul.f32 v48, v5  }
0x594: {  	s19 =	sor.u32 $0x450, s12;
	v46 =	vmul.f32 v23, v8;
	v23 =	vmul.f32 v23, v23;
	v37 =	vadd.f32 v62, v37  }
0x595: {  	v35 =	vld [tilespmem:s19+$0x10100];
	(xrf2) =	vadd.scan.msk.f32 $0xffff, v24;
	v34 =	vmul.f32 v56, v56;
	v27 =	vadd.f32 v30, v27;
	v30 =	vmul.f32 v60, v60  }
0x596: {  	(xrf2) =	vadd.scan.msk.f32 $0xffff, v21;
	v21 =	vld [tilespmem:s2+$0x40];
	v53 =	vmul.f32 v31, v11;
	v41 =	vmul.f32 v59, v59;
	v37 =	vadd.f32 v51, v37  }
0x597: {  	v28 =	vadd.f32 v34, v28;
	v27 =	vadd.f32 v30, v27;
	v30 =	vmul.f32 v31, v31  }
0x598: {  	s16 =	sor.u32 $0x430, s12;
	v60 =	vmul.f32 v54, v14;
	v42 =	vadd.f32 v41, v42;
	v37 =	vadd.f32 v53, v37  }
0x599: {  	s17 =	sor.u32 $0x440, s12;
	v31 =	vld [tilespmem:s16+$0x10100];
	v27 =	vadd.f32 v30, v27;
	v30 =	vmul.f32 v63, v63;
	v63 =	vmul.f32 v48, v48  }
0x59a: {  	v58 =	vld [tilespmem:s17+$0x10100];
	v53 =	vmul.f32 v56, v5;
	v56 =	vmul.f32 v35, v17;
	v47 =	vadd.f32 v26, v42  }
0x59b: {  	s20 =	sor.u32 $0x460, s12;
	v48 =	vld [tilespmem:s2+$0x50];
	v26 =	vmul.f32 v21, v8;
	v27 =	vadd.f32 v30, v27;
	v30 =	vmul.f32 v52, v52  }
0x59c: {  	v21 =	vmul.f32 v21, v21;
	v37 =	vadd.f32 v55, v37;
	v52 =	vld [tilespmem:s20+$0x10100];
	v55 =	vmul.f32 v59, v5  }
0x59d: {  	v33 =	vadd.f32 v63, v33;
	v27 =	vadd.f32 v30, v27;
	v30 =	vmul.f32 v54, v54  }
0x59e: {  	v62 =	vmul.f32 v31, v15;
	v37 =	vadd.f32 v57, v37;
	v63 =	vadd.f32 v55, v43  }
0x59f: {  	s4 =	sor.u32 $0x470, s12;
	v54 =	vmul.f32 v58, v16;
	v27 =	vadd.f32 v30, v27;
	v30 =	vmul.f32 v31, v31  }
0x5a0: {  	v36 =	vmul.f32 v48, v48;
	v37 =	vadd.f32 v60, v37;
	v31 =	vld [tilespmem:s4+$0x10100];
	v32 =	vadd.f32 v44, v63  }
0x5a1: {  	v60 =	vld [tilespmem:s1+$0x30];
	v59 =	vmul.f32 v52, v18;
	v27 =	vadd.f32 v30, v27;
	v30 =	vmul.f32 v58, v58  }
0x5a2: {  	v57 =	vld [tilespmem:s0+$0x30];
	v29 =	vmul.f32 v52, v52;
	v37 =	vadd.f32 v62, v37;
	v58 =	vadd.f32 v61, v39  }
0x5a3: {  	s22 =	simm.s32 $0x7;
	v49, _, _ =	vpop (xrf2);
	v52 =	vld [tilespmem:s1+$0x60];
	v61 =	vadd.f32 v53, v40;
	v27 =	vadd.f32 v30, v27;
	v30 =	vmul.f32 v35, v35  }
0x5a4: {  	v24 =	vld [tilespmem:s1+$0x40];
	[tilespmem:v22+s25+$0x0] =	vst.idx.msk vm1, v49;
	v32 =	vadd.f32 v26, v32;
	v53 =	vmov s22;
	v37 =	vadd.f32 v54, v37  }
0x5a5: {  	v35 =	vadd.f32 v21, v47;
	v62 =	vmul.f32 v31, v6;
	v27 =	vadd.f32 v30, v27  }
0x5a6: {  	(xrf2) =	vadd.scan.msk.f32 $0xffff, v25;
	v43 =	vmul.f32 v60, v7;
	v25 =	vmul.f32 v60, v60;
	v37 =	vadd.f32 v56, v37  }
0x5a7: {  	v50 =	vld [tilespmem:s0+$0x60];
	v30 =	vmul.f32 v57, v7;
	v27 =	vadd.f32 v29, v27;
	v29 =	vmul.f32 v31, v31  }
0x5a8: {  	v54 =	vld [tilespmem:s2+$0x60];
	v39 =	vmul.f32 v52, v52;
	v45 =	vadd.f32 v43, v61;
	v37 =	vadd.f32 v59, v37  }
0x5a9: {  	v28 =	vadd.f32 v25, v28;
	v25 =	vmul.f32 v24, v8;
	v27 =	vadd.f32 v29, v27;
	v29 =	vld [tilespmem:s0+$0x50]  }
0x5aa: {  	p2 =	por !p2, !p2;
	s23 =	simm.s32 $0x2;
	s4 =	simm.s32 $0x1;
	v60 =	vld [tilespmem:s2+$0x70];
	v24 =	vmul.f32 v24, v24;
	v31 =	vmul.f32 v57, v57;
	v40 =	vadd.f32 v62, v37  }
0x5ab: {  	s24 =	sand.u32 $0x3, s23;
	s4 =	simm.s32 @!p2 $0x0;
	v56 =	vld [tilespmem:s0+$0x70];
	v61 =	vmul.f32 v52, v10;
	v30 =	vadd.f32 v30, v58;
	v59 =	vadd.f32 v36, v35  }
0x5ac: {  	s29 =	sshll.u32 s4, $0x9;
	v57 =	vmul.f32 v50, v10;
	v58 =	vld [tilespmem:s1+$0x70];
	v28 =	vadd.f32 v24, v28;
	v31 =	vadd.f32 v31, v33;
	s0 =	sshll.u32 s24, $0x8;
	(xrf2) =	vadd.scan.msk.f32 $0xffff, v40  }
0x5ad: {  	s2 =	sadd.s32 $0x400, s29;
	v63 =	vmul.f32 v54, v10;
	v34 =	vmul.f32 v54, v54;
	v30 =	vadd.f32 v46, v30;
	s26 =	sadd.s32 $0x400, s0;
	(xrf2) =	vadd.scan.msk.f32 $0xffff, v27;
	v27 =	vld [tilespmem:s1+$0x50]  }
0x5ae: {  	s9 =	sor.u32 $0x420, s2;
	v31 =	vadd.f32 v23, v31;
	s1 =	sadd.s32 $0x100, s26;
	v51 =	vmul.f32 v29, v9;
	v29 =	vmul.f32 v29, v29  }
0x5af: {  	v33 =	vadd.f32 v25, v45;
	v37 =	vmul.f32 v50, v50;
	v54 =	vmul.f32 v60, v11;
	v45 =	vld [tilespmem:s9+$0x10100];
	s30 =	sor.u32 $0x400, s1  }
0x5b0: {  	s28 =	sadd.s32 $0x80, s3;
	v35 =	vmul.f32 v60, v60;
	s5 =	sor.u32 $0x410, s1;
	v50 =	vld [tilespmem:s30+$0x10100];
	v29 =	vadd.f32 v29, v31;
	v31 =	vmul.f32 v48, v9  }
0x5b1: {  	s3 =	sor.u32 $0x400, s28;
	v49 =	vmul.f32 v56, v11;
	v41 =	vmul.f32 v56, v56;
	v56 =	vld [tilespmem:s5+$0x10100];
	v30 =	vadd.f32 v51, v30  }
0x5b2: {  	s31 =	sor.u32 $0x400, s2;
	v52 =	vmul.f32 v58, v11;
	v48 =	vld [tilespmem:s3+$0x10100];
	v55 =	vmul.f32 v27, v9;
	v31 =	vadd.f32 v31, v32  }
0x5b3: {  	v25, _, _ =	vpop (xrf2);
	v51 =	vld [tilespmem:s31+$0x10100];
	v27 =	vmul.f32 v27, v27;
	v30 =	vadd.f32 v57, v30;
	v29 =	vadd.f32 v37, v29  }
0x5b4: {  	v26, _, _ =	vpop (xrf2);
	v32 =	vadd.f32 v34, v59;
	v34 =	vmul.f32 v45, v45;
	v33 =	vadd.f32 v55, v33  }
0x5b5: {  	v23, _, _ =	vpop (xrf2);
	v27 =	vadd.f32 v27, v28;
	v59 =	vmul.f32 v50, v12;
	v31 =	vadd.f32 v63, v31  }
0x5b6: {  	s4 =	sor.u32 $0x410, s28;
	v24, _, _ =	vpop (xrf2);
	v47 =	vmul.f32 v56, v13;
	v30 =	vadd.f32 v49, v30;
	v29 =	vadd.f32 v41, v29  }
0x5b7: {  	s8 =	sor.u32 $0x420, s1;
	v21, _, _ =	vpop (xrf2);
	v55 =	vld [tilespmem:s4+$0x10100];
	v32 =	vadd.f32 v35, v32;
	v33 =	vadd.f32 v61, v33;
	v57 =	vmul.f32 v48, v12  }
0x5b8: {  	s10 =	sor.u32 $0x430, s28;
	v63 =	vld [tilespmem:s8+$0x10100];
	v28, _, _ =	vpop (xrf2);
	v27 =	vadd.f32 v39, v27;
	v40 =	vmul.f32 v48, v48;
	v60 =	vmul.f32 v51, v12  }
0x5b9: {  	s11 =	sor.u32 $0x430, s1;
	v49 =	vld [tilespmem:s10+$0x10100];
	v61 =	vmul.f32 v50, v50;
	v36 =	vmul.f32 v51, v51;
	[tilespmem:v53+s25+$0x0] =	vst.idx.msk vm1, v28;
	v62, _, _ =	vpop (xrf2)  }
0x5ba: {  	s13 =	sor.u32 $0x440, s28;
	v39 =	vmul.f32 v56, v56;
	v50 =	vld [tilespmem:s11+$0x10100];
	v28 =	vmov s18;
	v31 =	vadd.f32 v54, v31;
	[tilespmem:v53+s21+$0x0] =	vst.idx.msk vm1, v62  }
0x5bb: {  	s6 =	sor.u32 $0x410, s2;
	v56 =	vld [tilespmem:s13+$0x10100];
	v53 =	vmul.f32 v58, v58;
	v33 =	vadd.f32 v52, v33;
	v30 =	vadd.f32 v60, v30  }
0x5bc: {  	s7 =	sor.u32 $0x420, s28;
	v58 =	vld [tilespmem:s6+$0x10100];
	v32 =	vadd.f32 v61, v32;
	v29 =	vadd.f32 v36, v29;
	v44 =	vmul.f32 v55, v13  }
0x5bd: {  	v62 =	vld [tilespmem:s7+$0x10100];
	v31 =	vadd.f32 v59, v31;
	v46 =	vmul.f32 v55, v55;
	v55 =	vmul.f32 v45, v14  }
0x5be: {  	s12 =	sor.u32 $0x430, s2;
	v27 =	vadd.f32 v53, v27;
	v33 =	vadd.f32 v57, v33;
	v54 =	vmul.f32 v63, v14  }
0x5bf: {  	v52 =	vld [tilespmem:s12+$0x10100];
	v32 =	vadd.f32 v39, v32;
	v35 =	vmul.f32 v63, v63;
	v60 =	vmul.f32 v49, v49  }
0x5c0: {  	s15 =	sor.u32 $0x440, s2;
	v31 =	vadd.f32 v47, v31;
	v61 =	vmul.f32 v50, v15;
	v36 =	vmul.f32 v50, v50  }
0x5c1: {  	s17 =	sor.u32 $0x450, s1;
	v59 =	vld [tilespmem:s15+$0x10100];
	v38 =	vmul.f32 v56, v56;
	v27 =	vadd.f32 v40, v27;
	v48 =	vmul.f32 v58, v13  }
0x5c2: {  	s14 =	sor.u32 $0x440, s1;
	v45 =	vld [tilespmem:s17+$0x10100];
	v33 =	vadd.f32 v44, v33;
	v37 =	vmul.f32 v58, v58;
	v51 =	vmul.f32 v62, v14  }
0x5c3: {  	s16 =	sor.u32 $0x450, s28;
	v57 =	vld [tilespmem:s14+$0x10100];
	v32 =	vadd.f32 v35, v32;
	v53 =	vmul.f32 v62, v62;
	v58 =	vmul.f32 v49, v15  }
0x5c4: {  	s19 =	sor.u32 $0x450, s2;
	v63 =	vld [tilespmem:s16+$0x10100];
	v31 =	vadd.f32 v54, v31;
	v62 =	vmul.f32 v52, v15;
	v39 =	vmul.f32 v52, v52  }
0x5c5: {  	v47 =	vld [tilespmem:s19+$0x10100];
	v27 =	vadd.f32 v46, v27;
	v46 =	vmul.f32 v56, v16;
	v32 =	vadd.f32 v36, v32  }
0x5c6: {  	v49 =	vmul.f32 v59, v16;
	v35 =	vmul.f32 v59, v59;
	v30 =	vadd.f32 v48, v30  }
0x5c7: {  	s20 =	sor.u32 $0x460, s28;
	v54 =	vmul.f32 v45, v17;
	v29 =	vadd.f32 v37, v29;
	v33 =	vadd.f32 v51, v33  }
0x5c8: {  	v50 =	vld [tilespmem:s20+$0x10100];
	v31 =	vadd.f32 v61, v31;
	v48 =	vmul.f32 v57, v16;
	v37 =	vmul.f32 v57, v57  }
0x5c9: {  	s22 =	sor.u32 $0x460, s1;
	v52 =	vmul.f32 v63, v17;
	v27 =	vadd.f32 v53, v27;
	v30 =	vadd.f32 v55, v30  }
0x5ca: {  	s0 =	sor.u32 $0x470, s28;
	v51 =	vld [tilespmem:s22+$0x10100];
	v36 =	vmul.f32 v47, v47;
	v29 =	vadd.f32 v34, v29;
	v33 =	vadd.f32 v58, v33  }
0x5cb: {  	s1 =	sor.u32 $0x470, s1;
	v56 =	vld [tilespmem:s0+$0x10100];
	v31 =	vadd.f32 v48, v31;
	v32 =	vadd.f32 v37, v32;
	v55 =	vmul.f32 v47, v17  }
0x5cc: {  	s23 =	sor.u32 $0x460, s2;
	v57 =	vld [tilespmem:s1+$0x10100];
	v34 =	vmul.f32 v45, v45;
	v27 =	vadd.f32 v60, v27;
	v30 =	vadd.f32 v62, v30  }
0x5cd: {  	v53 =	vld [tilespmem:s23+$0x10100];
	v58 =	vmul.f32 v50, v50;
	v29 =	vadd.f32 v39, v29;
	v33 =	vadd.f32 v46, v33  }
0x5ce: {  	p2 =	por !p2, !p2;
	s29 =	simm.s32 $0x400;
	s9 =	simm.s32 $0x580;
	v41 =	vadd.f32 v54, v31;
	v31 =	vmul.f32 v50, v18;
	v27 =	vadd.f32 v38, v27  }
0x5cf: {  	s24 =	sor.u32 $0x470, s2;
	s2 =	simm.s32 $0x5;
	s30 =	sand.u32 $0x380, s9;
	v59 =	vmul.f32 v51, v18;
	v35 =	vadd.f32 v35, v29;
	v29 =	vmul.f32 v63, v63  }
0x5d0: {  	s3 =	simm.s32 $0x6;
	s31 =	simm.s32 $0x480;
	s8 =	simm.s32 $0x4;
	v34 =	vadd.f32 v34, v32;
	v62 =	vmul.f32 v51, v51;
	v38 =	vmul.f32 v56, v56  }
0x5d1: {  	s10 =	simm.s32 $0x500;
	s26 =	sand.u32 $0x3, s8;
	s7 =	simm.s32 $0x800;
	v39 =	vmul.f32 v57, v6;
	v30 =	vadd.f32 v49, v30;
	v27 =	vadd.f32 v29, v27;
	v29 =	vld [tilespmem:s24+$0x10100]  }
0x5d2: {  	s11 =	sand.u32 $0x200, s29;
	s28 =	sand.u32 $0x7800, s7;
	s0 =	simm.s32 $0x1;
	v33 =	vadd.f32 v52, v33;
	v60 =	vmul.f32 v53, v18;
	v32 =	vadd.f32 v59, v41  }
0x5d3: {  	s4 =	sor.u32 $0x10100, s28;
	s0 =	simm.s32 @!p2 $0x0;
	s1 =	sshll.u32 s26, $0x8;
	v63 =	vmul.f32 v53, v53;
	v30 =	vadd.f32 v55, v30;
	v35 =	vadd.f32 v36, v35  }
0x5d4: {  	s13 =	sshll.u32 s0, $0x9;
	s0 =	sadd.s32 $0x800, s1;
	s1 =	sadd.s32 s30, s4;
	v61 =	vadd.f32 v31, v33;
	v31 =	vadd.f32 v58, v27;
	v27 =	vmul.f32 v56, v6  }
0x5d5: {  	s5 =	sand.u32 $0x300, s10;
	s10 =	simm.s32 $0xC;
	s6 =	sand.u32 $0x280, s31;
	v37 =	vadd.f32 v62, v34;
	v34 =	vld [tilespmem:s1+$0x10];
	v41 =	vmul.f32 v57, v57;
	v36 =	vadd.f32 v60, v30  }
0x5d6: {  	s17 =	simm.s32 $0x8;
	s12 =	sor.u32 s11, s4;
	s11 =	sor.u32 s6, s4;
	v33 =	vld [tilespmem:s1+$0x0];
	v35 =	vadd.f32 v63, v35;
	v27 =	vadd.f32 v27, v61;
	v40 =	vmul.f32 v29, v6  }
.LBB2_12:
0x5d7: {  	v30 =	vld [tilespmem:s12+$0x0];
	[tilespmem:v22+s21+$0x0] =	vst.idx.msk vm1, v25  }
0x5d8: {  	v42 =	vmul.f32 v29, v29;
	v51 =	vmov s2;
	v22 =	vand.u32 $0xFFFFFFFC, v28;
	[tilespmem:v20+s25+$0x0] =	vst.idx.msk vm1, v26  }
0x5d9: {  	v50 =	vld [tilespmem:s1+$0x20];
	s23 =	simm.s32 $0x1CA00;
	v53 =	vmov s3;
	[tilespmem:v19+s25+$0x0] =	vst.idx.msk vm1, v24;
	v29 =	vadd.f32 v41, v37;
	v28 =	vand.u32 $0xFFFFFFFD, v51  }
0x5da: {  	v26 =	vld [tilespmem:s1+$0x30];
	v22 =	vbroadcast v22, $0x0;
	[tilespmem:v20+s23+$0x0] =	vst.idx.msk vm1, v23;
	v37 =	vand.u32 $0xFFFFFFFE, v53;
	v20 =	vbroadcast v28, $0x0  }
0x5db: {  	v57 =	vld [tilespmem:s1+$0x50];
	[tilespmem:v19+s23+$0x0] =	vst.idx.msk vm1, v21;
	v19 =	vbroadcast v37, $0x0;
	v28 =	vmul.f32 v33, v3  }
0x5dc: {  	v62 =	vld [tilespmem:s1+$0x60];
	v52 =	vmul.f32 v34, v4;
	v55 =	vmul.f32 v33, v33  }
0x5dd: {  	v25 =	vld [tilespmem:s12+$0x10];
	v56 =	vmul.f32 v34, v34;
	v24 =	vmul.f32 v30, v3  }
0x5de: {  	v36 =	vadd.f32 v40, v36;
	v53 =	vld [tilespmem:s1+$0x70];
	v30 =	vmul.f32 v30, v30;
	v54 =	vmul.f32 v50, v5  }
0x5df: {  	v35 =	vadd.f32 v42, v35;
	v23 =	vld [tilespmem:s11+$0x0];
	v59 =	vmul.f32 v26, v7;
	v61 =	vmul.f32 v50, v50  }
0x5e0: {  	s5 =	sadd.s32 s5, s4;
	s0 =	sadd.s32 $0x100, s0;
	s18 =	sadd.s32 $0x4, s18;
	v21 =	vld [tilespmem:s11+$0x10];
	(xrf2) =	vadd.scan.msk.f32 $0xffff, v36;
	v26 =	vmul.f32 v26, v26;
	v44 =	vmul.f32 v57, v9  }
0x5e1: {  	v32 =	vadd.f32 v39, v32;
	s4 =	sor.u32 $0x400, s0;
	s29 =	sor.u32 $0x410, s0;
	s21 =	sor.u32 $0x420, s0;
	v58 =	vld [tilespmem:s5+$0x0];
	(xrf2) =	vadd.scan.msk.f32 $0xffff, v35;
	v35 =	vmul.f32 v57, v57;
	v34 =	vmul.f32 v62, v62  }
0x5e2: {  	s14 =	sor.u32 $0x430, s0;
	s28 =	sor.u32 $0x440, s0;
	s15 =	sor.u32 $0x450, s0;
	v28 =	vadd.f32 v52, v28;
	v37 =	vmul.f32 v25, v4;
	v60 =	vmul.f32 v25, v25  }
0x5e3: {  	s22 =	sor.u32 $0x460, s0;
	v39 =	vld [tilespmem:s1+$0x40];
	s0 =	sor.u32 $0x470, s0;
	s25 =	sand.u32 $0x7, s18;
	v25 =	vadd.f32 v56, v55;
	v56 =	vmul.f32 v62, v10;
	v33 =	vmul.f32 v53, v53  }
0x5e4: {  	v31 =	vadd.f32 v38, v31;
	[dreg:$0x8] =	wrdreg s0;
	s0 =	sshll.u32 s25, $0x7;
	v52 =	vld [tilespmem:s5+$0x10];
	v63 =	vmul.f32 v23, v3;
	v23 =	vmul.f32 v23, v23  }
0x5e5: {  	v47 =	vld [tilespmem:s5+$0x20];
	s0 =	sadd.s32 s7, s0;
	v43 =	vmul.f32 v21, v4;
	v21 =	vmul.f32 v21, v21;
	v28 =	vadd.f32 v54, v28  }
0x5e6: {  	s6 =	sadd.s32 s13, s7;
	[dreg:$0xe] =	wrdreg s15;
	v41 =	vld [tilespmem:s11+$0x30];
	s15 =	sadd.s32 $0x180, s0;
	v55 =	vmul.f32 v58, v3;
	v40 =	vmul.f32 v58, v58;
	v25 =	vadd.f32 v61, v25  }
0x5e7: {  	s16 =	sor.u32 $0x460, s6;
	(xrf2) =	vadd.scan.msk.f32 $0xffff, v27;
	s2 =	sor.u32 $0x400, s15;
	v58 =	vmul.f32 v53, v11;
	v54 =	vld [tilespmem:s12+$0x20];
	v37 =	vadd.f32 v37, v24;
	v45 =	vadd.f32 v59, v28  }
0x5e8: {  	[dreg:$0xa] =	wrdreg s16;
	s16 =	sor.u32 $0x410, s15;
	(xrf2) =	vadd.scan.msk.f32 $0xffff, v31;
	v31 =	vld [tilespmem:s2+$0x10100];
	v28 =	vmul.f32 v39, v8;
	v48 =	vadd.f32 v26, v25;
	v26 =	vmul.f32 v39, v39  }
0x5e9: {  	v46 =	vld [tilespmem:s16+$0x10100];
	v38 =	vadd.f32 v43, v63;
	v43 =	vadd.f32 v21, v23;
	v57 =	vmul.f32 v52, v4  }
0x5ea: {  	v42 =	vmul.f32 v52, v52;
	v28 =	vadd.f32 v28, v45;
	v26 =	vadd.f32 v26, v48;
	v48 =	vld [tilespmem:s12+$0x30]  }
0x5eb: {  	s16 =	sor.u32 $0x420, s15;
	v39 =	vld [tilespmem:s11+$0x20];
	v52 =	vmul.f32 v47, v5;
	v47 =	vmul.f32 v47, v47;
	v27, _, _ =	vpop (xrf2);
	(xrf2) =	vadd.scan.msk.f32 $0xffff, v32;
	v32 =	vadd.f32 v57, v55  }
0x5ec: {  	v59 =	vld [tilespmem:s16+$0x10100];
	s16 =	sor.u32 $0x430, s15;
	v40 =	vadd.f32 v42, v40;
	v62 =	vmul.f32 v54, v5;
	v28 =	vadd.f32 v44, v28  }
0x5ed: {  	v36 =	vmul.f32 v54, v54;
	v25, _, _ =	vpop (xrf2);
	v49 =	vadd.f32 v35, v26;
	(xrf2) =	vadd.scan.msk.f32 $0xffff, v29;
	v29 =	vadd.f32 v60, v30;
	v60 =	vld [tilespmem:s16+$0x10100]  }
0x5ee: {  	v55 =	vmul.f32 v41, v7;
	v32 =	vadd.f32 v52, v32;
	v28 =	vadd.f32 v56, v28  }
0x5ef: {  	v40 =	vadd.f32 v47, v40;
	v30 =	vadd.f32 v34, v49;
	v49 =	vmul.f32 v48, v7  }
0x5f0: {  	v52 =	vmul.f32 v48, v48;
	v24 =	vadd.f32 v58, v28;
	v28 =	vmul.f32 v31, v12  }
0x5f1: {  	v50 =	vld [tilespmem:s11+$0x40];
	s16 =	sor.u32 $0x440, s15;
	v21 =	vadd.f32 v33, v30;
	v30 =	vmul.f32 v31, v31;
	v58 =	vmul.f32 v39, v5  }
0x5f2: {  	v29 =	vadd.f32 v36, v29;
	v31 =	vld [tilespmem:s16+$0x10100];
	v39 =	vmul.f32 v39, v39;
	v63 =	vmul.f32 v60, v15  }
0x5f3: {  	v33 =	vld [tilespmem:s5+$0x30];
	v34 =	vmul.f32 v60, v60;
	v24 =	vadd.f32 v28, v24;
	v28 =	vmul.f32 v46, v13  }
0x5f4: {  	s16 =	sor.u32 $0x450, s15;
	v29 =	vadd.f32 v52, v29;
	v21 =	vadd.f32 v30, v21;
	v30 =	vmul.f32 v46, v46  }
0x5f5: {  	v42 =	vld [tilespmem:s16+$0x10100];
	s16 =	sor.u32 $0x460, s15;
	v38 =	vadd.f32 v58, v38;
	v61 =	vadd.f32 v28, v24;
	v28 =	vmul.f32 v59, v14  }
0x5f6: {  	s15 =	sor.u32 $0x470, s15;
	v57 =	vld [tilespmem:s16+$0x10100];
	v39 =	vadd.f32 v39, v43;
	v54 =	vadd.f32 v30, v21;
	v30 =	vmul.f32 v59, v59  }
0x5f7: {  	v51 =	vld [tilespmem:s15+$0x10100];
	v58 =	vmul.f32 v50, v8;
	v59 =	vmul.f32 v31, v16;
	v28 =	vadd.f32 v28, v61  }
0x5f8: {  	v53 =	vld [tilespmem:s5+$0x40];
	v31 =	vmul.f32 v31, v31;
	v56 =	vmul.f32 v33, v7;
	v30 =	vadd.f32 v30, v54  }
0x5f9: {  	v45 =	vld [tilespmem:s12+$0x40];
	v33 =	vmul.f32 v33, v33;
	v61 =	vadd.f32 v62, v37;
	v28 =	vadd.f32 v63, v28  }
0x5fa: {  	v60 =	vmul.f32 v42, v17;
	v54 =	vld [tilespmem:s12+$0x50];
	v32 =	vadd.f32 v56, v32;
	v30 =	vadd.f32 v34, v30  }
0x5fb: {  	v62 =	vmul.f32 v57, v18;
	v33 =	vadd.f32 v33, v40;
	v28 =	vadd.f32 v59, v28  }
0x5fc: {  	v37 =	vld [tilespmem:s11+$0x50];
	v63 =	vmul.f32 v51, v6;
	v30 =	vadd.f32 v31, v30;
	v31 =	vmul.f32 v42, v42  }
0x5fd: {  	v34 =	vadd.f32 v49, v61;
	v42 =	vld [tilespmem:s12+$0x60];
	v59 =	vmul.f32 v50, v50;
	v28 =	vadd.f32 v60, v28  }
0x5fe: {  	v44 =	vld [tilespmem:s12+$0x70];
	v30 =	vadd.f32 v31, v30;
	v31 =	vmul.f32 v57, v57;
	v57 =	vmul.f32 v45, v8  }
0x5ff: {  	v36 =	vld [tilespmem:s5+$0x50];
	v61 =	vmul.f32 v54, v9;
	v60 =	vmul.f32 v53, v8;
	v28 =	vadd.f32 v62, v28  }
0x600: {  	v43 =	vld [tilespmem:s11+$0x60];
	v30 =	vadd.f32 v31, v30;
	v31 =	vmul.f32 v51, v51;
	v34 =	vadd.f32 v57, v34  }
0x601: {  	v26, _, _ =	vpop (xrf2);
	v48 =	vld [tilespmem:s11+$0x70];
	v32 =	vadd.f32 v60, v32;
	v62 =	vmul.f32 v54, v54;
	v57 =	vmul.f32 v37, v9  }
0x602: {  	s30 =	sor.u32 $0x410, s6;
	v23, _, _ =	vpop (xrf2);
	v49 =	vld [tilespmem:s5+$0x70];
	v37 =	vmul.f32 v37, v37;
	v60 =	vmul.f32 v42, v10;
	v28 =	vadd.f32 v63, v28  }
0x603: {  	s13 =	smov.u32 s17;
	s24 =	sor.u32 $0x400, s6;
	v24, _, _ =	vpop (xrf2);
	s12 =	simm.s32 $0x1C900;
	v51 =	vld [tilespmem:s30+$0x10100];
	v42 =	vmul.f32 v42, v42;
	v30 =	vadd.f32 v31, v30;
	v31 =	vadd.f32 v55, v38  }
0x604: {  	s11 =	sadd.s32 $0x3, s13;
	v21, _, _ =	vpop (xrf2);
	(xrf2) =	vadd.scan.msk.f32 $0xffff, v28;
	v28 =	vmul.f32 v41, v41;
	v41 =	vld [tilespmem:s24+$0x10100];
	[tilespmem:v22+s12+$0x0] =	vst.idx.msk vm1, v27;
	v27 =	vadd.f32 v61, v34  }
0x605: {  	v46 =	vld [tilespmem:s5+$0x60];
	v63 =	vmov s11;
	v55 =	vmul.f32 v43, v10;
	(xrf2) =	vadd.scan.msk.f32 $0xffff, v30;
	v30 =	vmul.f32 v45, v45  }
0x606: {  	s26 =	sor.u32 $0x420, s6;
	v43 =	vmul.f32 v43, v43;
	v28 =	vadd.f32 v28, v39;
	v27 =	vadd.f32 v60, v27  }
0x607: {  	s31 =	sor.u32 $0x430, s6;
	s20 =	sor.u32 $0x440, s6;
	s3 =	sadd.s32 $0x80, s0;
	v29 =	vadd.f32 v30, v29;
	v30 =	vadd.f32 v58, v31;
	v31 =	vmul.f32 v53, v53  }
0x608: {  	s19 =	sor.u32 $0x450, s6;
	s23 =	sor.u32 $0x470, s6;
	s6 =	sor.u32 $0x400, s3;
	v52 =	vld [tilespmem:s31+$0x10100];
	v60 =	vmul.f32 v49, v49;
	v58 =	vmul.f32 v36, v9;
	v28 =	vadd.f32 v59, v28  }
0x609: {  	v35 =	vld [tilespmem:s6+$0x10100];
	v36 =	vmul.f32 v36, v36;
	v31 =	vadd.f32 v31, v33;
	v29 =	vadd.f32 v62, v29  }
0x60a: {  	s0 =	sor.u32 $0x410, s3;
	v30 =	vadd.f32 v57, v30;
	v32 =	vadd.f32 v58, v32;
	v57 =	vmul.f32 v46, v10  }
0x60b: {  	v40 =	vld [tilespmem:s0+$0x10100];
	v46 =	vmul.f32 v46, v46;
	v61 =	vadd.f32 v37, v28;
	v31 =	vadd.f32 v36, v31  }
0x60c: {  	v58 =	vmul.f32 v48, v11;
	v29 =	vadd.f32 v42, v29;
	v30 =	vadd.f32 v55, v30  }
0x60d: {  	s25 =	sor.u32 $0x430, s3;
	v39 =	vld [tilespmem:s4+$0x10100];
	v32 =	vadd.f32 v57, v32;
	v55 =	vmul.f32 v52, v52;
	v34 =	vadd.f32 v43, v61  }
0x60e: {  	v37 =	vld [tilespmem:s25+$0x10100];
	s25 =	simm.s32 $0x1C900;
	v61 =	vmul.f32 v35, v12;
	v35 =	vmul.f32 v35, v35;
	v31 =	vadd.f32 v46, v31;
	v59, _, _ =	vpop (xrf2)  }
0x60f: {  	v30 =	vadd.f32 v58, v30;
	v58 =	vmul.f32 v51, v51;
	[tilespmem:v63+s25+$0x0] =	vst.idx.msk vm1, v59  }
0x610: {  	[dreg:$0x6] =	wrdreg s23;
	s23 =	sor.u32 $0x420, s3;
	v50 =	vld [tilespmem:s21+$0x10100];
	s21 =	simm.s32 $0x1CA00;
	v62, _, _ =	vpop (xrf2);
	v59 =	vmul.f32 v49, v11;
	v31 =	vadd.f32 v60, v31;
	v60 =	vmul.f32 v40, v13  }
0x611: {  	v47 =	vld [tilespmem:s23+$0x10100];
	v28 =	vmov s13;
	v40 =	vmul.f32 v40, v40;
	[tilespmem:v63+s21+$0x0] =	vst.idx.msk vm1, v62;
	v63 =	vmul.f32 v44, v11  }
0x612: {  	v45 =	vld [tilespmem:s29+$0x10100];
	v44 =	vmul.f32 v44, v44;
	v62 =	vmul.f32 v39, v12;
	v32 =	vadd.f32 v59, v32  }
0x613: {  	v53 =	vld [tilespmem:s20+$0x10100];
	v59 =	vmul.f32 v41, v41;
	v33 =	vadd.f32 v63, v27;
	v27 =	vmul.f32 v48, v48  }
0x614: {  	v29 =	vadd.f32 v44, v29;
	v63 =	vmul.f32 v41, v12;
	v32 =	vadd.f32 v62, v32  }
0x615: {  	v38 =	vld [tilespmem:s26+$0x10100];
	v62 =	vmul.f32 v51, v13;
	v51 =	vmul.f32 v52, v15;
	v27 =	vadd.f32 v27, v34  }
0x616: {  	[dreg:$0xc] =	wrdreg s22;
	s22 =	sor.u32 $0x440, s3;
	v34 =	vadd.f32 v61, v30;
	v30 =	vmul.f32 v39, v39;
	v33 =	vadd.f32 v63, v33  }
0x617: {  	v56 =	vld [tilespmem:s22+$0x10100];
	v39 =	vadd.f32 v59, v29;
	v61 =	vmul.f32 v45, v13;
	v63 =	vmul.f32 v45, v45  }
0x618: {  	v44 =	vld [tilespmem:s19+$0x10100];
	v59 =	vmul.f32 v47, v14;
	v45 =	vmul.f32 v53, v53;
	v35 =	vadd.f32 v35, v27  }
0x619: {  	v34 =	vadd.f32 v60, v34;
	v32 =	vadd.f32 v61, v32;
	v60 =	vmul.f32 v47, v47  }
0x61a: {  	v36 =	vld [tilespmem:s14+$0x10100];
	v33 =	vadd.f32 v62, v33;
	v61 =	vmul.f32 v50, v14;
	v62 =	vmul.f32 v38, v14  }
0x61b: {  	s15 =	rddreg [dreg:$0xe];
	v42 =	vld [tilespmem:s28+$0x10100];
	v31 =	vadd.f32 v30, v31;
	v38 =	vmul.f32 v38, v38;
	v47 =	vmul.f32 v37, v15  }
0x61c: {  	s22 =	rddreg [dreg:$0x6];
	v48 =	vld [tilespmem:s15+$0x10100];
	v39 =	vadd.f32 v58, v39;
	v37 =	vmul.f32 v37, v37;
	v58 =	vmul.f32 v56, v16  }
0x61d: {  	v29 =	vld [tilespmem:s22+$0x10100];
	v52 =	vmul.f32 v44, v17;
	v35 =	vadd.f32 v40, v35;
	v31 =	vadd.f32 v63, v31  }
0x61e: {  	s1 =	sor.u32 $0x450, s3;
	v34 =	vadd.f32 v59, v34;
	v63 =	vmul.f32 v50, v50;
	v32 =	vadd.f32 v61, v32  }
0x61f: {  	v54 =	vld [tilespmem:s1+$0x10100];
	v33 =	vadd.f32 v62, v33;
	v50 =	vmul.f32 v36, v15;
	v36 =	vmul.f32 v36, v36  }
0x620: {  	s2 =	sor.u32 $0x460, s3;
	v38 =	vadd.f32 v38, v39;
	v61 =	vmul.f32 v42, v16;
	v62 =	vmul.f32 v53, v16  }
0x621: {  	s20 =	rddreg [dreg:$0x8];
	v49 =	vld [tilespmem:s2+$0x10100];
	v53 =	vmul.f32 v48, v48;
	v35 =	vadd.f32 v60, v35;
	v31 =	vadd.f32 v63, v31  }
0x622: {  	s16 =	rddreg [dreg:$0xc];
	v30 =	vld [tilespmem:s20+$0x10100];
	v40 =	vmul.f32 v29, v6;
	v34 =	vadd.f32 v47, v34;
	v32 =	vadd.f32 v50, v32  }
0x623: {  	v46 =	vld [tilespmem:s16+$0x10100];
	s19 =	rddreg [dreg:$0xa];
	v33 =	vadd.f32 v51, v33;
	v60 =	vmul.f32 v56, v56;
	v63 =	vmul.f32 v42, v42  }
0x624: {  	v57 =	vld [tilespmem:s19+$0x10100];
	v59 =	vadd.f32 v55, v38;
	v47 =	vmul.f32 v54, v17;
	v50 =	vmul.f32 v54, v54  }
0x625: {  	v51 =	vmul.f32 v48, v17;
	v54 =	vmul.f32 v44, v44;
	v35 =	vadd.f32 v37, v35  }
0x626: {  	p3 =	slt.u32 s10, $0x64;
	s17 =	smov.u32 s10;
	v55 =	vmul.f32 v49, v18;
	v31 =	vadd.f32 v36, v31;
	v34 =	vadd.f32 v58, v34  }
0x627: {  	s8 =	sadd.s32 $0x2, s8;
	p2 =	por !p2, !p2;
	s3 =	sor.u32 $0x470, s3;
	v39 =	vmul.f32 v30, v6;
	v32 =	vadd.f32 v61, v32;
	v33 =	vadd.f32 v62, v33  }
0x628: {  	s9 =	sadd.s32 $0x200, s9;
	s10 =	sadd.s32 $0x4, s10;
	s23 =	sand.u32 $0x3, s8;
	v27 =	vld [tilespmem:s3+$0x10100];
	v36 =	vadd.f32 v45, v59;
	v58 =	vmul.f32 v46, v18;
	v35 =	vadd.f32 v60, v35  }
0x629: {  	s7 =	sadd.s32 $0x400, s7;
	s0 =	sshll.u32 s23, $0x8;
	s1 =	simm.s32 $0x1;
	v59 =	vmul.f32 v57, v18;
	v31 =	vadd.f32 v63, v31;
	v34 =	vadd.f32 v47, v34  }
0x62a: {  	s0 =	sadd.s32 s7, s0;
	s1 =	simm.s32 @!p2 $0x0;
	s24 =	sand.u32 $0x7800, s7;
	v61 =	vmul.f32 v46, v46;
	v32 =	vadd.f32 v51, v32;
	v33 =	vadd.f32 v52, v33  }
.Ltmp9:
0x62b: {  	s26 =	sadd.s32 $0xFFFFFE80, s9;
	s29 =	sadd.s32 $0xFFFFFF00, s9;
	v62 =	vmul.f32 v57, v57;
	v56 =	vadd.f32 v54, v36;
	v35 =	vadd.f32 v50, v35;
	(pc) =	sbr.rel @p3 .LBB2_12-.Ltmp9, $4  }
0x62c: {  	s4 =	sor.u32 $0x10100, s24;
	s28 =	sand.u32 $0x380, s9;
	s2 =	sadd.s32 $0x1, s13;
	v38 =	vadd.f32 v53, v31;
	v31 =	vmul.f32 v49, v49;
	v60 =	vadd.f32 v55, v34  }
0x62d: {  	s3 =	sadd.s32 $0x2, s13;
	s13 =	sshll.u32 s1, $0x9;
	s1 =	sadd.s32 s28, s4;
	v63 =	vmul.f32 v27, v6;
	v32 =	vadd.f32 v58, v32;
	v36 =	vadd.f32 v59, v33  }
0x62e: {  	s30 =	sadd.s32 $0xFFFFFF80, s9;
	s31 =	sand.u32 $0x200, s26;
	s6 =	sand.u32 $0x280, s29;
	v41 =	vmul.f32 v30, v30;
	v33 =	vld [tilespmem:s1+$0x0];
	v31 =	vadd.f32 v31, v35;
	v37 =	vadd.f32 v61, v38  }
0x62f: {  	s5 =	sand.u32 $0x300, s30;
	s12 =	sor.u32 s31, s4;
	s11 =	sor.u32 s6, s4;
	v34 =	vld [tilespmem:s1+$0x10];
	v35 =	vadd.f32 v62, v56;
	v38 =	vmul.f32 v27, v27;
	v27 =	vadd.f32 v63, v60  }
0x630: {  	_ =	sdelay $0x1  }
0x631: {  	v42 =	vld [tilespmem:s12+$0x0]  }
0x632: {  	v43 =	vmov s2;
	v45 =	vld [tilespmem:s1+$0x20]  }
0x633: {  	v44 =	vmul.f32 v29, v29;
	v55 =	vld [tilespmem:s12+$0x10];
	v28 =	vand.u32 $0xFFFFFFFC, v28;
	v57 =	vand.u32 $0xFFFFFFFD, v43  }
0x634: {  	v56 =	vld [tilespmem:s1+$0x30];
	[tilespmem:v22+s21+$0x0] =	vst.idx.msk vm1, v25;
	v28 =	vbroadcast v28, $0x0;
	v22 =	vbroadcast v57, $0x0  }
0x635: {  	v58 =	vld [tilespmem:s11+$0x0];
	v50 =	vmul.f32 v33, v3;
	v61 =	vmul.f32 v33, v33  }
0x636: {  	v30 =	vadd.f32 v39, v32;
	v52 =	vld [tilespmem:s1+$0x40];
	v51 =	vmul.f32 v34, v4;
	v62 =	vmul.f32 v34, v34  }
0x637: {  	v63 =	vld [tilespmem:s1+$0x50];
	v25 =	vadd.f32 v44, v35;
	v35 =	vmul.f32 v42, v3;
	v42 =	vmul.f32 v42, v42  }
0x638: {  	v32 =	vadd.f32 v40, v36;
	v59 =	vld [tilespmem:s11+$0x10];
	s16 =	sadd.s32 s5, s4;
	v60 =	vmul.f32 v45, v5;
	v46 =	vmul.f32 v55, v4  }
0x639: {  	v31 =	vadd.f32 v38, v31;
	v47 =	vld [tilespmem:s16+$0x0];
	v53 =	vmul.f32 v56, v7;
	v38 =	vmul.f32 v55, v55  }
0x63a: {  	v29 =	vadd.f32 v41, v37;
	s19 =	sadd.s32 $0x4, s18;
	v54 =	vmul.f32 v45, v45;
	v48 =	vmul.f32 v58, v3  }
0x63b: {  	[tilespmem:v20+s25+$0x0] =	vst.idx.msk vm1, v26;
	v26 =	vmov s3;
	s3 =	sand.u32 $0x7, s19;
	v49 =	vld [tilespmem:s16+$0x10];
	v55 =	vmul.f32 v52, v8;
	v39 =	vmul.f32 v58, v58  }
0x63c: {  	[tilespmem:v20+s21+$0x0] =	vst.idx.msk vm1, v23;
	v23 =	vand.u32 $0xFFFFFFFE, v26;
	s3 =	sshll.u32 s3, $0x7;
	v57 =	vld [tilespmem:s1+$0x70];
	v56 =	vmul.f32 v56, v56;
	v58 =	vmul.f32 v63, v9  }
0x63d: {  	s3 =	sadd.s32 s7, s3;
	v45 =	vld [tilespmem:s1+$0x60];
	v43 =	vmul.f32 v59, v59;
	v40 =	vadd.f32 v51, v50;
	v50 =	vmul.f32 v59, v4  }
0x63e: {  	s20 =	sadd.s32 $0x180, s3;
	v33 =	vadd.f32 v62, v61;
	v59 =	vmul.f32 v52, v52;
	v51 =	vmul.f32 v47, v3  }
0x63f: {  	s22 =	sor.u32 $0x400, s20;
	v47 =	vmul.f32 v47, v47;
	v61 =	vmul.f32 v63, v63;
	v40 =	vadd.f32 v60, v40  }
0x640: {  	s23 =	sor.u32 $0x410, s20;
	v37 =	vld [tilespmem:s22+$0x10100];
	v52 =	vmul.f32 v49, v4;
	v35 =	vadd.f32 v46, v35;
	v33 =	vadd.f32 v54, v33  }
0x641: {  	s24 =	sor.u32 $0x420, s20;
	v62 =	vld [tilespmem:s23+$0x10100];
	v63 =	vmul.f32 v57, v11;
	v38 =	vadd.f32 v38, v42;
	v40 =	vadd.f32 v53, v40  }
0x642: {  	s26 =	sor.u32 $0x430, s20;
	v33 =	vadd.f32 v56, v33;
	v60 =	vmul.f32 v45, v10;
	v53 =	vmul.f32 v45, v45;
	v45 =	vld [tilespmem:s24+$0x10100]  }
0x643: {  	v39 =	vadd.f32 v43, v39;
	v56 =	vmul.f32 v57, v57;
	v57 =	vld [tilespmem:s26+$0x10100];
	v40 =	vadd.f32 v55, v40  }
0x644: {  	s30 =	sadd.s32 $0x3, s17;
	v49 =	vmul.f32 v49, v49;
	v42 =	vadd.f32 v50, v48;
	v33 =	vadd.f32 v59, v33;
	v55 =	vld [tilespmem:s12+$0x20]  }
0x645: {  	[tilespmem:v19+s25+$0x0] =	vst.idx.msk vm1, v24;
	v20 =	vmov s30;
	v43 =	vadd.f32 v52, v51;
	v59 =	vld [tilespmem:s11+$0x20];
	v40 =	vadd.f32 v58, v40  }
0x646: {  	s28 =	sor.u32 $0x440, s20;
	v47 =	vadd.f32 v49, v47;
	v54 =	vmul.f32 v37, v12;
	v33 =	vadd.f32 v61, v33  }
0x647: {  	s29 =	sor.u32 $0x450, s20;
	v50 =	vmul.f32 v37, v37;
	v37 =	vld [tilespmem:s28+$0x10100];
	v58 =	vmul.f32 v62, v13;
	v40 =	vadd.f32 v60, v40  }
0x648: {  	v44 =	vld [tilespmem:s29+$0x10100];
	v62 =	vmul.f32 v62, v62;
	v52 =	vmul.f32 v45, v14;
	v33 =	vadd.f32 v53, v33  }
0x649: {  	s31 =	sor.u32 $0x460, s20;
	v60 =	vmul.f32 v57, v15;
	v57 =	vmul.f32 v57, v57;
	v40 =	vadd.f32 v63, v40  }
0x64a: {  	v61 =	vld [tilespmem:s31+$0x10100];
	v41 =	vmul.f32 v55, v55;
	v48 =	vmul.f32 v59, v59;
	v33 =	vadd.f32 v56, v33  }
0x64b: {  	v53 =	vld [tilespmem:s16+$0x20];
	v63 =	vmul.f32 v55, v5;
	v55 =	vmul.f32 v59, v5;
	v40 =	vadd.f32 v54, v40  }
0x64c: {  	v56 =	vmul.f32 v37, v16;
	v38 =	vadd.f32 v41, v38;
	v33 =	vadd.f32 v50, v33  }
0x64d: {  	v49 =	vld [tilespmem:s11+$0x30];
	v59 =	vmul.f32 v44, v17;
	v39 =	vadd.f32 v48, v39;
	v40 =	vadd.f32 v58, v40  }
0x64e: {  	s1 =	sor.u32 $0x470, s20;
	v51 =	vld [tilespmem:s16+$0x50];
	v54 =	vmul.f32 v45, v45;
	v35 =	vadd.f32 v63, v35;
	v33 =	vadd.f32 v62, v33  }
0x64f: {  	v50 =	vld [tilespmem:s1+$0x10100];
	v63 =	vmul.f32 v61, v18;
	v41 =	vadd.f32 v55, v42;
	v40 =	vadd.f32 v52, v40  }
0x650: {  	v42 =	vld [tilespmem:s16+$0x30];
	v55 =	vmul.f32 v61, v61;
	v58 =	vmul.f32 v53, v5;
	v33 =	vadd.f32 v54, v33  }
0x651: {  	v26 =	vmul.f32 v53, v53;
	v53 =	vmul.f32 v44, v44;
	v44 =	vld [tilespmem:s12+$0x40];
	v24 =	vadd.f32 v60, v40  }
0x652: {  	v62 =	vmul.f32 v37, v37;
	v36 =	vadd.f32 v58, v43;
	v60 =	vld [tilespmem:s12+$0x30];
	v33 =	vadd.f32 v57, v33  }
0x653: {  	v43 =	vmul.f32 v51, v51;
	v40 =	vmul.f32 v49, v49;
	v24 =	vadd.f32 v56, v24  }
0x654: {  	v58 =	vld [tilespmem:s11+$0x40];
	v54 =	vmul.f32 v50, v6;
	v57 =	vadd.f32 v26, v47;
	v33 =	vadd.f32 v62, v33  }
0x655: {  	v52 =	vld [tilespmem:s16+$0x40];
	v62 =	vmul.f32 v50, v50;
	v39 =	vadd.f32 v40, v39;
	v24 =	vadd.f32 v59, v24  }
0x656: {  	v50 =	vmul.f32 v44, v44;
	v33 =	vadd.f32 v53, v33;
	v59 =	vmul.f32 v42, v7  }
0x657: {  	v53 =	vmul.f32 v49, v7;
	v49 =	vld [tilespmem:s11+$0x50];
	v56 =	vmul.f32 v60, v7;
	v24 =	vadd.f32 v63, v24  }
0x658: {  	v61 =	vadd.f32 v55, v33;
	v63 =	vmul.f32 v60, v60;
	v36 =	vadd.f32 v59, v36  }
0x659: {  	v55 =	vmul.f32 v58, v8;
	v35 =	vadd.f32 v56, v35;
	v56 =	vmul.f32 v58, v58  }
0x65a: {  	v58 =	vmul.f32 v52, v52;
	v24 =	vadd.f32 v54, v24;
	v26 =	vadd.f32 v62, v61  }
0x65b: {  	v54 =	vld [tilespmem:s12+$0x50];
	v60 =	vadd.f32 v63, v38;
	v62 =	vmul.f32 v42, v42;
	v63 =	vmul.f32 v44, v8  }
0x65c: {  	v61 =	vadd.f32 v53, v41;
	v38 =	vld [tilespmem:s12+$0x60];
	v39 =	vadd.f32 v56, v39;
	v42 =	vmul.f32 v49, v49  }
0x65d: {  	v56 =	vld [tilespmem:s16+$0x70];
	v37 =	vadd.f32 v62, v57;
	v35 =	vadd.f32 v63, v35;
	v57 =	vmul.f32 v52, v8  }
0x65e: {  	v53 =	vmul.f32 v51, v9;
	v33 =	vadd.f32 v50, v60;
	v34 =	vadd.f32 v55, v61;
	v60 =	vld [tilespmem:s11+$0x60]  }
0x65f: {  	v62 =	vld [tilespmem:s16+$0x60];
	v63 =	vmul.f32 v49, v9;
	v39 =	vadd.f32 v42, v39;
	v36 =	vadd.f32 v57, v36  }
0x660: {  	s5 =	sadd.s32 s13, s7;
	v52 =	vld [tilespmem:s12+$0x70];
	v37 =	vadd.f32 v58, v37;
	v59 =	vmul.f32 v54, v9;
	v61 =	vmul.f32 v54, v54  }
0x661: {  	s7 =	sor.u32 $0x400, s5;
	v34 =	vadd.f32 v63, v34;
	v55 =	vmul.f32 v38, v10;
	v38 =	vmul.f32 v38, v38  }
0x662: {  	v63 =	vld [tilespmem:s7+$0x10100];
	v36 =	vadd.f32 v53, v36;
	v37 =	vadd.f32 v43, v37;
	v53 =	vmul.f32 v56, v11  }
0x663: {  	s4 =	sadd.s32 $0x80, s3;
	v54 =	vld [tilespmem:s11+$0x70];
	v40 =	vmul.f32 v56, v56;
	v35 =	vadd.f32 v59, v35;
	v57 =	vmul.f32 v60, v10  }
0x664: {  	s0 =	sadd.s32 $0x100, s0;
	s3 =	sor.u32 $0x400, s4;
	v33 =	vadd.f32 v61, v33;
	v58 =	vmul.f32 v60, v60;
	v60 =	vmul.f32 v62, v10  }
0x665: {  	s6 =	sor.u32 $0x400, s0;
	v59 =	vld [tilespmem:s3+$0x10100];
	v45 =	vmul.f32 v62, v62;
	v62 =	vmul.f32 v52, v11;
	v35 =	vadd.f32 v55, v35  }
0x666: {  	s8 =	sor.u32 $0x410, s4;
	v61 =	vld [tilespmem:s6+$0x10100];
	v44 =	vmul.f32 v52, v52;
	v33 =	vadd.f32 v38, v33;
	v34 =	vadd.f32 v57, v34  }
0x667: {  	v52 =	vld [tilespmem:s8+$0x10100];
	v39 =	vadd.f32 v58, v39;
	v36 =	vadd.f32 v60, v36;
	v57 =	vmul.f32 v63, v12  }
0x668: {  	s10 =	sor.u32 $0x410, s5;
	v37 =	vadd.f32 v45, v37;
	v60 =	vmul.f32 v63, v63;
	v50 =	vmul.f32 v54, v11  }
0x669: {  	v41 =	vld [tilespmem:s10+$0x10100];
	v51 =	vmul.f32 v54, v54;
	v35 =	vadd.f32 v62, v35;
	v33 =	vadd.f32 v44, v33  }
0x66a: {  	s11 =	sor.u32 $0x420, s4;
	v36 =	vadd.f32 v53, v36;
	v37 =	vadd.f32 v40, v37;
	v54 =	vmul.f32 v59, v12  }
0x66b: {  	s9 =	sor.u32 $0x410, s0;
	v58 =	vld [tilespmem:s11+$0x10100];
	v34 =	vadd.f32 v50, v34;
	v55 =	vmul.f32 v59, v59;
	v56 =	vmul.f32 v61, v12  }
0x66c: {  	s13 =	sor.u32 $0x420, s5;
	v44 =	vld [tilespmem:s9+$0x10100];
	v39 =	vadd.f32 v51, v39;
	v59 =	vmul.f32 v61, v61;
	v61 =	vmul.f32 v52, v13  }
0x66d: {  	s14 =	sor.u32 $0x430, s4;
	v40 =	vld [tilespmem:s13+$0x10100];
	v62 =	vmul.f32 v52, v52;
	v35 =	vadd.f32 v57, v35;
	v33 =	vadd.f32 v60, v33  }
0x66e: {  	s2 =	sor.u32 $0x470, s5;
	v53 =	vld [tilespmem:s14+$0x10100];
	v52 =	vmul.f32 v41, v13;
	v34 =	vadd.f32 v54, v34;
	v38 =	vadd.f32 v55, v39  }
0x66f: {  	s12 =	sor.u32 $0x420, s0;
	v41 =	vmul.f32 v41, v41;
	v51 =	vld [tilespmem:s2+$0x10100];
	v36 =	vadd.f32 v56, v36;
	v37 =	vadd.f32 v59, v37  }
0x670: {  	s15 =	sor.u32 $0x430, s0;
	v39 =	vld [tilespmem:s12+$0x10100];
	v57 =	vmul.f32 v58, v14;
	v58 =	vmul.f32 v58, v58;
	v35 =	vadd.f32 v52, v35  }
0x671: {  	s16 =	sor.u32 $0x430, s5;
	v55 =	vld [tilespmem:s15+$0x10100];
	v33 =	vadd.f32 v41, v33;
	v63 =	vmul.f32 v44, v13;
	v34 =	vadd.f32 v61, v34  }
0x672: {  	s19 =	sor.u32 $0x440, s0;
	v56 =	vld [tilespmem:s16+$0x10100];
	v54 =	vmul.f32 v44, v44;
	v38 =	vadd.f32 v62, v38;
	v60 =	vmul.f32 v40, v14  }
0x673: {  	s20 =	sor.u32 $0x440, s5;
	v43 =	vld [tilespmem:s19+$0x10100];
	v40 =	vmul.f32 v40, v40;
	v62 =	vmul.f32 v53, v15;
	v36 =	vadd.f32 v63, v36  }
0x674: {  	v41 =	vld [tilespmem:s20+$0x10100];
	v46 =	vmul.f32 v51, v51;
	v37 =	vadd.f32 v54, v37;
	v34 =	vadd.f32 v57, v34  }
0x675: {  	s18 =	sor.u32 $0x440, s4;
	v38 =	vadd.f32 v58, v38;
	v63 =	vmul.f32 v53, v53;
	v59 =	vmul.f32 v39, v14  }
0x676: {  	v61 =	vld [tilespmem:s18+$0x10100];
	v35 =	vadd.f32 v60, v35;
	v39 =	vmul.f32 v39, v39;
	v52 =	vmul.f32 v55, v15  }
0x677: {  	v33 =	vadd.f32 v40, v33;
	v53 =	vmul.f32 v56, v15;
	v42 =	vmul.f32 v55, v55  }
0x678: {  	s22 =	sor.u32 $0x450, s4;
	v44 =	vmul.f32 v56, v56;
	v34 =	vadd.f32 v62, v34;
	v38 =	vadd.f32 v63, v38  }
0x679: {  	s24 =	sor.u32 $0x450, s5;
	v54 =	vld [tilespmem:s22+$0x10100];
	v60 =	vmul.f32 v41, v16;
	v63 =	vmul.f32 v43, v43;
	v36 =	vadd.f32 v59, v36  }
0x67a: {  	s23 =	sor.u32 $0x450, s0;
	v40 =	vld [tilespmem:s24+$0x10100];
	v47 =	vmul.f32 v41, v41;
	v37 =	vadd.f32 v39, v37;
	v35 =	vadd.f32 v53, v35  }
0x67b: {  	(xrf2) =	vadd.scan.msk.f32 $0xffff, v32;
	v55 =	vld [tilespmem:s23+$0x10100];
	v56 =	vmul.f32 v61, v16;
	v57 =	vmul.f32 v61, v61;
	v58 =	vadd.f32 v44, v33  }
0x67c: {  	(xrf2) =	vadd.scan.msk.f32 $0xffff, v25;
	s28 =	sor.u32 $0x460, s5;
	v59 =	vmul.f32 v43, v16;
	v36 =	vadd.f32 v52, v36;
	v37 =	vadd.f32 v42, v37  }
0x67d: {  	(xrf2) =	vadd.scan.msk.f32 $0xffff, v27;
	s26 =	sor.u32 $0x460, s4;
	v45 =	vld [tilespmem:s28+$0x10100];
	v44 =	vmul.f32 v51, v6;
	v62 =	vadd.f32 v56, v34;
	v38 =	vadd.f32 v57, v38  }
0x67e: {  	(xrf2) =	vadd.scan.msk.f32 $0xffff, v31;
	v61 =	vld [tilespmem:s26+$0x10100];
	v35 =	vadd.f32 v60, v35;
	v49 =	vmul.f32 v54, v17;
	v50 =	vmul.f32 v54, v54  }
0x67f: {  	(xrf2) =	vadd.scan.msk.f32 $0xffff, v30;
	s1 =	sor.u32 $0x470, s4;
	v27 =	vadd.f32 v47, v58;
	v53 =	vmul.f32 v40, v17;
	v57 =	vmul.f32 v40, v40  }
0x680: {  	s29 =	sor.u32 $0x460, s0;
	(xrf2) =	vadd.scan.msk.f32 $0xffff, v29;
	v56 =	vld [tilespmem:s1+$0x10100];
	v52 =	vmul.f32 v55, v17;
	v33 =	vadd.f32 v59, v36;
	v34 =	vadd.f32 v63, v37  }
0x681: {  	(xrf2) =	vadd.scan.msk.f32 $0xffff, v24;
	v54 =	vmul.f32 v55, v55;
	v36 =	vld [tilespmem:s29+$0x10100];
	v25 =	vadd.f32 v49, v62;
	v55 =	vadd.f32 v50, v38  }
0x682: {  	s0 =	sor.u32 $0x470, s0;
	(xrf2) =	vadd.scan.msk.f32 $0xffff, v26;
	v32 =	vadd.f32 v53, v35;
	v59 =	vmul.f32 v45, v18;
	v24 =	vadd.f32 v57, v27  }
0x683: {  	v60 =	vld [tilespmem:s0+$0x10100];
	v62 =	vmul.f32 v45, v45;
	v58 =	vmul.f32 v61, v18;
	v30 =	vadd.f32 v52, v33  }
0x684: {  	v61 =	vmul.f32 v61, v61;
	v29 =	vadd.f32 v54, v34;
	v32 =	vadd.f32 v59, v32  }
0x685: {  	v45, _, _ =	vpop (xrf2);
	v24 =	vadd.f32 v62, v24;
	v25 =	vadd.f32 v58, v25;
	v48 =	vmul.f32 v56, v6  }
0x686: {  	v47, _, _ =	vpop (xrf2);
	v27 =	vadd.f32 v61, v55;
	v32 =	vadd.f32 v44, v32;
	v63 =	vmul.f32 v36, v18  }
0x687: {  	v49, _, _ =	vpop (xrf2);
	v50 =	vmul.f32 v56, v56;
	v24 =	vadd.f32 v46, v24;
	v36 =	vmul.f32 v36, v36  }
0x688: {  	v51, _, _ =	vpop (xrf2);
	v52 =	vmul.f32 v60, v6;
	v25 =	vadd.f32 v48, v25;
	(xrf2) =	vadd.scan.msk.f32 $0xffff, v32;
	v30 =	vadd.f32 v63, v30  }
0x689: {  	v34 =	vmul.f32 v60, v60;
	v53, _, _ =	vpop (xrf2);
	v27 =	vadd.f32 v50, v27;
	v29 =	vadd.f32 v36, v29;
	(xrf2) =	vadd.scan.msk.f32 $0xffff, v24  }
0x68a: {  	[tilespmem:v19+s21+$0x0] =	vst.idx.msk vm1, v21;
	v19 =	vbroadcast v23, $0x0;
	v54, _, _ =	vpop (xrf2);
	(xrf2) =	vadd.scan.msk.f32 $0xffff, v25;
	v55 =	vadd.f32 v52, v30  }
0x68b: {  	v57 =	vmov s17;
	[tilespmem:v28+s25+$0x0] =	vst.idx.msk vm1, v45;
	v56, _, _ =	vpop (xrf2);
	v29 =	vadd.f32 v34, v29;
	(xrf2) =	vadd.scan.msk.f32 $0xffff, v27  }
0x68c: {  	s30 =	sadd.s32 $0x1, s17;
	[tilespmem:v20+s25+$0x0] =	vst.idx.msk vm1, v56;
	v58, _, _ =	vpop (xrf2);
	v25 =	vand.u32 $0xFFFFFFFC, v57;
	(xrf2) =	vadd.scan.msk.f32 $0xffff, v55  }
0x68d: {  	v59 =	vmov s30;
	[tilespmem:v20+s21+$0x0] =	vst.idx.msk vm1, v58;
	v20 =	vbroadcast v25, $0x0;
	(xrf2) =	vadd.scan.msk.f32 $0xffff, v29  }
0x68e: {  	s31 =	sadd.s32 $0x2, s17;
	[tilespmem:v28+s21+$0x0] =	vst.idx.msk vm1, v47;
	v23 =	vand.u32 $0xFFFFFFFD, v59  }
0x68f: {  	v60 =	vmov s31;
	[tilespmem:v22+s25+$0x0] =	vst.idx.msk vm1, v49;
	v23 =	vbroadcast v23, $0x0  }
0x690: {  	[tilespmem:v22+s21+$0x0] =	vst.idx.msk vm1, v51;
	v61 =	vand.u32 $0xFFFFFFFE, v60  }
0x691: {  	[tilespmem:v19+s25+$0x0] =	vst.idx.msk vm1, v53;
	v22 =	vbroadcast v61, $0x0  }
0x692: {  	[tilespmem:v19+s21+$0x0] =	vst.idx.msk vm1, v54;
	v62, _, _ =	vpop (xrf2)  }
0x693: {  	v19, _, _ =	vpop (xrf2);
	[tilespmem:v20+s25+$0x0] =	vst.idx.msk vm1, v62  }
.Ltmp10:
0x694: {  	v63, _, _ =	vpop (xrf2);
	[tilespmem:v20+s21+$0x0] =	vst.idx.msk vm1, v19;
	(pc) =	sbr.rel @p0 .LBB2_15-.Ltmp10, $4  }
0x695: {  	v19, _, _ =	vpop (xrf2);
	[tilespmem:v23+s25+$0x0] =	vst.idx.msk vm1, v63  }
0x696: {  	[tilespmem:v23+s21+$0x0] =	vst.idx.msk vm1, v19;
	v20, _, _ =	vpop (xrf2)  }
0x697: {  	v19, _, _ =	vpop (xrf2);
	[tilespmem:v22+s25+$0x0] =	vst.idx.msk vm1, v20  }
0x698: {  	[tilespmem:v22+s21+$0x0] =	vst.idx.msk vm1, v19  }
0x699: {  	s0 =	rddreg [dreg:$0x15]  }
0x69a: {  	s0 =	smul.u32 $0x640, s0;
	_ =	sdelay $0x1  }
0x69b: {  	s0 =	sshra.s32 s0, $0x2  }
0x69c: {  	v19 =	vld [tilespmem:s0+$0x258];
	_ =	sdelay $0x4  }
0x69d: {  	v20 =	vshll.u32 v19, $0x1  }
0x69e: {  	v19 =	vand.u32 $0x7, v19;
	v20 =	vand.u32 $0xFFFFFFF0, v20  }
0x69f: {  	v19 =	vor.u32 v19, v20  }
0x6a0: {  	v20 =	vperm.xlane v19, v0;
	_ =	sdelay $0x1  }
0x6a1: {  	v19 =	vperm.xlane v19, v2;
	v20 =	vadd.s32 v1, v20;
	_ =	sdelay $0x1  }
0x6a2: {  	v19 =	vadd.s32 v1, v19;
	_ =	sdelay $0x1  }
0x6a3: {  	s1 =	rddreg [dreg:$0x2];
	s2 =	simm.s32 $0x0;
	s3 =	simm.s32 $0x10100  }
0x6a4: {  	[tilespmem:s3], [sflag:$0x3] =	stream.indirect_vreg.gather [hbm4b:s1+s2], $0x80, v20, vm0, $0xb8;
	[tilespmem:$0x1CD00] =	vst v63  }
0x6a5: {  	s17 =	simm.s32 $0x10900  }
0x6a6: {  	[tilespmem:s17], [sflag:$0x3] =	stream.indirect_vreg.gather [hbm4b:s1+s2], $0x80, v19, vm0, $0xb8;
	[tilespmem:$0x1CD00] =	vst v63  }
0x6a7: {  	v19 =	vld [tilespmem:s0+$0x268];
	_ =	sdelay $0x4  }
0x6a8: {  	v20 =	vshll.u32 v19, $0x1  }
0x6a9: {  	v19 =	vand.u32 $0x7, v19;
	v20 =	vand.u32 $0xFFFFFFF0, v20  }
0x6aa: {  	v19 =	vor.u32 v19, v20  }
0x6ab: {  	v20 =	vperm.xlane v19, v0;
	_ =	sdelay $0x1  }
0x6ac: {  	v19 =	vperm.xlane v19, v2;
	v20 =	vadd.s32 v1, v20;
	_ =	sdelay $0x1  }
0x6ad: {  	v19 =	vadd.s32 v1, v19;
	_ =	sdelay $0x1  }
0x6ae: {  	s18 =	simm.s32 $0x11100  }
0x6af: {  	[tilespmem:s18], [sflag:$0x3] =	stream.indirect_vreg.gather [hbm4b:s1+s2], $0x80, v20, vm0, $0xb8;
	[tilespmem:$0x1CD00] =	vst v63  }
0x6b0: {  	s19 =	simm.s32 $0x11900  }
0x6b1: {  	[tilespmem:s19], [sflag:$0x3] =	stream.indirect_vreg.gather [hbm4b:s1+s2], $0x80, v19, vm0, $0xb8;
	[tilespmem:$0x1CD00] =	vst v63  }
0x6b2: {  	v19 =	vld [tilespmem:s0+$0x278];
	_ =	sdelay $0x4  }
0x6b3: {  	v20 =	vshll.u32 v19, $0x1  }
0x6b4: {  	v19 =	vand.u32 $0x7, v19;
	v20 =	vand.u32 $0xFFFFFFF0, v20  }
0x6b5: {  	v19 =	vor.u32 v19, v20  }
0x6b6: {  	v20 =	vperm.xlane v19, v0;
	_ =	sdelay $0x1  }
0x6b7: {  	v19 =	vperm.xlane v19, v2;
	v20 =	vadd.s32 v1, v20;
	_ =	sdelay $0x1  }
0x6b8: {  	v19 =	vadd.s32 v1, v19;
	_ =	sdelay $0x1  }
0x6b9: {  	s20 =	simm.s32 $0x12100  }
0x6ba: {  	[tilespmem:s20], [sflag:$0x3] =	stream.indirect_vreg.gather [hbm4b:s1+s2], $0x80, v20, vm0, $0xb8;
	[tilespmem:$0x1CD00] =	vst v63  }
0x6bb: {  	s22 =	simm.s32 $0x12900  }
0x6bc: {  	[tilespmem:s22], [sflag:$0x3] =	stream.indirect_vreg.gather [hbm4b:s1+s2], $0x80, v19, vm0, $0xb8;
	[tilespmem:$0x1CD00] =	vst v63  }
0x6bd: {  	v19 =	vld [tilespmem:s0+$0x288];
	_ =	sdelay $0x4  }
0x6be: {  	v20 =	vshll.u32 v19, $0x1  }
0x6bf: {  	v19 =	vand.u32 $0x7, v19;
	v20 =	vand.u32 $0xFFFFFFF0, v20  }
0x6c0: {  	v19 =	vor.u32 v19, v20  }
0x6c1: {  	v20 =	vperm.xlane v19, v0;
	_ =	sdelay $0x1  }
0x6c2: {  	v19 =	vperm.xlane v19, v2;
	v20 =	vadd.s32 v1, v20;
	_ =	sdelay $0x1  }
0x6c3: {  	v19 =	vadd.s32 v1, v19;
	_ =	sdelay $0x1  }
0x6c4: {  	s23 =	simm.s32 $0x13100  }
0x6c5: {  	[tilespmem:s23], [sflag:$0x3] =	stream.indirect_vreg.gather [hbm4b:s1+s2], $0x80, v20, vm0, $0xb8;
	[tilespmem:$0x1CD00] =	vst v63  }
0x6c6: {  	s24 =	simm.s32 $0x13900  }
0x6c7: {  	[tilespmem:s24], [sflag:$0x3] =	stream.indirect_vreg.gather [hbm4b:s1+s2], $0x80, v19, vm0, $0xb8;
	[tilespmem:$0x1CD00] =	vst v63  }
0x6c8: {  	v19 =	vld [tilespmem:s0+$0x298];
	_ =	sdelay $0x4  }
0x6c9: {  	v20 =	vshll.u32 v19, $0x1  }
0x6ca: {  	v19 =	vand.u32 $0x7, v19;
	v20 =	vand.u32 $0xFFFFFFF0, v20  }
0x6cb: {  	v19 =	vor.u32 v19, v20  }
0x6cc: {  	v20 =	vperm.xlane v19, v0;
	_ =	sdelay $0x1  }
0x6cd: {  	v19 =	vperm.xlane v19, v2;
	v20 =	vadd.s32 v1, v20;
	_ =	sdelay $0x1  }
0x6ce: {  	v19 =	vadd.s32 v1, v19;
	_ =	sdelay $0x1  }
0x6cf: {  	s26 =	simm.s32 $0x14100  }
0x6d0: {  	[tilespmem:s26], [sflag:$0x3] =	stream.indirect_vreg.gather [hbm4b:s1+s2], $0x80, v20, vm0, $0xb8;
	[tilespmem:$0x1CD00] =	vst v63  }
0x6d1: {  	s28 =	simm.s32 $0x14900  }
0x6d2: {  	[tilespmem:s28], [sflag:$0x3] =	stream.indirect_vreg.gather [hbm4b:s1+s2], $0x80, v19, vm0, $0xb8;
	[tilespmem:$0x1CD00] =	vst v63  }
0x6d3: {  	v19 =	vld [tilespmem:s0+$0x2A8];
	_ =	sdelay $0x4  }
0x6d4: {  	v20 =	vshll.u32 v19, $0x1  }
0x6d5: {  	v19 =	vand.u32 $0x7, v19;
	v20 =	vand.u32 $0xFFFFFFF0, v20  }
0x6d6: {  	v19 =	vor.u32 v19, v20  }
0x6d7: {  	v20 =	vperm.xlane v19, v0;
	_ =	sdelay $0x1  }
0x6d8: {  	v19 =	vperm.xlane v19, v2;
	v20 =	vadd.s32 v1, v20;
	_ =	sdelay $0x1  }
0x6d9: {  	v19 =	vadd.s32 v1, v19;
	_ =	sdelay $0x1  }
0x6da: {  	s29 =	simm.s32 $0x15100  }
0x6db: {  	[tilespmem:s29], [sflag:$0x3] =	stream.indirect_vreg.gather [hbm4b:s1+s2], $0x80, v20, vm0, $0xb8;
	[tilespmem:$0x1CD00] =	vst v63  }
0x6dc: {  	s30 =	simm.s32 $0x15900  }
0x6dd: {  	[tilespmem:s30], [sflag:$0x3] =	stream.indirect_vreg.gather [hbm4b:s1+s2], $0x80, v19, vm0, $0xb8;
	[tilespmem:$0x1CD00] =	vst v63  }
0x6de: {  	v19 =	vld.msk [tilespmem:s0+$0x2B8], $0xff;
	_ =	sdelay $0x4  }
0x6df: {  	v20 =	vshll.u32 v19, $0x1  }
0x6e0: {  	v19 =	vand.u32 $0x7, v19;
	v20 =	vand.u32 $0xFFFFFFF0, v20  }
0x6e1: {  	v19 =	vor.u32 v19, v20  }
0x6e2: {  	v19 =	vperm.xlane v19, v0;
	_ =	sdelay $0x1  }
0x6e3: {  	v19 =	vadd.s32 v1, v19;
	_ =	sdelay $0x3  }
0x6e4: {  	s31 =	simm.s32 $0x16100  }
0x6e5: {  	[tilespmem:s31], [sflag:$0x3] =	stream.indirect_vreg.gather [hbm4b:s1+s2], $0x80, v19, vm0, $0xb8;
	[tilespmem:$0x1CD00] =	vst v63  }
.LBB2_15:
0x6e6: {  	s2 =	simm.s32 $0x4  }
0x6e7: {  	s0 =	simm.s32 $0x0;
	_ =	swait.ge [sflag:s2], $0x6000  }
0x6e8: {  	s1 =	sand.u32 $0x7800, s0;
	s0 =	sand.u32 $0x200, s0;
	[sflag:s2] =	ssyncset.done $0x0  }
0x6e9: {  	s0 =	sor.u32 s0, s1;
	[sflag:s2] =	ssyncadd.s32 $0xFFFFA000  }
0x6ea: {  	v19 =	vld [tilespmem:s0+$0x16900];
	s0 =	sadd.s32 $0x16900, s0  }
0x6eb: {  	v20 =	vld [tilespmem:s0+$0x180]  }
0x6ec: {  	v21 =	vld [tilespmem:s0+$0x190]  }
0x6ed: {  	v22 =	vld [tilespmem:s0+$0x10]  }
0x6ee: {  	v23 =	vld [tilespmem:s0+$0x1A0]  }
0x6ef: {  	v24 =	vld [tilespmem:s0+$0x80]  }
0x6f0: {  	v26 =	vld [tilespmem:s0+$0x1B0]  }
0x6f1: {  	v27 =	vld [tilespmem:s0+$0x90]  }
0x6f2: {  	v32 =	vld [tilespmem:s0+$0x100];
	v25 =	vmul.f32 v19, v3;
	v19 =	vmul.f32 v19, v19  }
0x6f3: {  	v34 =	vld [tilespmem:s0+$0x110];
	v28 =	vmul.f32 v20, v3;
	v29 =	vmul.f32 v21, v4  }
0x6f4: {  	v38 =	vld [tilespmem:s0+$0x20];
	v30 =	vmul.f32 v22, v4;
	v22 =	vmul.f32 v22, v22  }
0x6f5: {  	v39 =	vld [tilespmem:s0+$0x30];
	v20 =	vmul.f32 v20, v20;
	v21 =	vmul.f32 v21, v21  }
0x6f6: {  	v58 =	vld [tilespmem:s0+$0xB0];
	v33 =	vmul.f32 v24, v3;
	v24 =	vmul.f32 v24, v24  }
0x6f7: {  	v60 =	vld [tilespmem:s0+$0xC0];
	v35 =	vmul.f32 v27, v4;
	v27 =	vmul.f32 v27, v27  }
0x6f8: {  	v31 =	vld [tilespmem:s0+$0x1C0];
	v36 =	vmul.f32 v32, v3;
	v32 =	vmul.f32 v32, v32  }
0x6f9: {  	v62 =	vld [tilespmem:s0+$0x140];
	v37 =	vmul.f32 v34, v4;
	v34 =	vmul.f32 v34, v34  }
0x6fa: {  	v43 =	vld [tilespmem:s0+$0x160];
	v53 =	vmul.f32 v38, v5;
	v54 =	vmul.f32 v38, v38  }
0x6fb: {  	v47 =	vld [tilespmem:s0+$0xF0];
	v59 =	vmul.f32 v39, v7;
	v61 =	vmul.f32 v58, v7  }
0x6fc: {  	v38 =	vmul.f32 v60, v8;
	v28 =	vadd.f32 v29, v28;
	v29 =	vmul.f32 v23, v5  }
0x6fd: {  	p2 =	por $0x0, $0x0;
	s1 =	simm.s32 $0x1;
	v25 =	vadd.f32 v30, v25;
	v30 =	vld [tilespmem:s0+$0x1D0];
	v20 =	vadd.f32 v21, v20;
	v21 =	vmul.f32 v23, v23  }
0x6fe: {  	s1 =	simm.s32 @!p2 $0x0;
	v40 =	vmul.f32 v62, v8;
	v28 =	vadd.f32 v29, v28;
	v29 =	vmul.f32 v26, v7  }
0x6ff: {  	s1 =	sshll.u32 s1, $0x9;
	v48 =	vmul.f32 v43, v10;
	v23 =	vld [tilespmem:s0+$0x1E0];
	v20 =	vadd.f32 v21, v20;
	v21 =	vmul.f32 v26, v26  }
0x700: {  	s6 =	sadd.s32 $0x0, s1;
	v50 =	vmul.f32 v47, v11;
	v28 =	vadd.f32 v29, v28;
	v29 =	vmul.f32 v31, v8  }
0x701: {  	s1 =	sadd.s32 $0x180, s6;
	v19 =	vadd.f32 v22, v19;
	v26 =	vld [tilespmem:s0+$0x1F0];
	v20 =	vadd.f32 v21, v20;
	v21 =	vmul.f32 v31, v31  }
0x702: {  	s10 =	sor.u32 $0x400, s1;
	v33 =	vadd.f32 v35, v33;
	v28 =	vadd.f32 v29, v28;
	v29 =	vmul.f32 v30, v9  }
0x703: {  	v24 =	vadd.f32 v27, v24;
	v31 =	vld [tilespmem:s10+$0x16900];
	v20 =	vadd.f32 v21, v20;
	v21 =	vmul.f32 v30, v30  }
0x704: {  	s11 =	sor.u32 $0x410, s1;
	v22 =	vld [tilespmem:s0+$0xA0];
	v52 =	vadd.f32 v37, v36;
	v28 =	vadd.f32 v29, v28;
	v29 =	vmul.f32 v23, v10  }
0x705: {  	v32 =	vadd.f32 v34, v32;
	v30 =	vld [tilespmem:s11+$0x16900];
	v20 =	vadd.f32 v21, v20;
	v21 =	vmul.f32 v23, v23  }
0x706: {  	s12 =	sor.u32 $0x420, s1;
	v27 =	vld [tilespmem:s0+$0x120];
	v34 =	vmul.f32 v43, v43;
	v28 =	vadd.f32 v29, v28;
	v29 =	vmul.f32 v26, v11  }
0x707: {  	v25 =	vadd.f32 v53, v25;
	v23 =	vld [tilespmem:s12+$0x16900];
	v20 =	vadd.f32 v21, v20;
	v21 =	vmul.f32 v26, v26  }
0x708: {  	v46 =	vld [tilespmem:s0+$0x70];
	s13 =	sor.u32 $0x430, s1;
	v57 =	vadd.f32 v54, v19;
	v28 =	vadd.f32 v29, v28;
	v29 =	vmul.f32 v31, v12  }
0x709: {  	s28 =	sor.u32 $0x410, s6;
	v25 =	vadd.f32 v59, v25;
	v26 =	vld [tilespmem:s13+$0x16900];
	v20 =	vadd.f32 v21, v20;
	v21 =	vmul.f32 v31, v31  }
0x70a: {  	s14 =	sor.u32 $0x440, s1;
	v54 =	vld [tilespmem:s28+$0x16900];
	v55 =	vmul.f32 v22, v5;
	v28 =	vadd.f32 v29, v28;
	v29 =	vmul.f32 v30, v13  }
0x70b: {  	s15 =	sor.u32 $0x450, s1;
	v22 =	vmul.f32 v22, v22;
	v31 =	vld [tilespmem:s14+$0x16900];
	v20 =	vadd.f32 v21, v20;
	v21 =	vmul.f32 v30, v30  }
0x70c: {  	s16 =	sor.u32 $0x460, s1;
	v56 =	vmul.f32 v27, v5;
	v30 =	vld [tilespmem:s15+$0x16900];
	v28 =	vadd.f32 v29, v28;
	v29 =	vmul.f32 v23, v14  }
0x70d: {  	s18 =	sadd.s32 $0x80, s6;
	v27 =	vmul.f32 v27, v27;
	v20 =	vadd.f32 v21, v20;
	v21 =	vmul.f32 v23, v23;
	v23 =	vld [tilespmem:s16+$0x16900]  }
0x70e: {  	s20 =	sor.u32 $0x400, s18;
	v22 =	vadd.f32 v22, v24;
	v28 =	vadd.f32 v29, v28;
	v29 =	vmul.f32 v26, v15  }
0x70f: {  	v49 =	vld [tilespmem:s20+$0x16900];
	v27 =	vadd.f32 v27, v32;
	v20 =	vadd.f32 v21, v20;
	v21 =	vmul.f32 v26, v26  }
0x710: {  	v32 =	vmul.f32 v46, v46;
	v28 =	vadd.f32 v29, v28;
	v29 =	vmul.f32 v31, v16  }
0x711: {  	s1 =	sor.u32 $0x470, s1;
	v59 =	vmul.f32 v54, v13;
	v20 =	vadd.f32 v21, v20;
	v21 =	vmul.f32 v31, v31;
	v31 =	vld [tilespmem:s0+$0x130]  }
0x712: {  	v26 =	vld [tilespmem:s1+$0x16900];
	v24 =	vmul.f32 v23, v18;
	v19 =	vadd.f32 v29, v28;
	v28 =	vmul.f32 v30, v17  }
0x713: {  	v29 =	vadd.f32 v55, v33;
	v20 =	vadd.f32 v21, v20;
	v21 =	vmul.f32 v30, v30;
	v30 =	vld [tilespmem:s0+$0x40]  }
0x714: {  	v55 =	vmul.f32 v49, v49;
	v33 =	vmul.f32 v54, v54;
	v19 =	vadd.f32 v28, v19  }
0x715: {  	s19 =	sadd.s32 $0x100, s6;
	v20 =	vadd.f32 v21, v20;
	v21 =	vmul.f32 v23, v23;
	v23 =	vmul.f32 v39, v39  }
0x716: {  	s26 =	sor.u32 $0x410, s19;
	v28 =	vadd.f32 v56, v52;
	v63 =	vmul.f32 v31, v7;
	v31 =	vmul.f32 v31, v31  }
0x717: {  	s24 =	sor.u32 $0x410, s18;
	v53 =	vld [tilespmem:s26+$0x16900];
	v19 =	vadd.f32 v24, v19;
	v24 =	vmul.f32 v26, v6;
	v20 =	vadd.f32 v21, v20  }
0x718: {  	v52 =	vld [tilespmem:s24+$0x16900];
	v21 =	vmul.f32 v26, v26;
	v23 =	vadd.f32 v23, v57;
	v37 =	vmul.f32 v30, v8  }
0x719: {  	v26 =	vld [tilespmem:s0+$0x50];
	v30 =	vmul.f32 v30, v30;
	v27 =	vadd.f32 v31, v27;
	v19 =	vadd.f32 v24, v19  }
0x71a: {  	v24 =	vmul.f32 v58, v58;
	v21 =	vadd.f32 v21, v20;
	v20 =	vadd.f32 v61, v29  }
0x71b: {  	v39 =	vmul.f32 v60, v60;
	v29 =	vld [tilespmem:s0+$0xD0];
	v25 =	vadd.f32 v37, v25;
	v23 =	vadd.f32 v30, v23  }
0x71c: {  	v58 =	vmul.f32 v53, v13;
	v22 =	vadd.f32 v24, v22;
	v24 =	vadd.f32 v63, v28;
	v28 =	vld [tilespmem:s0+$0x150]  }
0x71d: {  	s5 =	sor.u32 $0x430, s6;
	v31 =	vld [tilespmem:s0+$0x60];
	v57 =	vmul.f32 v52, v13;
	v30 =	vadd.f32 v38, v20;
	v20 =	vmul.f32 v62, v62  }
0x71e: {  	s17 =	simm.s32 $0x6B;
	v62 =	vld [tilespmem:s5+$0x16900];
	v41 =	vmul.f32 v26, v9;
	v26 =	vmul.f32 v26, v26;
	v22 =	vadd.f32 v39, v22  }
0x71f: {  	v42 =	vld [tilespmem:s0+$0xE0];
	s3 =	sor.u32 $0x430, s18;
	v24 =	vadd.f32 v40, v24;
	v27 =	vadd.f32 v20, v27;
	v20 =	vmov s17  }
0x720: {  	v60 =	vld [tilespmem:s3+$0x16900];
	v44 =	vmul.f32 v29, v9;
	v29 =	vmul.f32 v29, v29;
	v25 =	vadd.f32 v41, v25  }
0x721: {  	v23 =	vadd.f32 v26, v23;
	v45 =	vmul.f32 v28, v9;
	v26 =	vmul.f32 v28, v28  }
0x722: {  	v28 =	vmul.f32 v31, v10;
	v30 =	vadd.f32 v44, v30;
	v22 =	vadd.f32 v29, v22  }
0x723: {  	v29 =	vmul.f32 v31, v31;
	v31 =	vld [tilespmem:s0+$0x170];
	v44 =	vmul.f32 v62, v15;
	v26 =	vadd.f32 v26, v27  }
0x724: {  	s22 =	sor.u32 $0x400, s19;
	v27 =	vmul.f32 v42, v10;
	v25 =	vadd.f32 v28, v25;
	v28 =	vmul.f32 v42, v42  }
0x725: {  	s7 =	sor.u32 $0x440, s18;
	v24 =	vadd.f32 v45, v24;
	v23 =	vadd.f32 v29, v23;
	v29 =	vld [tilespmem:s22+$0x16900];
	v42 =	vmul.f32 v60, v15  }
0x726: {  	s23 =	sor.u32 $0x400, s6;
	v41 =	vld [tilespmem:s7+$0x16900];
	v27 =	vadd.f32 v27, v30;
	v30 =	vmul.f32 v46, v11;
	v22 =	vadd.f32 v28, v22  }
0x727: {  	v24 =	vadd.f32 v48, v24;
	v28 =	vld [tilespmem:s23+$0x16900];
	v23 =	vadd.f32 v32, v23;
	v32 =	vmul.f32 v53, v53  }
0x728: {  	v26 =	vadd.f32 v34, v26;
	v51 =	vmul.f32 v31, v11;
	v31 =	vmul.f32 v31, v31  }
0x729: {  	s16 =	sor.u32 $0x470, s6;
	v25 =	vadd.f32 v30, v25;
	v30 =	vmul.f32 v47, v47;
	v27 =	vadd.f32 v50, v27  }
0x72a: {  	s10 =	sor.u32 $0x450, s18;
	(xrf2) =	vadd.scan.msk.f32 $0xffff, v19;
	v19 =	vld [tilespmem:s16+$0x16900];
	v24 =	vadd.f32 v51, v24;
	v26 =	vadd.f32 v31, v26;
	v31 =	vmul.f32 v29, v12  }
0x72b: {  	s13 =	sor.u32 $0x460, s18;
	v45 =	vld [tilespmem:s10+$0x16900];
	v29 =	vmul.f32 v29, v29;
	v22 =	vadd.f32 v30, v22;
	v30 =	vmul.f32 v49, v12  }
0x72c: {  	s30 =	sor.u32 $0x420, s19;
	v46 =	vmul.f32 v41, v16;
	v50 =	vld [tilespmem:s13+$0x16900];
	v56 =	vmul.f32 v28, v12;
	v24 =	vadd.f32 v31, v24  }
0x72d: {  	s31 =	sor.u32 $0x420, s6;
	v28 =	vmul.f32 v28, v28;
	v31 =	vld [tilespmem:s30+$0x16900];
	v26 =	vadd.f32 v29, v26;
	v27 =	vadd.f32 v30, v27  }
0x72e: {  	s29 =	sor.u32 $0x420, s18;
	v47 =	vmul.f32 v41, v41;
	v29 =	vld [tilespmem:s31+$0x16900];
	v22 =	vadd.f32 v55, v22;
	v25 =	vadd.f32 v56, v25  }
0x72f: {  	v30 =	vld [tilespmem:s29+$0x16900];
	v23 =	vadd.f32 v28, v23;
	v28 =	vmul.f32 v52, v52;
	v24 =	vadd.f32 v58, v24  }
0x730: {  	v26 =	vadd.f32 v32, v26;
	v32 =	vmul.f32 v62, v62;
	v52 =	vmul.f32 v45, v17  }
0x731: {  	s4 =	sor.u32 $0x430, s19;
	v56 =	vmul.f32 v50, v18;
	v25 =	vadd.f32 v59, v25;
	v59 =	vmul.f32 v19, v6  }
0x732: {  	v22 =	vadd.f32 v28, v22;
	v28 =	vld [tilespmem:s4+$0x16900];
	v19 =	vmul.f32 v19, v19;
	v63 =	vmul.f32 v31, v14  }
0x733: {  	v27 =	vadd.f32 v57, v27;
	v40 =	vmul.f32 v29, v14;
	v31 =	vmul.f32 v31, v31  }
0x734: {  	s14 =	sor.u32 $0x460, s19;
	v23 =	vadd.f32 v33, v23;
	v29 =	vmul.f32 v29, v29;
	v61 =	vmul.f32 v30, v14  }
0x735: {  	s9 =	sor.u32 $0x440, s6;
	v51 =	vld [tilespmem:s14+$0x16900];
	v30 =	vmul.f32 v30, v30;
	v24 =	vadd.f32 v63, v24;
	v25 =	vadd.f32 v40, v25  }
0x736: {  	s8 =	sor.u32 $0x440, s19;
	v26 =	vadd.f32 v31, v26;
	v31 =	vld [tilespmem:s9+$0x16900];
	v23 =	vadd.f32 v29, v23;
	v29 =	vmul.f32 v60, v60  }
0x737: {  	v27 =	vadd.f32 v61, v27;
	v22 =	vadd.f32 v30, v22;
	v30 =	vld [tilespmem:s8+$0x16900];
	v43 =	vmul.f32 v28, v15  }
0x738: {  	s11 =	sor.u32 $0x450, s19;
	s0 =	sor.u32 $0x470, s19;
	s19 =	simm.s32 $0x68;
	v28 =	vmul.f32 v28, v28;
	v25 =	vadd.f32 v44, v25;
	v23 =	vadd.f32 v32, v23  }
0x739: {  	s12 =	sor.u32 $0x450, s6;
	v61 =	vmov s19;
	v27 =	vadd.f32 v42, v27;
	v22 =	vadd.f32 v29, v22;
	v29 =	vld [tilespmem:s11+$0x16900]  }
0x73a: {  	v32 =	vmul.f32 v51, v51;
	v24 =	vadd.f32 v43, v24;
	v26 =	vadd.f32 v28, v26;
	v28 =	vld [tilespmem:s12+$0x16900]  }
0x73b: {  	v49 =	vmul.f32 v31, v16;
	v27 =	vadd.f32 v46, v27;
	v31 =	vmul.f32 v31, v31  }
0x73c: {  	(xrf2) =	vadd.scan.msk.f32 $0xffff, v21;
	v22 =	vadd.f32 v47, v22;
	v48 =	vmul.f32 v30, v16;
	v30 =	vmul.f32 v30, v30  }
0x73d: {  	s1 =	sor.u32 $0x470, s18;
	v25 =	vadd.f32 v49, v25;
	v23 =	vadd.f32 v31, v23;
	v31 =	vmul.f32 v45, v45  }
0x73e: {  	s15 =	sor.u32 $0x460, s6;
	v55 =	vld [tilespmem:s1+$0x16900];
	v27 =	vadd.f32 v52, v27;
	v24 =	vadd.f32 v48, v24;
	v53 =	vmul.f32 v29, v17  }
0x73f: {  	v26 =	vadd.f32 v30, v26;
	v30 =	vld [tilespmem:s15+$0x16900];
	v29 =	vmul.f32 v29, v29;
	v54 =	vmul.f32 v28, v17  }
0x740: {  	s20 =	simm.s32 $0x69;
	v28 =	vmul.f32 v28, v28;
	v22 =	vadd.f32 v31, v22;
	v31 =	vld [tilespmem:s0+$0x16900];
	v27 =	vadd.f32 v56, v27  }
0x741: {  	v47 =	vmov s20;
	v24 =	vadd.f32 v53, v24;
	v26 =	vadd.f32 v29, v26  }
0x742: {  	s18 =	simm.s32 $0x400;
	s17 =	simm.s32 $0x200;
	v29 =	vmul.f32 v51, v18;
	v48, _, _ =	vpop (xrf2);
	v23 =	vadd.f32 v28, v23;
	v28 =	vmul.f32 v50, v50  }
0x743: {  	s1 =	sand.u32 $0x7800, s18;
	v36 =	vand.u32 $0xFFFFFFFD, v47;
	s0 =	sand.u32 $0x200, s17;
	v25 =	vadd.f32 v54, v25;
	[tilespmem:v20+s25+$0x0] =	vst.idx.msk vm1, v48;
	v26 =	vadd.f32 v32, v26  }
0x744: {  	s0 =	sor.u32 s0, s1;
	v21 =	vmul.f32 v30, v18;
	v30 =	vmul.f32 v30, v30;
	v22 =	vadd.f32 v28, v22  }
0x745: {  	v28 =	vadd.f32 v29, v24;
	v29 =	vld [tilespmem:s0+$0x16900];
	s0 =	sadd.s32 $0x16900, s0;
	v24 =	vmul.f32 v55, v55;
	v57 =	vmul.f32 v31, v6  }
0x746: {  	v51, _, _ =	vpop (xrf2);
	v58 =	vld [tilespmem:s0+$0x180];
	v31 =	vmul.f32 v31, v31;
	v25 =	vadd.f32 v21, v25;
	v21 =	vmul.f32 v55, v6  }
0x747: {  	s22 =	simm.s32 $0x6A;
	[tilespmem:v20+s21+$0x0] =	vst.idx.msk vm1, v51;
	v20 =	vbroadcast v36, $0x0;
	v60 =	vld [tilespmem:s0+$0x190];
	v30 =	vadd.f32 v30, v23;
	v24 =	vadd.f32 v24, v22  }
0x748: {  	v62 =	vld [tilespmem:s0+$0x80];
	v22 =	vadd.f32 v31, v26;
	v26 =	vmov s22;
	v23 =	vadd.f32 v21, v27  }
0x749: {  	v63 =	vld [tilespmem:s0+$0x1B0];
	v27 =	vadd.f32 v59, v25;
	v25 =	vadd.f32 v19, v30;
	v19 =	vand.u32 $0xFFFFFFFC, v61  }
0x74a: {  	v49 =	vld [tilespmem:s0+$0x90];
	v26 =	vand.u32 $0xFFFFFFFE, v26;
	v30 =	vmul.f32 v29, v3;
	v29 =	vmul.f32 v29, v29  }
0x74b: {  	v42 =	vld [tilespmem:s0+$0x1C0];
	v19 =	vbroadcast v19, $0x0;
	v26 =	vbroadcast v26, $0x0  }
0x74c: {  	v52 =	vld [tilespmem:s0+$0x100];
	v50 =	vmul.f32 v58, v3;
	v40 =	vmul.f32 v60, v4  }
0x74d: {  	v54 =	vld [tilespmem:s0+$0x1D0];
	v33 =	vmul.f32 v58, v58;
	v35 =	vmul.f32 v60, v60  }
0x74e: {  	p2 =	por !p2, !p2;
	s1 =	simm.s32 $0x1;
	v43 =	vld [tilespmem:s0+$0x110];
	v55 =	vmul.f32 v62, v3;
	v56 =	vmul.f32 v63, v7  }
0x74f: {  	s1 =	simm.s32 @!p2 $0x0;
	v32 =	vmul.f32 v62, v62;
	v44 =	vmul.f32 v49, v4  }
0x750: {  	s1 =	sshll.u32 s1, $0x9;
	v31 =	vld [tilespmem:s0+$0x1A0];
	v58 =	vmul.f32 v42, v8;
	v38 =	vmul.f32 v49, v49  }
0x751: {  	s7 =	sadd.s32 $0x400, s1;
	v21 =	vadd.f32 v57, v28;
	v28 =	vld [tilespmem:s0+$0x10];
	v59 =	vmul.f32 v63, v63;
	v45 =	vmul.f32 v52, v3  }
0x752: {  	s1 =	sadd.s32 $0x180, s7;
	v57 =	vld [tilespmem:s0+$0x1E0];
	v61 =	vmul.f32 v54, v9;
	v37 =	vmul.f32 v52, v52  }
0x753: {  	s23 =	sor.u32 $0x400, s1;
	v60 =	vld [tilespmem:s0+$0x1F0];
	v62 =	vmul.f32 v42, v42;
	v46 =	vmul.f32 v43, v4  }
0x754: {  	v63 =	vld [tilespmem:s23+$0x16900];
	v43 =	vmul.f32 v43, v43;
	v49 =	vmul.f32 v54, v54  }
0x755: {  	v39 =	vadd.f32 v40, v50;
	v53 =	vmul.f32 v31, v5;
	v33 =	vadd.f32 v35, v33  }
0x756: {  	v47 =	vld [tilespmem:s0+$0x20];
	s26 =	sor.u32 $0x420, s1;
	v31 =	vmul.f32 v31, v31;
	v40 =	vadd.f32 v44, v55;
	v41 =	vmul.f32 v28, v4  }
0x757: {  	s24 =	sor.u32 $0x410, s1;
	v35 =	vld [tilespmem:s26+$0x16900];
	v32 =	vadd.f32 v38, v32;
	v28 =	vmul.f32 v28, v28;
	v48 =	vmul.f32 v57, v10  }
0x758: {  	v50 =	vld [tilespmem:s24+$0x16900];
	v52 =	vmul.f32 v57, v57;
	v39 =	vadd.f32 v53, v39;
	v31 =	vadd.f32 v31, v33  }
0x759: {  	v37 =	vadd.f32 v43, v37;
	v57 =	vld [tilespmem:s0+$0x120];
	v51 =	vmul.f32 v60, v11;
	v54 =	vmul.f32 v63, v12  }
0x75a: {  	v53 =	vld [tilespmem:s0+$0xA0];
	v55 =	vmul.f32 v60, v60;
	v39 =	vadd.f32 v56, v39;
	v31 =	vadd.f32 v59, v31  }
0x75b: {  	v30 =	vadd.f32 v41, v30;
	v60 =	vmul.f32 v63, v63;
	v59 =	vmul.f32 v47, v5  }
0x75c: {  	v63 =	vmul.f32 v35, v14;
	v39 =	vadd.f32 v58, v39;
	v31 =	vadd.f32 v62, v31  }
0x75d: {  	s28 =	sor.u32 $0x430, s1;
	v28 =	vadd.f32 v28, v29;
	v58 =	vmul.f32 v50, v13;
	v62 =	vmul.f32 v47, v47  }
0x75e: {  	s29 =	sor.u32 $0x440, s1;
	v56 =	vld [tilespmem:s28+$0x16900];
	v44 =	vmul.f32 v57, v57;
	v39 =	vadd.f32 v61, v39;
	v31 =	vadd.f32 v49, v31  }
0x75f: {  	s30 =	sor.u32 $0x450, s1;
	v30 =	vadd.f32 v59, v30;
	v41 =	vmul.f32 v53, v53;
	v61 =	vld [tilespmem:s29+$0x16900];
	v28 =	vadd.f32 v62, v28  }
0x760: {  	v49 =	vmul.f32 v50, v50;
	v50 =	vld [tilespmem:s30+$0x16900];
	v29 =	vadd.f32 v48, v39;
	v31 =	vadd.f32 v52, v31  }
0x761: {  	s31 =	sor.u32 $0x460, s1;
	s1 =	sor.u32 $0x470, s1;
	(xrf2) =	vadd.scan.msk.f32 $0xffff, v27;
	v27 =	vld [tilespmem:s0+$0x40];
	v32 =	vadd.f32 v41, v32;
	v48 =	vmul.f32 v53, v5;
	v52 =	vmul.f32 v57, v5  }
0x762: {  	(xrf2) =	vadd.scan.msk.f32 $0xffff, v25;
	v53 =	vmul.f32 v35, v35;
	v57 =	vld [tilespmem:s1+$0x16900];
	v29 =	vadd.f32 v51, v29;
	v31 =	vadd.f32 v55, v31  }
0x763: {  	(xrf2) =	vadd.scan.msk.f32 $0xffff, v23;
	v23 =	vld [tilespmem:s0+$0xC0];
	v39 =	vadd.f32 v46, v45;
	v51 =	vmul.f32 v56, v15;
	v56 =	vmul.f32 v56, v56  }
0x764: {  	v55 =	vmul.f32 v61, v16;
	v29 =	vadd.f32 v54, v29;
	v31 =	vadd.f32 v60, v31;
	v54 =	vld [tilespmem:s31+$0x16900]  }
0x765: {  	v46 =	vadd.f32 v44, v37;
	v59 =	vmul.f32 v50, v17;
	v61 =	vmul.f32 v61, v61;
	v60 =	vld [tilespmem:s0+$0xB0]  }
0x766: {  	v42 =	vmul.f32 v50, v50;
	v29 =	vadd.f32 v58, v29;
	v31 =	vadd.f32 v49, v31;
	v58 =	vld [tilespmem:s0+$0x30]  }
0x767: {  	v39 =	vadd.f32 v52, v39;
	v47 =	vmul.f32 v57, v6;
	v52 =	vmul.f32 v57, v57;
	v57 =	vld [tilespmem:s0+$0x60]  }
0x768: {  	(xrf2) =	vadd.scan.msk.f32 $0xffff, v24;
	v29 =	vadd.f32 v63, v29;
	v31 =	vadd.f32 v53, v31;
	v63 =	vld [tilespmem:s0+$0x130];
	v53 =	vmul.f32 v27, v8  }
0x769: {  	(xrf2) =	vadd.scan.msk.f32 $0xffff, v21;
	v40 =	vadd.f32 v48, v40;
	v27 =	vmul.f32 v27, v27;
	v62 =	vmul.f32 v54, v18  }
0x76a: {  	(xrf2) =	vadd.scan.msk.f32 $0xffff, v22;
	v22 =	vld [tilespmem:s0+$0x50];
	v48 =	vmul.f32 v54, v54;
	v50 =	vmul.f32 v60, v7;
	v29 =	vadd.f32 v51, v29  }
0x76b: {  	v31 =	vadd.f32 v56, v31;
	v51 =	vmul.f32 v60, v60;
	v25 =	vmul.f32 v58, v7  }
0x76c: {  	v54 =	vld [tilespmem:s0+$0xD0];
	v56 =	vmul.f32 v23, v8;
	v34 =	vmul.f32 v57, v57;
	v29 =	vadd.f32 v55, v29  }
0x76d: {  	v60 =	vld [tilespmem:s0+$0xE0];
	v31 =	vadd.f32 v61, v31;
	v21 =	vadd.f32 v25, v30;
	v30 =	vmul.f32 v63, v63  }
0x76e: {  	v49 =	vmul.f32 v58, v58;
	v32 =	vadd.f32 v51, v32;
	v55 =	vld [tilespmem:s0+$0x150];
	v29 =	vadd.f32 v59, v29  }
0x76f: {  	v58 =	vmul.f32 v22, v9;
	v31 =	vadd.f32 v42, v31;
	v30 =	vadd.f32 v30, v46;
	v46 =	vld [tilespmem:s0+$0x70]  }
0x770: {  	v24 =	vld [tilespmem:s0+$0x140];
	v25 =	vmul.f32 v63, v7;
	v28 =	vadd.f32 v49, v28;
	v29 =	vadd.f32 v62, v29  }
0x771: {  	v61 =	vmul.f32 v54, v9;
	v33 =	vmul.f32 v54, v54;
	v31 =	vadd.f32 v48, v31;
	v62 =	vld [tilespmem:s0+$0x160]  }
0x772: {  	v25 =	vadd.f32 v25, v39;
	v38 =	vmul.f32 v60, v60;
	v48 =	vld [tilespmem:s0+$0xF0];
	v29 =	vadd.f32 v47, v29  }
0x773: {  	v63 =	vmul.f32 v55, v9;
	v31 =	vadd.f32 v52, v31;
	v47 =	vmul.f32 v57, v10  }
0x774: {  	(xrf2) =	vadd.scan.msk.f32 $0xffff, v29;
	v29 =	vadd.f32 v50, v40;
	v50 =	vmul.f32 v60, v10;
	v35 =	vmul.f32 v46, v46  }
0x775: {  	(xrf2) =	vadd.scan.msk.f32 $0xffff, v31;
	v31 =	vadd.f32 v53, v21;
	v21 =	vmul.f32 v23, v23;
	v23 =	vmul.f32 v24, v8  }
0x776: {  	s4 =	sadd.s32 $0x80, s7;
	v27 =	vadd.f32 v27, v28;
	v24 =	vmul.f32 v24, v24;
	v51 =	vmul.f32 v62, v10  }
0x777: {  	s6 =	sor.u32 $0x400, s4;
	v40 =	vmul.f32 v62, v62;
	v57 =	vmul.f32 v48, v11;
	v28 =	vadd.f32 v56, v29  }
0x778: {  	s3 =	simm.s32 $0x6F;
	v53 =	vld [tilespmem:s6+$0x16900];
	v32 =	vadd.f32 v21, v32;
	v59 =	vadd.f32 v23, v25;
	v25 =	vmul.f32 v22, v22;
	v29, _, _ =	vpop (xrf2)  }
0x779: {  	s5 =	sadd.s32 $0x100, s7;
	s9 =	sor.u32 $0x400, s7;
	v45 =	vmov s3;
	v30 =	vadd.f32 v24, v30;
	v28 =	vadd.f32 v61, v28;
	[tilespmem:v19+s25+$0x0] =	vst.idx.msk vm1, v29  }
0x77a: {  	s11 =	sor.u32 $0x410, s5;
	v56 =	vld [tilespmem:s9+$0x16900];
	v29 =	vadd.f32 v58, v31;
	v27 =	vadd.f32 v25, v27;
	v31 =	vmul.f32 v55, v55  }
0x77b: {  	v60 =	vld [tilespmem:s11+$0x16900];
	v32 =	vadd.f32 v33, v32;
	v37 =	vadd.f32 v63, v59;
	v55 =	vmul.f32 v46, v11  }
0x77c: {  	s10 =	sor.u32 $0x410, s4;
	v33 =	vmul.f32 v48, v48;
	v28 =	vadd.f32 v50, v28;
	v30 =	vadd.f32 v31, v30  }
0x77d: {  	s13 =	sor.u32 $0x420, s4;
	v21, _, _ =	vpop (xrf2);
	v59 =	vld [tilespmem:s10+$0x16900];
	v61 =	vmul.f32 v53, v12;
	v29 =	vadd.f32 v47, v29;
	v27 =	vadd.f32 v34, v27  }
0x77e: {  	s16 =	sor.u32 $0x430, s4;
	v46 =	vld [tilespmem:s13+$0x16900];
	v22, _, _ =	vpop (xrf2);
	v63 =	vmul.f32 v53, v53;
	v32 =	vadd.f32 v38, v32;
	v37 =	vadd.f32 v51, v37  }
0x77f: {  	v53 =	vld [tilespmem:s16+$0x16900];
	v23, _, _ =	vpop (xrf2);
	v44 =	vmul.f32 v56, v12;
	v38 =	vmul.f32 v56, v56;
	v28 =	vadd.f32 v57, v28  }
0x780: {  	s8 =	sor.u32 $0x400, s5;
	v31 =	vld [tilespmem:s0+$0x170];
	v51 =	vmul.f32 v60, v13;
	v24, _, _ =	vpop (xrf2);
	v30 =	vadd.f32 v40, v30;
	v29 =	vadd.f32 v55, v29  }
0x781: {  	s12 =	sor.u32 $0x410, s7;
	v54 =	vld [tilespmem:s8+$0x16900];
	v25, _, _ =	vpop (xrf2);
	v27 =	vadd.f32 v35, v27;
	v32 =	vadd.f32 v33, v32;
	v35 =	vmul.f32 v60, v60  }
0x782: {  	s14 =	sor.u32 $0x420, s5;
	v62 =	vld [tilespmem:s12+$0x16900];
	v49, _, _ =	vpop (xrf2);
	v28 =	vadd.f32 v61, v28;
	v48 =	vmul.f32 v59, v13;
	v50 =	vmul.f32 v59, v59  }
0x783: {  	v47 =	vld [tilespmem:s14+$0x16900];
	v55 =	vmul.f32 v46, v14;
	v34 =	vmul.f32 v46, v46;
	[tilespmem:v45+s25+$0x0] =	vst.idx.msk vm1, v49  }
0x784: {  	s20 =	sor.u32 $0x440, s5;
	v32 =	vadd.f32 v63, v32;
	v29 =	vadd.f32 v44, v29;
	v61 =	vmul.f32 v53, v15  }
0x785: {  	v60 =	vld [tilespmem:s20+$0x16900];
	v52, _, _ =	vpop (xrf2);
	v27 =	vadd.f32 v38, v27;
	v63 =	vmul.f32 v53, v53;
	v58 =	vmul.f32 v31, v11  }
0x786: {  	s15 =	sor.u32 $0x420, s7;
	[tilespmem:v45+s21+$0x0] =	vst.idx.msk vm1, v52;
	v31 =	vmul.f32 v31, v31;
	v45 =	vmul.f32 v54, v54  }
0x787: {  	s18 =	sor.u32 $0x430, s7;
	v49 =	vld [tilespmem:s15+$0x16900];
	v52 =	vmul.f32 v62, v13;
	v28 =	vadd.f32 v48, v28;
	v32 =	vadd.f32 v50, v32  }
0x788: {  	s19 =	sor.u32 $0x440, s4;
	v56 =	vld [tilespmem:s18+$0x16900];
	v57 =	vmul.f32 v47, v14;
	v36 =	vadd.f32 v58, v37;
	v30 =	vadd.f32 v31, v30  }
0x789: {  	v59 =	vld [tilespmem:s19+$0x16900];
	v31 =	vmul.f32 v54, v12;
	v37 =	vmul.f32 v62, v62;
	v29 =	vadd.f32 v52, v29  }
0x78a: {  	s24 =	sor.u32 $0x450, s5;
	v28 =	vadd.f32 v55, v28;
	v52 =	vmul.f32 v60, v16;
	v32 =	vadd.f32 v34, v32  }
0x78b: {  	s26 =	sor.u32 $0x450, s7;
	v48 =	vld [tilespmem:s24+$0x16900];
	v34 =	vmul.f32 v60, v60;
	v31 =	vadd.f32 v31, v36;
	v30 =	vadd.f32 v45, v30  }
0x78c: {  	s17 =	sor.u32 $0x430, s5;
	v50 =	vld [tilespmem:s26+$0x16900];
	v27 =	vadd.f32 v37, v27;
	v58 =	vmul.f32 v49, v14;
	v36 =	vmul.f32 v47, v47  }
0x78d: {  	s22 =	sor.u32 $0x440, s7;
	v54 =	vld [tilespmem:s17+$0x16900];
	v33 =	vmul.f32 v49, v49;
	v45 =	vmul.f32 v56, v15;
	v28 =	vadd.f32 v61, v28  }
0x78e: {  	v62 =	vld [tilespmem:s22+$0x16900];
	v49 =	vmul.f32 v59, v16;
	v32 =	vadd.f32 v63, v32;
	v31 =	vadd.f32 v51, v31  }
0x78f: {  	s23 =	sor.u32 $0x450, s4;
	v30 =	vadd.f32 v35, v30;
	v29 =	vadd.f32 v58, v29;
	v35 =	vmul.f32 v56, v56  }
0x790: {  	v47 =	vld [tilespmem:s23+$0x16900];
	v27 =	vadd.f32 v33, v27;
	v51 =	vmul.f32 v59, v59;
	v59 =	vmul.f32 v48, v17  }
0x791: {  	s29 =	sor.u32 $0x460, s5;
	v28 =	vadd.f32 v49, v28;
	v60 =	vmul.f32 v50, v17;
	v37 =	vmul.f32 v50, v50  }
0x792: {  	v55 =	vld [tilespmem:s29+$0x16900];
	v44 =	vmul.f32 v54, v15;
	v46 =	vmul.f32 v54, v54;
	v31 =	vadd.f32 v57, v31  }
0x793: {  	s28 =	sor.u32 $0x460, s4;
	v53 =	vmul.f32 v62, v16;
	v30 =	vadd.f32 v36, v30;
	v29 =	vadd.f32 v45, v29  }
0x794: {  	v54 =	vld [tilespmem:s28+$0x16900];
	v27 =	vadd.f32 v35, v27;
	v36 =	vmul.f32 v62, v62;
	v32 =	vadd.f32 v51, v32  }
0x795: {  	s30 =	sor.u32 $0x460, s7;
	v57 =	vmul.f32 v47, v17;
	v31 =	vadd.f32 v44, v31;
	v30 =	vadd.f32 v46, v30  }
0x796: {  	v56 =	vadd.f32 v53, v29;
	v29 =	vld [tilespmem:s30+$0x16900];
	v58 =	vadd.f32 v36, v27;
	v27 =	vmul.f32 v47, v47  }
0x797: {  	s1 =	sor.u32 $0x470, s4;
	v38 =	vmul.f32 v55, v18;
	v61 =	vadd.f32 v57, v28;
	v31 =	vadd.f32 v52, v31  }
0x798: {  	s0 =	sor.u32 $0x470, s5;
	v62 =	vmul.f32 v48, v48;
	v28 =	vld [tilespmem:s1+$0x16900];
	v30 =	vadd.f32 v34, v30;
	v33 =	vadd.f32 v27, v32  }
0x799: {  	s31 =	sor.u32 $0x470, s7;
	v35 =	vadd.f32 v60, v56;
	v63 =	vmul.f32 v54, v18;
	v27 =	vld [tilespmem:s0+$0x16900];
	v36 =	vadd.f32 v37, v58  }
0x79a: {  	s7 =	simm.s32 $0x4;
	v39 =	vmul.f32 v54, v54;
	v32 =	vadd.f32 v59, v31;
	v31 =	vadd.f32 v62, v30;
	v30 =	vld [tilespmem:s31+$0x16900]  }
0x79b: {  	s8 =	simm.s32 $0x400;
	s6 =	simm.s32 $0x0;
	s9 =	simm.s32 $0x800;
	v37 =	vmul.f32 v55, v55;
	v34 =	vadd.f32 v63, v61;
	v40 =	vmul.f32 v29, v18  }
.LBB2_16:
0x79c: {  	s0 =	sand.u32 $0x7800, s9;
	s1 =	sand.u32 $0x200, s8;
	v29 =	vmul.f32 v29, v29;
	v33 =	vadd.f32 v39, v33;
	v32 =	vadd.f32 v38, v32;
	s2 =	smov.u32 s7  }
0x79d: {  	v38 =	vmul.f32 v28, v6;
	s0 =	sor.u32 s1, s0;
	v35 =	vadd.f32 v40, v35;
	v31 =	vadd.f32 v37, v31  }
0x79e: {  	v28 =	vmul.f32 v28, v28;
	v37 =	vld [tilespmem:s0+$0x16900];
	s0 =	sadd.s32 $0x16900, s0;
	v29 =	vadd.f32 v29, v36;
	v36 =	vmul.f32 v27, v6  }
0x79f: {  	v40 =	vmul.f32 v30, v6;
	v34 =	vadd.f32 v38, v34;
	v27 =	vmul.f32 v27, v27;
	v39 =	vld [tilespmem:s0+$0x180]  }
0x7a0: {  	s7 =	sadd.s32 $0x4, s7;
	v30 =	vmul.f32 v30, v30;
	s1 =	sadd.s32 $0x6C, s6;
	v28 =	vadd.f32 v28, v33;
	v38 =	vld [tilespmem:s0+$0x190];
	v32 =	vadd.f32 v36, v32  }
0x7a1: {  	p3 =	slt.u32 s7, $0x5C;
	v35 =	vadd.f32 v40, v35;
	v36 =	vmov s1;
	v31 =	vadd.f32 v27, v31;
	v33 =	vld [tilespmem:s0+$0x10];
	[tilespmem:v19+s21+$0x0] =	vst.idx.msk vm1, v21  }
0x7a2: {  	v29 =	vadd.f32 v30, v29;
	v19 =	vand.u32 $0xFFFFFFFC, v36;
	v21 =	vld [tilespmem:s0+$0x1A0];
	[tilespmem:v20+s25+$0x0] =	vst.idx.msk vm1, v22  }
0x7a3: {  	s1 =	sadd.s32 $0x6D, s6;
	v22 =	vmul.f32 v37, v3;
	v30 =	vmul.f32 v37, v37;
	v36 =	vld [tilespmem:s0+$0x80];
	(xrf2) =	vadd.scan.msk.f32 $0xffff, v35;
	[tilespmem:v20+s21+$0x0] =	vst.idx.msk vm1, v23  }
0x7a4: {  	v19 =	vbroadcast v19, $0x0;
	v20 =	vmov s1;
	s1 =	sadd.s32 $0x6E, s6;
	s6 =	smov.u32 s2;
	v23 =	vld [tilespmem:s0+$0x1B0];
	[tilespmem:v26+s25+$0x0] =	vst.idx.msk vm1, v24  }
0x7a5: {  	v35 =	vmul.f32 v39, v3;
	v27 =	vmov s1;
	v24 =	vld [tilespmem:s0+$0x90];
	v37 =	vmul.f32 v38, v4;
	[tilespmem:v26+s21+$0x0] =	vst.idx.msk vm1, v25  }
0x7a6: {  	v20 =	vand.u32 $0xFFFFFFFD, v20;
	v25 =	vmul.f32 v33, v4;
	v33 =	vmul.f32 v33, v33;
	v40 =	vld [tilespmem:s0+$0x1C0];
	(xrf2) =	vadd.scan.msk.f32 $0xffff, v29  }
0x7a7: {  	v20 =	vbroadcast v20, $0x0;
	v29 =	vld [tilespmem:s0+$0x100];
	v26 =	vadd.f32 v37, v35;
	v35 =	vmul.f32 v21, v5  }
0x7a8: {  	p2 =	por !p2, !p2;
	s1 =	simm.s32 $0x1;
	v37 =	vmul.f32 v38, v38;
	v25 =	vadd.f32 v25, v22;
	v22 =	vmul.f32 v39, v39;
	v38 =	vld [tilespmem:s0+$0x1D0]  }
0x7a9: {  	s1 =	simm.s32 @!p2 $0x0;
	v39 =	vmul.f32 v36, v3;
	v41 =	vld [tilespmem:s0+$0x110];
	v26 =	vadd.f32 v35, v26;
	v35 =	vmul.f32 v23, v7;
	(xrf2) =	vadd.scan.msk.f32 $0xffff, v34  }
0x7aa: {  	s1 =	sshll.u32 s1, $0x9;
	v21 =	vmul.f32 v21, v21;
	v34 =	vmul.f32 v36, v36;
	v22 =	vadd.f32 v37, v22;
	v36 =	vld [tilespmem:s0+$0x1E0]  }
0x7ab: {  	s1 =	sadd.s32 s1, s9;
	v42 =	vmul.f32 v24, v4;
	v37 =	vld [tilespmem:s0+$0x20];
	v45 =	vadd.f32 v35, v26;
	v35 =	vmul.f32 v40, v8  }
0x7ac: {  	s2 =	sadd.s32 $0x80, s1;
	s4 =	sadd.s32 $0x100, s1;
	s30 =	sadd.s32 $0x180, s1;
	v24 =	vmul.f32 v24, v24;
	v21 =	vadd.f32 v21, v22;
	v22 =	vmul.f32 v23, v23;
	v23 =	vld [tilespmem:s0+$0x1F0];
	(xrf2) =	vadd.scan.msk.f32 $0xffff, v28  }
0x7ad: {  	s29 =	sor.u32 $0x400, s2;
	s26 =	sor.u32 $0x400, s4;
	s3 =	sor.u32 $0x400, s30;
	v43 =	vmul.f32 v29, v3;
	v28 =	vld [tilespmem:s0+$0xA0];
	v35 =	vadd.f32 v35, v45;
	v44 =	vmul.f32 v38, v9;
	v26, _, _ =	vpop (xrf2)  }
0x7ae: {  	s28 =	sor.u32 $0x400, s1;
	s25 =	sor.u32 $0x410, s2;
	s22 =	sor.u32 $0x410, s4;
	v29 =	vmul.f32 v29, v29;
	v47 =	vadd.f32 v22, v21;
	v22 =	vmul.f32 v40, v40;
	v40 =	vld [tilespmem:s3+$0x16900]  }
0x7af: {  	s23 =	sor.u32 $0x410, s1;
	s21 =	sor.u32 $0x420, s2;
	v45 =	vmul.f32 v41, v4;
	s3 =	sor.u32 $0x410, s30;
	v46 =	vld [tilespmem:s0+$0x120];
	v35 =	vadd.f32 v44, v35;
	v44 =	vmul.f32 v36, v10;
	(xrf2) =	vadd.scan.msk.f32 $0xffff, v32  }
0x7b0: {  	s18 =	sor.u32 $0x420, s1;
	s16 =	sor.u32 $0x430, s2;
	s24 =	sor.u32 $0x420, s4;
	v38 =	vmul.f32 v38, v38;
	v32 =	vmul.f32 v41, v41;
	v47 =	vadd.f32 v22, v47;
	v41 =	vld [tilespmem:s3+$0x16900];
	v21, _, _ =	vpop (xrf2)  }
0x7b1: {  	v30 =	vadd.f32 v33, v30;
	s17 =	sor.u32 $0x430, s1;
	s20 =	sor.u32 $0x430, s4;
	s3 =	sor.u32 $0x420, s30;
	v33 =	vld [tilespmem:s0+$0x30];
	v35 =	vadd.f32 v44, v35;
	v44 =	vmul.f32 v23, v11  }
0x7b2: {  	s11 =	sor.u32 $0x440, s1;
	s19 =	sor.u32 $0x440, s2;
	s15 =	sor.u32 $0x440, s4;
	v39 =	vadd.f32 v42, v39;
	v36 =	vmul.f32 v36, v36;
	v38 =	vadd.f32 v38, v47;
	v42 =	vld [tilespmem:s3+$0x16900];
	(xrf2) =	vadd.scan.msk.f32 $0xffff, v31  }
0x7b3: {  	s14 =	sor.u32 $0x450, s2;
	s12 =	sor.u32 $0x450, s4;
	s5 =	sor.u32 $0x430, s30;
	v31 =	vadd.f32 v24, v34;
	v34 =	vld [tilespmem:s0+$0xB0];
	v24 =	vadd.f32 v44, v35;
	v35 =	vmul.f32 v40, v12;
	v22, _, _ =	vpop (xrf2)  }
0x7b4: {  	s13 =	sor.u32 $0x450, s1;
	s10 =	sor.u32 $0x460, s2;
	v43 =	vadd.f32 v45, v43;
	s3 =	sor.u32 $0x460, s4;
	v47 =	vmul.f32 v23, v23;
	v36 =	vadd.f32 v36, v38;
	v38 =	vld [tilespmem:s5+$0x16900]  }
0x7b5: {  	s2 =	sor.u32 $0x470, s2;
	s31 =	sor.u32 $0x440, s30;
	v29 =	vadd.f32 v32, v29;
	s5 =	sor.u32 $0x460, s1;
	v32 =	vld [tilespmem:s0+$0x130];
	v24 =	vadd.f32 v35, v24;
	v35 =	vmul.f32 v41, v13  }
0x7b6: {  	s4 =	sor.u32 $0x470, s4;
	v44 =	vmul.f32 v37, v5;
	v40 =	vmul.f32 v40, v40;
	s1 =	sor.u32 $0x470, s1;
	v36 =	vadd.f32 v47, v36;
	v45 =	vld [tilespmem:s31+$0x16900];
	v23, _, _ =	vpop (xrf2)  }
0x7b7: {  	v37 =	vmul.f32 v37, v37;
	s31 =	sor.u32 $0x450, s30;
	v47 =	vld [tilespmem:s0+$0x40];
	v51 =	vadd.f32 v35, v24;
	v35 =	vmul.f32 v42, v14  }
0x7b8: {  	v48 =	vmul.f32 v28, v5;
	v36 =	vadd.f32 v40, v36;
	v40 =	vmul.f32 v41, v41;
	v41 =	vld [tilespmem:s31+$0x16900]  }
0x7b9: {  	v28 =	vmul.f32 v28, v28;
	s31 =	sor.u32 $0x460, s30;
	v49 =	vld [tilespmem:s0+$0xC0];
	v35 =	vadd.f32 v35, v51;
	v50 =	vmul.f32 v38, v15;
	v24, _, _ =	vpop (xrf2)  }
0x7ba: {  	v51 =	vmul.f32 v46, v5;
	v36 =	vadd.f32 v40, v36;
	v40 =	vmul.f32 v42, v42;
	v42 =	vld [tilespmem:s31+$0x16900]  }
0x7bb: {  	s30 =	sor.u32 $0x470, s30;
	v46 =	vmul.f32 v46, v46;
	v52 =	vld [tilespmem:s0+$0x140];
	v35 =	vadd.f32 v50, v35;
	v50 =	vmul.f32 v45, v16  }
0x7bc: {  	v44 =	vadd.f32 v44, v25;
	v38 =	vmul.f32 v38, v38;
	v36 =	vadd.f32 v40, v36;
	v40 =	vld [tilespmem:s30+$0x16900];
	v25, _, _ =	vpop (xrf2)  }
0x7bd: {  	v30 =	vadd.f32 v37, v30;
	v37 =	vld [tilespmem:s0+$0x50];
	v35 =	vadd.f32 v50, v35;
	v50 =	vmul.f32 v41, v17  }
0x7be: {  	v39 =	vadd.f32 v48, v39;
	v48 =	vld [tilespmem:s0+$0xD0];
	v36 =	vadd.f32 v38, v36;
	v38 =	vmul.f32 v45, v45  }
0x7bf: {  	v28 =	vadd.f32 v28, v31;
	v31 =	vld [tilespmem:s0+$0x150];
	v35 =	vadd.f32 v50, v35;
	v45 =	vmul.f32 v42, v18  }
0x7c0: {  	v43 =	vadd.f32 v51, v43;
	v50 =	vld [tilespmem:s0+$0x60];
	v36 =	vadd.f32 v38, v36;
	v38 =	vmul.f32 v41, v41  }
0x7c1: {  	v29 =	vadd.f32 v46, v29;
	v41 =	vld [tilespmem:s0+$0xE0];
	v35 =	vadd.f32 v45, v35;
	v45 =	vmul.f32 v40, v6  }
0x7c2: {  	v46 =	vmul.f32 v33, v7;
	v51 =	vld [tilespmem:s0+$0x160];
	v36 =	vadd.f32 v38, v36;
	v38 =	vmul.f32 v42, v42  }
0x7c3: {  	v53 =	vmul.f32 v34, v7;
	v33 =	vmul.f32 v33, v33;
	v42 =	vld [tilespmem:s0+$0x70];
	v35 =	vadd.f32 v45, v35  }
0x7c4: {  	v34 =	vmul.f32 v34, v34;
	v45 =	vld [tilespmem:s0+$0xF0];
	v36 =	vadd.f32 v38, v36;
	v38 =	vmul.f32 v40, v40  }
0x7c5: {  	v40 =	vadd.f32 v46, v44;
	v44 =	vmul.f32 v32, v7;
	v32 =	vmul.f32 v32, v32;
	v46 =	vld [tilespmem:s0+$0x170];
	(xrf2) =	vadd.scan.msk.f32 $0xffff, v35  }
0x7c6: {  	v30 =	vadd.f32 v33, v30;
	v33 =	vmul.f32 v47, v8;
	v35 =	vld [tilespmem:s29+$0x16900];
	v36 =	vadd.f32 v38, v36  }
0x7c7: {  	v39 =	vadd.f32 v53, v39;
	v28 =	vadd.f32 v34, v28;
	v38 =	vmul.f32 v47, v47;
	v34 =	vld [tilespmem:s26+$0x16900]  }
0x7c8: {  	v53 =	vmul.f32 v49, v8;
	v43 =	vadd.f32 v44, v43;
	v29 =	vadd.f32 v32, v29;
	v47 =	vld [tilespmem:s28+$0x16900];
	(xrf2) =	vadd.scan.msk.f32 $0xffff, v36  }
0x7c9: {  	v32 =	vadd.f32 v33, v40;
	v33 =	vmul.f32 v49, v49;
	v40 =	vmul.f32 v52, v8;
	v36 =	vld [tilespmem:s25+$0x16900];
	s25 =	simm.s32 $0x1C900  }
0x7ca: {  	v30 =	vadd.f32 v38, v30;
	v38 =	vadd.f32 v53, v39;
	v39 =	vmul.f32 v52, v52;
	v44 =	vld [tilespmem:s22+$0x16900]  }
0x7cb: {  	v49 =	vmul.f32 v37, v9;
	v28 =	vadd.f32 v33, v28;
	v33 =	vadd.f32 v40, v43;
	v52 =	vld [tilespmem:s23+$0x16900]  }
0x7cc: {  	v55 =	vmul.f32 v48, v9;
	s0 =	sadd.s32 $0x6F, s6;
	v37 =	vmul.f32 v37, v37;
	v29 =	vadd.f32 v39, v29;
	v43 =	vld [tilespmem:s21+$0x16900];
	s21 =	simm.s32 $0x1CA00  }
0x7cd: {  	v54 =	vmov s0;
	v39 =	vmul.f32 v48, v48;
	v48 =	vmul.f32 v31, v9;
	v53 =	vld [tilespmem:s24+$0x16900];
	[tilespmem:v19+s25+$0x0] =	vst.idx.msk vm1, v26  }
0x7ce: {  	v30 =	vadd.f32 v37, v30;
	v31 =	vmul.f32 v31, v31;
	v26 =	vadd.f32 v49, v32;
	v32 =	vld [tilespmem:s18+$0x16900]  }
0x7cf: {  	v37 =	vmul.f32 v50, v10;
	v38 =	vadd.f32 v55, v38;
	v28 =	vadd.f32 v39, v28;
	v39 =	vld [tilespmem:s16+$0x16900];
	v40, _, _ =	vpop (xrf2)  }
0x7d0: {  	v33 =	vadd.f32 v48, v33;
	v29 =	vadd.f32 v31, v29;
	v49 =	vmul.f32 v50, v50;
	v31 =	vld [tilespmem:s20+$0x16900]  }
0x7d1: {  	v37 =	vadd.f32 v37, v26;
	v26 =	vmul.f32 v41, v10;
	v41 =	vmul.f32 v41, v41;
	v48 =	vld [tilespmem:s17+$0x16900]  }
0x7d2: {  	v27 =	vand.u32 $0xFFFFFFFE, v27;
	v55 =	vmul.f32 v51, v10;
	v51 =	vmul.f32 v51, v51;
	v50 =	vld [tilespmem:s19+$0x16900];
	[tilespmem:v54+s25+$0x0] =	vst.idx.msk vm1, v40;
	v40, _, _ =	vpop (xrf2)  }
0x7d3: {  	v30 =	vadd.f32 v49, v30;
	v38 =	vadd.f32 v26, v38;
	v26 =	vbroadcast v27, $0x0;
	v49 =	vld [tilespmem:s15+$0x16900];
	[tilespmem:v54+s21+$0x0] =	vst.idx.msk vm1, v40  }
0x7d4: {  	v33 =	vadd.f32 v55, v33;
	v27 =	vmul.f32 v42, v11;
	v28 =	vadd.f32 v41, v28;
	v40 =	vld [tilespmem:s11+$0x16900]  }
0x7d5: {  	v29 =	vadd.f32 v51, v29;
	v41 =	vmul.f32 v42, v42;
	v42 =	vmul.f32 v45, v11;
	v54 =	vld [tilespmem:s14+$0x16900]  }
0x7d6: {  	v27 =	vadd.f32 v27, v37;
	v37 =	vmul.f32 v45, v45;
	v45 =	vmul.f32 v46, v11;
	v51 =	vld [tilespmem:s12+$0x16900]  }
0x7d7: {  	v30 =	vadd.f32 v41, v30;
	v38 =	vadd.f32 v42, v38;
	v42 =	vmul.f32 v46, v46;
	v41 =	vld [tilespmem:s13+$0x16900]  }
0x7d8: {  	v28 =	vadd.f32 v37, v28;
	v37 =	vmul.f32 v35, v12;
	v33 =	vadd.f32 v45, v33;
	v46 =	vld [tilespmem:s10+$0x16900]  }
0x7d9: {  	v35 =	vmul.f32 v35, v35;
	v42 =	vadd.f32 v42, v29;
	v45 =	vmul.f32 v34, v12;
	v55 =	vld [tilespmem:s3+$0x16900]  }
0x7da: {  	v56 =	vmul.f32 v47, v12;
	v34 =	vmul.f32 v34, v34;
	v37 =	vadd.f32 v37, v38;
	v29 =	vld [tilespmem:s5+$0x16900]  }
0x7db: {  	v38 =	vmul.f32 v47, v47;
	v35 =	vadd.f32 v35, v28;
	v33 =	vadd.f32 v45, v33;
	v28 =	vld [tilespmem:s2+$0x16900]  }
0x7dc: {  	v45 =	vadd.f32 v56, v27;
	v47 =	vmul.f32 v36, v13;
	v34 =	vadd.f32 v34, v42;
	v27 =	vld [tilespmem:s4+$0x16900]  }
0x7dd: {  	v36 =	vmul.f32 v36, v36;
	v42 =	vmul.f32 v44, v13;
	v38 =	vadd.f32 v38, v30;
	v30 =	vld [tilespmem:s1+$0x16900]  }
0x7de: {  	v56 =	vmul.f32 v52, v13;
	v44 =	vmul.f32 v44, v44;
	v37 =	vadd.f32 v47, v37  }
0x7df: {  	v47 =	vmul.f32 v52, v52;
	v35 =	vadd.f32 v36, v35;
	v33 =	vadd.f32 v42, v33  }
0x7e0: {  	v36 =	vadd.f32 v56, v45;
	v42 =	vmul.f32 v43, v14;
	v34 =	vadd.f32 v44, v34  }
0x7e1: {  	v43 =	vmul.f32 v43, v43;
	v44 =	vmul.f32 v53, v14;
	v38 =	vadd.f32 v47, v38  }
0x7e2: {  	v45 =	vmul.f32 v32, v14;
	v37 =	vadd.f32 v42, v37;
	v42 =	vmul.f32 v53, v53  }
0x7e3: {  	v32 =	vmul.f32 v32, v32;
	v35 =	vadd.f32 v43, v35;
	v33 =	vadd.f32 v44, v33  }
0x7e4: {  	v36 =	vadd.f32 v45, v36;
	v43 =	vmul.f32 v39, v15;
	v34 =	vadd.f32 v42, v34  }
0x7e5: {  	v32 =	vadd.f32 v32, v38;
	v38 =	vmul.f32 v39, v39;
	v39 =	vmul.f32 v31, v15  }
0x7e6: {  	v42 =	vmul.f32 v48, v15;
	v37 =	vadd.f32 v43, v37;
	v31 =	vmul.f32 v31, v31  }
0x7e7: {  	v43 =	vmul.f32 v48, v48;
	v35 =	vadd.f32 v38, v35;
	v33 =	vadd.f32 v39, v33  }
0x7e8: {  	v36 =	vadd.f32 v42, v36;
	v38 =	vmul.f32 v50, v16;
	v31 =	vadd.f32 v31, v34  }
0x7e9: {  	v32 =	vadd.f32 v43, v32;
	v34 =	vmul.f32 v50, v50;
	v39 =	vmul.f32 v49, v16  }
0x7ea: {  	v42 =	vmul.f32 v40, v16;
	v37 =	vadd.f32 v38, v37;
	v38 =	vmul.f32 v49, v49  }
0x7eb: {  	v40 =	vmul.f32 v40, v40;
	v34 =	vadd.f32 v34, v35;
	v35 =	vadd.f32 v39, v33  }
0x7ec: {  	v36 =	vadd.f32 v42, v36;
	v33 =	vmul.f32 v54, v17;
	v31 =	vadd.f32 v38, v31  }
0x7ed: {  	v39 =	vmul.f32 v51, v17;
	v38 =	vadd.f32 v40, v32;
	v32 =	vmul.f32 v54, v54  }
.Ltmp11:
0x7ee: {  	v42 =	vmul.f32 v51, v51;
	v40 =	vmul.f32 v41, v17;
	v37 =	vadd.f32 v33, v37;
	(pc) =	sbr.rel @p3 .LBB2_16-.Ltmp11, $4  }
0x7ef: {  	v41 =	vmul.f32 v41, v41;
	v33 =	vadd.f32 v32, v34;
	v32 =	vadd.f32 v39, v35  }
0x7f0: {  	v35 =	vadd.f32 v40, v36;
	v34 =	vmul.f32 v46, v18;
	v31 =	vadd.f32 v42, v31  }
0x7f1: {  	v36 =	vadd.f32 v41, v38;
	v39 =	vmul.f32 v46, v46;
	v38 =	vmul.f32 v55, v18  }
0x7f2: {  	s8 =	sadd.s32 $0x200, s8;
	s9 =	sadd.s32 $0x400, s9;
	v40 =	vmul.f32 v29, v18;
	v34 =	vadd.f32 v34, v37;
	v37 =	vmul.f32 v55, v55  }
0x7f3: {  	v3 =	vmul.f32 v29, v29  }
0x7f4: {  	v5 =	vmul.f32 v30, v6;
	v4 =	vadd.f32 v40, v35  }
0x7f5: {  	v7 =	vmul.f32 v30, v30;
	v3 =	vadd.f32 v3, v36  }
0x7f6: {  	v8 =	vmul.f32 v28, v6;
	v4 =	vadd.f32 v5, v4  }
0x7f7: {  	v51 =	vadd.f32 v39, v33;
	v9 =	vmul.f32 v28, v28;
	v3 =	vadd.f32 v7, v3  }
0x7f8: {  	v52 =	vadd.f32 v38, v32;
	v53 =	vmul.f32 v27, v6;
	v8 =	vadd.f32 v8, v34;
	(xrf2) =	vadd.scan.msk.f32 $0xffff, v4  }
0x7f9: {  	v10 =	vmul.f32 v27, v27;
	v54 =	vadd.f32 v37, v31;
	v5 =	vadd.f32 v9, v51;
	(xrf2) =	vadd.scan.msk.f32 $0xffff, v3  }
0x7fa: {  	s0 =	sadd.s32 $0x6C, s6;
	v3 =	vadd.f32 v53, v52;
	(xrf2) =	vadd.scan.msk.f32 $0xffff, v8  }
0x7fb: {  	v55 =	vmov s0;
	v4 =	vadd.f32 v10, v54;
	(xrf2) =	vadd.scan.msk.f32 $0xffff, v5  }
0x7fc: {  	s30 =	sadd.s32 $0x6D, s6;
	v56 =	vand.u32 $0xFFFFFFFC, v55;
	(xrf2) =	vadd.scan.msk.f32 $0xffff, v3  }
0x7fd: {  	v57 =	vmov s30;
	v3 =	vbroadcast v56, $0x0;
	(xrf2) =	vadd.scan.msk.f32 $0xffff, v4  }
0x7fe: {  	[tilespmem:v19+s21+$0x0] =	vst.idx.msk vm1, v21;
	s31 =	sadd.s32 $0x6E, s6;
	v58 =	vand.u32 $0xFFFFFFFD, v57  }
0x7ff: {  	[tilespmem:v20+s25+$0x0] =	vst.idx.msk vm1, v22;
	v59 =	vmov s31;
	v4 =	vbroadcast v58, $0x0  }
0x800: {  	[tilespmem:v26+s25+$0x0] =	vst.idx.msk vm1, v24;
	v5 =	vand.u32 $0xFFFFFFFE, v59  }
0x801: {  	[tilespmem:v20+s21+$0x0] =	vst.idx.msk vm1, v23;
	v5 =	vbroadcast v5, $0x0  }
0x802: {  	[tilespmem:v26+s21+$0x0] =	vst.idx.msk vm1, v25;
	v60, _, _ =	vpop (xrf2)  }
0x803: {  	v61, _, _ =	vpop (xrf2);
	[tilespmem:v3+s25+$0x0] =	vst.idx.msk vm1, v60  }
0x804: {  	v62, _, _ =	vpop (xrf2);
	[tilespmem:v3+s21+$0x0] =	vst.idx.msk vm1, v61  }
.Ltmp12:
0x805: {  	v3, _, _ =	vpop (xrf2);
	[tilespmem:v4+s25+$0x0] =	vst.idx.msk vm1, v62;
	(pc) =	sbr.rel @p0 .LBB2_19-.Ltmp12, $4  }
0x806: {  	v63, _, _ =	vpop (xrf2);
	[tilespmem:v4+s21+$0x0] =	vst.idx.msk vm1, v3  }
0x807: {  	v3, _, _ =	vpop (xrf2);
	[tilespmem:v5+s25+$0x0] =	vst.idx.msk vm1, v63  }
0x808: {  	[tilespmem:v5+s21+$0x0] =	vst.idx.msk vm1, v3  }
0x809: {  	s4 =	rddreg [dreg:$0x15]  }
0x80a: {  	s0 =	smul.u32 $0x640, s4;
	_ =	sdelay $0x1  }
0x80b: {  	s0 =	sshra.s32 s0, $0x2  }
0x80c: {  	v3 =	vld [tilespmem:s0+$0x2C0];
	_ =	sdelay $0x4  }
0x80d: {  	v4 =	vshll.u32 v3, $0x1  }
0x80e: {  	v3 =	vand.u32 $0x7, v3;
	v4 =	vand.u32 $0xFFFFFFF0, v4  }
0x80f: {  	v3 =	vor.u32 v3, v4  }
0x810: {  	v4 =	vperm.xlane v3, v0;
	_ =	sdelay $0x1  }
0x811: {  	v3 =	vperm.xlane v3, v2;
	v4 =	vadd.s32 v1, v4;
	_ =	sdelay $0x1  }
0x812: {  	v3 =	vadd.s32 v1, v3;
	_ =	sdelay $0x1  }
0x813: {  	s1 =	rddreg [dreg:$0x2];
	s2 =	simm.s32 $0x0;
	s3 =	simm.s32 $0x16900  }
0x814: {  	[tilespmem:s3], [sflag:$0x4] =	stream.indirect_vreg.gather [hbm4b:s1+s2], $0x80, v4, vm0, $0xb8;
	[tilespmem:$0x1CD00] =	vst v63  }
0x815: {  	s18 =	simm.s32 $0x17100  }
0x816: {  	[tilespmem:s18], [sflag:$0x4] =	stream.indirect_vreg.gather [hbm4b:s1+s2], $0x80, v3, vm0, $0xb8;
	[tilespmem:$0x1CD00] =	vst v63  }
0x817: {  	v3 =	vld [tilespmem:s0+$0x2D0];
	_ =	sdelay $0x4  }
0x818: {  	v59 =	vshll.u32 v3, $0x1  }
0x819: {  	v3 =	vand.u32 $0x7, v3;
	v4 =	vand.u32 $0xFFFFFFF0, v59  }
0x81a: {  	v3 =	vor.u32 v3, v4  }
0x81b: {  	v4 =	vperm.xlane v3, v0;
	_ =	sdelay $0x1  }
0x81c: {  	v3 =	vperm.xlane v3, v2;
	v4 =	vadd.s32 v1, v4;
	_ =	sdelay $0x1  }
0x81d: {  	v3 =	vadd.s32 v1, v3;
	_ =	sdelay $0x1  }
0x81e: {  	s19 =	simm.s32 $0x17900  }
0x81f: {  	[tilespmem:s19], [sflag:$0x4] =	stream.indirect_vreg.gather [hbm4b:s1+s2], $0x80, v4, vm0, $0xb8;
	[tilespmem:$0x1CD00] =	vst v63  }
0x820: {  	s20 =	simm.s32 $0x18100  }
0x821: {  	[tilespmem:s20], [sflag:$0x4] =	stream.indirect_vreg.gather [hbm4b:s1+s2], $0x80, v3, vm0, $0xb8;
	[tilespmem:$0x1CD00] =	vst v63  }
0x822: {  	v3 =	vld [tilespmem:s0+$0x2E0];
	_ =	sdelay $0x4  }
0x823: {  	v60 =	vshll.u32 v3, $0x1  }
0x824: {  	v3 =	vand.u32 $0x7, v3;
	v4 =	vand.u32 $0xFFFFFFF0, v60  }
0x825: {  	v3 =	vor.u32 v3, v4  }
0x826: {  	v4 =	vperm.xlane v3, v0;
	_ =	sdelay $0x1  }
0x827: {  	v3 =	vperm.xlane v3, v2;
	v4 =	vadd.s32 v1, v4;
	_ =	sdelay $0x1  }
0x828: {  	v3 =	vadd.s32 v1, v3;
	_ =	sdelay $0x1  }
0x829: {  	s22 =	simm.s32 $0x18900  }
0x82a: {  	[tilespmem:s22], [sflag:$0x4] =	stream.indirect_vreg.gather [hbm4b:s1+s2], $0x80, v4, vm0, $0xb8;
	[tilespmem:$0x1CD00] =	vst v63  }
0x82b: {  	s23 =	simm.s32 $0x19100  }
0x82c: {  	[tilespmem:s23], [sflag:$0x4] =	stream.indirect_vreg.gather [hbm4b:s1+s2], $0x80, v3, vm0, $0xb8;
	[tilespmem:$0x1CD00] =	vst v63  }
0x82d: {  	v3 =	vld [tilespmem:s0+$0x2F0];
	_ =	sdelay $0x4  }
0x82e: {  	v61 =	vshll.u32 v3, $0x1  }
0x82f: {  	v3 =	vand.u32 $0x7, v3;
	v4 =	vand.u32 $0xFFFFFFF0, v61  }
0x830: {  	v3 =	vor.u32 v3, v4  }
0x831: {  	v4 =	vperm.xlane v3, v0;
	_ =	sdelay $0x1  }
0x832: {  	v3 =	vperm.xlane v3, v2;
	v4 =	vadd.s32 v1, v4;
	_ =	sdelay $0x1  }
0x833: {  	v3 =	vadd.s32 v1, v3;
	_ =	sdelay $0x1  }
0x834: {  	s24 =	simm.s32 $0x19900  }
0x835: {  	[tilespmem:s24], [sflag:$0x4] =	stream.indirect_vreg.gather [hbm4b:s1+s2], $0x80, v4, vm0, $0xb8;
	[tilespmem:$0x1CD00] =	vst v63  }
0x836: {  	s26 =	simm.s32 $0x1A100  }
0x837: {  	[tilespmem:s26], [sflag:$0x4] =	stream.indirect_vreg.gather [hbm4b:s1+s2], $0x80, v3, vm0, $0xb8;
	[tilespmem:$0x1CD00] =	vst v63  }
0x838: {  	v3 =	vld [tilespmem:s0+$0x300];
	_ =	sdelay $0x4  }
0x839: {  	v62 =	vshll.u32 v3, $0x1  }
0x83a: {  	v3 =	vand.u32 $0x7, v3;
	v4 =	vand.u32 $0xFFFFFFF0, v62  }
0x83b: {  	v3 =	vor.u32 v3, v4  }
0x83c: {  	v4 =	vperm.xlane v3, v0;
	_ =	sdelay $0x1  }
0x83d: {  	v3 =	vperm.xlane v3, v2;
	v4 =	vadd.s32 v1, v4;
	_ =	sdelay $0x1  }
0x83e: {  	v3 =	vadd.s32 v1, v3;
	_ =	sdelay $0x1  }
0x83f: {  	s28 =	simm.s32 $0x1A900  }
0x840: {  	[tilespmem:s28], [sflag:$0x4] =	stream.indirect_vreg.gather [hbm4b:s1+s2], $0x80, v4, vm0, $0xb8;
	[tilespmem:$0x1CD00] =	vst v63  }
0x841: {  	s29 =	simm.s32 $0x1B100  }
0x842: {  	[tilespmem:s29], [sflag:$0x4] =	stream.indirect_vreg.gather [hbm4b:s1+s2], $0x80, v3, vm0, $0xb8;
	[tilespmem:$0x1CD00] =	vst v63  }
0x843: {  	v3 =	vld [tilespmem:s0+$0x310];
	_ =	sdelay $0x4  }
0x844: {  	v63 =	vshll.u32 v3, $0x1  }
0x845: {  	v3 =	vand.u32 $0x7, v3;
	v4 =	vand.u32 $0xFFFFFFF0, v63  }
0x846: {  	v3 =	vor.u32 v3, v4  }
0x847: {  	v4 =	vperm.xlane v3, v0;
	_ =	sdelay $0x1  }
0x848: {  	v3 =	vperm.xlane v3, v2;
	v4 =	vadd.s32 v1, v4;
	_ =	sdelay $0x1  }
0x849: {  	v3 =	vadd.s32 v1, v3  }
.Ltmp13:
0x84a: {  	_ = 	snop;
	(pc) =	sbr.rel .LBB2_19-.Ltmp13, $4  }
0x84b: {  	s30 =	simm.s32 $0x1B900  }
0x84c: {  	[tilespmem:s30], [sflag:$0x4] =	stream.indirect_vreg.gather [hbm4b:s1+s2], $0x80, v4, vm0, $0xb8;
	[tilespmem:$0x1CD00] =	vst v63  }
0x84d: {  	s31 =	simm.s32 $0x1C100  }
0x84e: {  	[tilespmem:s31], [sflag:$0x4] =	stream.indirect_vreg.gather [hbm4b:s1+s2], $0x80, v3, vm0, $0xb8;
	[tilespmem:$0x1CD00] =	vst v63  }
.LBB2_21:
0x84f: {  	_ =	sfence.sel $0x180000  }
0x850: {  	[bflag:$0x0] =	sbarrier.arrive $0xFFFF  }
0x851: {  	_ =	strace $0x90000047  }
0x852: {  	s0 =	stileid.u32;
	[bflag:$0x2] =	sbarrier.arrive $0xFFFF  }
0x853: {  	p0 =	sne.s32 s0, $0x0;
	s0 =	rddreg [dreg:$0x4]  }
0x854: {  	s0 =	sadd.s32 @!p0 $0x100000, s0  }
0x855: {  	[sflag:s0] =	ssyncadd.tile.s32 @!p0 $0x1;
	_ =	shalt  }
.Lfunc_end2:
_tile_overlayer_lowered:
.L_overlay_start_2:
0x856: {  	(tag) =	ssettag $0x2  }
0x857: {  	s0 =	rddreg [dreg:$0x0];
	s2 =	stileid.u32  }
0x858: {  	s1 =	rddreg [dreg:$0x1];
	p0 =	sne.s32 s2, $0x0  }
0x859: {  	s3 =	rddreg [dreg:$0x2];
	[bflag:$0x3] =	sbarrier.arrive $0xFFFF;
	s2 =	simm.s32 @!p0 $0x1C07  }
0x85a: {  	[timem:s3], [sflag:s2] =	dma.local @!p0 [hbm:s0], s1  }
0x85b: {  	s0 =	simm.s32 @!p0 $0x7  }
0x85c: {  	_ =	swait.ge @!p0 [sflag:s0], s1  }
0x85d: {  	s1 =	ssub.s32 @!p0 $0x0, s1;
	[sflag:s0] =	ssyncset.done @!p0 $0x0  }
0x85e: {  	[sflag:s0] =	ssyncadd.s32 @!p0 s1  }
0x85f: {  	[bflag:$0x3] =	sbarrier.arrive $0xFFFF  }
0x860: {  	_ =	shalt  }

</sc_bundles>
